<compile_context>
chip_gen: v7x
topology: tpu7x:2x2x1
jax: 0.10.2.dev20260603
libtpu: 0.0.44.dev20260713+nightly
codegen_flags: <defaults>
</compile_context>

<pallas_src>
import functools

import jax
import jax.numpy as jnp
import numpy as np
from jax import lax
from jax.experimental import pallas as pl
from jax.experimental.pallas import tpu as pltpu
from jax.experimental.pallas import tpu_sc as plsc

HIDDEN = 1024
KDIM = 256
KNUM = 256
VDIM = 1024
KNN = 16
HEAD = 2

BS = 2048
TILE = 256
INT_MIN = np.int32(-2147483648)
MASK_LOW = np.int32(-256)
LOW = np.int32(255)

_E1_np = np.zeros((KNN, KNN * KNN), np.float32)
_E2_np = np.zeros((KNN, KNN * KNN), np.float32)
for _a in range(KNN):
    for _b in range(KNN):
        _E1_np[_a, _a * KNN + _b] = 1.0
        _E2_np[_b, _a * KNN + _b] = 1.0
_R_np = np.zeros((HEAD * KNN, HEAD * KNN * 16), np.float32)
for _j in range(HEAD * KNN):
    _R_np[_j, _j * 16:(_j + 1) * 16] = 1.0


NEG_INF = np.float32(-np.inf)
BIG_I32 = np.int32(1 << 30)


def _topk16_t(s, lane):
    vals, lanes = [], []
    for _ in range(KNN):
        mx = jnp.max(s, axis=0, keepdims=True)
        pick = jnp.min(jnp.where(s == mx, lane, BIG_I32), axis=0, keepdims=True)
        s = jnp.where(lane == pick, NEG_INF, s)
        vals.append(mx)
        lanes.append(pick)
    return vals, lanes


def _gate_kernel(x_ref, wsw_ref, gate_ref):
    g = lax.dot_general(x_ref[...], wsw_ref[...], (((1,), (1,)), ((), ())),
                        preferred_element_type=jnp.float32)
    gate_ref[...] = g / (1.0 + jnp.exp(-g))


def _score_kernel(x_ref, wq_ref, keys_ref, e1t_ref, e2t_ref, r_ref, eye_ref,
                  idx_ref, wrep_ref):
    t = x_ref.shape[0]
    x = x_ref[...]
    q = lax.dot_general(x, wq_ref[...], (((1,), (1,)), ((), ())),
                        preferred_element_type=jnp.float32)
    lane = lax.broadcasted_iota(jnp.int32, (KNUM, t), 0)
    iota16 = lax.broadcasted_iota(jnp.int32, (KNN, t), 0)
    w_heads, vi_heads = [], []
    for h in range(HEAD):
        svs, ifs = [], []
        for half in range(2):
            c = h * 2 + half
            qc = q[:, c * KDIM:(c + 1) * KDIM]
            m = jnp.mean(qc, axis=1, keepdims=True)
            d = qc - m
            v = jnp.mean(d * d, axis=1, keepdims=True)
            qn = d * lax.rsqrt(v + 1e-5)
            s = lax.dot_general(keys_ref[c], qn, (((1,), (1,)), ((), ())),
                                preferred_element_type=jnp.float32)
            vals, lanes = _topk16_t(s, lane)
            svs.append(jnp.concatenate(vals, axis=0))
            ifs.append(jnp.concatenate(lanes, axis=0).astype(jnp.float32))
        cand = (jnp.dot(e1t_ref[...], svs[0], preferred_element_type=jnp.float32, precision=lax.Precision.HIGHEST)
                + jnp.dot(e2t_ref[...], svs[1], preferred_element_type=jnp.float32, precision=lax.Precision.HIGHEST))
        sc_cols, vi_cols = [], []
        sref = cand
        for _ in range(KNN):
            mx = jnp.max(sref, axis=0, keepdims=True)
            j = jnp.min(jnp.where(sref == mx, lane, BIG_I32), axis=0, keepdims=True)
            sref = jnp.where(lane == j, NEG_INF, sref)
            a = lax.shift_right_arithmetic(j, 4)
            b = j & np.int32(15)
            i1k = jnp.sum(jnp.where(iota16 == a, ifs[0], 0.0), axis=0, keepdims=True)
            i2k = jnp.sum(jnp.where(iota16 == b, ifs[1], 0.0), axis=0, keepdims=True)
            vi_cols.append(i1k * np.float32(KNUM) + i2k)
            sc_cols.append(mx)
        sc = jnp.concatenate(sc_cols, axis=0)
        vidx = jnp.concatenate(vi_cols, axis=0)
        e = jnp.exp(sc - jnp.max(sc, axis=0, keepdims=True))
        w = e / jnp.sum(e, axis=0, keepdims=True)
        vi_heads.append(vidx)
        w_heads.append(w)
    wfull = jnp.concatenate(w_heads, axis=0)
    viall = jnp.concatenate(vi_heads, axis=0)
    wrep_ref[...] = lax.dot_general(wfull, r_ref[...], (((0,), (0,)), ((), ())),
                                    preferred_element_type=jnp.float32,
                                    precision=lax.Precision.HIGHEST)
    idxf = lax.dot_general(viall, eye_ref[...], (((0,), (0,)), ((), ())),
                           preferred_element_type=jnp.float32,
                           precision=lax.Precision.HIGHEST)
    idx_ref[...] = (idxf + 0.5).astype(jnp.int32)


def _out_kernel(gate_ref, mem_ref, wv_ref, o_ref):
    hgate = mem_ref[...] * gate_ref[...]
    o_ref[...] = lax.dot_general(hgate, wv_ref[...], (((1,), (1,)), ((), ())),
                                 preferred_element_type=jnp.float32)


def _scores_tc(x, Wq, keys4, e1, e2, rrep):
    grid = (BS // TILE,)
    return pl.pallas_call(
        _score_kernel,
        grid=grid,
        in_specs=[
            pl.BlockSpec((TILE, HIDDEN), lambda i: (i, 0)),
            pl.BlockSpec((KDIM * 2 * HEAD, HIDDEN), lambda i: (0, 0)),
            pl.BlockSpec((4, KNUM, KDIM), lambda i: (0, 0, 0)),
            pl.BlockSpec((KNN * KNN, KNN), lambda i: (0, 0)),
            pl.BlockSpec((KNN * KNN, KNN), lambda i: (0, 0)),
            pl.BlockSpec((HEAD * KNN, HEAD * KNN * 16), lambda i: (0, 0)),
            pl.BlockSpec((HEAD * KNN, HEAD * KNN), lambda i: (0, 0)),
        ],
        out_specs=[
            pl.BlockSpec((TILE, HEAD * KNN), lambda i: (i, 0)),
            pl.BlockSpec((TILE, HEAD * KNN * 16), lambda i: (i, 0)),
        ],
        out_shape=[
            jax.ShapeDtypeStruct((BS, HEAD * KNN), jnp.int32),
            jax.ShapeDtypeStruct((BS, HEAD * KNN * 16), jnp.float32),
        ],
    )(x, Wq, keys4, e1, e2, rrep, jnp.asarray(np.eye(HEAD * KNN, dtype=np.float32)))


def _gate_tc(x, Wsw):
    grid = (BS // TILE,)
    return pl.pallas_call(
        _gate_kernel,
        grid=grid,
        in_specs=[
            pl.BlockSpec((TILE, HIDDEN), lambda i: (i, 0)),
            pl.BlockSpec((VDIM, HIDDEN), lambda i: (0, 0)),
        ],
        out_specs=pl.BlockSpec((TILE, VDIM), lambda i: (i, 0)),
        out_shape=jax.ShapeDtypeStruct((BS, VDIM), jnp.float32),
    )(x, Wsw)


def _output_tc(gate, mem_out, Wv):
    grid = (BS // TILE,)
    return pl.pallas_call(
        _out_kernel,
        grid=grid,
        in_specs=[
            pl.BlockSpec((TILE, VDIM), lambda i: (i, 0)),
            pl.BlockSpec((TILE, VDIM), lambda i: (i, 0)),
            pl.BlockSpec((HIDDEN, VDIM), lambda i: (0, 0)),
        ],
        out_specs=pl.BlockSpec((TILE, HIDDEN), lambda i: (i, 0)),
        out_shape=jax.ShapeDtypeStruct((BS, HIDDEN), jnp.float32),
    )(gate, mem_out, Wv)



_NC, _NS = 2, 16
_NW = _NC * _NS
_TPW = BS // _NW
_K = HEAD * KNN
_NG = VDIM // 16


def _sc_gather(indices, wrep, values):
    mesh = plsc.VectorSubcoreMesh(core_axis_name="c", subcore_axis_name="s")

    @functools.partial(
        pl.kernel,
        mesh=mesh,
        out_type=jax.ShapeDtypeStruct((BS, VDIM), jnp.float32),
        scratch_types=[
            pltpu.VMEM((_TPW, _K), jnp.int32),
            pltpu.VMEM((_TPW, _K * 16), jnp.float32),
            pltpu.VMEM((2, _K, VDIM), jnp.float32),
            pltpu.VMEM((VDIM,), jnp.float32),
            pltpu.SemaphoreType.DMA,
            pltpu.SemaphoreType.DMA,
        ],
    )
    def gather_kernel(idx_hbm, w_hbm, values_hbm, out_hbm,
                      idx_v, w_v, rows_v, acc_v, sem0, sem1):
        wid = lax.axis_index("s") * _NC + lax.axis_index("c")
        base = wid * _TPW
        pltpu.sync_copy(idx_hbm.at[pl.ds(base, _TPW)], idx_v)
        pltpu.sync_copy(w_hbm.at[pl.ds(base, _TPW)], w_v)

        def start_gather(tok, buf, sem):
            pltpu.async_copy(values_hbm.at[idx_v.at[tok]], rows_v.at[buf], sem)

        def wait(src_tok, buf, sem):
            pltpu.make_async_copy(values_hbm.at[idx_v.at[src_tok]],
                                  rows_v.at[buf], sem).wait()

        def compute(tok, buf):
            w_regs = [w_v[tok, pl.ds(r * 16, 16)] for r in range(_K)]

            def gbody(g, carry):
                o = g * 16
                accs = [rows_v[buf, r, pl.ds(o, 16)] * w_regs[r]
                        for r in range(8)]
                for r in range(8, _K):
                    c = r % 8
                    accs[c] = accs[c] + rows_v[buf, r, pl.ds(o, 16)] * w_regs[r]
                acc_v[pl.ds(o, 16)] = ((accs[0] + accs[1]) + (accs[2] + accs[3])
                                       + ((accs[4] + accs[5]) + (accs[6] + accs[7])))
                return carry

            lax.fori_loop(0, _NG, gbody, 0, unroll=2)
            pltpu.sync_copy(acc_v, out_hbm.at[base + tok])

        start_gather(0, 0, sem0)

        def body(t2, carry):
            t0 = t2 * 2
            t1 = t0 + 1
            start_gather(t1, 1, sem1)
            wait(t0, 0, sem0)
            compute(t0, 0)

            @pl.when(t2 < _TPW // 2 - 1)
            def _():
                start_gather(t0 + 2, 0, sem0)

            wait(t1, 1, sem1)
            compute(t1, 1)
            return carry

        lax.fori_loop(0, _TPW // 2, body, 0)

    return gather_kernel(indices, wrep, values)


def kernel(hidden_state, Wq, keys, Wv, Wsw, values_for_look_up):
    prefix = hidden_state.shape[:-1]
    x = hidden_state.reshape(BS, HIDDEN)
    keys4 = keys.reshape(HEAD * 2, KNUM, KDIM)
    e1 = jnp.asarray(_E1_np.T)
    e2 = jnp.asarray(_E2_np.T)
    indices, wrep = _scores_tc(x, Wq, keys4, e1, e2, jnp.asarray(_R_np))
    mem_out = _sc_gather(indices, wrep, values_for_look_up)
    gate = _gate_tc(x, Wsw)
    out = _output_tc(gate, mem_out, Wv)
    return out.reshape(prefix + (HIDDEN,))

# --- scband reference (transcript-rebuilt; emitter-appended) ---
"""Pipeline reference for scband-memory-layer-plus-7670811590920 (READ-ONLY COPY).

The authoritative reference and input builder live on the scoring server;
editing this copy changes nothing except your own understanding.
"""

import jax, jax.numpy as jnp
import numpy as np

HIDDEN = 1024
KDIM = 256
KNUM = 256
VDIM = 1024
KNN = 16
HEAD = 2
VALUE_NUM = KNUM * KNUM


def _layer_norm(x, eps=1e-5):
    m = jnp.mean(x, axis=-1, keepdims=True)
    v = jnp.var(x, axis=-1, keepdims=True)
    return (x - m) / jnp.sqrt(v + eps)


def setup_inputs(seed: int = 0):
    key = jax.random.key(seed)
    ks = jax.random.split(key, 6)
    hidden_state = jax.random.normal(ks[0], (1, 2048, HIDDEN), dtype=jnp.float32)
    Wq = jax.random.normal(ks[1], (KDIM * 2 * HEAD, HIDDEN), dtype=jnp.float32) * 0.02
    bound = 1.0 / np.sqrt(KDIM * 2)
    keys = jax.random.uniform(ks[2], (HEAD, 2, KNUM, KDIM), dtype=jnp.float32, minval=-bound, maxval=bound)
    Wv = jax.random.normal(ks[3], (HIDDEN, VDIM), dtype=jnp.float32) / np.sqrt(VDIM)
    Wsw = jax.random.normal(ks[4], (VDIM, HIDDEN), dtype=jnp.float32) / np.sqrt(VDIM)
    values_for_look_up = jax.random.normal(ks[5], (VALUE_NUM, VDIM), dtype=jnp.float32) / np.sqrt(VDIM)
    return {"hidden_state": hidden_state, "Wq": Wq, "keys": keys, "Wv": Wv, "Wsw": Wsw, "values_for_look_up": values_for_look_up}


def reference(hidden_state, Wq, keys, Wv, Wsw, values_for_look_up):
    prefix = hidden_state.shape[:-1]
    bs = int(np.prod(prefix))
    x = hidden_state.reshape(bs, HIDDEN)
    # query_proj (Linear, no bias): weight shape [kdim*2*head, hidden]
    q = x @ Wq.T
    q = q.reshape(bs, HEAD, 2, KDIM)
    q = _layer_norm(q)  # query_norm over kdim (affine weight init to 1 -> identity scale)
    q = q.reshape(bs, HEAD, 2 * KDIM)
    # NOTE: original code computes keys_norm(self.keys) but immediately overwrites
    # with self.keys.view(...), so raw keys are used; kept faithful here.
    k1 = keys[:, 0]  # [HEAD, KNUM, KDIM]
    k2 = keys[:, 1]
    q1 = q[:, :, :KDIM]
    q2 = q[:, :, KDIM:]
    s1 = jnp.einsum('blh,lkh->blk', q1, k1)  # [bs, HEAD, KNUM]
    s2 = jnp.einsum('blh,lkh->blk', q2, k2)
    s1, i1 = jax.lax.top_k(s1, KNN)
    s2, i2 = jax.lax.top_k(s2, KNN)
    all_scores = (s1[:, :, :, None] + s2[:, :, None, :]).reshape(bs, HEAD, KNN * KNN)
    all_indices = (i1[:, :, :, None] * KNUM + i2[:, :, None, :]).reshape(bs, HEAD, KNN * KNN)
    scores, best = jax.lax.top_k(all_scores, KNN)
    indices = jnp.take_along_axis(all_indices, best, axis=2)  # [bs, HEAD, KNN]
    scores = jax.nn.softmax(scores.astype(jnp.float32), axis=-1)
    indices = indices.reshape(bs, HEAD * KNN)
    scores = scores.reshape(bs, HEAD * KNN)
    # fused lookup: gather value rows, weight by softmax scores, sum over knn*head
    vals = jnp.take(values_for_look_up, indices, axis=0)  # [bs, HEAD*KNN, VDIM]
    mem_out = jnp.sum(vals * scores[:, :, None], axis=1)  # [bs, VDIM]
    # output = values_proj(mem_out * silu(swilu_projection(input)))
    gate = jax.nn.silu(x @ Wsw.T)  # [bs, VDIM]
    out = (mem_out * gate) @ Wv.T  # [bs, HIDDEN]
    return out.reshape(prefix + (HIDDEN,))

if __name__ == "__main__":
    import jax
    _d = setup_inputs()
    print(jax.jit(kernel)(*tuple(_d.values())))

</pallas_src>

<mosaic_0001>
#map = affine_map<(d0, d1) -> (0, 0)>
module attributes {stable_mosaic.version = 14 : i64} {
  func.func @gather_kernel(%arg0: i32, %arg1: i32, %arg2: memref<2048x32xi32, #tpu.memory_space<hbm>>, %arg3: memref<2048x512xf32, #tpu.memory_space<hbm>>, %arg4: memref<65536x1024xf32, #tpu.memory_space<hbm>>, %arg5: memref<2048x1024xf32, #tpu.memory_space<hbm>>, %arg6: memref<64x32xi32, #tpu.memory_space<vmem>>, %arg7: memref<64x512xf32, #tpu.memory_space<vmem>>, %arg8: memref<2x32x1024xf32, #tpu.memory_space<vmem>>, %arg9: memref<1024xf32, #tpu.memory_space<vmem>>, %arg10: memref<!tpu.dma_semaphore, #tpu.memory_space<semaphore_mem>>, %arg11: memref<!tpu.dma_semaphore, #tpu.memory_space<semaphore_mem>>) attributes {dimension_semantics = [#tpu.dimension_semantics<core_parallel>, #tpu.dimension_semantics<subcore_parallel>], iteration_bounds = array<i64: 2, 16>, scalar_prefetch = 0 : i64, scratch_operands = 6 : i64, tpu.core_type = #tpu.core_type<sc_vector_subcore>, window_params = [{transform_indices = #map}, {transform_indices = #map}, {transform_indices = #map}, {transform_indices = #map}]} {
    %mul3A = arith.constant 2 : i32
    %mul3A_0 = arith.muli %arg1, %mul3A : i32
    %add3A = arith.addi %mul3A_0, %arg0 : i32
    %mul3A_1 = arith.constant 64 : i32
    %mul3A_2 = arith.muli %add3A, %mul3A_1 : i32
    "tpu.region"() ({
      %run_scoped3A = tpu.sem_alloc : memref<!tpu.dma_semaphore, #tpu.memory_space<semaphore_mem>>
      %dma_start3A_19 = arith.constant 0 : i32
      %dma_start3A_20 = tpu.memref_slice %arg2[%mul3A_2, %dma_start3A_19] : memref<2048x32xi32, #tpu.memory_space<hbm>> -> memref<64x32xi32, #tpu.memory_space<hbm>>
      %dma_start3A_21 = arith.constant 0 : i32
      %dma_start3A_22 = tpu.memref_slice %arg2[%mul3A_2, %dma_start3A_21] : memref<2048x32xi32, #tpu.memory_space<hbm>> -> memref<64x32xi32, #tpu.memory_space<hbm>>
      tpu.enqueue_dma source(%dma_start3A_22 : memref<64x32xi32, #tpu.memory_space<hbm>>) target(%arg6 : memref<64x32xi32, #tpu.memory_space<vmem>>) target_semaphore(%run_scoped3A : memref<!tpu.dma_semaphore, #tpu.memory_space<semaphore_mem>>)
      %dma_wait3A = arith.constant 0 : i32
      %dma_wait3A_23 = tpu.memref_slice %arg2[%mul3A_2, %dma_wait3A] : memref<2048x32xi32, #tpu.memory_space<hbm>> -> memref<64x32xi32, #tpu.memory_space<hbm>>
      %dma_wait3A_24 = arith.constant 0 : i32
      %dma_wait3A_25 = tpu.memref_slice %arg2[%mul3A_2, %dma_wait3A_24] : memref<2048x32xi32, #tpu.memory_space<hbm>> -> memref<64x32xi32, #tpu.memory_space<hbm>>
      tpu.wait_dma2 semaphore(%run_scoped3A : memref<!tpu.dma_semaphore, #tpu.memory_space<semaphore_mem>>) src(%dma_wait3A_25 : memref<64x32xi32, #tpu.memory_space<hbm>>) dst(%arg6 : memref<64x32xi32, #tpu.memory_space<vmem>>)
      tpu.yield
    }) : () -> ()
    "tpu.region"() ({
      %run_scoped3A = tpu.sem_alloc : memref<!tpu.dma_semaphore, #tpu.memory_space<semaphore_mem>>
      %dma_start3A_19 = arith.constant 0 : i32
      %dma_start3A_20 = tpu.memref_slice %arg3[%mul3A_2, %dma_start3A_19] : memref<2048x512xf32, #tpu.memory_space<hbm>> -> memref<64x512xf32, #tpu.memory_space<hbm>>
      %dma_start3A_21 = arith.constant 0 : i32
      %dma_start3A_22 = tpu.memref_slice %arg3[%mul3A_2, %dma_start3A_21] : memref<2048x512xf32, #tpu.memory_space<hbm>> -> memref<64x512xf32, #tpu.memory_space<hbm>>
      tpu.enqueue_dma source(%dma_start3A_22 : memref<64x512xf32, #tpu.memory_space<hbm>>) target(%arg7 : memref<64x512xf32, #tpu.memory_space<vmem>>) target_semaphore(%run_scoped3A : memref<!tpu.dma_semaphore, #tpu.memory_space<semaphore_mem>>)
      %dma_wait3A = arith.constant 0 : i32
      %dma_wait3A_23 = tpu.memref_slice %arg3[%mul3A_2, %dma_wait3A] : memref<2048x512xf32, #tpu.memory_space<hbm>> -> memref<64x512xf32, #tpu.memory_space<hbm>>
      %dma_wait3A_24 = arith.constant 0 : i32
      %dma_wait3A_25 = tpu.memref_slice %arg3[%mul3A_2, %dma_wait3A_24] : memref<2048x512xf32, #tpu.memory_space<hbm>> -> memref<64x512xf32, #tpu.memory_space<hbm>>
      tpu.wait_dma2 semaphore(%run_scoped3A : memref<!tpu.dma_semaphore, #tpu.memory_space<semaphore_mem>>) src(%dma_wait3A_25 : memref<64x512xf32, #tpu.memory_space<hbm>>) dst(%arg7 : memref<64x512xf32, #tpu.memory_space<vmem>>)
      tpu.yield
    }) : () -> ()
    %dma_start3A = arith.constant 0 : i32
    %dma_start3A_3 = arith.constant 0 : i32
    %dma_start3A_4 = arith.constant 0 : i32
    %dma_start3A_5 = arith.constant 0 : i32
    %dma_start3A_6 = tpu.memref_slice %arg8[%dma_start3A_3, %dma_start3A_4, %dma_start3A_5] : memref<2x32x1024xf32, #tpu.memory_space<vmem>> -> memref<1x32x1024xf32, #tpu.memory_space<vmem>>
    %dma_start3A_7 = tpu.memref_squeeze %dma_start3A_6 : memref<1x32x1024xf32, #tpu.memory_space<vmem>> -> memref<32x1024xf32, #tpu.memory_space<vmem>>
    %dma_start3A_8 = arith.constant 0 : i32
    %dma_start3A_9 = tpu.memref_slice %arg6[%dma_start3A, %dma_start3A_8] : memref<64x32xi32, #tpu.memory_space<vmem>> -> memref<1x32xi32, #tpu.memory_space<vmem>>
    %dma_start3A_10 = tpu.memref_squeeze %dma_start3A_9 : memref<1x32xi32, #tpu.memory_space<vmem>> -> memref<32xi32, #tpu.memory_space<vmem>>
    %dma_start3A_11 = arith.constant 0 : i32
    %dma_start3A_12 = arith.constant 0 : i32
    %dma_start3A_13 = tpu.memref_slice %arg4[%dma_start3A_11, %dma_start3A_12] : memref<65536x1024xf32, #tpu.memory_space<hbm>> -> memref<65536x1024xf32, #tpu.memory_space<hbm>>
    tpu.enqueue_indirect_dma source(%dma_start3A_13 : memref<65536x1024xf32, #tpu.memory_space<hbm>>) target(%dma_start3A_7 : memref<32x1024xf32, #tpu.memory_space<vmem>>) offsets(%dma_start3A_10 : memref<32xi32, #tpu.memory_space<vmem>>) semaphore(%arg10 : memref<!tpu.dma_semaphore, #tpu.memory_space<semaphore_mem>>)
    %scan3A = arith.constant 0 : i32
    %scan3A_14 = arith.constant 0 : i32
    %scan3A_15 = arith.constant 32 : i32
    %scan3A_16 = arith.addi %scan3A_14, %scan3A_15 : i32
    %scan3A_17 = arith.constant 1 : i32
    scf.for %scan3A_19 = %scan3A_14 to %scan3A_16 step %scan3A_17  : i32 {
      %mul3A_20 = arith.constant 2 : i32
      %mul3A_21 = arith.muli %scan3A_19, %mul3A_20 : i32
      %add3A_22 = arith.constant 1 : i32
      %add3A_23 = arith.addi %mul3A_21, %add3A_22 : i32
      %dma_start3A_24 = arith.constant 1 : i32
      %dma_start3A_25 = arith.constant 0 : i32
      %dma_start3A_26 = arith.constant 0 : i32
      %dma_start3A_27 = tpu.memref_slice %arg8[%dma_start3A_24, %dma_start3A_25, %dma_start3A_26] : memref<2x32x1024xf32, #tpu.memory_space<vmem>> -> memref<1x32x1024xf32, #tpu.memory_space<vmem>>
      %dma_start3A_28 = tpu.memref_squeeze %dma_start3A_27 : memref<1x32x1024xf32, #tpu.memory_space<vmem>> -> memref<32x1024xf32, #tpu.memory_space<vmem>>
      %dma_start3A_29 = arith.constant 0 : i32
      %dma_start3A_30 = tpu.memref_slice %arg6[%add3A_23, %dma_start3A_29] : memref<64x32xi32, #tpu.memory_space<vmem>> -> memref<1x32xi32, #tpu.memory_space<vmem>>
      %dma_start3A_31 = tpu.memref_squeeze %dma_start3A_30 : memref<1x32xi32, #tpu.memory_space<vmem>> -> memref<32xi32, #tpu.memory_space<vmem>>
      %dma_start3A_32 = arith.constant 0 : i32
      %dma_start3A_33 = arith.constant 0 : i32
      %dma_start3A_34 = tpu.memref_slice %arg4[%dma_start3A_32, %dma_start3A_33] : memref<65536x1024xf32, #tpu.memory_space<hbm>> -> memref<65536x1024xf32, #tpu.memory_space<hbm>>
      tpu.enqueue_indirect_dma source(%dma_start3A_34 : memref<65536x1024xf32, #tpu.memory_space<hbm>>) target(%dma_start3A_28 : memref<32x1024xf32, #tpu.memory_space<vmem>>) offsets(%dma_start3A_31 : memref<32xi32, #tpu.memory_space<vmem>>) semaphore(%arg11 : memref<!tpu.dma_semaphore, #tpu.memory_space<semaphore_mem>>)
      %dma_wait3A = arith.constant 0 : i32
      %dma_wait3A_35 = arith.constant 0 : i32
      %dma_wait3A_36 = arith.constant 0 : i32
      %dma_wait3A_37 = tpu.memref_slice %arg8[%dma_wait3A, %dma_wait3A_35, %dma_wait3A_36] : memref<2x32x1024xf32, #tpu.memory_space<vmem>> -> memref<1x32x1024xf32, #tpu.memory_space<vmem>>
      %dma_wait3A_38 = tpu.memref_squeeze %dma_wait3A_37 : memref<1x32x1024xf32, #tpu.memory_space<vmem>> -> memref<32x1024xf32, #tpu.memory_space<vmem>>
      %dma_wait3A_39 = arith.constant 0 : i32
      %dma_wait3A_40 = tpu.memref_slice %arg6[%mul3A_21, %dma_wait3A_39] : memref<64x32xi32, #tpu.memory_space<vmem>> -> memref<1x32xi32, #tpu.memory_space<vmem>>
      %dma_wait3A_41 = tpu.memref_squeeze %dma_wait3A_40 : memref<1x32xi32, #tpu.memory_space<vmem>> -> memref<32xi32, #tpu.memory_space<vmem>>
      %dma_wait3A_42 = arith.constant 0 : i32
      %dma_wait3A_43 = arith.constant 0 : i32
      %dma_wait3A_44 = tpu.memref_slice %arg4[%dma_wait3A_42, %dma_wait3A_43] : memref<65536x1024xf32, #tpu.memory_space<hbm>> -> memref<65536x1024xf32, #tpu.memory_space<hbm>>
      tpu.wait_indirect_dma semaphore(%arg10 : memref<!tpu.dma_semaphore, #tpu.memory_space<semaphore_mem>>) src(%dma_wait3A_44 : memref<65536x1024xf32, #tpu.memory_space<hbm>>) dst(%dma_wait3A_38 : memref<32x1024xf32, #tpu.memory_space<vmem>>)
      %get3A = arith.index_cast %mul3A_21 : i32 to index
      %get3A_45 = arith.constant 0 : index
      %get3A_46 = tpu.vector_load %arg7[%get3A, %get3A_45] {strides = array<i32>} : memref<64x512xf32, #tpu.memory_space<vmem>>, vector<1x16xf32>,
      %get3A_47 = vector.shape_cast %get3A_46 : vector<1x16xf32> to vector<16xf32>
      %get3A_48 = arith.index_cast %mul3A_21 : i32 to index
      %get3A_49 = arith.constant 16 : index
      %get3A_50 = tpu.vector_load %arg7[%get3A_48, %get3A_49] {strides = array<i32>} : memref<64x512xf32, #tpu.memory_space<vmem>>, vector<1x16xf32>,
      %get3A_51 = vector.shape_cast %get3A_50 : vector<1x16xf32> to vector<16xf32>
      %get3A_52 = arith.index_cast %mul3A_21 : i32 to index
      %get3A_53 = arith.constant 32 : index
      %get3A_54 = tpu.vector_load %arg7[%get3A_52, %get3A_53] {strides = array<i32>} : memref<64x512xf32, #tpu.memory_space<vmem>>, vector<1x16xf32>,
      %get3A_55 = vector.shape_cast %get3A_54 : vector<1x16xf32> to vector<16xf32>
      %get3A_56 = arith.index_cast %mul3A_21 : i32 to index
      %get3A_57 = arith.constant 48 : index
      %get3A_58 = tpu.vector_load %arg7[%get3A_56, %get3A_57] {strides = array<i32>} : memref<64x512xf32, #tpu.memory_space<vmem>>, vector<1x16xf32>,
      %get3A_59 = vector.shape_cast %get3A_58 : vector<1x16xf32> to vector<16xf32>
      %get3A_60 = arith.index_cast %mul3A_21 : i32 to index
      %get3A_61 = arith.constant 64 : index
      %get3A_62 = tpu.vector_load %arg7[%get3A_60, %get3A_61] {strides = array<i32>} : memref<64x512xf32, #tpu.memory_space<vmem>>, vector<1x16xf32>,
      %get3A_63 = vector.shape_cast %get3A_62 : vector<1x16xf32> to vector<16xf32>
      %get3A_64 = arith.index_cast %mul3A_21 : i32 to index
      %get3A_65 = arith.constant 80 : index
      %get3A_66 = tpu.vector_load %arg7[%get3A_64, %get3A_65] {strides = array<i32>} : memref<64x512xf32, #tpu.memory_space<vmem>>, vector<1x16xf32>,
      %get3A_67 = vector.shape_cast %get3A_66 : vector<1x16xf32> to vector<16xf32>
      %get3A_68 = arith.index_cast %mul3A_21 : i32 to index
      %get3A_69 = arith.constant 96 : index
      %get3A_70 = tpu.vector_load %arg7[%get3A_68, %get3A_69] {strides = array<i32>} : memref<64x512xf32, #tpu.memory_space<vmem>>, vector<1x16xf32>,
      %get3A_71 = vector.shape_cast %get3A_70 : vector<1x16xf32> to vector<16xf32>
      %get3A_72 = arith.index_cast %mul3A_21 : i32 to index
      %get3A_73 = arith.constant 112 : index
      %get3A_74 = tpu.vector_load %arg7[%get3A_72, %get3A_73] {strides = array<i32>} : memref<64x512xf32, #tpu.memory_space<vmem>>, vector<1x16xf32>,
      %get3A_75 = vector.shape_cast %get3A_74 : vector<1x16xf32> to vector<16xf32>
      %get3A_76 = arith.index_cast %mul3A_21 : i32 to index
      %get3A_77 = arith.constant 128 : index
      %get3A_78 = tpu.vector_load %arg7[%get3A_76, %get3A_77] {strides = array<i32>} : memref<64x512xf32, #tpu.memory_space<vmem>>, vector<1x16xf32>,
      %get3A_79 = vector.shape_cast %get3A_78 : vector<1x16xf32> to vector<16xf32>
      %get3A_80 = arith.index_cast %mul3A_21 : i32 to index
      %get3A_81 = arith.constant 144 : index
      %get3A_82 = tpu.vector_load %arg7[%get3A_80, %get3A_81] {strides = array<i32>} : memref<64x512xf32, #tpu.memory_space<vmem>>, vector<1x16xf32>,
      %get3A_83 = vector.shape_cast %get3A_82 : vector<1x16xf32> to vector<16xf32>
      %get3A_84 = arith.index_cast %mul3A_21 : i32 to index
      %get3A_85 = arith.constant 160 : index
      %get3A_86 = tpu.vector_load %arg7[%get3A_84, %get3A_85] {strides = array<i32>} : memref<64x512xf32, #tpu.memory_space<vmem>>, vector<1x16xf32>,
      %get3A_87 = vector.shape_cast %get3A_86 : vector<1x16xf32> to vector<16xf32>
      %get3A_88 = arith.index_cast %mul3A_21 : i32 to index
      %get3A_89 = arith.constant 176 : index
      %get3A_90 = tpu.vector_load %arg7[%get3A_88, %get3A_89] {strides = array<i32>} : memref<64x512xf32, #tpu.memory_space<vmem>>, vector<1x16xf32>,
      %get3A_91 = vector.shape_cast %get3A_90 : vector<1x16xf32> to vector<16xf32>
      %get3A_92 = arith.index_cast %mul3A_21 : i32 to index
      %get3A_93 = arith.constant 192 : index
      %get3A_94 = tpu.vector_load %arg7[%get3A_92, %get3A_93] {strides = array<i32>} : memref<64x512xf32, #tpu.memory_space<vmem>>, vector<1x16xf32>,
      %get3A_95 = vector.shape_cast %get3A_94 : vector<1x16xf32> to vector<16xf32>
      %get3A_96 = arith.index_cast %mul3A_21 : i32 to index
      %get3A_97 = arith.constant 208 : index
      %get3A_98 = tpu.vector_load %arg7[%get3A_96, %get3A_97] {strides = array<i32>} : memref<64x512xf32, #tpu.memory_space<vmem>>, vector<1x16xf32>,
      %get3A_99 = vector.shape_cast %get3A_98 : vector<1x16xf32> to vector<16xf32>
      %get3A_100 = arith.index_cast %mul3A_21 : i32 to index
      %get3A_101 = arith.constant 224 : index
      %get3A_102 = tpu.vector_load %arg7[%get3A_100, %get3A_101] {strides = array<i32>} : memref<64x512xf32, #tpu.memory_space<vmem>>, vector<1x16xf32>,
      %get3A_103 = vector.shape_cast %get3A_102 : vector<1x16xf32> to vector<16xf32>
      %get3A_104 = arith.index_cast %mul3A_21 : i32 to index
      %get3A_105 = arith.constant 240 : index
      %get3A_106 = tpu.vector_load %arg7[%get3A_104, %get3A_105] {strides = array<i32>} : memref<64x512xf32, #tpu.memory_space<vmem>>, vector<1x16xf32>,
      %get3A_107 = vector.shape_cast %get3A_106 : vector<1x16xf32> to vector<16xf32>
      %get3A_108 = arith.index_cast %mul3A_21 : i32 to index
      %get3A_109 = arith.constant 256 : index
      %get3A_110 = tpu.vector_load %arg7[%get3A_108, %get3A_109] {strides = array<i32>} : memref<64x512xf32, #tpu.memory_space<vmem>>, vector<1x16xf32>,
      %get3A_111 = vector.shape_cast %get3A_110 : vector<1x16xf32> to vector<16xf32>
      %get3A_112 = arith.index_cast %mul3A_21 : i32 to index
      %get3A_113 = arith.constant 272 : index
      %get3A_114 = tpu.vector_load %arg7[%get3A_112, %get3A_113] {strides = array<i32>} : memref<64x512xf32, #tpu.memory_space<vmem>>, vector<1x16xf32>,
      %get3A_115 = vector.shape_cast %get3A_114 : vector<1x16xf32> to vector<16xf32>
      %get3A_116 = arith.index_cast %mul3A_21 : i32 to index
      %get3A_117 = arith.constant 288 : index
      %get3A_118 = tpu.vector_load %arg7[%get3A_116, %get3A_117] {strides = array<i32>} : memref<64x512xf32, #tpu.memory_space<vmem>>, vector<1x16xf32>,
      %get3A_119 = vector.shape_cast %get3A_118 : vector<1x16xf32> to vector<16xf32>
      %get3A_120 = arith.index_cast %mul3A_21 : i32 to index
      %get3A_121 = arith.constant 304 : index
      %get3A_122 = tpu.vector_load %arg7[%get3A_120, %get3A_121] {strides = array<i32>} : memref<64x512xf32, #tpu.memory_space<vmem>>, vector<1x16xf32>,
      %get3A_123 = vector.shape_cast %get3A_122 : vector<1x16xf32> to vector<16xf32>
      %get3A_124 = arith.index_cast %mul3A_21 : i32 to index
      %get3A_125 = arith.constant 320 : index
      %get3A_126 = tpu.vector_load %arg7[%get3A_124, %get3A_125] {strides = array<i32>} : memref<64x512xf32, #tpu.memory_space<vmem>>, vector<1x16xf32>,
      %get3A_127 = vector.shape_cast %get3A_126 : vector<1x16xf32> to vector<16xf32>
      %get3A_128 = arith.index_cast %mul3A_21 : i32 to index
      %get3A_129 = arith.constant 336 : index
      %get3A_130 = tpu.vector_load %arg7[%get3A_128, %get3A_129] {strides = array<i32>} : memref<64x512xf32, #tpu.memory_space<vmem>>, vector<1x16xf32>,
      %get3A_131 = vector.shape_cast %get3A_130 : vector<1x16xf32> to vector<16xf32>
      %get3A_132 = arith.index_cast %mul3A_21 : i32 to index
      %get3A_133 = arith.constant 352 : index
      %get3A_134 = tpu.vector_load %arg7[%get3A_132, %get3A_133] {strides = array<i32>} : memref<64x512xf32, #tpu.memory_space<vmem>>, vector<1x16xf32>,
      %get3A_135 = vector.shape_cast %get3A_134 : vector<1x16xf32> to vector<16xf32>
      %get3A_136 = arith.index_cast %mul3A_21 : i32 to index
      %get3A_137 = arith.constant 368 : index
      %get3A_138 = tpu.vector_load %arg7[%get3A_136, %get3A_137] {strides = array<i32>} : memref<64x512xf32, #tpu.memory_space<vmem>>, vector<1x16xf32>,
      %get3A_139 = vector.shape_cast %get3A_138 : vector<1x16xf32> to vector<16xf32>
      %get3A_140 = arith.index_cast %mul3A_21 : i32 to index
      %get3A_141 = arith.constant 384 : index
      %get3A_142 = tpu.vector_load %arg7[%get3A_140, %get3A_141] {strides = array<i32>} : memref<64x512xf32, #tpu.memory_space<vmem>>, vector<1x16xf32>,
      %get3A_143 = vector.shape_cast %get3A_142 : vector<1x16xf32> to vector<16xf32>
      %get3A_144 = arith.index_cast %mul3A_21 : i32 to index
      %get3A_145 = arith.constant 400 : index
      %get3A_146 = tpu.vector_load %arg7[%get3A_144, %get3A_145] {strides = array<i32>} : memref<64x512xf32, #tpu.memory_space<vmem>>, vector<1x16xf32>,
      %get3A_147 = vector.shape_cast %get3A_146 : vector<1x16xf32> to vector<16xf32>
      %get3A_148 = arith.index_cast %mul3A_21 : i32 to index
      %get3A_149 = arith.constant 416 : index
      %get3A_150 = tpu.vector_load %arg7[%get3A_148, %get3A_149] {strides = array<i32>} : memref<64x512xf32, #tpu.memory_space<vmem>>, vector<1x16xf32>,
      %get3A_151 = vector.shape_cast %get3A_150 : vector<1x16xf32> to vector<16xf32>
      %get3A_152 = arith.index_cast %mul3A_21 : i32 to index
      %get3A_153 = arith.constant 432 : index
      %get3A_154 = tpu.vector_load %arg7[%get3A_152, %get3A_153] {strides = array<i32>} : memref<64x512xf32, #tpu.memory_space<vmem>>, vector<1x16xf32>,
      %get3A_155 = vector.shape_cast %get3A_154 : vector<1x16xf32> to vector<16xf32>
      %get3A_156 = arith.index_cast %mul3A_21 : i32 to index
      %get3A_157 = arith.constant 448 : index
      %get3A_158 = tpu.vector_load %arg7[%get3A_156, %get3A_157] {strides = array<i32>} : memref<64x512xf32, #tpu.memory_space<vmem>>, vector<1x16xf32>,
      %get3A_159 = vector.shape_cast %get3A_158 : vector<1x16xf32> to vector<16xf32>
      %get3A_160 = arith.index_cast %mul3A_21 : i32 to index
      %get3A_161 = arith.constant 464 : index
      %get3A_162 = tpu.vector_load %arg7[%get3A_160, %get3A_161] {strides = array<i32>} : memref<64x512xf32, #tpu.memory_space<vmem>>, vector<1x16xf32>,
      %get3A_163 = vector.shape_cast %get3A_162 : vector<1x16xf32> to vector<16xf32>
      %get3A_164 = arith.index_cast %mul3A_21 : i32 to index
      %get3A_165 = arith.constant 480 : index
      %get3A_166 = tpu.vector_load %arg7[%get3A_164, %get3A_165] {strides = array<i32>} : memref<64x512xf32, #tpu.memory_space<vmem>>, vector<1x16xf32>,
      %get3A_167 = vector.shape_cast %get3A_166 : vector<1x16xf32> to vector<16xf32>
      %get3A_168 = arith.index_cast %mul3A_21 : i32 to index
      %get3A_169 = arith.constant 496 : index
      %get3A_170 = tpu.vector_load %arg7[%get3A_168, %get3A_169] {strides = array<i32>} : memref<64x512xf32, #tpu.memory_space<vmem>>, vector<1x16xf32>,
      %get3A_171 = vector.shape_cast %get3A_170 : vector<1x16xf32> to vector<16xf32>
      %scan3A_172 = arith.constant 0 : i32
      %scan3A_173 = arith.constant 0 : i32
      %scan3A_174 = arith.constant 64 : i32
      %scan3A_175 = arith.addi %scan3A_173, %scan3A_174 : i32
      %scan3A_176 = arith.constant 2 : i32
      scf.for %scan3A_327 = %scan3A_173 to %scan3A_175 step %scan3A_176  : i32 {
        %mul3A_328 = arith.constant 16 : i32
        %mul3A_329 = arith.muli %scan3A_327, %mul3A_328 : i32
        %get3A_330 = arith.constant 0 : i32
        %get3A_331 = arith.constant 0 : i32
        %get3A_332 = arith.index_cast %get3A_330 : i32 to index
        %get3A_333 = arith.index_cast %get3A_331 : i32 to index
        %get3A_334 = arith.index_cast %mul3A_329 : i32 to index
        %get3A_335 = tpu.vector_load %arg8[%get3A_332, %get3A_333, %get3A_334] {strides = array<i32>} : memref<2x32x1024xf32, #tpu.memory_space<vmem>>, vector<1x1x16xf32>,
        %get3A_336 = vector.shape_cast %get3A_335 : vector<1x1x16xf32> to vector<16xf32>
        %mul3A_337 = arith.mulf %get3A_336, %get3A_47 : vector<16xf32>
        %get3A_338 = arith.constant 0 : i32
        %get3A_339 = arith.constant 1 : i32
        %get3A_340 = arith.index_cast %get3A_338 : i32 to index
        %get3A_341 = arith.index_cast %get3A_339 : i32 to index
        %get3A_342 = arith.index_cast %mul3A_329 : i32 to index
        %get3A_343 = tpu.vector_load %arg8[%get3A_340, %get3A_341, %get3A_342] {strides = array<i32>} : memref<2x32x1024xf32, #tpu.memory_space<vmem>>, vector<1x1x16xf32>,
        %get3A_344 = vector.shape_cast %get3A_343 : vector<1x1x16xf32> to vector<16xf32>
        %mul3A_345 = arith.mulf %get3A_344, %get3A_51 : vector<16xf32>
        %get3A_346 = arith.constant 0 : i32
        %get3A_347 = arith.constant 2 : i32
        %get3A_348 = arith.index_cast %get3A_346 : i32 to index
        %get3A_349 = arith.index_cast %get3A_347 : i32 to index
        %get3A_350 = arith.index_cast %mul3A_329 : i32 to index
        %get3A_351 = tpu.vector_load %arg8[%get3A_348, %get3A_349, %get3A_350] {strides = array<i32>} : memref<2x32x1024xf32, #tpu.memory_space<vmem>>, vector<1x1x16xf32>,
        %get3A_352 = vector.shape_cast %get3A_351 : vector<1x1x16xf32> to vector<16xf32>
        %mul3A_353 = arith.mulf %get3A_352, %get3A_55 : vector<16xf32>
        %get3A_354 = arith.constant 0 : i32
        %get3A_355 = arith.constant 3 : i32
        %get3A_356 = arith.index_cast %get3A_354 : i32 to index
        %get3A_357 = arith.index_cast %get3A_355 : i32 to index
        %get3A_358 = arith.index_cast %mul3A_329 : i32 to index
        %get3A_359 = tpu.vector_load %arg8[%get3A_356, %get3A_357, %get3A_358] {strides = array<i32>} : memref<2x32x1024xf32, #tpu.memory_space<vmem>>, vector<1x1x16xf32>,
        %get3A_360 = vector.shape_cast %get3A_359 : vector<1x1x16xf32> to vector<16xf32>
        %mul3A_361 = arith.mulf %get3A_360, %get3A_59 : vector<16xf32>
        %get3A_362 = arith.constant 0 : i32
        %get3A_363 = arith.constant 4 : i32
        %get3A_364 = arith.index_cast %get3A_362 : i32 to index
        %get3A_365 = arith.index_cast %get3A_363 : i32 to index
        %get3A_366 = arith.index_cast %mul3A_329 : i32 to index
        %get3A_367 = tpu.vector_load %arg8[%get3A_364, %get3A_365, %get3A_366] {strides = array<i32>} : memref<2x32x1024xf32, #tpu.memory_space<vmem>>, vector<1x1x16xf32>,
        %get3A_368 = vector.shape_cast %get3A_367 : vector<1x1x16xf32> to vector<16xf32>
        %mul3A_369 = arith.mulf %get3A_368, %get3A_63 : vector<16xf32>
        %get3A_370 = arith.constant 0 : i32
        %get3A_371 = arith.constant 5 : i32
        %get3A_372 = arith.index_cast %get3A_370 : i32 to index
        %get3A_373 = arith.index_cast %get3A_371 : i32 to index
        %get3A_374 = arith.index_cast %mul3A_329 : i32 to index
        %get3A_375 = tpu.vector_load %arg8[%get3A_372, %get3A_373, %get3A_374] {strides = array<i32>} : memref<2x32x1024xf32, #tpu.memory_space<vmem>>, vector<1x1x16xf32>,
        %get3A_376 = vector.shape_cast %get3A_375 : vector<1x1x16xf32> to vector<16xf32>
        %mul3A_377 = arith.mulf %get3A_376, %get3A_67 : vector<16xf32>
        %get3A_378 = arith.constant 0 : i32
        %get3A_379 = arith.constant 6 : i32
        %get3A_380 = arith.index_cast %get3A_378 : i32 to index
        %get3A_381 = arith.index_cast %get3A_379 : i32 to index
        %get3A_382 = arith.index_cast %mul3A_329 : i32 to index
        %get3A_383 = tpu.vector_load %arg8[%get3A_380, %get3A_381, %get3A_382] {strides = array<i32>} : memref<2x32x1024xf32, #tpu.memory_space<vmem>>, vector<1x1x16xf32>,
        %get3A_384 = vector.shape_cast %get3A_383 : vector<1x1x16xf32> to vector<16xf32>
        %mul3A_385 = arith.mulf %get3A_384, %get3A_71 : vector<16xf32>
        %get3A_386 = arith.constant 0 : i32
        %get3A_387 = arith.constant 7 : i32
        %get3A_388 = arith.index_cast %get3A_386 : i32 to index
        %get3A_389 = arith.index_cast %get3A_387 : i32 to index
        %get3A_390 = arith.index_cast %mul3A_329 : i32 to index
        %get3A_391 = tpu.vector_load %arg8[%get3A_388, %get3A_389, %get3A_390] {strides = array<i32>} : memref<2x32x1024xf32, #tpu.memory_space<vmem>>, vector<1x1x16xf32>,
        %get3A_392 = vector.shape_cast %get3A_391 : vector<1x1x16xf32> to vector<16xf32>
        %mul3A_393 = arith.mulf %get3A_392, %get3A_75 : vector<16xf32>
        %get3A_394 = arith.constant 0 : i32
        %get3A_395 = arith.constant 8 : i32
        %get3A_396 = arith.index_cast %get3A_394 : i32 to index
        %get3A_397 = arith.index_cast %get3A_395 : i32 to index
        %get3A_398 = arith.index_cast %mul3A_329 : i32 to index
        %get3A_399 = tpu.vector_load %arg8[%get3A_396, %get3A_397, %get3A_398] {strides = array<i32>} : memref<2x32x1024xf32, #tpu.memory_space<vmem>>, vector<1x1x16xf32>,
        %get3A_400 = vector.shape_cast %get3A_399 : vector<1x1x16xf32> to vector<16xf32>
        %mul3A_401 = arith.mulf %get3A_400, %get3A_79 : vector<16xf32>
        %add3A_402 = arith.addf %mul3A_337, %mul3A_401 : vector<16xf32>
        %get3A_403 = arith.constant 0 : i32
        %get3A_404 = arith.constant 9 : i32
        %get3A_405 = arith.index_cast %get3A_403 : i32 to index
        %get3A_406 = arith.index_cast %get3A_404 : i32 to index
        %get3A_407 = arith.index_cast %mul3A_329 : i32 to index
        %get3A_408 = tpu.vector_load %arg8[%get3A_405, %get3A_406, %get3A_407] {strides = array<i32>} : memref<2x32x1024xf32, #tpu.memory_space<vmem>>, vector<1x1x16xf32>,
        %get3A_409 = vector.shape_cast %get3A_408 : vector<1x1x16xf32> to vector<16xf32>
        %mul3A_410 = arith.mulf %get3A_409, %get3A_83 : vector<16xf32>
        %add3A_411 = arith.addf %mul3A_345, %mul3A_410 : vector<16xf32>
        %get3A_412 = arith.constant 0 : i32
        %get3A_413 = arith.constant 10 : i32
        %get3A_414 = arith.index_cast %get3A_412 : i32 to index
        %get3A_415 = arith.index_cast %get3A_413 : i32 to index
        %get3A_416 = arith.index_cast %mul3A_329 : i32 to index
        %get3A_417 = tpu.vector_load %arg8[%get3A_414, %get3A_415, %get3A_416] {strides = array<i32>} : memref<2x32x1024xf32, #tpu.memory_space<vmem>>, vector<1x1x16xf32>,
        %get3A_418 = vector.shape_cast %get3A_417 : vector<1x1x16xf32> to vector<16xf32>
        %mul3A_419 = arith.mulf %get3A_418, %get3A_87 : vector<16xf32>
        %add3A_420 = arith.addf %mul3A_353, %mul3A_419 : vector<16xf32>
        %get3A_421 = arith.constant 0 : i32
        %get3A_422 = arith.constant 11 : i32
        %get3A_423 = arith.index_cast %get3A_421 : i32 to index
        %get3A_424 = arith.index_cast %get3A_422 : i32 to index
        %get3A_425 = arith.index_cast %mul3A_329 : i32 to index
        %get3A_426 = tpu.vector_load %arg8[%get3A_423, %get3A_424, %get3A_425] {strides = array<i32>} : memref<2x32x1024xf32, #tpu.memory_space<vmem>>, vector<1x1x16xf32>,
        %get3A_427 = vector.shape_cast %get3A_426 : vector<1x1x16xf32> to vector<16xf32>
        %mul3A_428 = arith.mulf %get3A_427, %get3A_91 : vector<16xf32>
        %add3A_429 = arith.addf %mul3A_361, %mul3A_428 : vector<16xf32>
        %get3A_430 = arith.constant 0 : i32
        %get3A_431 = arith.constant 12 : i32
        %get3A_432 = arith.index_cast %get3A_430 : i32 to index
        %get3A_433 = arith.index_cast %get3A_431 : i32 to index
        %get3A_434 = arith.index_cast %mul3A_329 : i32 to index
        %get3A_435 = tpu.vector_load %arg8[%get3A_432, %get3A_433, %get3A_434] {strides = array<i32>} : memref<2x32x1024xf32, #tpu.memory_space<vmem>>, vector<1x1x16xf32>,
        %get3A_436 = vector.shape_cast %get3A_435 : vector<1x1x16xf32> to vector<16xf32>
        %mul3A_437 = arith.mulf %get3A_436, %get3A_95 : vector<16xf32>
        %add3A_438 = arith.addf %mul3A_369, %mul3A_437 : vector<16xf32>
        %get3A_439 = arith.constant 0 : i32
        %get3A_440 = arith.constant 13 : i32
        %get3A_441 = arith.index_cast %get3A_439 : i32 to index
        %get3A_442 = arith.index_cast %get3A_440 : i32 to index
        %get3A_443 = arith.index_cast %mul3A_329 : i32 to index
        %get3A_444 = tpu.vector_load %arg8[%get3A_441, %get3A_442, %get3A_443] {strides = array<i32>} : memref<2x32x1024xf32, #tpu.memory_space<vmem>>, vector<1x1x16xf32>,
        %get3A_445 = vector.shape_cast %get3A_444 : vector<1x1x16xf32> to vector<16xf32>
        %mul3A_446 = arith.mulf %get3A_445, %get3A_99 : vector<16xf32>
        %add3A_447 = arith.addf %mul3A_377, %mul3A_446 : vector<16xf32>
        %get3A_448 = arith.constant 0 : i32
        %get3A_449 = arith.constant 14 : i32
        %get3A_450 = arith.index_cast %get3A_448 : i32 to index
        %get3A_451 = arith.index_cast %get3A_449 : i32 to index
        %get3A_452 = arith.index_cast %mul3A_329 : i32 to index
        %get3A_453 = tpu.vector_load %arg8[%get3A_450, %get3A_451, %get3A_452] {strides = array<i32>} : memref<2x32x1024xf32, #tpu.memory_space<vmem>>, vector<1x1x16xf32>,
        %get3A_454 = vector.shape_cast %get3A_453 : vector<1x1x16xf32> to vector<16xf32>
        %mul3A_455 = arith.mulf %get3A_454, %get3A_103 : vector<16xf32>
        %add3A_456 = arith.addf %mul3A_385, %mul3A_455 : vector<16xf32>
        %get3A_457 = arith.constant 0 : i32
        %get3A_458 = arith.constant 15 : i32
        %get3A_459 = arith.index_cast %get3A_457 : i32 to index
        %get3A_460 = arith.index_cast %get3A_458 : i32 to index
        %get3A_461 = arith.index_cast %mul3A_329 : i32 to index
        %get3A_462 = tpu.vector_load %arg8[%get3A_459, %get3A_460, %get3A_461] {strides = array<i32>} : memref<2x32x1024xf32, #tpu.memory_space<vmem>>, vector<1x1x16xf32>,
        %get3A_463 = vector.shape_cast %get3A_462 : vector<1x1x16xf32> to vector<16xf32>
        %mul3A_464 = arith.mulf %get3A_463, %get3A_107 : vector<16xf32>
        %add3A_465 = arith.addf %mul3A_393, %mul3A_464 : vector<16xf32>
        %get3A_466 = arith.constant 0 : i32
        %get3A_467 = arith.constant 16 : i32
        %get3A_468 = arith.index_cast %get3A_466 : i32 to index
        %get3A_469 = arith.index_cast %get3A_467 : i32 to index
        %get3A_470 = arith.index_cast %mul3A_329 : i32 to index
        %get3A_471 = tpu.vector_load %arg8[%get3A_468, %get3A_469, %get3A_470] {strides = array<i32>} : memref<2x32x1024xf32, #tpu.memory_space<vmem>>, vector<1x1x16xf32>,
        %get3A_472 = vector.shape_cast %get3A_471 : vector<1x1x16xf32> to vector<16xf32>
        %mul3A_473 = arith.mulf %get3A_472, %get3A_111 : vector<16xf32>
        %add3A_474 = arith.addf %add3A_402, %mul3A_473 : vector<16xf32>
        %get3A_475 = arith.constant 0 : i32
        %get3A_476 = arith.constant 17 : i32
        %get3A_477 = arith.index_cast %get3A_475 : i32 to index
        %get3A_478 = arith.index_cast %get3A_476 : i32 to index
        %get3A_479 = arith.index_cast %mul3A_329 : i32 to index
        %get3A_480 = tpu.vector_load %arg8[%get3A_477, %get3A_478, %get3A_479] {strides = array<i32>} : memref<2x32x1024xf32, #tpu.memory_space<vmem>>, vector<1x1x16xf32>,
        %get3A_481 = vector.shape_cast %get3A_480 : vector<1x1x16xf32> to vector<16xf32>
        %mul3A_482 = arith.mulf %get3A_481, %get3A_115 : vector<16xf32>
        %add3A_483 = arith.addf %add3A_411, %mul3A_482 : vector<16xf32>
        %get3A_484 = arith.constant 0 : i32
        %get3A_485 = arith.constant 18 : i32
        %get3A_486 = arith.index_cast %get3A_484 : i32 to index
        %get3A_487 = arith.index_cast %get3A_485 : i32 to index
        %get3A_488 = arith.index_cast %mul3A_329 : i32 to index
        %get3A_489 = tpu.vector_load %arg8[%get3A_486, %get3A_487, %get3A_488] {strides = array<i32>} : memref<2x32x1024xf32, #tpu.memory_space<vmem>>, vector<1x1x16xf32>,
        %get3A_490 = vector.shape_cast %get3A_489 : vector<1x1x16xf32> to vector<16xf32>
        %mul3A_491 = arith.mulf %get3A_490, %get3A_119 : vector<16xf32>
        %add3A_492 = arith.addf %add3A_420, %mul3A_491 : vector<16xf32>
        %get3A_493 = arith.constant 0 : i32
        %get3A_494 = arith.constant 19 : i32
        %get3A_495 = arith.index_cast %get3A_493 : i32 to index
        %get3A_496 = arith.index_cast %get3A_494 : i32 to index
        %get3A_497 = arith.index_cast %mul3A_329 : i32 to index
        %get3A_498 = tpu.vector_load %arg8[%get3A_495, %get3A_496, %get3A_497] {strides = array<i32>} : memref<2x32x1024xf32, #tpu.memory_space<vmem>>, vector<1x1x16xf32>,
        %get3A_499 = vector.shape_cast %get3A_498 : vector<1x1x16xf32> to vector<16xf32>
        %mul3A_500 = arith.mulf %get3A_499, %get3A_123 : vector<16xf32>
        %add3A_501 = arith.addf %add3A_429, %mul3A_500 : vector<16xf32>
        %get3A_502 = arith.constant 0 : i32
        %get3A_503 = arith.constant 20 : i32
        %get3A_504 = arith.index_cast %get3A_502 : i32 to index
        %get3A_505 = arith.index_cast %get3A_503 : i32 to index
        %get3A_506 = arith.index_cast %mul3A_329 : i32 to index
        %get3A_507 = tpu.vector_load %arg8[%get3A_504, %get3A_505, %get3A_506] {strides = array<i32>} : memref<2x32x1024xf32, #tpu.memory_space<vmem>>, vector<1x1x16xf32>,
        %get3A_508 = vector.shape_cast %get3A_507 : vector<1x1x16xf32> to vector<16xf32>
        %mul3A_509 = arith.mulf %get3A_508, %get3A_127 : vector<16xf32>
        %add3A_510 = arith.addf %add3A_438, %mul3A_509 : vector<16xf32>
        %get3A_511 = arith.constant 0 : i32
        %get3A_512 = arith.constant 21 : i32
        %get3A_513 = arith.index_cast %get3A_511 : i32 to index
        %get3A_514 = arith.index_cast %get3A_512 : i32 to index
        %get3A_515 = arith.index_cast %mul3A_329 : i32 to index
        %get3A_516 = tpu.vector_load %arg8[%get3A_513, %get3A_514, %get3A_515] {strides = array<i32>} : memref<2x32x1024xf32, #tpu.memory_space<vmem>>, vector<1x1x16xf32>,
        %get3A_517 = vector.shape_cast %get3A_516 : vector<1x1x16xf32> to vector<16xf32>
        %mul3A_518 = arith.mulf %get3A_517, %get3A_131 : vector<16xf32>
        %add3A_519 = arith.addf %add3A_447, %mul3A_518 : vector<16xf32>
        %get3A_520 = arith.constant 0 : i32
        %get3A_521 = arith.constant 22 : i32
        %get3A_522 = arith.index_cast %get3A_520 : i32 to index
        %get3A_523 = arith.index_cast %get3A_521 : i32 to index
        %get3A_524 = arith.index_cast %mul3A_329 : i32 to index
        %get3A_525 = tpu.vector_load %arg8[%get3A_522, %get3A_523, %get3A_524] {strides = array<i32>} : memref<2x32x1024xf32, #tpu.memory_space<vmem>>, vector<1x1x16xf32>,
        %get3A_526 = vector.shape_cast %get3A_525 : vector<1x1x16xf32> to vector<16xf32>
        %mul3A_527 = arith.mulf %get3A_526, %get3A_135 : vector<16xf32>
        %add3A_528 = arith.addf %add3A_456, %mul3A_527 : vector<16xf32>
        %get3A_529 = arith.constant 0 : i32
        %get3A_530 = arith.constant 23 : i32
        %get3A_531 = arith.index_cast %get3A_529 : i32 to index
        %get3A_532 = arith.index_cast %get3A_530 : i32 to index
        %get3A_533 = arith.index_cast %mul3A_329 : i32 to index
        %get3A_534 = tpu.vector_load %arg8[%get3A_531, %get3A_532, %get3A_533] {strides = array<i32>} : memref<2x32x1024xf32, #tpu.memory_space<vmem>>, vector<1x1x16xf32>,
        %get3A_535 = vector.shape_cast %get3A_534 : vector<1x1x16xf32> to vector<16xf32>
        %mul3A_536 = arith.mulf %get3A_535, %get3A_139 : vector<16xf32>
        %add3A_537 = arith.addf %add3A_465, %mul3A_536 : vector<16xf32>
        %get3A_538 = arith.constant 0 : i32
        %get3A_539 = arith.constant 24 : i32
        %get3A_540 = arith.index_cast %get3A_538 : i32 to index
        %get3A_541 = arith.index_cast %get3A_539 : i32 to index
        %get3A_542 = arith.index_cast %mul3A_329 : i32 to index
        %get3A_543 = tpu.vector_load %arg8[%get3A_540, %get3A_541, %get3A_542] {strides = array<i32>} : memref<2x32x1024xf32, #tpu.memory_space<vmem>>, vector<1x1x16xf32>,
        %get3A_544 = vector.shape_cast %get3A_543 : vector<1x1x16xf32> to vector<16xf32>
        %mul3A_545 = arith.mulf %get3A_544, %get3A_143 : vector<16xf32>
        %add3A_546 = arith.addf %add3A_474, %mul3A_545 : vector<16xf32>
        %get3A_547 = arith.constant 0 : i32
        %get3A_548 = arith.constant 25 : i32
        %get3A_549 = arith.index_cast %get3A_547 : i32 to index
        %get3A_550 = arith.index_cast %get3A_548 : i32 to index
        %get3A_551 = arith.index_cast %mul3A_329 : i32 to index
        %get3A_552 = tpu.vector_load %arg8[%get3A_549, %get3A_550, %get3A_551] {strides = array<i32>} : memref<2x32x1024xf32, #tpu.memory_space<vmem>>, vector<1x1x16xf32>,
        %get3A_553 = vector.shape_cast %get3A_552 : vector<1x1x16xf32> to vector<16xf32>
        %mul3A_554 = arith.mulf %get3A_553, %get3A_147 : vector<16xf32>
        %add3A_555 = arith.addf %add3A_483, %mul3A_554 : vector<16xf32>
        %get3A_556 = arith.constant 0 : i32
        %get3A_557 = arith.constant 26 : i32
        %get3A_558 = arith.index_cast %get3A_556 : i32 to index
        %get3A_559 = arith.index_cast %get3A_557 : i32 to index
        %get3A_560 = arith.index_cast %mul3A_329 : i32 to index
        %get3A_561 = tpu.vector_load %arg8[%get3A_558, %get3A_559, %get3A_560] {strides = array<i32>} : memref<2x32x1024xf32, #tpu.memory_space<vmem>>, vector<1x1x16xf32>,
        %get3A_562 = vector.shape_cast %get3A_561 : vector<1x1x16xf32> to vector<16xf32>
        %mul3A_563 = arith.mulf %get3A_562, %get3A_151 : vector<16xf32>
        %add3A_564 = arith.addf %add3A_492, %mul3A_563 : vector<16xf32>
        %get3A_565 = arith.constant 0 : i32
        %get3A_566 = arith.constant 27 : i32
        %get3A_567 = arith.index_cast %get3A_565 : i32 to index
        %get3A_568 = arith.index_cast %get3A_566 : i32 to index
        %get3A_569 = arith.index_cast %mul3A_329 : i32 to index
        %get3A_570 = tpu.vector_load %arg8[%get3A_567, %get3A_568, %get3A_569] {strides = array<i32>} : memref<2x32x1024xf32, #tpu.memory_space<vmem>>, vector<1x1x16xf32>,
        %get3A_571 = vector.shape_cast %get3A_570 : vector<1x1x16xf32> to vector<16xf32>
        %mul3A_572 = arith.mulf %get3A_571, %get3A_155 : vector<16xf32>
        %add3A_573 = arith.addf %add3A_501, %mul3A_572 : vector<16xf32>
        %get3A_574 = arith.constant 0 : i32
        %get3A_575 = arith.constant 28 : i32
        %get3A_576 = arith.index_cast %get3A_574 : i32 to index
        %get3A_577 = arith.index_cast %get3A_575 : i32 to index
        %get3A_578 = arith.index_cast %mul3A_329 : i32 to index
        %get3A_579 = tpu.vector_load %arg8[%get3A_576, %get3A_577, %get3A_578] {strides = array<i32>} : memref<2x32x1024xf32, #tpu.memory_space<vmem>>, vector<1x1x16xf32>,
        %get3A_580 = vector.shape_cast %get3A_579 : vector<1x1x16xf32> to vector<16xf32>
        %mul3A_581 = arith.mulf %get3A_580, %get3A_159 : vector<16xf32>
        %add3A_582 = arith.addf %add3A_510, %mul3A_581 : vector<16xf32>
        %get3A_583 = arith.constant 0 : i32
        %get3A_584 = arith.constant 29 : i32
        %get3A_585 = arith.index_cast %get3A_583 : i32 to index
        %get3A_586 = arith.index_cast %get3A_584 : i32 to index
        %get3A_587 = arith.index_cast %mul3A_329 : i32 to index
        %get3A_588 = tpu.vector_load %arg8[%get3A_585, %get3A_586, %get3A_587] {strides = array<i32>} : memref<2x32x1024xf32, #tpu.memory_space<vmem>>, vector<1x1x16xf32>,
        %get3A_589 = vector.shape_cast %get3A_588 : vector<1x1x16xf32> to vector<16xf32>
        %mul3A_590 = arith.mulf %get3A_589, %get3A_163 : vector<16xf32>
        %add3A_591 = arith.addf %add3A_519, %mul3A_590 : vector<16xf32>
        %get3A_592 = arith.constant 0 : i32
        %get3A_593 = arith.constant 30 : i32
        %get3A_594 = arith.index_cast %get3A_592 : i32 to index
        %get3A_595 = arith.index_cast %get3A_593 : i32 to index
        %get3A_596 = arith.index_cast %mul3A_329 : i32 to index
        %get3A_597 = tpu.vector_load %arg8[%get3A_594, %get3A_595, %get3A_596] {strides = array<i32>} : memref<2x32x1024xf32, #tpu.memory_space<vmem>>, vector<1x1x16xf32>,
        %get3A_598 = vector.shape_cast %get3A_597 : vector<1x1x16xf32> to vector<16xf32>
        %mul3A_599 = arith.mulf %get3A_598, %get3A_167 : vector<16xf32>
        %add3A_600 = arith.addf %add3A_528, %mul3A_599 : vector<16xf32>
        %get3A_601 = arith.constant 0 : i32
        %get3A_602 = arith.constant 31 : i32
        %get3A_603 = arith.index_cast %get3A_601 : i32 to index
        %get3A_604 = arith.index_cast %get3A_602 : i32 to index
        %get3A_605 = arith.index_cast %mul3A_329 : i32 to index
        %get3A_606 = tpu.vector_load %arg8[%get3A_603, %get3A_604, %get3A_605] {strides = array<i32>} : memref<2x32x1024xf32, #tpu.memory_space<vmem>>, vector<1x1x16xf32>,
        %get3A_607 = vector.shape_cast %get3A_606 : vector<1x1x16xf32> to vector<16xf32>
        %mul3A_608 = arith.mulf %get3A_607, %get3A_171 : vector<16xf32>
        %add3A_609 = arith.addf %add3A_537, %mul3A_608 : vector<16xf32>
        %add3A_610 = arith.addf %add3A_546, %add3A_555 : vector<16xf32>
        %add3A_611 = arith.addf %add3A_564, %add3A_573 : vector<16xf32>
        %add3A_612 = arith.addf %add3A_610, %add3A_611 : vector<16xf32>
        %add3A_613 = arith.addf %add3A_582, %add3A_591 : vector<16xf32>
        %add3A_614 = arith.addf %add3A_600, %add3A_609 : vector<16xf32>
        %add3A_615 = arith.addf %add3A_613, %add3A_614 : vector<16xf32>
        %add3A_616 = arith.addf %add3A_612, %add3A_615 : vector<16xf32>
        %swap3A = arith.index_cast %mul3A_329 : i32 to index
        %swap3A_617 = tpu.vector_load %arg9[%swap3A] {strides = array<i32>} : memref<1024xf32, #tpu.memory_space<vmem>>, vector<16xf32>,
        %swap3A_618 = vector.shape_cast %swap3A_617 : vector<16xf32> to vector<16xf32>
        %swap3A_619 = vector.shape_cast %add3A_616 : vector<16xf32> to vector<16xf32>
        tpu.vector_store %arg9[%swap3A], %swap3A_619 {strides = array<i32>} : memref<1024xf32, #tpu.memory_space<vmem>>, vector<16xf32>,
        %scan3A_620 = arith.constant 1 : i32
        %scan3A_621 = arith.addi %scan3A_327, %scan3A_620 : i32
        %mul3A_622 = arith.constant 16 : i32
        %mul3A_623 = arith.muli %scan3A_621, %mul3A_622 : i32
        %get3A_624 = arith.constant 0 : i32
        %get3A_625 = arith.constant 0 : i32
        %get3A_626 = arith.index_cast %get3A_624 : i32 to index
        %get3A_627 = arith.index_cast %get3A_625 : i32 to index
        %get3A_628 = arith.index_cast %mul3A_623 : i32 to index
        %get3A_629 = tpu.vector_load %arg8[%get3A_626, %get3A_627, %get3A_628] {strides = array<i32>} : memref<2x32x1024xf32, #tpu.memory_space<vmem>>, vector<1x1x16xf32>,
        %get3A_630 = vector.shape_cast %get3A_629 : vector<1x1x16xf32> to vector<16xf32>
        %mul3A_631 = arith.mulf %get3A_630, %get3A_47 : vector<16xf32>
        %get3A_632 = arith.constant 0 : i32
        %get3A_633 = arith.constant 1 : i32
        %get3A_634 = arith.index_cast %get3A_632 : i32 to index
        %get3A_635 = arith.index_cast %get3A_633 : i32 to index
        %get3A_636 = arith.index_cast %mul3A_623 : i32 to index
        %get3A_637 = tpu.vector_load %arg8[%get3A_634, %get3A_635, %get3A_636] {strides = array<i32>} : memref<2x32x1024xf32, #tpu.memory_space<vmem>>, vector<1x1x16xf32>,
        %get3A_638 = vector.shape_cast %get3A_637 : vector<1x1x16xf32> to vector<16xf32>
        %mul3A_639 = arith.mulf %get3A_638, %get3A_51 : vector<16xf32>
        %get3A_640 = arith.constant 0 : i32
        %get3A_641 = arith.constant 2 : i32
        %get3A_642 = arith.index_cast %get3A_640 : i32 to index
        %get3A_643 = arith.index_cast %get3A_641 : i32 to index
        %get3A_644 = arith.index_cast %mul3A_623 : i32 to index
        %get3A_645 = tpu.vector_load %arg8[%get3A_642, %get3A_643, %get3A_644] {strides = array<i32>} : memref<2x32x1024xf32, #tpu.memory_space<vmem>>, vector<1x1x16xf32>,
        %get3A_646 = vector.shape_cast %get3A_645 : vector<1x1x16xf32> to vector<16xf32>
        %mul3A_647 = arith.mulf %get3A_646, %get3A_55 : vector<16xf32>
        %get3A_648 = arith.constant 0 : i32
        %get3A_649 = arith.constant 3 : i32
        %get3A_650 = arith.index_cast %get3A_648 : i32 to index
        %get3A_651 = arith.index_cast %get3A_649 : i32 to index
        %get3A_652 = arith.index_cast %mul3A_623 : i32 to index
        %get3A_653 = tpu.vector_load %arg8[%get3A_650, %get3A_651, %get3A_652] {strides = array<i32>} : memref<2x32x1024xf32, #tpu.memory_space<vmem>>, vector<1x1x16xf32>,
        %get3A_654 = vector.shape_cast %get3A_653 : vector<1x1x16xf32> to vector<16xf32>
        %mul3A_655 = arith.mulf %get3A_654, %get3A_59 : vector<16xf32>
        %get3A_656 = arith.constant 0 : i32
        %get3A_657 = arith.constant 4 : i32
        %get3A_658 = arith.index_cast %get3A_656 : i32 to index
        %get3A_659 = arith.index_cast %get3A_657 : i32 to index
        %get3A_660 = arith.index_cast %mul3A_623 : i32 to index
        %get3A_661 = tpu.vector_load %arg8[%get3A_658, %get3A_659, %get3A_660] {strides = array<i32>} : memref<2x32x1024xf32, #tpu.memory_space<vmem>>, vector<1x1x16xf32>,
        %get3A_662 = vector.shape_cast %get3A_661 : vector<1x1x16xf32> to vector<16xf32>
        %mul3A_663 = arith.mulf %get3A_662, %get3A_63 : vector<16xf32>
        %get3A_664 = arith.constant 0 : i32
        %get3A_665 = arith.constant 5 : i32
        %get3A_666 = arith.index_cast %get3A_664 : i32 to index
        %get3A_667 = arith.index_cast %get3A_665 : i32 to index
        %get3A_668 = arith.index_cast %mul3A_623 : i32 to index
        %get3A_669 = tpu.vector_load %arg8[%get3A_666, %get3A_667, %get3A_668] {strides = array<i32>} : memref<2x32x1024xf32, #tpu.memory_space<vmem>>, vector<1x1x16xf32>,
        %get3A_670 = vector.shape_cast %get3A_669 : vector<1x1x16xf32> to vector<16xf32>
        %mul3A_671 = arith.mulf %get3A_670, %get3A_67 : vector<16xf32>
        %get3A_672 = arith.constant 0 : i32
        %get3A_673 = arith.constant 6 : i32
        %get3A_674 = arith.index_cast %get3A_672 : i32 to index
        %get3A_675 = arith.index_cast %get3A_673 : i32 to index
        %get3A_676 = arith.index_cast %mul3A_623 : i32 to index
        %get3A_677 = tpu.vector_load %arg8[%get3A_674, %get3A_675, %get3A_676] {strides = array<i32>} : memref<2x32x1024xf32, #tpu.memory_space<vmem>>, vector<1x1x16xf32>,
        %get3A_678 = vector.shape_cast %get3A_677 : vector<1x1x16xf32> to vector<16xf32>
        %mul3A_679 = arith.mulf %get3A_678, %get3A_71 : vector<16xf32>
        %get3A_680 = arith.constant 0 : i32
        %get3A_681 = arith.constant 7 : i32
        %get3A_682 = arith.index_cast %get3A_680 : i32 to index
        %get3A_683 = arith.index_cast %get3A_681 : i32 to index
        %get3A_684 = arith.index_cast %mul3A_623 : i32 to index
        %get3A_685 = tpu.vector_load %arg8[%get3A_682, %get3A_683, %get3A_684] {strides = array<i32>} : memref<2x32x1024xf32, #tpu.memory_space<vmem>>, vector<1x1x16xf32>,
        %get3A_686 = vector.shape_cast %get3A_685 : vector<1x1x16xf32> to vector<16xf32>
        %mul3A_687 = arith.mulf %get3A_686, %get3A_75 : vector<16xf32>
        %get3A_688 = arith.constant 0 : i32
        %get3A_689 = arith.constant 8 : i32
        %get3A_690 = arith.index_cast %get3A_688 : i32 to index
        %get3A_691 = arith.index_cast %get3A_689 : i32 to index
        %get3A_692 = arith.index_cast %mul3A_623 : i32 to index
        %get3A_693 = tpu.vector_load %arg8[%get3A_690, %get3A_691, %get3A_692] {strides = array<i32>} : memref<2x32x1024xf32, #tpu.memory_space<vmem>>, vector<1x1x16xf32>,
        %get3A_694 = vector.shape_cast %get3A_693 : vector<1x1x16xf32> to vector<16xf32>
        %mul3A_695 = arith.mulf %get3A_694, %get3A_79 : vector<16xf32>
        %add3A_696 = arith.addf %mul3A_631, %mul3A_695 : vector<16xf32>
        %get3A_697 = arith.constant 0 : i32
        %get3A_698 = arith.constant 9 : i32
        %get3A_699 = arith.index_cast %get3A_697 : i32 to index
        %get3A_700 = arith.index_cast %get3A_698 : i32 to index
        %get3A_701 = arith.index_cast %mul3A_623 : i32 to index
        %get3A_702 = tpu.vector_load %arg8[%get3A_699, %get3A_700, %get3A_701] {strides = array<i32>} : memref<2x32x1024xf32, #tpu.memory_space<vmem>>, vector<1x1x16xf32>,
        %get3A_703 = vector.shape_cast %get3A_702 : vector<1x1x16xf32> to vector<16xf32>
        %mul3A_704 = arith.mulf %get3A_703, %get3A_83 : vector<16xf32>
        %add3A_705 = arith.addf %mul3A_639, %mul3A_704 : vector<16xf32>
        %get3A_706 = arith.constant 0 : i32
        %get3A_707 = arith.constant 10 : i32
        %get3A_708 = arith.index_cast %get3A_706 : i32 to index
        %get3A_709 = arith.index_cast %get3A_707 : i32 to index
        %get3A_710 = arith.index_cast %mul3A_623 : i32 to index
        %get3A_711 = tpu.vector_load %arg8[%get3A_708, %get3A_709, %get3A_710] {strides = array<i32>} : memref<2x32x1024xf32, #tpu.memory_space<vmem>>, vector<1x1x16xf32>,
        %get3A_712 = vector.shape_cast %get3A_711 : vector<1x1x16xf32> to vector<16xf32>
        %mul3A_713 = arith.mulf %get3A_712, %get3A_87 : vector<16xf32>
        %add3A_714 = arith.addf %mul3A_647, %mul3A_713 : vector<16xf32>
        %get3A_715 = arith.constant 0 : i32
        %get3A_716 = arith.constant 11 : i32
        %get3A_717 = arith.index_cast %get3A_715 : i32 to index
        %get3A_718 = arith.index_cast %get3A_716 : i32 to index
        %get3A_719 = arith.index_cast %mul3A_623 : i32 to index
        %get3A_720 = tpu.vector_load %arg8[%get3A_717, %get3A_718, %get3A_719] {strides = array<i32>} : memref<2x32x1024xf32, #tpu.memory_space<vmem>>, vector<1x1x16xf32>,
        %get3A_721 = vector.shape_cast %get3A_720 : vector<1x1x16xf32> to vector<16xf32>
        %mul3A_722 = arith.mulf %get3A_721, %get3A_91 : vector<16xf32>
        %add3A_723 = arith.addf %mul3A_655, %mul3A_722 : vector<16xf32>
        %get3A_724 = arith.constant 0 : i32
        %get3A_725 = arith.constant 12 : i32
        %get3A_726 = arith.index_cast %get3A_724 : i32 to index
        %get3A_727 = arith.index_cast %get3A_725 : i32 to index
        %get3A_728 = arith.index_cast %mul3A_623 : i32 to index
        %get3A_729 = tpu.vector_load %arg8[%get3A_726, %get3A_727, %get3A_728] {strides = array<i32>} : memref<2x32x1024xf32, #tpu.memory_space<vmem>>, vector<1x1x16xf32>,
        %get3A_730 = vector.shape_cast %get3A_729 : vector<1x1x16xf32> to vector<16xf32>
        %mul3A_731 = arith.mulf %get3A_730, %get3A_95 : vector<16xf32>
        %add3A_732 = arith.addf %mul3A_663, %mul3A_731 : vector<16xf32>
        %get3A_733 = arith.constant 0 : i32
        %get3A_734 = arith.constant 13 : i32
        %get3A_735 = arith.index_cast %get3A_733 : i32 to index
        %get3A_736 = arith.index_cast %get3A_734 : i32 to index
        %get3A_737 = arith.index_cast %mul3A_623 : i32 to index
        %get3A_738 = tpu.vector_load %arg8[%get3A_735, %get3A_736, %get3A_737] {strides = array<i32>} : memref<2x32x1024xf32, #tpu.memory_space<vmem>>, vector<1x1x16xf32>,
        %get3A_739 = vector.shape_cast %get3A_738 : vector<1x1x16xf32> to vector<16xf32>
        %mul3A_740 = arith.mulf %get3A_739, %get3A_99 : vector<16xf32>
        %add3A_741 = arith.addf %mul3A_671, %mul3A_740 : vector<16xf32>
        %get3A_742 = arith.constant 0 : i32
        %get3A_743 = arith.constant 14 : i32
        %get3A_744 = arith.index_cast %get3A_742 : i32 to index
        %get3A_745 = arith.index_cast %get3A_743 : i32 to index
        %get3A_746 = arith.index_cast %mul3A_623 : i32 to index
        %get3A_747 = tpu.vector_load %arg8[%get3A_744, %get3A_745, %get3A_746] {strides = array<i32>} : memref<2x32x1024xf32, #tpu.memory_space<vmem>>, vector<1x1x16xf32>,
        %get3A_748 = vector.shape_cast %get3A_747 : vector<1x1x16xf32> to vector<16xf32>
        %mul3A_749 = arith.mulf %get3A_748, %get3A_103 : vector<16xf32>
        %add3A_750 = arith.addf %mul3A_679, %mul3A_749 : vector<16xf32>
        %get3A_751 = arith.constant 0 : i32
        %get3A_752 = arith.constant 15 : i32
        %get3A_753 = arith.index_cast %get3A_751 : i32 to index
        %get3A_754 = arith.index_cast %get3A_752 : i32 to index
        %get3A_755 = arith.index_cast %mul3A_623 : i32 to index
        %get3A_756 = tpu.vector_load %arg8[%get3A_753, %get3A_754, %get3A_755] {strides = array<i32>} : memref<2x32x1024xf32, #tpu.memory_space<vmem>>, vector<1x1x16xf32>,
        %get3A_757 = vector.shape_cast %get3A_756 : vector<1x1x16xf32> to vector<16xf32>
        %mul3A_758 = arith.mulf %get3A_757, %get3A_107 : vector<16xf32>
        %add3A_759 = arith.addf %mul3A_687, %mul3A_758 : vector<16xf32>
        %get3A_760 = arith.constant 0 : i32
        %get3A_761 = arith.constant 16 : i32
        %get3A_762 = arith.index_cast %get3A_760 : i32 to index
        %get3A_763 = arith.index_cast %get3A_761 : i32 to index
        %get3A_764 = arith.index_cast %mul3A_623 : i32 to index
        %get3A_765 = tpu.vector_load %arg8[%get3A_762, %get3A_763, %get3A_764] {strides = array<i32>} : memref<2x32x1024xf32, #tpu.memory_space<vmem>>, vector<1x1x16xf32>,
        %get3A_766 = vector.shape_cast %get3A_765 : vector<1x1x16xf32> to vector<16xf32>
        %mul3A_767 = arith.mulf %get3A_766, %get3A_111 : vector<16xf32>
        %add3A_768 = arith.addf %add3A_696, %mul3A_767 : vector<16xf32>
        %get3A_769 = arith.constant 0 : i32
        %get3A_770 = arith.constant 17 : i32
        %get3A_771 = arith.index_cast %get3A_769 : i32 to index
        %get3A_772 = arith.index_cast %get3A_770 : i32 to index
        %get3A_773 = arith.index_cast %mul3A_623 : i32 to index
        %get3A_774 = tpu.vector_load %arg8[%get3A_771, %get3A_772, %get3A_773] {strides = array<i32>} : memref<2x32x1024xf32, #tpu.memory_space<vmem>>, vector<1x1x16xf32>,
        %get3A_775 = vector.shape_cast %get3A_774 : vector<1x1x16xf32> to vector<16xf32>
        %mul3A_776 = arith.mulf %get3A_775, %get3A_115 : vector<16xf32>
        %add3A_777 = arith.addf %add3A_705, %mul3A_776 : vector<16xf32>
        %get3A_778 = arith.constant 0 : i32
        %get3A_779 = arith.constant 18 : i32
        %get3A_780 = arith.index_cast %get3A_778 : i32 to index
        %get3A_781 = arith.index_cast %get3A_779 : i32 to index
        %get3A_782 = arith.index_cast %mul3A_623 : i32 to index
        %get3A_783 = tpu.vector_load %arg8[%get3A_780, %get3A_781, %get3A_782] {strides = array<i32>} : memref<2x32x1024xf32, #tpu.memory_space<vmem>>, vector<1x1x16xf32>,
        %get3A_784 = vector.shape_cast %get3A_783 : vector<1x1x16xf32> to vector<16xf32>
        %mul3A_785 = arith.mulf %get3A_784, %get3A_119 : vector<16xf32>
        %add3A_786 = arith.addf %add3A_714, %mul3A_785 : vector<16xf32>
        %get3A_787 = arith.constant 0 : i32
        %get3A_788 = arith.constant 19 : i32
        %get3A_789 = arith.index_cast %get3A_787 : i32 to index
        %get3A_790 = arith.index_cast %get3A_788 : i32 to index
        %get3A_791 = arith.index_cast %mul3A_623 : i32 to index
        %get3A_792 = tpu.vector_load %arg8[%get3A_789, %get3A_790, %get3A_791] {strides = array<i32>} : memref<2x32x1024xf32, #tpu.memory_space<vmem>>, vector<1x1x16xf32>,
        %get3A_793 = vector.shape_cast %get3A_792 : vector<1x1x16xf32> to vector<16xf32>
        %mul3A_794 = arith.mulf %get3A_793, %get3A_123 : vector<16xf32>
        %add3A_795 = arith.addf %add3A_723, %mul3A_794 : vector<16xf32>
        %get3A_796 = arith.constant 0 : i32
        %get3A_797 = arith.constant 20 : i32
        %get3A_798 = arith.index_cast %get3A_796 : i32 to index
        %get3A_799 = arith.index_cast %get3A_797 : i32 to index
        %get3A_800 = arith.index_cast %mul3A_623 : i32 to index
        %get3A_801 = tpu.vector_load %arg8[%get3A_798, %get3A_799, %get3A_800] {strides = array<i32>} : memref<2x32x1024xf32, #tpu.memory_space<vmem>>, vector<1x1x16xf32>,
        %get3A_802 = vector.shape_cast %get3A_801 : vector<1x1x16xf32> to vector<16xf32>
        %mul3A_803 = arith.mulf %get3A_802, %get3A_127 : vector<16xf32>
        %add3A_804 = arith.addf %add3A_732, %mul3A_803 : vector<16xf32>
        %get3A_805 = arith.constant 0 : i32
        %get3A_806 = arith.constant 21 : i32
        %get3A_807 = arith.index_cast %get3A_805 : i32 to index
        %get3A_808 = arith.index_cast %get3A_806 : i32 to index
        %get3A_809 = arith.index_cast %mul3A_623 : i32 to index
        %get3A_810 = tpu.vector_load %arg8[%get3A_807, %get3A_808, %get3A_809] {strides = array<i32>} : memref<2x32x1024xf32, #tpu.memory_space<vmem>>, vector<1x1x16xf32>,
        %get3A_811 = vector.shape_cast %get3A_810 : vector<1x1x16xf32> to vector<16xf32>
        %mul3A_812 = arith.mulf %get3A_811, %get3A_131 : vector<16xf32>
        %add3A_813 = arith.addf %add3A_741, %mul3A_812 : vector<16xf32>
        %get3A_814 = arith.constant 0 : i32
        %get3A_815 = arith.constant 22 : i32
        %get3A_816 = arith.index_cast %get3A_814 : i32 to index
        %get3A_817 = arith.index_cast %get3A_815 : i32 to index
        %get3A_818 = arith.index_cast %mul3A_623 : i32 to index
        %get3A_819 = tpu.vector_load %arg8[%get3A_816, %get3A_817, %get3A_818] {strides = array<i32>} : memref<2x32x1024xf32, #tpu.memory_space<vmem>>, vector<1x1x16xf32>,
        %get3A_820 = vector.shape_cast %get3A_819 : vector<1x1x16xf32> to vector<16xf32>
        %mul3A_821 = arith.mulf %get3A_820, %get3A_135 : vector<16xf32>
        %add3A_822 = arith.addf %add3A_750, %mul3A_821 : vector<16xf32>
        %get3A_823 = arith.constant 0 : i32
        %get3A_824 = arith.constant 23 : i32
        %get3A_825 = arith.index_cast %get3A_823 : i32 to index
        %get3A_826 = arith.index_cast %get3A_824 : i32 to index
        %get3A_827 = arith.index_cast %mul3A_623 : i32 to index
        %get3A_828 = tpu.vector_load %arg8[%get3A_825, %get3A_826, %get3A_827] {strides = array<i32>} : memref<2x32x1024xf32, #tpu.memory_space<vmem>>, vector<1x1x16xf32>,
        %get3A_829 = vector.shape_cast %get3A_828 : vector<1x1x16xf32> to vector<16xf32>
        %mul3A_830 = arith.mulf %get3A_829, %get3A_139 : vector<16xf32>
        %add3A_831 = arith.addf %add3A_759, %mul3A_830 : vector<16xf32>
        %get3A_832 = arith.constant 0 : i32
        %get3A_833 = arith.constant 24 : i32
        %get3A_834 = arith.index_cast %get3A_832 : i32 to index
        %get3A_835 = arith.index_cast %get3A_833 : i32 to index
        %get3A_836 = arith.index_cast %mul3A_623 : i32 to index
        %get3A_837 = tpu.vector_load %arg8[%get3A_834, %get3A_835, %get3A_836] {strides = array<i32>} : memref<2x32x1024xf32, #tpu.memory_space<vmem>>, vector<1x1x16xf32>,
        %get3A_838 = vector.shape_cast %get3A_837 : vector<1x1x16xf32> to vector<16xf32>
        %mul3A_839 = arith.mulf %get3A_838, %get3A_143 : vector<16xf32>
        %add3A_840 = arith.addf %add3A_768, %mul3A_839 : vector<16xf32>
        %get3A_841 = arith.constant 0 : i32
        %get3A_842 = arith.constant 25 : i32
        %get3A_843 = arith.index_cast %get3A_841 : i32 to index
        %get3A_844 = arith.index_cast %get3A_842 : i32 to index
        %get3A_845 = arith.index_cast %mul3A_623 : i32 to index
        %get3A_846 = tpu.vector_load %arg8[%get3A_843, %get3A_844, %get3A_845] {strides = array<i32>} : memref<2x32x1024xf32, #tpu.memory_space<vmem>>, vector<1x1x16xf32>,
        %get3A_847 = vector.shape_cast %get3A_846 : vector<1x1x16xf32> to vector<16xf32>
        %mul3A_848 = arith.mulf %get3A_847, %get3A_147 : vector<16xf32>
        %add3A_849 = arith.addf %add3A_777, %mul3A_848 : vector<16xf32>
        %get3A_850 = arith.constant 0 : i32
        %get3A_851 = arith.constant 26 : i32
        %get3A_852 = arith.index_cast %get3A_850 : i32 to index
        %get3A_853 = arith.index_cast %get3A_851 : i32 to index
        %get3A_854 = arith.index_cast %mul3A_623 : i32 to index
        %get3A_855 = tpu.vector_load %arg8[%get3A_852, %get3A_853, %get3A_854] {strides = array<i32>} : memref<2x32x1024xf32, #tpu.memory_space<vmem>>, vector<1x1x16xf32>,
        %get3A_856 = vector.shape_cast %get3A_855 : vector<1x1x16xf32> to vector<16xf32>
        %mul3A_857 = arith.mulf %get3A_856, %get3A_151 : vector<16xf32>
        %add3A_858 = arith.addf %add3A_786, %mul3A_857 : vector<16xf32>
        %get3A_859 = arith.constant 0 : i32
        %get3A_860 = arith.constant 27 : i32
        %get3A_861 = arith.index_cast %get3A_859 : i32 to index
        %get3A_862 = arith.index_cast %get3A_860 : i32 to index
        %get3A_863 = arith.index_cast %mul3A_623 : i32 to index
        %get3A_864 = tpu.vector_load %arg8[%get3A_861, %get3A_862, %get3A_863] {strides = array<i32>} : memref<2x32x1024xf32, #tpu.memory_space<vmem>>, vector<1x1x16xf32>,
        %get3A_865 = vector.shape_cast %get3A_864 : vector<1x1x16xf32> to vector<16xf32>
        %mul3A_866 = arith.mulf %get3A_865, %get3A_155 : vector<16xf32>
        %add3A_867 = arith.addf %add3A_795, %mul3A_866 : vector<16xf32>
        %get3A_868 = arith.constant 0 : i32
        %get3A_869 = arith.constant 28 : i32
        %get3A_870 = arith.index_cast %get3A_868 : i32 to index
        %get3A_871 = arith.index_cast %get3A_869 : i32 to index
        %get3A_872 = arith.index_cast %mul3A_623 : i32 to index
        %get3A_873 = tpu.vector_load %arg8[%get3A_870, %get3A_871, %get3A_872] {strides = array<i32>} : memref<2x32x1024xf32, #tpu.memory_space<vmem>>, vector<1x1x16xf32>,
        %get3A_874 = vector.shape_cast %get3A_873 : vector<1x1x16xf32> to vector<16xf32>
        %mul3A_875 = arith.mulf %get3A_874, %get3A_159 : vector<16xf32>
        %add3A_876 = arith.addf %add3A_804, %mul3A_875 : vector<16xf32>
        %get3A_877 = arith.constant 0 : i32
        %get3A_878 = arith.constant 29 : i32
        %get3A_879 = arith.index_cast %get3A_877 : i32 to index
        %get3A_880 = arith.index_cast %get3A_878 : i32 to index
        %get3A_881 = arith.index_cast %mul3A_623 : i32 to index
        %get3A_882 = tpu.vector_load %arg8[%get3A_879, %get3A_880, %get3A_881] {strides = array<i32>} : memref<2x32x1024xf32, #tpu.memory_space<vmem>>, vector<1x1x16xf32>,
        %get3A_883 = vector.shape_cast %get3A_882 : vector<1x1x16xf32> to vector<16xf32>
        %mul3A_884 = arith.mulf %get3A_883, %get3A_163 : vector<16xf32>
        %add3A_885 = arith.addf %add3A_813, %mul3A_884 : vector<16xf32>
        %get3A_886 = arith.constant 0 : i32
        %get3A_887 = arith.constant 30 : i32
        %get3A_888 = arith.index_cast %get3A_886 : i32 to index
        %get3A_889 = arith.index_cast %get3A_887 : i32 to index
        %get3A_890 = arith.index_cast %mul3A_623 : i32 to index
        %get3A_891 = tpu.vector_load %arg8[%get3A_888, %get3A_889, %get3A_890] {strides = array<i32>} : memref<2x32x1024xf32, #tpu.memory_space<vmem>>, vector<1x1x16xf32>,
        %get3A_892 = vector.shape_cast %get3A_891 : vector<1x1x16xf32> to vector<16xf32>
        %mul3A_893 = arith.mulf %get3A_892, %get3A_167 : vector<16xf32>
        %add3A_894 = arith.addf %add3A_822, %mul3A_893 : vector<16xf32>
        %get3A_895 = arith.constant 0 : i32
        %get3A_896 = arith.constant 31 : i32
        %get3A_897 = arith.index_cast %get3A_895 : i32 to index
        %get3A_898 = arith.index_cast %get3A_896 : i32 to index
        %get3A_899 = arith.index_cast %mul3A_623 : i32 to index
        %get3A_900 = tpu.vector_load %arg8[%get3A_897, %get3A_898, %get3A_899] {strides = array<i32>} : memref<2x32x1024xf32, #tpu.memory_space<vmem>>, vector<1x1x16xf32>,
        %get3A_901 = vector.shape_cast %get3A_900 : vector<1x1x16xf32> to vector<16xf32>
        %mul3A_902 = arith.mulf %get3A_901, %get3A_171 : vector<16xf32>
        %add3A_903 = arith.addf %add3A_831, %mul3A_902 : vector<16xf32>
        %add3A_904 = arith.addf %add3A_840, %add3A_849 : vector<16xf32>
        %add3A_905 = arith.addf %add3A_858, %add3A_867 : vector<16xf32>
        %add3A_906 = arith.addf %add3A_904, %add3A_905 : vector<16xf32>
        %add3A_907 = arith.addf %add3A_876, %add3A_885 : vector<16xf32>
        %add3A_908 = arith.addf %add3A_894, %add3A_903 : vector<16xf32>
        %add3A_909 = arith.addf %add3A_907, %add3A_908 : vector<16xf32>
        %add3A_910 = arith.addf %add3A_906, %add3A_909 : vector<16xf32>
        %swap3A_911 = arith.index_cast %mul3A_623 : i32 to index
        %swap3A_912 = tpu.vector_load %arg9[%swap3A_911] {strides = array<i32>} : memref<1024xf32, #tpu.memory_space<vmem>>, vector<16xf32>,
        %swap3A_913 = vector.shape_cast %swap3A_912 : vector<16xf32> to vector<16xf32>
        %swap3A_914 = vector.shape_cast %add3A_910 : vector<16xf32> to vector<16xf32>
        tpu.vector_store %arg9[%swap3A_911], %swap3A_914 {strides = array<i32>} : memref<1024xf32, #tpu.memory_space<vmem>>, vector<16xf32>,
      }
      %scan3A_177 = arith.constant 64 : i32
      %add3A_178 = arith.addi %mul3A_2, %mul3A_21 : i32
      "tpu.region"() ({
        %run_scoped3A = tpu.sem_alloc : memref<!tpu.dma_semaphore, #tpu.memory_space<semaphore_mem>>
        %dma_start3A_327 = arith.constant 0 : i32
        %dma_start3A_328 = tpu.memref_slice %arg5[%add3A_178, %dma_start3A_327] : memref<2048x1024xf32, #tpu.memory_space<hbm>> -> memref<1x1024xf32, #tpu.memory_space<hbm>>
        %dma_start3A_329 = tpu.memref_squeeze %dma_start3A_328 : memref<1x1024xf32, #tpu.memory_space<hbm>> -> memref<1024xf32, #tpu.memory_space<hbm>>
        %dma_start3A_330 = arith.constant 0 : i32
        %dma_start3A_331 = tpu.memref_slice %arg5[%add3A_178, %dma_start3A_330] : memref<2048x1024xf32, #tpu.memory_space<hbm>> -> memref<1x1024xf32, #tpu.memory_space<hbm>>
        %dma_start3A_332 = tpu.memref_squeeze %dma_start3A_331 : memref<1x1024xf32, #tpu.memory_space<hbm>> -> memref<1024xf32, #tpu.memory_space<hbm>>
        tpu.enqueue_dma source(%arg9 : memref<1024xf32, #tpu.memory_space<vmem>>) target(%dma_start3A_332 : memref<1024xf32, #tpu.memory_space<hbm>>) target_semaphore(%run_scoped3A : memref<!tpu.dma_semaphore, #tpu.memory_space<semaphore_mem>>)
        %dma_wait3A_333 = arith.constant 0 : i32
        %dma_wait3A_334 = tpu.memref_slice %arg5[%add3A_178, %dma_wait3A_333] : memref<2048x1024xf32, #tpu.memory_space<hbm>> -> memref<1x1024xf32, #tpu.memory_space<hbm>>
        %dma_wait3A_335 = tpu.memref_squeeze %dma_wait3A_334 : memref<1x1024xf32, #tpu.memory_space<hbm>> -> memref<1024xf32, #tpu.memory_space<hbm>>
        %dma_wait3A_336 = arith.constant 0 : i32
        %dma_wait3A_337 = tpu.memref_slice %arg5[%add3A_178, %dma_wait3A_336] : memref<2048x1024xf32, #tpu.memory_space<hbm>> -> memref<1x1024xf32, #tpu.memory_space<hbm>>
        %dma_wait3A_338 = tpu.memref_squeeze %dma_wait3A_337 : memref<1x1024xf32, #tpu.memory_space<hbm>> -> memref<1024xf32, #tpu.memory_space<hbm>>
        tpu.wait_dma2 semaphore(%run_scoped3A : memref<!tpu.dma_semaphore, #tpu.memory_space<semaphore_mem>>) src(%arg9 : memref<1024xf32, #tpu.memory_space<vmem>>) dst(%dma_wait3A_338 : memref<1024xf32, #tpu.memory_space<hbm>>)
        tpu.yield
      }) : () -> ()
      %lt3A = arith.constant 31 : i32
      %lt3A_179 = arith.cmpi slt, %scan3A_19, %lt3A : i32
      %convert_element_type3A = arith.extui %lt3A_179 : i1 to i32
      %cond3A = arith.constant 0 : i32
      %cond3A_180 = arith.cmpi ne, %convert_element_type3A, %cond3A : i32
      scf.if %cond3A_180 {
        %add3A_327 = arith.constant 2 : i32
        %add3A_328 = arith.addi %mul3A_21, %add3A_327 : i32
        %dma_start3A_329 = arith.constant 0 : i32
        %dma_start3A_330 = arith.constant 0 : i32
        %dma_start3A_331 = arith.constant 0 : i32
        %dma_start3A_332 = tpu.memref_slice %arg8[%dma_start3A_329, %dma_start3A_330, %dma_start3A_331] : memref<2x32x1024xf32, #tpu.memory_space<vmem>> -> memref<1x32x1024xf32, #tpu.memory_space<vmem>>
        %dma_start3A_333 = tpu.memref_squeeze %dma_start3A_332 : memref<1x32x1024xf32, #tpu.memory_space<vmem>> -> memref<32x1024xf32, #tpu.memory_space<vmem>>
        %dma_start3A_334 = arith.constant 0 : i32
        %dma_start3A_335 = tpu.memref_slice %arg6[%add3A_328, %dma_start3A_334] : memref<64x32xi32, #tpu.memory_space<vmem>> -> memref<1x32xi32, #tpu.memory_space<vmem>>
        %dma_start3A_336 = tpu.memref_squeeze %dma_start3A_335 : memref<1x32xi32, #tpu.memory_space<vmem>> -> memref<32xi32, #tpu.memory_space<vmem>>
        %dma_start3A_337 = arith.constant 0 : i32
        %dma_start3A_338 = arith.constant 0 : i32
        %dma_start3A_339 = tpu.memref_slice %arg4[%dma_start3A_337, %dma_start3A_338] : memref<65536x1024xf32, #tpu.memory_space<hbm>> -> memref<65536x1024xf32, #tpu.memory_space<hbm>>
        tpu.enqueue_indirect_dma source(%dma_start3A_339 : memref<65536x1024xf32, #tpu.memory_space<hbm>>) target(%dma_start3A_333 : memref<32x1024xf32, #tpu.memory_space<vmem>>) offsets(%dma_start3A_336 : memref<32xi32, #tpu.memory_space<vmem>>) semaphore(%arg10 : memref<!tpu.dma_semaphore, #tpu.memory_space<semaphore_mem>>)
      } else {
      }
      %dma_wait3A_181 = arith.constant 1 : i32
      %dma_wait3A_182 = arith.constant 0 : i32
      %dma_wait3A_183 = arith.constant 0 : i32
      %dma_wait3A_184 = tpu.memref_slice %arg8[%dma_wait3A_181, %dma_wait3A_182, %dma_wait3A_183] : memref<2x32x1024xf32, #tpu.memory_space<vmem>> -> memref<1x32x1024xf32, #tpu.memory_space<vmem>>
      %dma_wait3A_185 = tpu.memref_squeeze %dma_wait3A_184 : memref<1x32x1024xf32, #tpu.memory_space<vmem>> -> memref<32x1024xf32, #tpu.memory_space<vmem>>
      %dma_wait3A_186 = arith.constant 0 : i32
      %dma_wait3A_187 = tpu.memref_slice %arg6[%add3A_23, %dma_wait3A_186] : memref<64x32xi32, #tpu.memory_space<vmem>> -> memref<1x32xi32, #tpu.memory_space<vmem>>
      %dma_wait3A_188 = tpu.memref_squeeze %dma_wait3A_187 : memref<1x32xi32, #tpu.memory_space<vmem>> -> memref<32xi32, #tpu.memory_space<vmem>>
      %dma_wait3A_189 = arith.constant 0 : i32
      %dma_wait3A_190 = arith.constant 0 : i32
      %dma_wait3A_191 = tpu.memref_slice %arg4[%dma_wait3A_189, %dma_wait3A_190] : memref<65536x1024xf32, #tpu.memory_space<hbm>> -> memref<65536x1024xf32, #tpu.memory_space<hbm>>
      tpu.wait_indirect_dma semaphore(%arg11 : memref<!tpu.dma_semaphore, #tpu.memory_space<semaphore_mem>>) src(%dma_wait3A_191 : memref<65536x1024xf32, #tpu.memory_space<hbm>>) dst(%dma_wait3A_185 : memref<32x1024xf32, #tpu.memory_space<vmem>>)
      %get3A_192 = arith.index_cast %add3A_23 : i32 to index
      %get3A_193 = arith.constant 0 : index
      %get3A_194 = tpu.vector_load %arg7[%get3A_192, %get3A_193] {strides = array<i32>} : memref<64x512xf32, #tpu.memory_space<vmem>>, vector<1x16xf32>,
      %get3A_195 = vector.shape_cast %get3A_194 : vector<1x16xf32> to vector<16xf32>
      %get3A_196 = arith.index_cast %add3A_23 : i32 to index
      %get3A_197 = arith.constant 16 : index
      %get3A_198 = tpu.vector_load %arg7[%get3A_196, %get3A_197] {strides = array<i32>} : memref<64x512xf32, #tpu.memory_space<vmem>>, vector<1x16xf32>,
      %get3A_199 = vector.shape_cast %get3A_198 : vector<1x16xf32> to vector<16xf32>
      %get3A_200 = arith.index_cast %add3A_23 : i32 to index
      %get3A_201 = arith.constant 32 : index
      %get3A_202 = tpu.vector_load %arg7[%get3A_200, %get3A_201] {strides = array<i32>} : memref<64x512xf32, #tpu.memory_space<vmem>>, vector<1x16xf32>,
      %get3A_203 = vector.shape_cast %get3A_202 : vector<1x16xf32> to vector<16xf32>
      %get3A_204 = arith.index_cast %add3A_23 : i32 to index
      %get3A_205 = arith.constant 48 : index
      %get3A_206 = tpu.vector_load %arg7[%get3A_204, %get3A_205] {strides = array<i32>} : memref<64x512xf32, #tpu.memory_space<vmem>>, vector<1x16xf32>,
      %get3A_207 = vector.shape_cast %get3A_206 : vector<1x16xf32> to vector<16xf32>
      %get3A_208 = arith.index_cast %add3A_23 : i32 to index
      %get3A_209 = arith.constant 64 : index
      %get3A_210 = tpu.vector_load %arg7[%get3A_208, %get3A_209] {strides = array<i32>} : memref<64x512xf32, #tpu.memory_space<vmem>>, vector<1x16xf32>,
      %get3A_211 = vector.shape_cast %get3A_210 : vector<1x16xf32> to vector<16xf32>
      %get3A_212 = arith.index_cast %add3A_23 : i32 to index
      %get3A_213 = arith.constant 80 : index
      %get3A_214 = tpu.vector_load %arg7[%get3A_212, %get3A_213] {strides = array<i32>} : memref<64x512xf32, #tpu.memory_space<vmem>>, vector<1x16xf32>,
      %get3A_215 = vector.shape_cast %get3A_214 : vector<1x16xf32> to vector<16xf32>
      %get3A_216 = arith.index_cast %add3A_23 : i32 to index
      %get3A_217 = arith.constant 96 : index
      %get3A_218 = tpu.vector_load %arg7[%get3A_216, %get3A_217] {strides = array<i32>} : memref<64x512xf32, #tpu.memory_space<vmem>>, vector<1x16xf32>,
      %get3A_219 = vector.shape_cast %get3A_218 : vector<1x16xf32> to vector<16xf32>
      %get3A_220 = arith.index_cast %add3A_23 : i32 to index
      %get3A_221 = arith.constant 112 : index
      %get3A_222 = tpu.vector_load %arg7[%get3A_220, %get3A_221] {strides = array<i32>} : memref<64x512xf32, #tpu.memory_space<vmem>>, vector<1x16xf32>,
      %get3A_223 = vector.shape_cast %get3A_222 : vector<1x16xf32> to vector<16xf32>
      %get3A_224 = arith.index_cast %add3A_23 : i32 to index
      %get3A_225 = arith.constant 128 : index
      %get3A_226 = tpu.vector_load %arg7[%get3A_224, %get3A_225] {strides = array<i32>} : memref<64x512xf32, #tpu.memory_space<vmem>>, vector<1x16xf32>,
      %get3A_227 = vector.shape_cast %get3A_226 : vector<1x16xf32> to vector<16xf32>
      %get3A_228 = arith.index_cast %add3A_23 : i32 to index
      %get3A_229 = arith.constant 144 : index
      %get3A_230 = tpu.vector_load %arg7[%get3A_228, %get3A_229] {strides = array<i32>} : memref<64x512xf32, #tpu.memory_space<vmem>>, vector<1x16xf32>,
      %get3A_231 = vector.shape_cast %get3A_230 : vector<1x16xf32> to vector<16xf32>
      %get3A_232 = arith.index_cast %add3A_23 : i32 to index
      %get3A_233 = arith.constant 160 : index
      %get3A_234 = tpu.vector_load %arg7[%get3A_232, %get3A_233] {strides = array<i32>} : memref<64x512xf32, #tpu.memory_space<vmem>>, vector<1x16xf32>,
      %get3A_235 = vector.shape_cast %get3A_234 : vector<1x16xf32> to vector<16xf32>
      %get3A_236 = arith.index_cast %add3A_23 : i32 to index
      %get3A_237 = arith.constant 176 : index
      %get3A_238 = tpu.vector_load %arg7[%get3A_236, %get3A_237] {strides = array<i32>} : memref<64x512xf32, #tpu.memory_space<vmem>>, vector<1x16xf32>,
      %get3A_239 = vector.shape_cast %get3A_238 : vector<1x16xf32> to vector<16xf32>
      %get3A_240 = arith.index_cast %add3A_23 : i32 to index
      %get3A_241 = arith.constant 192 : index
      %get3A_242 = tpu.vector_load %arg7[%get3A_240, %get3A_241] {strides = array<i32>} : memref<64x512xf32, #tpu.memory_space<vmem>>, vector<1x16xf32>,
      %get3A_243 = vector.shape_cast %get3A_242 : vector<1x16xf32> to vector<16xf32>
      %get3A_244 = arith.index_cast %add3A_23 : i32 to index
      %get3A_245 = arith.constant 208 : index
      %get3A_246 = tpu.vector_load %arg7[%get3A_244, %get3A_245] {strides = array<i32>} : memref<64x512xf32, #tpu.memory_space<vmem>>, vector<1x16xf32>,
      %get3A_247 = vector.shape_cast %get3A_246 : vector<1x16xf32> to vector<16xf32>
      %get3A_248 = arith.index_cast %add3A_23 : i32 to index
      %get3A_249 = arith.constant 224 : index
      %get3A_250 = tpu.vector_load %arg7[%get3A_248, %get3A_249] {strides = array<i32>} : memref<64x512xf32, #tpu.memory_space<vmem>>, vector<1x16xf32>,
      %get3A_251 = vector.shape_cast %get3A_250 : vector<1x16xf32> to vector<16xf32>
      %get3A_252 = arith.index_cast %add3A_23 : i32 to index
      %get3A_253 = arith.constant 240 : index
      %get3A_254 = tpu.vector_load %arg7[%get3A_252, %get3A_253] {strides = array<i32>} : memref<64x512xf32, #tpu.memory_space<vmem>>, vector<1x16xf32>,
      %get3A_255 = vector.shape_cast %get3A_254 : vector<1x16xf32> to vector<16xf32>
      %get3A_256 = arith.index_cast %add3A_23 : i32 to index
      %get3A_257 = arith.constant 256 : index
      %get3A_258 = tpu.vector_load %arg7[%get3A_256, %get3A_257] {strides = array<i32>} : memref<64x512xf32, #tpu.memory_space<vmem>>, vector<1x16xf32>,
      %get3A_259 = vector.shape_cast %get3A_258 : vector<1x16xf32> to vector<16xf32>
      %get3A_260 = arith.index_cast %add3A_23 : i32 to index
      %get3A_261 = arith.constant 272 : index
      %get3A_262 = tpu.vector_load %arg7[%get3A_260, %get3A_261] {strides = array<i32>} : memref<64x512xf32, #tpu.memory_space<vmem>>, vector<1x16xf32>,
      %get3A_263 = vector.shape_cast %get3A_262 : vector<1x16xf32> to vector<16xf32>
      %get3A_264 = arith.index_cast %add3A_23 : i32 to index
      %get3A_265 = arith.constant 288 : index
      %get3A_266 = tpu.vector_load %arg7[%get3A_264, %get3A_265] {strides = array<i32>} : memref<64x512xf32, #tpu.memory_space<vmem>>, vector<1x16xf32>,
      %get3A_267 = vector.shape_cast %get3A_266 : vector<1x16xf32> to vector<16xf32>
      %get3A_268 = arith.index_cast %add3A_23 : i32 to index
      %get3A_269 = arith.constant 304 : index
      %get3A_270 = tpu.vector_load %arg7[%get3A_268, %get3A_269] {strides = array<i32>} : memref<64x512xf32, #tpu.memory_space<vmem>>, vector<1x16xf32>,
      %get3A_271 = vector.shape_cast %get3A_270 : vector<1x16xf32> to vector<16xf32>
      %get3A_272 = arith.index_cast %add3A_23 : i32 to index
      %get3A_273 = arith.constant 320 : index
      %get3A_274 = tpu.vector_load %arg7[%get3A_272, %get3A_273] {strides = array<i32>} : memref<64x512xf32, #tpu.memory_space<vmem>>, vector<1x16xf32>,
      %get3A_275 = vector.shape_cast %get3A_274 : vector<1x16xf32> to vector<16xf32>
      %get3A_276 = arith.index_cast %add3A_23 : i32 to index
      %get3A_277 = arith.constant 336 : index
      %get3A_278 = tpu.vector_load %arg7[%get3A_276, %get3A_277] {strides = array<i32>} : memref<64x512xf32, #tpu.memory_space<vmem>>, vector<1x16xf32>,
      %get3A_279 = vector.shape_cast %get3A_278 : vector<1x16xf32> to vector<16xf32>
      %get3A_280 = arith.index_cast %add3A_23 : i32 to index
      %get3A_281 = arith.constant 352 : index
      %get3A_282 = tpu.vector_load %arg7[%get3A_280, %get3A_281] {strides = array<i32>} : memref<64x512xf32, #tpu.memory_space<vmem>>, vector<1x16xf32>,
      %get3A_283 = vector.shape_cast %get3A_282 : vector<1x16xf32> to vector<16xf32>
      %get3A_284 = arith.index_cast %add3A_23 : i32 to index
      %get3A_285 = arith.constant 368 : index
      %get3A_286 = tpu.vector_load %arg7[%get3A_284, %get3A_285] {strides = array<i32>} : memref<64x512xf32, #tpu.memory_space<vmem>>, vector<1x16xf32>,
      %get3A_287 = vector.shape_cast %get3A_286 : vector<1x16xf32> to vector<16xf32>
      %get3A_288 = arith.index_cast %add3A_23 : i32 to index
      %get3A_289 = arith.constant 384 : index
      %get3A_290 = tpu.vector_load %arg7[%get3A_288, %get3A_289] {strides = array<i32>} : memref<64x512xf32, #tpu.memory_space<vmem>>, vector<1x16xf32>,
      %get3A_291 = vector.shape_cast %get3A_290 : vector<1x16xf32> to vector<16xf32>
      %get3A_292 = arith.index_cast %add3A_23 : i32 to index
      %get3A_293 = arith.constant 400 : index
      %get3A_294 = tpu.vector_load %arg7[%get3A_292, %get3A_293] {strides = array<i32>} : memref<64x512xf32, #tpu.memory_space<vmem>>, vector<1x16xf32>,
      %get3A_295 = vector.shape_cast %get3A_294 : vector<1x16xf32> to vector<16xf32>
      %get3A_296 = arith.index_cast %add3A_23 : i32 to index
      %get3A_297 = arith.constant 416 : index
      %get3A_298 = tpu.vector_load %arg7[%get3A_296, %get3A_297] {strides = array<i32>} : memref<64x512xf32, #tpu.memory_space<vmem>>, vector<1x16xf32>,
      %get3A_299 = vector.shape_cast %get3A_298 : vector<1x16xf32> to vector<16xf32>
      %get3A_300 = arith.index_cast %add3A_23 : i32 to index
      %get3A_301 = arith.constant 432 : index
      %get3A_302 = tpu.vector_load %arg7[%get3A_300, %get3A_301] {strides = array<i32>} : memref<64x512xf32, #tpu.memory_space<vmem>>, vector<1x16xf32>,
      %get3A_303 = vector.shape_cast %get3A_302 : vector<1x16xf32> to vector<16xf32>
      %get3A_304 = arith.index_cast %add3A_23 : i32 to index
      %get3A_305 = arith.constant 448 : index
      %get3A_306 = tpu.vector_load %arg7[%get3A_304, %get3A_305] {strides = array<i32>} : memref<64x512xf32, #tpu.memory_space<vmem>>, vector<1x16xf32>,
      %get3A_307 = vector.shape_cast %get3A_306 : vector<1x16xf32> to vector<16xf32>
      %get3A_308 = arith.index_cast %add3A_23 : i32 to index
      %get3A_309 = arith.constant 464 : index
      %get3A_310 = tpu.vector_load %arg7[%get3A_308, %get3A_309] {strides = array<i32>} : memref<64x512xf32, #tpu.memory_space<vmem>>, vector<1x16xf32>,
      %get3A_311 = vector.shape_cast %get3A_310 : vector<1x16xf32> to vector<16xf32>
      %get3A_312 = arith.index_cast %add3A_23 : i32 to index
      %get3A_313 = arith.constant 480 : index
      %get3A_314 = tpu.vector_load %arg7[%get3A_312, %get3A_313] {strides = array<i32>} : memref<64x512xf32, #tpu.memory_space<vmem>>, vector<1x16xf32>,
      %get3A_315 = vector.shape_cast %get3A_314 : vector<1x16xf32> to vector<16xf32>
      %get3A_316 = arith.index_cast %add3A_23 : i32 to index
      %get3A_317 = arith.constant 496 : index
      %get3A_318 = tpu.vector_load %arg7[%get3A_316, %get3A_317] {strides = array<i32>} : memref<64x512xf32, #tpu.memory_space<vmem>>, vector<1x16xf32>,
      %get3A_319 = vector.shape_cast %get3A_318 : vector<1x16xf32> to vector<16xf32>
      %scan3A_320 = arith.constant 0 : i32
      %scan3A_321 = arith.constant 0 : i32
      %scan3A_322 = arith.constant 64 : i32
      %scan3A_323 = arith.addi %scan3A_321, %scan3A_322 : i32
      %scan3A_324 = arith.constant 2 : i32
      scf.for %scan3A_327 = %scan3A_321 to %scan3A_323 step %scan3A_324  : i32 {
        %mul3A_328 = arith.constant 16 : i32
        %mul3A_329 = arith.muli %scan3A_327, %mul3A_328 : i32
        %get3A_330 = arith.constant 1 : i32
        %get3A_331 = arith.constant 0 : i32
        %get3A_332 = arith.index_cast %get3A_330 : i32 to index
        %get3A_333 = arith.index_cast %get3A_331 : i32 to index
        %get3A_334 = arith.index_cast %mul3A_329 : i32 to index
        %get3A_335 = tpu.vector_load %arg8[%get3A_332, %get3A_333, %get3A_334] {strides = array<i32>} : memref<2x32x1024xf32, #tpu.memory_space<vmem>>, vector<1x1x16xf32>,
        %get3A_336 = vector.shape_cast %get3A_335 : vector<1x1x16xf32> to vector<16xf32>
        %mul3A_337 = arith.mulf %get3A_336, %get3A_195 : vector<16xf32>
        %get3A_338 = arith.constant 1 : i32
        %get3A_339 = arith.constant 1 : i32
        %get3A_340 = arith.index_cast %get3A_338 : i32 to index
        %get3A_341 = arith.index_cast %get3A_339 : i32 to index
        %get3A_342 = arith.index_cast %mul3A_329 : i32 to index
        %get3A_343 = tpu.vector_load %arg8[%get3A_340, %get3A_341, %get3A_342] {strides = array<i32>} : memref<2x32x1024xf32, #tpu.memory_space<vmem>>, vector<1x1x16xf32>,
        %get3A_344 = vector.shape_cast %get3A_343 : vector<1x1x16xf32> to vector<16xf32>
        %mul3A_345 = arith.mulf %get3A_344, %get3A_199 : vector<16xf32>
        %get3A_346 = arith.constant 1 : i32
        %get3A_347 = arith.constant 2 : i32
        %get3A_348 = arith.index_cast %get3A_346 : i32 to index
        %get3A_349 = arith.index_cast %get3A_347 : i32 to index
        %get3A_350 = arith.index_cast %mul3A_329 : i32 to index
        %get3A_351 = tpu.vector_load %arg8[%get3A_348, %get3A_349, %get3A_350] {strides = array<i32>} : memref<2x32x1024xf32, #tpu.memory_space<vmem>>, vector<1x1x16xf32>,
        %get3A_352 = vector.shape_cast %get3A_351 : vector<1x1x16xf32> to vector<16xf32>
        %mul3A_353 = arith.mulf %get3A_352, %get3A_203 : vector<16xf32>
        %get3A_354 = arith.constant 1 : i32
        %get3A_355 = arith.constant 3 : i32
        %get3A_356 = arith.index_cast %get3A_354 : i32 to index
        %get3A_357 = arith.index_cast %get3A_355 : i32 to index
        %get3A_358 = arith.index_cast %mul3A_329 : i32 to index
        %get3A_359 = tpu.vector_load %arg8[%get3A_356, %get3A_357, %get3A_358] {strides = array<i32>} : memref<2x32x1024xf32, #tpu.memory_space<vmem>>, vector<1x1x16xf32>,
        %get3A_360 = vector.shape_cast %get3A_359 : vector<1x1x16xf32> to vector<16xf32>
        %mul3A_361 = arith.mulf %get3A_360, %get3A_207 : vector<16xf32>
        %get3A_362 = arith.constant 1 : i32
        %get3A_363 = arith.constant 4 : i32
        %get3A_364 = arith.index_cast %get3A_362 : i32 to index
        %get3A_365 = arith.index_cast %get3A_363 : i32 to index
        %get3A_366 = arith.index_cast %mul3A_329 : i32 to index
        %get3A_367 = tpu.vector_load %arg8[%get3A_364, %get3A_365, %get3A_366] {strides = array<i32>} : memref<2x32x1024xf32, #tpu.memory_space<vmem>>, vector<1x1x16xf32>,
        %get3A_368 = vector.shape_cast %get3A_367 : vector<1x1x16xf32> to vector<16xf32>
        %mul3A_369 = arith.mulf %get3A_368, %get3A_211 : vector<16xf32>
        %get3A_370 = arith.constant 1 : i32
        %get3A_371 = arith.constant 5 : i32
        %get3A_372 = arith.index_cast %get3A_370 : i32 to index
        %get3A_373 = arith.index_cast %get3A_371 : i32 to index
        %get3A_374 = arith.index_cast %mul3A_329 : i32 to index
        %get3A_375 = tpu.vector_load %arg8[%get3A_372, %get3A_373, %get3A_374] {strides = array<i32>} : memref<2x32x1024xf32, #tpu.memory_space<vmem>>, vector<1x1x16xf32>,
        %get3A_376 = vector.shape_cast %get3A_375 : vector<1x1x16xf32> to vector<16xf32>
        %mul3A_377 = arith.mulf %get3A_376, %get3A_215 : vector<16xf32>
        %get3A_378 = arith.constant 1 : i32
        %get3A_379 = arith.constant 6 : i32
        %get3A_380 = arith.index_cast %get3A_378 : i32 to index
        %get3A_381 = arith.index_cast %get3A_379 : i32 to index
        %get3A_382 = arith.index_cast %mul3A_329 : i32 to index
        %get3A_383 = tpu.vector_load %arg8[%get3A_380, %get3A_381, %get3A_382] {strides = array<i32>} : memref<2x32x1024xf32, #tpu.memory_space<vmem>>, vector<1x1x16xf32>,
        %get3A_384 = vector.shape_cast %get3A_383 : vector<1x1x16xf32> to vector<16xf32>
        %mul3A_385 = arith.mulf %get3A_384, %get3A_219 : vector<16xf32>
        %get3A_386 = arith.constant 1 : i32
        %get3A_387 = arith.constant 7 : i32
        %get3A_388 = arith.index_cast %get3A_386 : i32 to index
        %get3A_389 = arith.index_cast %get3A_387 : i32 to index
        %get3A_390 = arith.index_cast %mul3A_329 : i32 to index
        %get3A_391 = tpu.vector_load %arg8[%get3A_388, %get3A_389, %get3A_390] {strides = array<i32>} : memref<2x32x1024xf32, #tpu.memory_space<vmem>>, vector<1x1x16xf32>,
        %get3A_392 = vector.shape_cast %get3A_391 : vector<1x1x16xf32> to vector<16xf32>
        %mul3A_393 = arith.mulf %get3A_392, %get3A_223 : vector<16xf32>
        %get3A_394 = arith.constant 1 : i32
        %get3A_395 = arith.constant 8 : i32
        %get3A_396 = arith.index_cast %get3A_394 : i32 to index
        %get3A_397 = arith.index_cast %get3A_395 : i32 to index
        %get3A_398 = arith.index_cast %mul3A_329 : i32 to index
        %get3A_399 = tpu.vector_load %arg8[%get3A_396, %get3A_397, %get3A_398] {strides = array<i32>} : memref<2x32x1024xf32, #tpu.memory_space<vmem>>, vector<1x1x16xf32>,
        %get3A_400 = vector.shape_cast %get3A_399 : vector<1x1x16xf32> to vector<16xf32>
        %mul3A_401 = arith.mulf %get3A_400, %get3A_227 : vector<16xf32>
        %add3A_402 = arith.addf %mul3A_337, %mul3A_401 : vector<16xf32>
        %get3A_403 = arith.constant 1 : i32
        %get3A_404 = arith.constant 9 : i32
        %get3A_405 = arith.index_cast %get3A_403 : i32 to index
        %get3A_406 = arith.index_cast %get3A_404 : i32 to index
        %get3A_407 = arith.index_cast %mul3A_329 : i32 to index
        %get3A_408 = tpu.vector_load %arg8[%get3A_405, %get3A_406, %get3A_407] {strides = array<i32>} : memref<2x32x1024xf32, #tpu.memory_space<vmem>>, vector<1x1x16xf32>,
        %get3A_409 = vector.shape_cast %get3A_408 : vector<1x1x16xf32> to vector<16xf32>
        %mul3A_410 = arith.mulf %get3A_409, %get3A_231 : vector<16xf32>
        %add3A_411 = arith.addf %mul3A_345, %mul3A_410 : vector<16xf32>
        %get3A_412 = arith.constant 1 : i32
        %get3A_413 = arith.constant 10 : i32
        %get3A_414 = arith.index_cast %get3A_412 : i32 to index
        %get3A_415 = arith.index_cast %get3A_413 : i32 to index
        %get3A_416 = arith.index_cast %mul3A_329 : i32 to index
        %get3A_417 = tpu.vector_load %arg8[%get3A_414, %get3A_415, %get3A_416] {strides = array<i32>} : memref<2x32x1024xf32, #tpu.memory_space<vmem>>, vector<1x1x16xf32>,
        %get3A_418 = vector.shape_cast %get3A_417 : vector<1x1x16xf32> to vector<16xf32>
        %mul3A_419 = arith.mulf %get3A_418, %get3A_235 : vector<16xf32>
        %add3A_420 = arith.addf %mul3A_353, %mul3A_419 : vector<16xf32>
        %get3A_421 = arith.constant 1 : i32
        %get3A_422 = arith.constant 11 : i32
        %get3A_423 = arith.index_cast %get3A_421 : i32 to index
        %get3A_424 = arith.index_cast %get3A_422 : i32 to index
        %get3A_425 = arith.index_cast %mul3A_329 : i32 to index
        %get3A_426 = tpu.vector_load %arg8[%get3A_423, %get3A_424, %get3A_425] {strides = array<i32>} : memref<2x32x1024xf32, #tpu.memory_space<vmem>>, vector<1x1x16xf32>,
        %get3A_427 = vector.shape_cast %get3A_426 : vector<1x1x16xf32> to vector<16xf32>
        %mul3A_428 = arith.mulf %get3A_427, %get3A_239 : vector<16xf32>
        %add3A_429 = arith.addf %mul3A_361, %mul3A_428 : vector<16xf32>
        %get3A_430 = arith.constant 1 : i32
        %get3A_431 = arith.constant 12 : i32
        %get3A_432 = arith.index_cast %get3A_430 : i32 to index
        %get3A_433 = arith.index_cast %get3A_431 : i32 to index
        %get3A_434 = arith.index_cast %mul3A_329 : i32 to index
        %get3A_435 = tpu.vector_load %arg8[%get3A_432, %get3A_433, %get3A_434] {strides = array<i32>} : memref<2x32x1024xf32, #tpu.memory_space<vmem>>, vector<1x1x16xf32>,
        %get3A_436 = vector.shape_cast %get3A_435 : vector<1x1x16xf32> to vector<16xf32>
        %mul3A_437 = arith.mulf %get3A_436, %get3A_243 : vector<16xf32>
        %add3A_438 = arith.addf %mul3A_369, %mul3A_437 : vector<16xf32>
        %get3A_439 = arith.constant 1 : i32
        %get3A_440 = arith.constant 13 : i32
        %get3A_441 = arith.index_cast %get3A_439 : i32 to index
        %get3A_442 = arith.index_cast %get3A_440 : i32 to index
        %get3A_443 = arith.index_cast %mul3A_329 : i32 to index
        %get3A_444 = tpu.vector_load %arg8[%get3A_441, %get3A_442, %get3A_443] {strides = array<i32>} : memref<2x32x1024xf32, #tpu.memory_space<vmem>>, vector<1x1x16xf32>,
        %get3A_445 = vector.shape_cast %get3A_444 : vector<1x1x16xf32> to vector<16xf32>
        %mul3A_446 = arith.mulf %get3A_445, %get3A_247 : vector<16xf32>
        %add3A_447 = arith.addf %mul3A_377, %mul3A_446 : vector<16xf32>
        %get3A_448 = arith.constant 1 : i32
        %get3A_449 = arith.constant 14 : i32
        %get3A_450 = arith.index_cast %get3A_448 : i32 to index
        %get3A_451 = arith.index_cast %get3A_449 : i32 to index
        %get3A_452 = arith.index_cast %mul3A_329 : i32 to index
        %get3A_453 = tpu.vector_load %arg8[%get3A_450, %get3A_451, %get3A_452] {strides = array<i32>} : memref<2x32x1024xf32, #tpu.memory_space<vmem>>, vector<1x1x16xf32>,
        %get3A_454 = vector.shape_cast %get3A_453 : vector<1x1x16xf32> to vector<16xf32>
        %mul3A_455 = arith.mulf %get3A_454, %get3A_251 : vector<16xf32>
        %add3A_456 = arith.addf %mul3A_385, %mul3A_455 : vector<16xf32>
        %get3A_457 = arith.constant 1 : i32
        %get3A_458 = arith.constant 15 : i32
        %get3A_459 = arith.index_cast %get3A_457 : i32 to index
        %get3A_460 = arith.index_cast %get3A_458 : i32 to index
        %get3A_461 = arith.index_cast %mul3A_329 : i32 to index
        %get3A_462 = tpu.vector_load %arg8[%get3A_459, %get3A_460, %get3A_461] {strides = array<i32>} : memref<2x32x1024xf32, #tpu.memory_space<vmem>>, vector<1x1x16xf32>,
        %get3A_463 = vector.shape_cast %get3A_462 : vector<1x1x16xf32> to vector<16xf32>
        %mul3A_464 = arith.mulf %get3A_463, %get3A_255 : vector<16xf32>
        %add3A_465 = arith.addf %mul3A_393, %mul3A_464 : vector<16xf32>
        %get3A_466 = arith.constant 1 : i32
        %get3A_467 = arith.constant 16 : i32
        %get3A_468 = arith.index_cast %get3A_466 : i32 to index
        %get3A_469 = arith.index_cast %get3A_467 : i32 to index
        %get3A_470 = arith.index_cast %mul3A_329 : i32 to index
        %get3A_471 = tpu.vector_load %arg8[%get3A_468, %get3A_469, %get3A_470] {strides = array<i32>} : memref<2x32x1024xf32, #tpu.memory_space<vmem>>, vector<1x1x16xf32>,
        %get3A_472 = vector.shape_cast %get3A_471 : vector<1x1x16xf32> to vector<16xf32>
        %mul3A_473 = arith.mulf %get3A_472, %get3A_259 : vector<16xf32>
        %add3A_474 = arith.addf %add3A_402, %mul3A_473 : vector<16xf32>
        %get3A_475 = arith.constant 1 : i32
        %get3A_476 = arith.constant 17 : i32
        %get3A_477 = arith.index_cast %get3A_475 : i32 to index
        %get3A_478 = arith.index_cast %get3A_476 : i32 to index
        %get3A_479 = arith.index_cast %mul3A_329 : i32 to index
        %get3A_480 = tpu.vector_load %arg8[%get3A_477, %get3A_478, %get3A_479] {strides = array<i32>} : memref<2x32x1024xf32, #tpu.memory_space<vmem>>, vector<1x1x16xf32>,
        %get3A_481 = vector.shape_cast %get3A_480 : vector<1x1x16xf32> to vector<16xf32>
        %mul3A_482 = arith.mulf %get3A_481, %get3A_263 : vector<16xf32>
        %add3A_483 = arith.addf %add3A_411, %mul3A_482 : vector<16xf32>
        %get3A_484 = arith.constant 1 : i32
        %get3A_485 = arith.constant 18 : i32
        %get3A_486 = arith.index_cast %get3A_484 : i32 to index
        %get3A_487 = arith.index_cast %get3A_485 : i32 to index
        %get3A_488 = arith.index_cast %mul3A_329 : i32 to index
        %get3A_489 = tpu.vector_load %arg8[%get3A_486, %get3A_487, %get3A_488] {strides = array<i32>} : memref<2x32x1024xf32, #tpu.memory_space<vmem>>, vector<1x1x16xf32>,
        %get3A_490 = vector.shape_cast %get3A_489 : vector<1x1x16xf32> to vector<16xf32>
        %mul3A_491 = arith.mulf %get3A_490, %get3A_267 : vector<16xf32>
        %add3A_492 = arith.addf %add3A_420, %mul3A_491 : vector<16xf32>
        %get3A_493 = arith.constant 1 : i32
        %get3A_494 = arith.constant 19 : i32
        %get3A_495 = arith.index_cast %get3A_493 : i32 to index
        %get3A_496 = arith.index_cast %get3A_494 : i32 to index
        %get3A_497 = arith.index_cast %mul3A_329 : i32 to index
        %get3A_498 = tpu.vector_load %arg8[%get3A_495, %get3A_496, %get3A_497] {strides = array<i32>} : memref<2x32x1024xf32, #tpu.memory_space<vmem>>, vector<1x1x16xf32>,
        %get3A_499 = vector.shape_cast %get3A_498 : vector<1x1x16xf32> to vector<16xf32>
        %mul3A_500 = arith.mulf %get3A_499, %get3A_271 : vector<16xf32>
        %add3A_501 = arith.addf %add3A_429, %mul3A_500 : vector<16xf32>
        %get3A_502 = arith.constant 1 : i32
        %get3A_503 = arith.constant 20 : i32
        %get3A_504 = arith.index_cast %get3A_502 : i32 to index
        %get3A_505 = arith.index_cast %get3A_503 : i32 to index
        %get3A_506 = arith.index_cast %mul3A_329 : i32 to index
        %get3A_507 = tpu.vector_load %arg8[%get3A_504, %get3A_505, %get3A_506] {strides = array<i32>} : memref<2x32x1024xf32, #tpu.memory_space<vmem>>, vector<1x1x16xf32>,
        %get3A_508 = vector.shape_cast %get3A_507 : vector<1x1x16xf32> to vector<16xf32>
        %mul3A_509 = arith.mulf %get3A_508, %get3A_275 : vector<16xf32>
        %add3A_510 = arith.addf %add3A_438, %mul3A_509 : vector<16xf32>
        %get3A_511 = arith.constant 1 : i32
        %get3A_512 = arith.constant 21 : i32
        %get3A_513 = arith.index_cast %get3A_511 : i32 to index
        %get3A_514 = arith.index_cast %get3A_512 : i32 to index
        %get3A_515 = arith.index_cast %mul3A_329 : i32 to index
        %get3A_516 = tpu.vector_load %arg8[%get3A_513, %get3A_514, %get3A_515] {strides = array<i32>} : memref<2x32x1024xf32, #tpu.memory_space<vmem>>, vector<1x1x16xf32>,
        %get3A_517 = vector.shape_cast %get3A_516 : vector<1x1x16xf32> to vector<16xf32>
        %mul3A_518 = arith.mulf %get3A_517, %get3A_279 : vector<16xf32>
        %add3A_519 = arith.addf %add3A_447, %mul3A_518 : vector<16xf32>
        %get3A_520 = arith.constant 1 : i32
        %get3A_521 = arith.constant 22 : i32
        %get3A_522 = arith.index_cast %get3A_520 : i32 to index
        %get3A_523 = arith.index_cast %get3A_521 : i32 to index
        %get3A_524 = arith.index_cast %mul3A_329 : i32 to index
        %get3A_525 = tpu.vector_load %arg8[%get3A_522, %get3A_523, %get3A_524] {strides = array<i32>} : memref<2x32x1024xf32, #tpu.memory_space<vmem>>, vector<1x1x16xf32>,
        %get3A_526 = vector.shape_cast %get3A_525 : vector<1x1x16xf32> to vector<16xf32>
        %mul3A_527 = arith.mulf %get3A_526, %get3A_283 : vector<16xf32>
        %add3A_528 = arith.addf %add3A_456, %mul3A_527 : vector<16xf32>
        %get3A_529 = arith.constant 1 : i32
        %get3A_530 = arith.constant 23 : i32
        %get3A_531 = arith.index_cast %get3A_529 : i32 to index
        %get3A_532 = arith.index_cast %get3A_530 : i32 to index
        %get3A_533 = arith.index_cast %mul3A_329 : i32 to index
        %get3A_534 = tpu.vector_load %arg8[%get3A_531, %get3A_532, %get3A_533] {strides = array<i32>} : memref<2x32x1024xf32, #tpu.memory_space<vmem>>, vector<1x1x16xf32>,
        %get3A_535 = vector.shape_cast %get3A_534 : vector<1x1x16xf32> to vector<16xf32>
        %mul3A_536 = arith.mulf %get3A_535, %get3A_287 : vector<16xf32>
        %add3A_537 = arith.addf %add3A_465, %mul3A_536 : vector<16xf32>
        %get3A_538 = arith.constant 1 : i32
        %get3A_539 = arith.constant 24 : i32
        %get3A_540 = arith.index_cast %get3A_538 : i32 to index
        %get3A_541 = arith.index_cast %get3A_539 : i32 to index
        %get3A_542 = arith.index_cast %mul3A_329 : i32 to index
        %get3A_543 = tpu.vector_load %arg8[%get3A_540, %get3A_541, %get3A_542] {strides = array<i32>} : memref<2x32x1024xf32, #tpu.memory_space<vmem>>, vector<1x1x16xf32>,
        %get3A_544 = vector.shape_cast %get3A_543 : vector<1x1x16xf32> to vector<16xf32>
        %mul3A_545 = arith.mulf %get3A_544, %get3A_291 : vector<16xf32>
        %add3A_546 = arith.addf %add3A_474, %mul3A_545 : vector<16xf32>
        %get3A_547 = arith.constant 1 : i32
        %get3A_548 = arith.constant 25 : i32
        %get3A_549 = arith.index_cast %get3A_547 : i32 to index
        %get3A_550 = arith.index_cast %get3A_548 : i32 to index
        %get3A_551 = arith.index_cast %mul3A_329 : i32 to index
        %get3A_552 = tpu.vector_load %arg8[%get3A_549, %get3A_550, %get3A_551] {strides = array<i32>} : memref<2x32x1024xf32, #tpu.memory_space<vmem>>, vector<1x1x16xf32>,
        %get3A_553 = vector.shape_cast %get3A_552 : vector<1x1x16xf32> to vector<16xf32>
        %mul3A_554 = arith.mulf %get3A_553, %get3A_295 : vector<16xf32>
        %add3A_555 = arith.addf %add3A_483, %mul3A_554 : vector<16xf32>
        %get3A_556 = arith.constant 1 : i32
        %get3A_557 = arith.constant 26 : i32
        %get3A_558 = arith.index_cast %get3A_556 : i32 to index
        %get3A_559 = arith.index_cast %get3A_557 : i32 to index
        %get3A_560 = arith.index_cast %mul3A_329 : i32 to index
        %get3A_561 = tpu.vector_load %arg8[%get3A_558, %get3A_559, %get3A_560] {strides = array<i32>} : memref<2x32x1024xf32, #tpu.memory_space<vmem>>, vector<1x1x16xf32>,
        %get3A_562 = vector.shape_cast %get3A_561 : vector<1x1x16xf32> to vector<16xf32>
        %mul3A_563 = arith.mulf %get3A_562, %get3A_299 : vector<16xf32>
        %add3A_564 = arith.addf %add3A_492, %mul3A_563 : vector<16xf32>
        %get3A_565 = arith.constant 1 : i32
        %get3A_566 = arith.constant 27 : i32
        %get3A_567 = arith.index_cast %get3A_565 : i32 to index
        %get3A_568 = arith.index_cast %get3A_566 : i32 to index
        %get3A_569 = arith.index_cast %mul3A_329 : i32 to index
        %get3A_570 = tpu.vector_load %arg8[%get3A_567, %get3A_568, %get3A_569] {strides = array<i32>} : memref<2x32x1024xf32, #tpu.memory_space<vmem>>, vector<1x1x16xf32>,
        %get3A_571 = vector.shape_cast %get3A_570 : vector<1x1x16xf32> to vector<16xf32>
        %mul3A_572 = arith.mulf %get3A_571, %get3A_303 : vector<16xf32>
        %add3A_573 = arith.addf %add3A_501, %mul3A_572 : vector<16xf32>
        %get3A_574 = arith.constant 1 : i32
        %get3A_575 = arith.constant 28 : i32
        %get3A_576 = arith.index_cast %get3A_574 : i32 to index
        %get3A_577 = arith.index_cast %get3A_575 : i32 to index
        %get3A_578 = arith.index_cast %mul3A_329 : i32 to index
        %get3A_579 = tpu.vector_load %arg8[%get3A_576, %get3A_577, %get3A_578] {strides = array<i32>} : memref<2x32x1024xf32, #tpu.memory_space<vmem>>, vector<1x1x16xf32>,
        %get3A_580 = vector.shape_cast %get3A_579 : vector<1x1x16xf32> to vector<16xf32>
        %mul3A_581 = arith.mulf %get3A_580, %get3A_307 : vector<16xf32>
        %add3A_582 = arith.addf %add3A_510, %mul3A_581 : vector<16xf32>
        %get3A_583 = arith.constant 1 : i32
        %get3A_584 = arith.constant 29 : i32
        %get3A_585 = arith.index_cast %get3A_583 : i32 to index
        %get3A_586 = arith.index_cast %get3A_584 : i32 to index
        %get3A_587 = arith.index_cast %mul3A_329 : i32 to index
        %get3A_588 = tpu.vector_load %arg8[%get3A_585, %get3A_586, %get3A_587] {strides = array<i32>} : memref<2x32x1024xf32, #tpu.memory_space<vmem>>, vector<1x1x16xf32>,
        %get3A_589 = vector.shape_cast %get3A_588 : vector<1x1x16xf32> to vector<16xf32>
        %mul3A_590 = arith.mulf %get3A_589, %get3A_311 : vector<16xf32>
        %add3A_591 = arith.addf %add3A_519, %mul3A_590 : vector<16xf32>
        %get3A_592 = arith.constant 1 : i32
        %get3A_593 = arith.constant 30 : i32
        %get3A_594 = arith.index_cast %get3A_592 : i32 to index
        %get3A_595 = arith.index_cast %get3A_593 : i32 to index
        %get3A_596 = arith.index_cast %mul3A_329 : i32 to index
        %get3A_597 = tpu.vector_load %arg8[%get3A_594, %get3A_595, %get3A_596] {strides = array<i32>} : memref<2x32x1024xf32, #tpu.memory_space<vmem>>, vector<1x1x16xf32>,
        %get3A_598 = vector.shape_cast %get3A_597 : vector<1x1x16xf32> to vector<16xf32>
        %mul3A_599 = arith.mulf %get3A_598, %get3A_315 : vector<16xf32>
        %add3A_600 = arith.addf %add3A_528, %mul3A_599 : vector<16xf32>
        %get3A_601 = arith.constant 1 : i32
        %get3A_602 = arith.constant 31 : i32
        %get3A_603 = arith.index_cast %get3A_601 : i32 to index
        %get3A_604 = arith.index_cast %get3A_602 : i32 to index
        %get3A_605 = arith.index_cast %mul3A_329 : i32 to index
        %get3A_606 = tpu.vector_load %arg8[%get3A_603, %get3A_604, %get3A_605] {strides = array<i32>} : memref<2x32x1024xf32, #tpu.memory_space<vmem>>, vector<1x1x16xf32>,
        %get3A_607 = vector.shape_cast %get3A_606 : vector<1x1x16xf32> to vector<16xf32>
        %mul3A_608 = arith.mulf %get3A_607, %get3A_319 : vector<16xf32>
        %add3A_609 = arith.addf %add3A_537, %mul3A_608 : vector<16xf32>
        %add3A_610 = arith.addf %add3A_546, %add3A_555 : vector<16xf32>
        %add3A_611 = arith.addf %add3A_564, %add3A_573 : vector<16xf32>
        %add3A_612 = arith.addf %add3A_610, %add3A_611 : vector<16xf32>
        %add3A_613 = arith.addf %add3A_582, %add3A_591 : vector<16xf32>
        %add3A_614 = arith.addf %add3A_600, %add3A_609 : vector<16xf32>
        %add3A_615 = arith.addf %add3A_613, %add3A_614 : vector<16xf32>
        %add3A_616 = arith.addf %add3A_612, %add3A_615 : vector<16xf32>
        %swap3A = arith.index_cast %mul3A_329 : i32 to index
        %swap3A_617 = tpu.vector_load %arg9[%swap3A] {strides = array<i32>} : memref<1024xf32, #tpu.memory_space<vmem>>, vector<16xf32>,
        %swap3A_618 = vector.shape_cast %swap3A_617 : vector<16xf32> to vector<16xf32>
        %swap3A_619 = vector.shape_cast %add3A_616 : vector<16xf32> to vector<16xf32>
        tpu.vector_store %arg9[%swap3A], %swap3A_619 {strides = array<i32>} : memref<1024xf32, #tpu.memory_space<vmem>>, vector<16xf32>,
        %scan3A_620 = arith.constant 1 : i32
        %scan3A_621 = arith.addi %scan3A_327, %scan3A_620 : i32
        %mul3A_622 = arith.constant 16 : i32
        %mul3A_623 = arith.muli %scan3A_621, %mul3A_622 : i32
        %get3A_624 = arith.constant 1 : i32
        %get3A_625 = arith.constant 0 : i32
        %get3A_626 = arith.index_cast %get3A_624 : i32 to index
        %get3A_627 = arith.index_cast %get3A_625 : i32 to index
        %get3A_628 = arith.index_cast %mul3A_623 : i32 to index
        %get3A_629 = tpu.vector_load %arg8[%get3A_626, %get3A_627, %get3A_628] {strides = array<i32>} : memref<2x32x1024xf32, #tpu.memory_space<vmem>>, vector<1x1x16xf32>,
        %get3A_630 = vector.shape_cast %get3A_629 : vector<1x1x16xf32> to vector<16xf32>
        %mul3A_631 = arith.mulf %get3A_630, %get3A_195 : vector<16xf32>
        %get3A_632 = arith.constant 1 : i32
        %get3A_633 = arith.constant 1 : i32
        %get3A_634 = arith.index_cast %get3A_632 : i32 to index
        %get3A_635 = arith.index_cast %get3A_633 : i32 to index
        %get3A_636 = arith.index_cast %mul3A_623 : i32 to index
        %get3A_637 = tpu.vector_load %arg8[%get3A_634, %get3A_635, %get3A_636] {strides = array<i32>} : memref<2x32x1024xf32, #tpu.memory_space<vmem>>, vector<1x1x16xf32>,
        %get3A_638 = vector.shape_cast %get3A_637 : vector<1x1x16xf32> to vector<16xf32>
        %mul3A_639 = arith.mulf %get3A_638, %get3A_199 : vector<16xf32>
        %get3A_640 = arith.constant 1 : i32
        %get3A_641 = arith.constant 2 : i32
        %get3A_642 = arith.index_cast %get3A_640 : i32 to index
        %get3A_643 = arith.index_cast %get3A_641 : i32 to index
        %get3A_644 = arith.index_cast %mul3A_623 : i32 to index
        %get3A_645 = tpu.vector_load %arg8[%get3A_642, %get3A_643, %get3A_644] {strides = array<i32>} : memref<2x32x1024xf32, #tpu.memory_space<vmem>>, vector<1x1x16xf32>,
        %get3A_646 = vector.shape_cast %get3A_645 : vector<1x1x16xf32> to vector<16xf32>
        %mul3A_647 = arith.mulf %get3A_646, %get3A_203 : vector<16xf32>
        %get3A_648 = arith.constant 1 : i32
        %get3A_649 = arith.constant 3 : i32
        %get3A_650 = arith.index_cast %get3A_648 : i32 to index
        %get3A_651 = arith.index_cast %get3A_649 : i32 to index
        %get3A_652 = arith.index_cast %mul3A_623 : i32 to index
        %get3A_653 = tpu.vector_load %arg8[%get3A_650, %get3A_651, %get3A_652] {strides = array<i32>} : memref<2x32x1024xf32, #tpu.memory_space<vmem>>, vector<1x1x16xf32>,
        %get3A_654 = vector.shape_cast %get3A_653 : vector<1x1x16xf32> to vector<16xf32>
        %mul3A_655 = arith.mulf %get3A_654, %get3A_207 : vector<16xf32>
        %get3A_656 = arith.constant 1 : i32
        %get3A_657 = arith.constant 4 : i32
        %get3A_658 = arith.index_cast %get3A_656 : i32 to index
        %get3A_659 = arith.index_cast %get3A_657 : i32 to index
        %get3A_660 = arith.index_cast %mul3A_623 : i32 to index
        %get3A_661 = tpu.vector_load %arg8[%get3A_658, %get3A_659, %get3A_660] {strides = array<i32>} : memref<2x32x1024xf32, #tpu.memory_space<vmem>>, vector<1x1x16xf32>,
        %get3A_662 = vector.shape_cast %get3A_661 : vector<1x1x16xf32> to vector<16xf32>
        %mul3A_663 = arith.mulf %get3A_662, %get3A_211 : vector<16xf32>
        %get3A_664 = arith.constant 1 : i32
        %get3A_665 = arith.constant 5 : i32
        %get3A_666 = arith.index_cast %get3A_664 : i32 to index
        %get3A_667 = arith.index_cast %get3A_665 : i32 to index
        %get3A_668 = arith.index_cast %mul3A_623 : i32 to index
        %get3A_669 = tpu.vector_load %arg8[%get3A_666, %get3A_667, %get3A_668] {strides = array<i32>} : memref<2x32x1024xf32, #tpu.memory_space<vmem>>, vector<1x1x16xf32>,
        %get3A_670 = vector.shape_cast %get3A_669 : vector<1x1x16xf32> to vector<16xf32>
        %mul3A_671 = arith.mulf %get3A_670, %get3A_215 : vector<16xf32>
        %get3A_672 = arith.constant 1 : i32
        %get3A_673 = arith.constant 6 : i32
        %get3A_674 = arith.index_cast %get3A_672 : i32 to index
        %get3A_675 = arith.index_cast %get3A_673 : i32 to index
        %get3A_676 = arith.index_cast %mul3A_623 : i32 to index
        %get3A_677 = tpu.vector_load %arg8[%get3A_674, %get3A_675, %get3A_676] {strides = array<i32>} : memref<2x32x1024xf32, #tpu.memory_space<vmem>>, vector<1x1x16xf32>,
        %get3A_678 = vector.shape_cast %get3A_677 : vector<1x1x16xf32> to vector<16xf32>
        %mul3A_679 = arith.mulf %get3A_678, %get3A_219 : vector<16xf32>
        %get3A_680 = arith.constant 1 : i32
        %get3A_681 = arith.constant 7 : i32
        %get3A_682 = arith.index_cast %get3A_680 : i32 to index
        %get3A_683 = arith.index_cast %get3A_681 : i32 to index
        %get3A_684 = arith.index_cast %mul3A_623 : i32 to index
        %get3A_685 = tpu.vector_load %arg8[%get3A_682, %get3A_683, %get3A_684] {strides = array<i32>} : memref<2x32x1024xf32, #tpu.memory_space<vmem>>, vector<1x1x16xf32>,
        %get3A_686 = vector.shape_cast %get3A_685 : vector<1x1x16xf32> to vector<16xf32>
        %mul3A_687 = arith.mulf %get3A_686, %get3A_223 : vector<16xf32>
        %get3A_688 = arith.constant 1 : i32
        %get3A_689 = arith.constant 8 : i32
        %get3A_690 = arith.index_cast %get3A_688 : i32 to index
        %get3A_691 = arith.index_cast %get3A_689 : i32 to index
        %get3A_692 = arith.index_cast %mul3A_623 : i32 to index
        %get3A_693 = tpu.vector_load %arg8[%get3A_690, %get3A_691, %get3A_692] {strides = array<i32>} : memref<2x32x1024xf32, #tpu.memory_space<vmem>>, vector<1x1x16xf32>,
        %get3A_694 = vector.shape_cast %get3A_693 : vector<1x1x16xf32> to vector<16xf32>
        %mul3A_695 = arith.mulf %get3A_694, %get3A_227 : vector<16xf32>
        %add3A_696 = arith.addf %mul3A_631, %mul3A_695 : vector<16xf32>
        %get3A_697 = arith.constant 1 : i32
        %get3A_698 = arith.constant 9 : i32
        %get3A_699 = arith.index_cast %get3A_697 : i32 to index
        %get3A_700 = arith.index_cast %get3A_698 : i32 to index
        %get3A_701 = arith.index_cast %mul3A_623 : i32 to index
        %get3A_702 = tpu.vector_load %arg8[%get3A_699, %get3A_700, %get3A_701] {strides = array<i32>} : memref<2x32x1024xf32, #tpu.memory_space<vmem>>, vector<1x1x16xf32>,
        %get3A_703 = vector.shape_cast %get3A_702 : vector<1x1x16xf32> to vector<16xf32>
        %mul3A_704 = arith.mulf %get3A_703, %get3A_231 : vector<16xf32>
        %add3A_705 = arith.addf %mul3A_639, %mul3A_704 : vector<16xf32>
        %get3A_706 = arith.constant 1 : i32
        %get3A_707 = arith.constant 10 : i32
        %get3A_708 = arith.index_cast %get3A_706 : i32 to index
        %get3A_709 = arith.index_cast %get3A_707 : i32 to index
        %get3A_710 = arith.index_cast %mul3A_623 : i32 to index
        %get3A_711 = tpu.vector_load %arg8[%get3A_708, %get3A_709, %get3A_710] {strides = array<i32>} : memref<2x32x1024xf32, #tpu.memory_space<vmem>>, vector<1x1x16xf32>,
        %get3A_712 = vector.shape_cast %get3A_711 : vector<1x1x16xf32> to vector<16xf32>
        %mul3A_713 = arith.mulf %get3A_712, %get3A_235 : vector<16xf32>
        %add3A_714 = arith.addf %mul3A_647, %mul3A_713 : vector<16xf32>
        %get3A_715 = arith.constant 1 : i32
        %get3A_716 = arith.constant 11 : i32
        %get3A_717 = arith.index_cast %get3A_715 : i32 to index
        %get3A_718 = arith.index_cast %get3A_716 : i32 to index
        %get3A_719 = arith.index_cast %mul3A_623 : i32 to index
        %get3A_720 = tpu.vector_load %arg8[%get3A_717, %get3A_718, %get3A_719] {strides = array<i32>} : memref<2x32x1024xf32, #tpu.memory_space<vmem>>, vector<1x1x16xf32>,
        %get3A_721 = vector.shape_cast %get3A_720 : vector<1x1x16xf32> to vector<16xf32>
        %mul3A_722 = arith.mulf %get3A_721, %get3A_239 : vector<16xf32>
        %add3A_723 = arith.addf %mul3A_655, %mul3A_722 : vector<16xf32>
        %get3A_724 = arith.constant 1 : i32
        %get3A_725 = arith.constant 12 : i32
        %get3A_726 = arith.index_cast %get3A_724 : i32 to index
        %get3A_727 = arith.index_cast %get3A_725 : i32 to index
        %get3A_728 = arith.index_cast %mul3A_623 : i32 to index
        %get3A_729 = tpu.vector_load %arg8[%get3A_726, %get3A_727, %get3A_728] {strides = array<i32>} : memref<2x32x1024xf32, #tpu.memory_space<vmem>>, vector<1x1x16xf32>,
        %get3A_730 = vector.shape_cast %get3A_729 : vector<1x1x16xf32> to vector<16xf32>
        %mul3A_731 = arith.mulf %get3A_730, %get3A_243 : vector<16xf32>
        %add3A_732 = arith.addf %mul3A_663, %mul3A_731 : vector<16xf32>
        %get3A_733 = arith.constant 1 : i32
        %get3A_734 = arith.constant 13 : i32
        %get3A_735 = arith.index_cast %get3A_733 : i32 to index
        %get3A_736 = arith.index_cast %get3A_734 : i32 to index
        %get3A_737 = arith.index_cast %mul3A_623 : i32 to index
        %get3A_738 = tpu.vector_load %arg8[%get3A_735, %get3A_736, %get3A_737] {strides = array<i32>} : memref<2x32x1024xf32, #tpu.memory_space<vmem>>, vector<1x1x16xf32>,
        %get3A_739 = vector.shape_cast %get3A_738 : vector<1x1x16xf32> to vector<16xf32>
        %mul3A_740 = arith.mulf %get3A_739, %get3A_247 : vector<16xf32>
        %add3A_741 = arith.addf %mul3A_671, %mul3A_740 : vector<16xf32>
        %get3A_742 = arith.constant 1 : i32
        %get3A_743 = arith.constant 14 : i32
        %get3A_744 = arith.index_cast %get3A_742 : i32 to index
        %get3A_745 = arith.index_cast %get3A_743 : i32 to index
        %get3A_746 = arith.index_cast %mul3A_623 : i32 to index
        %get3A_747 = tpu.vector_load %arg8[%get3A_744, %get3A_745, %get3A_746] {strides = array<i32>} : memref<2x32x1024xf32, #tpu.memory_space<vmem>>, vector<1x1x16xf32>,
        %get3A_748 = vector.shape_cast %get3A_747 : vector<1x1x16xf32> to vector<16xf32>
        %mul3A_749 = arith.mulf %get3A_748, %get3A_251 : vector<16xf32>
        %add3A_750 = arith.addf %mul3A_679, %mul3A_749 : vector<16xf32>
        %get3A_751 = arith.constant 1 : i32
        %get3A_752 = arith.constant 15 : i32
        %get3A_753 = arith.index_cast %get3A_751 : i32 to index
        %get3A_754 = arith.index_cast %get3A_752 : i32 to index
        %get3A_755 = arith.index_cast %mul3A_623 : i32 to index
        %get3A_756 = tpu.vector_load %arg8[%get3A_753, %get3A_754, %get3A_755] {strides = array<i32>} : memref<2x32x1024xf32, #tpu.memory_space<vmem>>, vector<1x1x16xf32>,
        %get3A_757 = vector.shape_cast %get3A_756 : vector<1x1x16xf32> to vector<16xf32>
        %mul3A_758 = arith.mulf %get3A_757, %get3A_255 : vector<16xf32>
        %add3A_759 = arith.addf %mul3A_687, %mul3A_758 : vector<16xf32>
        %get3A_760 = arith.constant 1 : i32
        %get3A_761 = arith.constant 16 : i32
        %get3A_762 = arith.index_cast %get3A_760 : i32 to index
        %get3A_763 = arith.index_cast %get3A_761 : i32 to index
        %get3A_764 = arith.index_cast %mul3A_623 : i32 to index
        %get3A_765 = tpu.vector_load %arg8[%get3A_762, %get3A_763, %get3A_764] {strides = array<i32>} : memref<2x32x1024xf32, #tpu.memory_space<vmem>>, vector<1x1x16xf32>,
        %get3A_766 = vector.shape_cast %get3A_765 : vector<1x1x16xf32> to vector<16xf32>
        %mul3A_767 = arith.mulf %get3A_766, %get3A_259 : vector<16xf32>
        %add3A_768 = arith.addf %add3A_696, %mul3A_767 : vector<16xf32>
        %get3A_769 = arith.constant 1 : i32
        %get3A_770 = arith.constant 17 : i32
        %get3A_771 = arith.index_cast %get3A_769 : i32 to index
        %get3A_772 = arith.index_cast %get3A_770 : i32 to index
        %get3A_773 = arith.index_cast %mul3A_623 : i32 to index
        %get3A_774 = tpu.vector_load %arg8[%get3A_771, %get3A_772, %get3A_773] {strides = array<i32>} : memref<2x32x1024xf32, #tpu.memory_space<vmem>>, vector<1x1x16xf32>,
        %get3A_775 = vector.shape_cast %get3A_774 : vector<1x1x16xf32> to vector<16xf32>
        %mul3A_776 = arith.mulf %get3A_775, %get3A_263 : vector<16xf32>
        %add3A_777 = arith.addf %add3A_705, %mul3A_776 : vector<16xf32>
        %get3A_778 = arith.constant 1 : i32
        %get3A_779 = arith.constant 18 : i32
        %get3A_780 = arith.index_cast %get3A_778 : i32 to index
        %get3A_781 = arith.index_cast %get3A_779 : i32 to index
        %get3A_782 = arith.index_cast %mul3A_623 : i32 to index
        %get3A_783 = tpu.vector_load %arg8[%get3A_780, %get3A_781, %get3A_782] {strides = array<i32>} : memref<2x32x1024xf32, #tpu.memory_space<vmem>>, vector<1x1x16xf32>,
        %get3A_784 = vector.shape_cast %get3A_783 : vector<1x1x16xf32> to vector<16xf32>
        %mul3A_785 = arith.mulf %get3A_784, %get3A_267 : vector<16xf32>
        %add3A_786 = arith.addf %add3A_714, %mul3A_785 : vector<16xf32>
        %get3A_787 = arith.constant 1 : i32
        %get3A_788 = arith.constant 19 : i32
        %get3A_789 = arith.index_cast %get3A_787 : i32 to index
        %get3A_790 = arith.index_cast %get3A_788 : i32 to index
        %get3A_791 = arith.index_cast %mul3A_623 : i32 to index
        %get3A_792 = tpu.vector_load %arg8[%get3A_789, %get3A_790, %get3A_791] {strides = array<i32>} : memref<2x32x1024xf32, #tpu.memory_space<vmem>>, vector<1x1x16xf32>,
        %get3A_793 = vector.shape_cast %get3A_792 : vector<1x1x16xf32> to vector<16xf32>
        %mul3A_794 = arith.mulf %get3A_793, %get3A_271 : vector<16xf32>
        %add3A_795 = arith.addf %add3A_723, %mul3A_794 : vector<16xf32>
        %get3A_796 = arith.constant 1 : i32
        %get3A_797 = arith.constant 20 : i32
        %get3A_798 = arith.index_cast %get3A_796 : i32 to index
        %get3A_799 = arith.index_cast %get3A_797 : i32 to index
        %get3A_800 = arith.index_cast %mul3A_623 : i32 to index
        %get3A_801 = tpu.vector_load %arg8[%get3A_798, %get3A_799, %get3A_800] {strides = array<i32>} : memref<2x32x1024xf32, #tpu.memory_space<vmem>>, vector<1x1x16xf32>,
        %get3A_802 = vector.shape_cast %get3A_801 : vector<1x1x16xf32> to vector<16xf32>
        %mul3A_803 = arith.mulf %get3A_802, %get3A_275 : vector<16xf32>
        %add3A_804 = arith.addf %add3A_732, %mul3A_803 : vector<16xf32>
        %get3A_805 = arith.constant 1 : i32
        %get3A_806 = arith.constant 21 : i32
        %get3A_807 = arith.index_cast %get3A_805 : i32 to index
        %get3A_808 = arith.index_cast %get3A_806 : i32 to index
        %get3A_809 = arith.index_cast %mul3A_623 : i32 to index
        %get3A_810 = tpu.vector_load %arg8[%get3A_807, %get3A_808, %get3A_809] {strides = array<i32>} : memref<2x32x1024xf32, #tpu.memory_space<vmem>>, vector<1x1x16xf32>,
        %get3A_811 = vector.shape_cast %get3A_810 : vector<1x1x16xf32> to vector<16xf32>
        %mul3A_812 = arith.mulf %get3A_811, %get3A_279 : vector<16xf32>
        %add3A_813 = arith.addf %add3A_741, %mul3A_812 : vector<16xf32>
        %get3A_814 = arith.constant 1 : i32
        %get3A_815 = arith.constant 22 : i32
        %get3A_816 = arith.index_cast %get3A_814 : i32 to index
        %get3A_817 = arith.index_cast %get3A_815 : i32 to index
        %get3A_818 = arith.index_cast %mul3A_623 : i32 to index
        %get3A_819 = tpu.vector_load %arg8[%get3A_816, %get3A_817, %get3A_818] {strides = array<i32>} : memref<2x32x1024xf32, #tpu.memory_space<vmem>>, vector<1x1x16xf32>,
        %get3A_820 = vector.shape_cast %get3A_819 : vector<1x1x16xf32> to vector<16xf32>
        %mul3A_821 = arith.mulf %get3A_820, %get3A_283 : vector<16xf32>
        %add3A_822 = arith.addf %add3A_750, %mul3A_821 : vector<16xf32>
        %get3A_823 = arith.constant 1 : i32
        %get3A_824 = arith.constant 23 : i32
        %get3A_825 = arith.index_cast %get3A_823 : i32 to index
        %get3A_826 = arith.index_cast %get3A_824 : i32 to index
        %get3A_827 = arith.index_cast %mul3A_623 : i32 to index
        %get3A_828 = tpu.vector_load %arg8[%get3A_825, %get3A_826, %get3A_827] {strides = array<i32>} : memref<2x32x1024xf32, #tpu.memory_space<vmem>>, vector<1x1x16xf32>,
        %get3A_829 = vector.shape_cast %get3A_828 : vector<1x1x16xf32> to vector<16xf32>
        %mul3A_830 = arith.mulf %get3A_829, %get3A_287 : vector<16xf32>
        %add3A_831 = arith.addf %add3A_759, %mul3A_830 : vector<16xf32>
        %get3A_832 = arith.constant 1 : i32
        %get3A_833 = arith.constant 24 : i32
        %get3A_834 = arith.index_cast %get3A_832 : i32 to index
        %get3A_835 = arith.index_cast %get3A_833 : i32 to index
        %get3A_836 = arith.index_cast %mul3A_623 : i32 to index
        %get3A_837 = tpu.vector_load %arg8[%get3A_834, %get3A_835, %get3A_836] {strides = array<i32>} : memref<2x32x1024xf32, #tpu.memory_space<vmem>>, vector<1x1x16xf32>,
        %get3A_838 = vector.shape_cast %get3A_837 : vector<1x1x16xf32> to vector<16xf32>
        %mul3A_839 = arith.mulf %get3A_838, %get3A_291 : vector<16xf32>
        %add3A_840 = arith.addf %add3A_768, %mul3A_839 : vector<16xf32>
        %get3A_841 = arith.constant 1 : i32
        %get3A_842 = arith.constant 25 : i32
        %get3A_843 = arith.index_cast %get3A_841 : i32 to index
        %get3A_844 = arith.index_cast %get3A_842 : i32 to index
        %get3A_845 = arith.index_cast %mul3A_623 : i32 to index
        %get3A_846 = tpu.vector_load %arg8[%get3A_843, %get3A_844, %get3A_845] {strides = array<i32>} : memref<2x32x1024xf32, #tpu.memory_space<vmem>>, vector<1x1x16xf32>,
        %get3A_847 = vector.shape_cast %get3A_846 : vector<1x1x16xf32> to vector<16xf32>
        %mul3A_848 = arith.mulf %get3A_847, %get3A_295 : vector<16xf32>
        %add3A_849 = arith.addf %add3A_777, %mul3A_848 : vector<16xf32>
        %get3A_850 = arith.constant 1 : i32
        %get3A_851 = arith.constant 26 : i32
        %get3A_852 = arith.index_cast %get3A_850 : i32 to index
        %get3A_853 = arith.index_cast %get3A_851 : i32 to index
        %get3A_854 = arith.index_cast %mul3A_623 : i32 to index
        %get3A_855 = tpu.vector_load %arg8[%get3A_852, %get3A_853, %get3A_854] {strides = array<i32>} : memref<2x32x1024xf32, #tpu.memory_space<vmem>>, vector<1x1x16xf32>,
        %get3A_856 = vector.shape_cast %get3A_855 : vector<1x1x16xf32> to vector<16xf32>
        %mul3A_857 = arith.mulf %get3A_856, %get3A_299 : vector<16xf32>
        %add3A_858 = arith.addf %add3A_786, %mul3A_857 : vector<16xf32>
        %get3A_859 = arith.constant 1 : i32
        %get3A_860 = arith.constant 27 : i32
        %get3A_861 = arith.index_cast %get3A_859 : i32 to index
        %get3A_862 = arith.index_cast %get3A_860 : i32 to index
        %get3A_863 = arith.index_cast %mul3A_623 : i32 to index
        %get3A_864 = tpu.vector_load %arg8[%get3A_861, %get3A_862, %get3A_863] {strides = array<i32>} : memref<2x32x1024xf32, #tpu.memory_space<vmem>>, vector<1x1x16xf32>,
        %get3A_865 = vector.shape_cast %get3A_864 : vector<1x1x16xf32> to vector<16xf32>
        %mul3A_866 = arith.mulf %get3A_865, %get3A_303 : vector<16xf32>
        %add3A_867 = arith.addf %add3A_795, %mul3A_866 : vector<16xf32>
        %get3A_868 = arith.constant 1 : i32
        %get3A_869 = arith.constant 28 : i32
        %get3A_870 = arith.index_cast %get3A_868 : i32 to index
        %get3A_871 = arith.index_cast %get3A_869 : i32 to index
        %get3A_872 = arith.index_cast %mul3A_623 : i32 to index
        %get3A_873 = tpu.vector_load %arg8[%get3A_870, %get3A_871, %get3A_872] {strides = array<i32>} : memref<2x32x1024xf32, #tpu.memory_space<vmem>>, vector<1x1x16xf32>,
        %get3A_874 = vector.shape_cast %get3A_873 : vector<1x1x16xf32> to vector<16xf32>
        %mul3A_875 = arith.mulf %get3A_874, %get3A_307 : vector<16xf32>
        %add3A_876 = arith.addf %add3A_804, %mul3A_875 : vector<16xf32>
        %get3A_877 = arith.constant 1 : i32
        %get3A_878 = arith.constant 29 : i32
        %get3A_879 = arith.index_cast %get3A_877 : i32 to index
        %get3A_880 = arith.index_cast %get3A_878 : i32 to index
        %get3A_881 = arith.index_cast %mul3A_623 : i32 to index
        %get3A_882 = tpu.vector_load %arg8[%get3A_879, %get3A_880, %get3A_881] {strides = array<i32>} : memref<2x32x1024xf32, #tpu.memory_space<vmem>>, vector<1x1x16xf32>,
        %get3A_883 = vector.shape_cast %get3A_882 : vector<1x1x16xf32> to vector<16xf32>
        %mul3A_884 = arith.mulf %get3A_883, %get3A_311 : vector<16xf32>
        %add3A_885 = arith.addf %add3A_813, %mul3A_884 : vector<16xf32>
        %get3A_886 = arith.constant 1 : i32
        %get3A_887 = arith.constant 30 : i32
        %get3A_888 = arith.index_cast %get3A_886 : i32 to index
        %get3A_889 = arith.index_cast %get3A_887 : i32 to index
        %get3A_890 = arith.index_cast %mul3A_623 : i32 to index
        %get3A_891 = tpu.vector_load %arg8[%get3A_888, %get3A_889, %get3A_890] {strides = array<i32>} : memref<2x32x1024xf32, #tpu.memory_space<vmem>>, vector<1x1x16xf32>,
        %get3A_892 = vector.shape_cast %get3A_891 : vector<1x1x16xf32> to vector<16xf32>
        %mul3A_893 = arith.mulf %get3A_892, %get3A_315 : vector<16xf32>
        %add3A_894 = arith.addf %add3A_822, %mul3A_893 : vector<16xf32>
        %get3A_895 = arith.constant 1 : i32
        %get3A_896 = arith.constant 31 : i32
        %get3A_897 = arith.index_cast %get3A_895 : i32 to index
        %get3A_898 = arith.index_cast %get3A_896 : i32 to index
        %get3A_899 = arith.index_cast %mul3A_623 : i32 to index
        %get3A_900 = tpu.vector_load %arg8[%get3A_897, %get3A_898, %get3A_899] {strides = array<i32>} : memref<2x32x1024xf32, #tpu.memory_space<vmem>>, vector<1x1x16xf32>,
        %get3A_901 = vector.shape_cast %get3A_900 : vector<1x1x16xf32> to vector<16xf32>
        %mul3A_902 = arith.mulf %get3A_901, %get3A_319 : vector<16xf32>
        %add3A_903 = arith.addf %add3A_831, %mul3A_902 : vector<16xf32>
        %add3A_904 = arith.addf %add3A_840, %add3A_849 : vector<16xf32>
        %add3A_905 = arith.addf %add3A_858, %add3A_867 : vector<16xf32>
        %add3A_906 = arith.addf %add3A_904, %add3A_905 : vector<16xf32>
        %add3A_907 = arith.addf %add3A_876, %add3A_885 : vector<16xf32>
        %add3A_908 = arith.addf %add3A_894, %add3A_903 : vector<16xf32>
        %add3A_909 = arith.addf %add3A_907, %add3A_908 : vector<16xf32>
        %add3A_910 = arith.addf %add3A_906, %add3A_909 : vector<16xf32>
        %swap3A_911 = arith.index_cast %mul3A_623 : i32 to index
        %swap3A_912 = tpu.vector_load %arg9[%swap3A_911] {strides = array<i32>} : memref<1024xf32, #tpu.memory_space<vmem>>, vector<16xf32>,
        %swap3A_913 = vector.shape_cast %swap3A_912 : vector<16xf32> to vector<16xf32>
        %swap3A_914 = vector.shape_cast %add3A_910 : vector<16xf32> to vector<16xf32>
        tpu.vector_store %arg9[%swap3A_911], %swap3A_914 {strides = array<i32>} : memref<1024xf32, #tpu.memory_space<vmem>>, vector<16xf32>,
      }
      %scan3A_325 = arith.constant 64 : i32
      %add3A_326 = arith.addi %mul3A_2, %add3A_23 : i32
      "tpu.region"() ({
        %run_scoped3A = tpu.sem_alloc : memref<!tpu.dma_semaphore, #tpu.memory_space<semaphore_mem>>
        %dma_start3A_327 = arith.constant 0 : i32
        %dma_start3A_328 = tpu.memref_slice %arg5[%add3A_326, %dma_start3A_327] : memref<2048x1024xf32, #tpu.memory_space<hbm>> -> memref<1x1024xf32, #tpu.memory_space<hbm>>
        %dma_start3A_329 = tpu.memref_squeeze %dma_start3A_328 : memref<1x1024xf32, #tpu.memory_space<hbm>> -> memref<1024xf32, #tpu.memory_space<hbm>>
        %dma_start3A_330 = arith.constant 0 : i32
        %dma_start3A_331 = tpu.memref_slice %arg5[%add3A_326, %dma_start3A_330] : memref<2048x1024xf32, #tpu.memory_space<hbm>> -> memref<1x1024xf32, #tpu.memory_space<hbm>>
        %dma_start3A_332 = tpu.memref_squeeze %dma_start3A_331 : memref<1x1024xf32, #tpu.memory_space<hbm>> -> memref<1024xf32, #tpu.memory_space<hbm>>
        tpu.enqueue_dma source(%arg9 : memref<1024xf32, #tpu.memory_space<vmem>>) target(%dma_start3A_332 : memref<1024xf32, #tpu.memory_space<hbm>>) target_semaphore(%run_scoped3A : memref<!tpu.dma_semaphore, #tpu.memory_space<semaphore_mem>>)
        %dma_wait3A_333 = arith.constant 0 : i32
        %dma_wait3A_334 = tpu.memref_slice %arg5[%add3A_326, %dma_wait3A_333] : memref<2048x1024xf32, #tpu.memory_space<hbm>> -> memref<1x1024xf32, #tpu.memory_space<hbm>>
        %dma_wait3A_335 = tpu.memref_squeeze %dma_wait3A_334 : memref<1x1024xf32, #tpu.memory_space<hbm>> -> memref<1024xf32, #tpu.memory_space<hbm>>
        %dma_wait3A_336 = arith.constant 0 : i32
        %dma_wait3A_337 = tpu.memref_slice %arg5[%add3A_326, %dma_wait3A_336] : memref<2048x1024xf32, #tpu.memory_space<hbm>> -> memref<1x1024xf32, #tpu.memory_space<hbm>>
        %dma_wait3A_338 = tpu.memref_squeeze %dma_wait3A_337 : memref<1x1024xf32, #tpu.memory_space<hbm>> -> memref<1024xf32, #tpu.memory_space<hbm>>
        tpu.wait_dma2 semaphore(%run_scoped3A : memref<!tpu.dma_semaphore, #tpu.memory_space<semaphore_mem>>) src(%arg9 : memref<1024xf32, #tpu.memory_space<vmem>>) dst(%dma_wait3A_338 : memref<1024xf32, #tpu.memory_space<hbm>>)
        tpu.yield
      }) : () -> ()
    }
    %scan3A_18 = arith.constant 32 : i32
    return
  }
}

module attributes {stable_mosaic.version = 14 : i64} {
  func.func @_score_kernel(%arg0: i32, %arg1: memref<256x1024xf32, #tpu.memory_space<vmem>>, %arg2: memref<1024x1024xf32, #tpu.memory_space<vmem>>, %arg3: memref<4x256x256xf32, #tpu.memory_space<vmem>>, %arg4: memref<256x16xf32, #tpu.memory_space<vmem>>, %arg5: memref<256x16xf32, #tpu.memory_space<vmem>>, %arg6: memref<32x512xf32, #tpu.memory_space<vmem>>, %arg7: memref<32x32xf32, #tpu.memory_space<vmem>>, %arg8: memref<256x32xi32, #tpu.memory_space<vmem>>, %arg9: memref<256x512xf32, #tpu.memory_space<vmem>>) attributes {dimension_semantics = [#tpu.dimension_semantics<arbitrary>], iteration_bounds = array<i64: 8>, scalar_prefetch = 0 : i64, scratch_operands = 0 : i64, tpu.core_type = #tpu.core_type<tc>, window_params = [{transform_indices = @transform_0, window_bounds = array<i64: 256, 1024>}, {pipeline_mode = #tpu.pipeline_mode<synchronous>, transform_indices = @transform_1, window_bounds = array<i64: 1024, 1024>}, {pipeline_mode = #tpu.pipeline_mode<synchronous>, transform_indices = @transform_2, window_bounds = array<i64: 4, 256, 256>}, {pipeline_mode = #tpu.pipeline_mode<synchronous>, transform_indices = @transform_3, window_bounds = array<i64: 256, 16>}, {pipeline_mode = #tpu.pipeline_mode<synchronous>, transform_indices = @transform_4, window_bounds = array<i64: 256, 16>}, {pipeline_mode = #tpu.pipeline_mode<synchronous>, transform_indices = @transform_5, window_bounds = array<i64: 32, 512>}, {pipeline_mode = #tpu.pipeline_mode<synchronous>, transform_indices = @transform_6, window_bounds = array<i64: 32, 32>}, {transform_indices = @transform_7, window_bounds = array<i64: 256, 32>}, {transform_indices = @transform_8, window_bounds = array<i64: 256, 512>}]} {
    %get3A = arith.constant 0 : index
    %get3A_0 = arith.constant 0 : index
    %get3A_1 = vector.load %arg1[%get3A, %get3A_0] : memref<256x1024xf32, #tpu.memory_space<vmem>>, vector<256x1024xf32>
    %get3A_2 = arith.constant 0 : index
    %get3A_3 = arith.constant 0 : index
    %get3A_4 = vector.load %arg2[%get3A_2, %get3A_3] : memref<1024x1024xf32, #tpu.memory_space<vmem>>, vector<1024x1024xf32>
    %dot_general3A = arith.constant dense<0.000000e+00> : vector<256x1024xf32>
    %dot_general3A_5 = tpu.matmul %get3A_1, %get3A_4, %dot_general3A {dimension_numbers = #tpu.dot_dimension_numbers<[1], [1], [0], [0], [0, 0, 1, 0], [], []>, transpose_lhs_hint = false} : vector<256x1024xf32>, vector<1024x1024xf32>, vector<256x1024xf32> -> vector<256x1024xf32>
    %iota3A = tpu.iota {dimensions = array<i32: 0>} : vector<256x256xi32>
    %iota3A_6 = tpu.iota {dimensions = array<i32: 0>} : vector<16x256xi32>
    %slice3A = vector.extract_strided_slice %dot_general3A_5 {offsets = [0, 0], sizes = [256, 256], strides = [1, 1]} : vector<256x1024xf32> to vector<256x256xf32>
    %reduce_sum3A = arith.constant dense<0.000000e+00> : vector<256xf32>
    %reduce_sum3A_7 = vector.multi_reduction <add>, %slice3A, %reduce_sum3A [1] : vector<256x256xf32> to vector<256xf32>
    %broadcast_in_dim3A = vector.shape_cast %reduce_sum3A_7 : vector<256xf32> to vector<256x1xf32>
    %div3A = arith.constant 2.560000e+02 : f32
    %div3A_8 = vector.broadcast %div3A : f32 to vector<256x1xf32>
    %div3A_9 = arith.divf %broadcast_in_dim3A, %div3A_8 : vector<256x1xf32>
    %sub3A = vector.broadcast %div3A_9 : vector<256x1xf32> to vector<256x256xf32>
    %sub3A_10 = arith.subf %slice3A, %sub3A : vector<256x256xf32>
    %mul3A = arith.mulf %sub3A_10, %sub3A_10 : vector<256x256xf32>
    %reduce_sum3A_11 = arith.constant dense<0.000000e+00> : vector<256xf32>
    %reduce_sum3A_12 = vector.multi_reduction <add>, %mul3A, %reduce_sum3A_11 [1] : vector<256x256xf32> to vector<256xf32>
    %broadcast_in_dim3A_13 = vector.shape_cast %reduce_sum3A_12 : vector<256xf32> to vector<256x1xf32>
    %div3A_14 = arith.constant 2.560000e+02 : f32
    %div3A_15 = vector.broadcast %div3A_14 : f32 to vector<256x1xf32>
    %div3A_16 = arith.divf %broadcast_in_dim3A_13, %div3A_15 : vector<256x1xf32>
    %add3A = arith.constant 9.99999974E-6 : f32
    %add3A_17 = vector.broadcast %add3A : f32 to vector<256x1xf32>
    %add3A_18 = arith.addf %div3A_16, %add3A_17 : vector<256x1xf32>
    %rsqrt3A = math.rsqrt %add3A_18 : vector<256x1xf32>
    %mul3A_19 = vector.broadcast %rsqrt3A : vector<256x1xf32> to vector<256x256xf32>
    %mul3A_20 = arith.mulf %sub3A_10, %mul3A_19 : vector<256x256xf32>
    %get3A_21 = arith.constant 0 : index
    %get3A_22 = arith.constant 0 : index
    %get3A_23 = arith.constant 0 : index
    %get3A_24 = vector.load %arg3[%get3A_21, %get3A_22, %get3A_23] : memref<4x256x256xf32, #tpu.memory_space<vmem>>, vector<1x256x256xf32>
    %get3A_25 = vector.shape_cast %get3A_24 : vector<1x256x256xf32> to vector<256x256xf32>
    %dot_general3A_26 = arith.constant dense<0.000000e+00> : vector<256x256xf32>
    %dot_general3A_27 = tpu.matmul %get3A_25, %mul3A_20, %dot_general3A_26 {dimension_numbers = #tpu.dot_dimension_numbers<[1], [1], [0], [0], [0, 0, 1, 0], [], []>, transpose_lhs_hint = false} : vector<256x256xf32>, vector<256x256xf32>, vector<256x256xf32> -> vector<256x256xf32>
    %reduce_max3A = arith.constant dense<0xFF800000> : vector<256xf32>
    %reduce_max3A_28 = vector.multi_reduction <maximumf>, %dot_general3A_27, %reduce_max3A [0] : vector<256x256xf32> to vector<256xf32>
    %broadcast_in_dim3A_29 = vector.shape_cast %reduce_max3A_28 : vector<256xf32> to vector<1x256xf32>
    %eq3A = vector.broadcast %broadcast_in_dim3A_29 : vector<1x256xf32> to vector<256x256xf32>
    %eq3A_30 = arith.cmpf oeq, %dot_general3A_27, %eq3A : vector<256x256xf32>
    %jit3A = arith.constant 1073741824 : i32
    %broadcast_in_dim3A_31 = vector.broadcast %jit3A : i32 to vector<256x256xi32>
    %select_n3A = arith.select %eq3A_30, %iota3A, %broadcast_in_dim3A_31 : vector<256x256xi1>, vector<256x256xi32>
    %reduce_min3A = arith.constant dense<2147483647> : vector<256xi32>
    %reduce_min3A_32 = vector.multi_reduction <minsi>, %select_n3A, %reduce_min3A [0] : vector<256x256xi32> to vector<256xi32>
    %broadcast_in_dim3A_33 = vector.shape_cast %reduce_min3A_32 : vector<256xi32> to vector<1x256xi32>
    %eq3A_34 = vector.broadcast %broadcast_in_dim3A_33 : vector<1x256xi32> to vector<256x256xi32>
    %eq3A_35 = arith.cmpi eq, %iota3A, %eq3A_34 : vector<256x256xi32>
    %jit3A_36 = arith.constant 0xFF800000 : f32
    %broadcast_in_dim3A_37 = vector.broadcast %jit3A_36 : f32 to vector<256x256xf32>
    %select_n3A_38 = arith.select %eq3A_35, %broadcast_in_dim3A_37, %dot_general3A_27 : vector<256x256xi1>, vector<256x256xf32>
    %reduce_max3A_39 = arith.constant dense<0xFF800000> : vector<256xf32>
    %reduce_max3A_40 = vector.multi_reduction <maximumf>, %select_n3A_38, %reduce_max3A_39 [0] : vector<256x256xf32> to vector<256xf32>
    %broadcast_in_dim3A_41 = vector.shape_cast %reduce_max3A_40 : vector<256xf32> to vector<1x256xf32>
    %eq3A_42 = vector.broadcast %broadcast_in_dim3A_41 : vector<1x256xf32> to vector<256x256xf32>
    %eq3A_43 = arith.cmpf oeq, %select_n3A_38, %eq3A_42 : vector<256x256xf32>
    %jit3A_44 = arith.constant 1073741824 : i32
    %broadcast_in_dim3A_45 = vector.broadcast %jit3A_44 : i32 to vector<256x256xi32>
    %select_n3A_46 = arith.select %eq3A_43, %iota3A, %broadcast_in_dim3A_45 : vector<256x256xi1>, vector<256x256xi32>
    %reduce_min3A_47 = arith.constant dense<2147483647> : vector<256xi32>
    %reduce_min3A_48 = vector.multi_reduction <minsi>, %select_n3A_46, %reduce_min3A_47 [0] : vector<256x256xi32> to vector<256xi32>
    %broadcast_in_dim3A_49 = vector.shape_cast %reduce_min3A_48 : vector<256xi32> to vector<1x256xi32>
    %eq3A_50 = vector.broadcast %broadcast_in_dim3A_49 : vector<1x256xi32> to vector<256x256xi32>
    %eq3A_51 = arith.cmpi eq, %iota3A, %eq3A_50 : vector<256x256xi32>
    %jit3A_52 = arith.constant 0xFF800000 : f32
    %broadcast_in_dim3A_53 = vector.broadcast %jit3A_52 : f32 to vector<256x256xf32>
    %select_n3A_54 = arith.select %eq3A_51, %broadcast_in_dim3A_53, %select_n3A_38 : vector<256x256xi1>, vector<256x256xf32>
    %reduce_max3A_55 = arith.constant dense<0xFF800000> : vector<256xf32>
    %reduce_max3A_56 = vector.multi_reduction <maximumf>, %select_n3A_54, %reduce_max3A_55 [0] : vector<256x256xf32> to vector<256xf32>
    %broadcast_in_dim3A_57 = vector.shape_cast %reduce_max3A_56 : vector<256xf32> to vector<1x256xf32>
    %eq3A_58 = vector.broadcast %broadcast_in_dim3A_57 : vector<1x256xf32> to vector<256x256xf32>
    %eq3A_59 = arith.cmpf oeq, %select_n3A_54, %eq3A_58 : vector<256x256xf32>
    %jit3A_60 = arith.constant 1073741824 : i32
    %broadcast_in_dim3A_61 = vector.broadcast %jit3A_60 : i32 to vector<256x256xi32>
    %select_n3A_62 = arith.select %eq3A_59, %iota3A, %broadcast_in_dim3A_61 : vector<256x256xi1>, vector<256x256xi32>
    %reduce_min3A_63 = arith.constant dense<2147483647> : vector<256xi32>
    %reduce_min3A_64 = vector.multi_reduction <minsi>, %select_n3A_62, %reduce_min3A_63 [0] : vector<256x256xi32> to vector<256xi32>
    %broadcast_in_dim3A_65 = vector.shape_cast %reduce_min3A_64 : vector<256xi32> to vector<1x256xi32>
    %eq3A_66 = vector.broadcast %broadcast_in_dim3A_65 : vector<1x256xi32> to vector<256x256xi32>
    %eq3A_67 = arith.cmpi eq, %iota3A, %eq3A_66 : vector<256x256xi32>
    %jit3A_68 = arith.constant 0xFF800000 : f32
    %broadcast_in_dim3A_69 = vector.broadcast %jit3A_68 : f32 to vector<256x256xf32>
    %select_n3A_70 = arith.select %eq3A_67, %broadcast_in_dim3A_69, %select_n3A_54 : vector<256x256xi1>, vector<256x256xf32>
    %reduce_max3A_71 = arith.constant dense<0xFF800000> : vector<256xf32>
    %reduce_max3A_72 = vector.multi_reduction <maximumf>, %select_n3A_70, %reduce_max3A_71 [0] : vector<256x256xf32> to vector<256xf32>
    %broadcast_in_dim3A_73 = vector.shape_cast %reduce_max3A_72 : vector<256xf32> to vector<1x256xf32>
    %eq3A_74 = vector.broadcast %broadcast_in_dim3A_73 : vector<1x256xf32> to vector<256x256xf32>
    %eq3A_75 = arith.cmpf oeq, %select_n3A_70, %eq3A_74 : vector<256x256xf32>
    %jit3A_76 = arith.constant 1073741824 : i32
    %broadcast_in_dim3A_77 = vector.broadcast %jit3A_76 : i32 to vector<256x256xi32>
    %select_n3A_78 = arith.select %eq3A_75, %iota3A, %broadcast_in_dim3A_77 : vector<256x256xi1>, vector<256x256xi32>
    %reduce_min3A_79 = arith.constant dense<2147483647> : vector<256xi32>
    %reduce_min3A_80 = vector.multi_reduction <minsi>, %select_n3A_78, %reduce_min3A_79 [0] : vector<256x256xi32> to vector<256xi32>
    %broadcast_in_dim3A_81 = vector.shape_cast %reduce_min3A_80 : vector<256xi32> to vector<1x256xi32>
    %eq3A_82 = vector.broadcast %broadcast_in_dim3A_81 : vector<1x256xi32> to vector<256x256xi32>
    %eq3A_83 = arith.cmpi eq, %iota3A, %eq3A_82 : vector<256x256xi32>
    %jit3A_84 = arith.constant 0xFF800000 : f32
    %broadcast_in_dim3A_85 = vector.broadcast %jit3A_84 : f32 to vector<256x256xf32>
    %select_n3A_86 = arith.select %eq3A_83, %broadcast_in_dim3A_85, %select_n3A_70 : vector<256x256xi1>, vector<256x256xf32>
    %reduce_max3A_87 = arith.constant dense<0xFF800000> : vector<256xf32>
    %reduce_max3A_88 = vector.multi_reduction <maximumf>, %select_n3A_86, %reduce_max3A_87 [0] : vector<256x256xf32> to vector<256xf32>
    %broadcast_in_dim3A_89 = vector.shape_cast %reduce_max3A_88 : vector<256xf32> to vector<1x256xf32>
    %eq3A_90 = vector.broadcast %broadcast_in_dim3A_89 : vector<1x256xf32> to vector<256x256xf32>
    %eq3A_91 = arith.cmpf oeq, %select_n3A_86, %eq3A_90 : vector<256x256xf32>
    %jit3A_92 = arith.constant 1073741824 : i32
    %broadcast_in_dim3A_93 = vector.broadcast %jit3A_92 : i32 to vector<256x256xi32>
    %select_n3A_94 = arith.select %eq3A_91, %iota3A, %broadcast_in_dim3A_93 : vector<256x256xi1>, vector<256x256xi32>
    %reduce_min3A_95 = arith.constant dense<2147483647> : vector<256xi32>
    %reduce_min3A_96 = vector.multi_reduction <minsi>, %select_n3A_94, %reduce_min3A_95 [0] : vector<256x256xi32> to vector<256xi32>
    %broadcast_in_dim3A_97 = vector.shape_cast %reduce_min3A_96 : vector<256xi32> to vector<1x256xi32>
    %eq3A_98 = vector.broadcast %broadcast_in_dim3A_97 : vector<1x256xi32> to vector<256x256xi32>
    %eq3A_99 = arith.cmpi eq, %iota3A, %eq3A_98 : vector<256x256xi32>
    %jit3A_100 = arith.constant 0xFF800000 : f32
    %broadcast_in_dim3A_101 = vector.broadcast %jit3A_100 : f32 to vector<256x256xf32>
    %select_n3A_102 = arith.select %eq3A_99, %broadcast_in_dim3A_101, %select_n3A_86 : vector<256x256xi1>, vector<256x256xf32>
    %reduce_max3A_103 = arith.constant dense<0xFF800000> : vector<256xf32>
    %reduce_max3A_104 = vector.multi_reduction <maximumf>, %select_n3A_102, %reduce_max3A_103 [0] : vector<256x256xf32> to vector<256xf32>
    %broadcast_in_dim3A_105 = vector.shape_cast %reduce_max3A_104 : vector<256xf32> to vector<1x256xf32>
    %eq3A_106 = vector.broadcast %broadcast_in_dim3A_105 : vector<1x256xf32> to vector<256x256xf32>
    %eq3A_107 = arith.cmpf oeq, %select_n3A_102, %eq3A_106 : vector<256x256xf32>
    %jit3A_108 = arith.constant 1073741824 : i32
    %broadcast_in_dim3A_109 = vector.broadcast %jit3A_108 : i32 to vector<256x256xi32>
    %select_n3A_110 = arith.select %eq3A_107, %iota3A, %broadcast_in_dim3A_109 : vector<256x256xi1>, vector<256x256xi32>
    %reduce_min3A_111 = arith.constant dense<2147483647> : vector<256xi32>
    %reduce_min3A_112 = vector.multi_reduction <minsi>, %select_n3A_110, %reduce_min3A_111 [0] : vector<256x256xi32> to vector<256xi32>
    %broadcast_in_dim3A_113 = vector.shape_cast %reduce_min3A_112 : vector<256xi32> to vector<1x256xi32>
    %eq3A_114 = vector.broadcast %broadcast_in_dim3A_113 : vector<1x256xi32> to vector<256x256xi32>
    %eq3A_115 = arith.cmpi eq, %iota3A, %eq3A_114 : vector<256x256xi32>
    %jit3A_116 = arith.constant 0xFF800000 : f32
    %broadcast_in_dim3A_117 = vector.broadcast %jit3A_116 : f32 to vector<256x256xf32>
    %select_n3A_118 = arith.select %eq3A_115, %broadcast_in_dim3A_117, %select_n3A_102 : vector<256x256xi1>, vector<256x256xf32>
    %reduce_max3A_119 = arith.constant dense<0xFF800000> : vector<256xf32>
    %reduce_max3A_120 = vector.multi_reduction <maximumf>, %select_n3A_118, %reduce_max3A_119 [0] : vector<256x256xf32> to vector<256xf32>
    %broadcast_in_dim3A_121 = vector.shape_cast %reduce_max3A_120 : vector<256xf32> to vector<1x256xf32>
    %eq3A_122 = vector.broadcast %broadcast_in_dim3A_121 : vector<1x256xf32> to vector<256x256xf32>
    %eq3A_123 = arith.cmpf oeq, %select_n3A_118, %eq3A_122 : vector<256x256xf32>
    %jit3A_124 = arith.constant 1073741824 : i32
    %broadcast_in_dim3A_125 = vector.broadcast %jit3A_124 : i32 to vector<256x256xi32>
    %select_n3A_126 = arith.select %eq3A_123, %iota3A, %broadcast_in_dim3A_125 : vector<256x256xi1>, vector<256x256xi32>
    %reduce_min3A_127 = arith.constant dense<2147483647> : vector<256xi32>
    %reduce_min3A_128 = vector.multi_reduction <minsi>, %select_n3A_126, %reduce_min3A_127 [0] : vector<256x256xi32> to vector<256xi32>
    %broadcast_in_dim3A_129 = vector.shape_cast %reduce_min3A_128 : vector<256xi32> to vector<1x256xi32>
    %eq3A_130 = vector.broadcast %broadcast_in_dim3A_129 : vector<1x256xi32> to vector<256x256xi32>
    %eq3A_131 = arith.cmpi eq, %iota3A, %eq3A_130 : vector<256x256xi32>
    %jit3A_132 = arith.constant 0xFF800000 : f32
    %broadcast_in_dim3A_133 = vector.broadcast %jit3A_132 : f32 to vector<256x256xf32>
    %select_n3A_134 = arith.select %eq3A_131, %broadcast_in_dim3A_133, %select_n3A_118 : vector<256x256xi1>, vector<256x256xf32>
    %reduce_max3A_135 = arith.constant dense<0xFF800000> : vector<256xf32>
    %reduce_max3A_136 = vector.multi_reduction <maximumf>, %select_n3A_134, %reduce_max3A_135 [0] : vector<256x256xf32> to vector<256xf32>
    %broadcast_in_dim3A_137 = vector.shape_cast %reduce_max3A_136 : vector<256xf32> to vector<1x256xf32>
    %eq3A_138 = vector.broadcast %broadcast_in_dim3A_137 : vector<1x256xf32> to vector<256x256xf32>
    %eq3A_139 = arith.cmpf oeq, %select_n3A_134, %eq3A_138 : vector<256x256xf32>
    %jit3A_140 = arith.constant 1073741824 : i32
    %broadcast_in_dim3A_141 = vector.broadcast %jit3A_140 : i32 to vector<256x256xi32>
    %select_n3A_142 = arith.select %eq3A_139, %iota3A, %broadcast_in_dim3A_141 : vector<256x256xi1>, vector<256x256xi32>
    %reduce_min3A_143 = arith.constant dense<2147483647> : vector<256xi32>
    %reduce_min3A_144 = vector.multi_reduction <minsi>, %select_n3A_142, %reduce_min3A_143 [0] : vector<256x256xi32> to vector<256xi32>
    %broadcast_in_dim3A_145 = vector.shape_cast %reduce_min3A_144 : vector<256xi32> to vector<1x256xi32>
    %eq3A_146 = vector.broadcast %broadcast_in_dim3A_145 : vector<1x256xi32> to vector<256x256xi32>
    %eq3A_147 = arith.cmpi eq, %iota3A, %eq3A_146 : vector<256x256xi32>
    %jit3A_148 = arith.constant 0xFF800000 : f32
    %broadcast_in_dim3A_149 = vector.broadcast %jit3A_148 : f32 to vector<256x256xf32>
    %select_n3A_150 = arith.select %eq3A_147, %broadcast_in_dim3A_149, %select_n3A_134 : vector<256x256xi1>, vector<256x256xf32>
    %reduce_max3A_151 = arith.constant dense<0xFF800000> : vector<256xf32>
    %reduce_max3A_152 = vector.multi_reduction <maximumf>, %select_n3A_150, %reduce_max3A_151 [0] : vector<256x256xf32> to vector<256xf32>
    %broadcast_in_dim3A_153 = vector.shape_cast %reduce_max3A_152 : vector<256xf32> to vector<1x256xf32>
    %eq3A_154 = vector.broadcast %broadcast_in_dim3A_153 : vector<1x256xf32> to vector<256x256xf32>
    %eq3A_155 = arith.cmpf oeq, %select_n3A_150, %eq3A_154 : vector<256x256xf32>
    %jit3A_156 = arith.constant 1073741824 : i32
    %broadcast_in_dim3A_157 = vector.broadcast %jit3A_156 : i32 to vector<256x256xi32>
    %select_n3A_158 = arith.select %eq3A_155, %iota3A, %broadcast_in_dim3A_157 : vector<256x256xi1>, vector<256x256xi32>
    %reduce_min3A_159 = arith.constant dense<2147483647> : vector<256xi32>
    %reduce_min3A_160 = vector.multi_reduction <minsi>, %select_n3A_158, %reduce_min3A_159 [0] : vector<256x256xi32> to vector<256xi32>
    %broadcast_in_dim3A_161 = vector.shape_cast %reduce_min3A_160 : vector<256xi32> to vector<1x256xi32>
    %eq3A_162 = vector.broadcast %broadcast_in_dim3A_161 : vector<1x256xi32> to vector<256x256xi32>
    %eq3A_163 = arith.cmpi eq, %iota3A, %eq3A_162 : vector<256x256xi32>
    %jit3A_164 = arith.constant 0xFF800000 : f32
    %broadcast_in_dim3A_165 = vector.broadcast %jit3A_164 : f32 to vector<256x256xf32>
    %select_n3A_166 = arith.select %eq3A_163, %broadcast_in_dim3A_165, %select_n3A_150 : vector<256x256xi1>, vector<256x256xf32>
    %reduce_max3A_167 = arith.constant dense<0xFF800000> : vector<256xf32>
    %reduce_max3A_168 = vector.multi_reduction <maximumf>, %select_n3A_166, %reduce_max3A_167 [0] : vector<256x256xf32> to vector<256xf32>
    %broadcast_in_dim3A_169 = vector.shape_cast %reduce_max3A_168 : vector<256xf32> to vector<1x256xf32>
    %eq3A_170 = vector.broadcast %broadcast_in_dim3A_169 : vector<1x256xf32> to vector<256x256xf32>
    %eq3A_171 = arith.cmpf oeq, %select_n3A_166, %eq3A_170 : vector<256x256xf32>
    %jit3A_172 = arith.constant 1073741824 : i32
    %broadcast_in_dim3A_173 = vector.broadcast %jit3A_172 : i32 to vector<256x256xi32>
    %select_n3A_174 = arith.select %eq3A_171, %iota3A, %broadcast_in_dim3A_173 : vector<256x256xi1>, vector<256x256xi32>
    %reduce_min3A_175 = arith.constant dense<2147483647> : vector<256xi32>
    %reduce_min3A_176 = vector.multi_reduction <minsi>, %select_n3A_174, %reduce_min3A_175 [0] : vector<256x256xi32> to vector<256xi32>
    %broadcast_in_dim3A_177 = vector.shape_cast %reduce_min3A_176 : vector<256xi32> to vector<1x256xi32>
    %eq3A_178 = vector.broadcast %broadcast_in_dim3A_177 : vector<1x256xi32> to vector<256x256xi32>
    %eq3A_179 = arith.cmpi eq, %iota3A, %eq3A_178 : vector<256x256xi32>
    %jit3A_180 = arith.constant 0xFF800000 : f32
    %broadcast_in_dim3A_181 = vector.broadcast %jit3A_180 : f32 to vector<256x256xf32>
    %select_n3A_182 = arith.select %eq3A_179, %broadcast_in_dim3A_181, %select_n3A_166 : vector<256x256xi1>, vector<256x256xf32>
    %reduce_max3A_183 = arith.constant dense<0xFF800000> : vector<256xf32>
    %reduce_max3A_184 = vector.multi_reduction <maximumf>, %select_n3A_182, %reduce_max3A_183 [0] : vector<256x256xf32> to vector<256xf32>
    %broadcast_in_dim3A_185 = vector.shape_cast %reduce_max3A_184 : vector<256xf32> to vector<1x256xf32>
    %eq3A_186 = vector.broadcast %broadcast_in_dim3A_185 : vector<1x256xf32> to vector<256x256xf32>
    %eq3A_187 = arith.cmpf oeq, %select_n3A_182, %eq3A_186 : vector<256x256xf32>
    %jit3A_188 = arith.constant 1073741824 : i32
    %broadcast_in_dim3A_189 = vector.broadcast %jit3A_188 : i32 to vector<256x256xi32>
    %select_n3A_190 = arith.select %eq3A_187, %iota3A, %broadcast_in_dim3A_189 : vector<256x256xi1>, vector<256x256xi32>
    %reduce_min3A_191 = arith.constant dense<2147483647> : vector<256xi32>
    %reduce_min3A_192 = vector.multi_reduction <minsi>, %select_n3A_190, %reduce_min3A_191 [0] : vector<256x256xi32> to vector<256xi32>
    %broadcast_in_dim3A_193 = vector.shape_cast %reduce_min3A_192 : vector<256xi32> to vector<1x256xi32>
    %eq3A_194 = vector.broadcast %broadcast_in_dim3A_193 : vector<1x256xi32> to vector<256x256xi32>
    %eq3A_195 = arith.cmpi eq, %iota3A, %eq3A_194 : vector<256x256xi32>
    %jit3A_196 = arith.constant 0xFF800000 : f32
    %broadcast_in_dim3A_197 = vector.broadcast %jit3A_196 : f32 to vector<256x256xf32>
    %select_n3A_198 = arith.select %eq3A_195, %broadcast_in_dim3A_197, %select_n3A_182 : vector<256x256xi1>, vector<256x256xf32>
    %reduce_max3A_199 = arith.constant dense<0xFF800000> : vector<256xf32>
    %reduce_max3A_200 = vector.multi_reduction <maximumf>, %select_n3A_198, %reduce_max3A_199 [0] : vector<256x256xf32> to vector<256xf32>
    %broadcast_in_dim3A_201 = vector.shape_cast %reduce_max3A_200 : vector<256xf32> to vector<1x256xf32>
    %eq3A_202 = vector.broadcast %broadcast_in_dim3A_201 : vector<1x256xf32> to vector<256x256xf32>
    %eq3A_203 = arith.cmpf oeq, %select_n3A_198, %eq3A_202 : vector<256x256xf32>
    %jit3A_204 = arith.constant 1073741824 : i32
    %broadcast_in_dim3A_205 = vector.broadcast %jit3A_204 : i32 to vector<256x256xi32>
    %select_n3A_206 = arith.select %eq3A_203, %iota3A, %broadcast_in_dim3A_205 : vector<256x256xi1>, vector<256x256xi32>
    %reduce_min3A_207 = arith.constant dense<2147483647> : vector<256xi32>
    %reduce_min3A_208 = vector.multi_reduction <minsi>, %select_n3A_206, %reduce_min3A_207 [0] : vector<256x256xi32> to vector<256xi32>
    %broadcast_in_dim3A_209 = vector.shape_cast %reduce_min3A_208 : vector<256xi32> to vector<1x256xi32>
    %eq3A_210 = vector.broadcast %broadcast_in_dim3A_209 : vector<1x256xi32> to vector<256x256xi32>
    %eq3A_211 = arith.cmpi eq, %iota3A, %eq3A_210 : vector<256x256xi32>
    %jit3A_212 = arith.constant 0xFF800000 : f32
    %broadcast_in_dim3A_213 = vector.broadcast %jit3A_212 : f32 to vector<256x256xf32>
    %select_n3A_214 = arith.select %eq3A_211, %broadcast_in_dim3A_213, %select_n3A_198 : vector<256x256xi1>, vector<256x256xf32>
    %reduce_max3A_215 = arith.constant dense<0xFF800000> : vector<256xf32>
    %reduce_max3A_216 = vector.multi_reduction <maximumf>, %select_n3A_214, %reduce_max3A_215 [0] : vector<256x256xf32> to vector<256xf32>
    %broadcast_in_dim3A_217 = vector.shape_cast %reduce_max3A_216 : vector<256xf32> to vector<1x256xf32>
    %eq3A_218 = vector.broadcast %broadcast_in_dim3A_217 : vector<1x256xf32> to vector<256x256xf32>
    %eq3A_219 = arith.cmpf oeq, %select_n3A_214, %eq3A_218 : vector<256x256xf32>
    %jit3A_220 = arith.constant 1073741824 : i32
    %broadcast_in_dim3A_221 = vector.broadcast %jit3A_220 : i32 to vector<256x256xi32>
    %select_n3A_222 = arith.select %eq3A_219, %iota3A, %broadcast_in_dim3A_221 : vector<256x256xi1>, vector<256x256xi32>
    %reduce_min3A_223 = arith.constant dense<2147483647> : vector<256xi32>
    %reduce_min3A_224 = vector.multi_reduction <minsi>, %select_n3A_222, %reduce_min3A_223 [0] : vector<256x256xi32> to vector<256xi32>
    %broadcast_in_dim3A_225 = vector.shape_cast %reduce_min3A_224 : vector<256xi32> to vector<1x256xi32>
    %eq3A_226 = vector.broadcast %broadcast_in_dim3A_225 : vector<1x256xi32> to vector<256x256xi32>
    %eq3A_227 = arith.cmpi eq, %iota3A, %eq3A_226 : vector<256x256xi32>
    %jit3A_228 = arith.constant 0xFF800000 : f32
    %broadcast_in_dim3A_229 = vector.broadcast %jit3A_228 : f32 to vector<256x256xf32>
    %select_n3A_230 = arith.select %eq3A_227, %broadcast_in_dim3A_229, %select_n3A_214 : vector<256x256xi1>, vector<256x256xf32>
    %reduce_max3A_231 = arith.constant dense<0xFF800000> : vector<256xf32>
    %reduce_max3A_232 = vector.multi_reduction <maximumf>, %select_n3A_230, %reduce_max3A_231 [0] : vector<256x256xf32> to vector<256xf32>
    %broadcast_in_dim3A_233 = vector.shape_cast %reduce_max3A_232 : vector<256xf32> to vector<1x256xf32>
    %eq3A_234 = vector.broadcast %broadcast_in_dim3A_233 : vector<1x256xf32> to vector<256x256xf32>
    %eq3A_235 = arith.cmpf oeq, %select_n3A_230, %eq3A_234 : vector<256x256xf32>
    %jit3A_236 = arith.constant 1073741824 : i32
    %broadcast_in_dim3A_237 = vector.broadcast %jit3A_236 : i32 to vector<256x256xi32>
    %select_n3A_238 = arith.select %eq3A_235, %iota3A, %broadcast_in_dim3A_237 : vector<256x256xi1>, vector<256x256xi32>
    %reduce_min3A_239 = arith.constant dense<2147483647> : vector<256xi32>
    %reduce_min3A_240 = vector.multi_reduction <minsi>, %select_n3A_238, %reduce_min3A_239 [0] : vector<256x256xi32> to vector<256xi32>
    %broadcast_in_dim3A_241 = vector.shape_cast %reduce_min3A_240 : vector<256xi32> to vector<1x256xi32>
    %eq3A_242 = vector.broadcast %broadcast_in_dim3A_241 : vector<1x256xi32> to vector<256x256xi32>
    %eq3A_243 = arith.cmpi eq, %iota3A, %eq3A_242 : vector<256x256xi32>
    %jit3A_244 = arith.constant 0xFF800000 : f32
    %broadcast_in_dim3A_245 = vector.broadcast %jit3A_244 : f32 to vector<256x256xf32>
    %select_n3A_246 = arith.select %eq3A_243, %broadcast_in_dim3A_245, %select_n3A_230 : vector<256x256xi1>, vector<256x256xf32>
    %reduce_max3A_247 = arith.constant dense<0xFF800000> : vector<256xf32>
    %reduce_max3A_248 = vector.multi_reduction <maximumf>, %select_n3A_246, %reduce_max3A_247 [0] : vector<256x256xf32> to vector<256xf32>
    %broadcast_in_dim3A_249 = vector.shape_cast %reduce_max3A_248 : vector<256xf32> to vector<1x256xf32>
    %eq3A_250 = vector.broadcast %broadcast_in_dim3A_249 : vector<1x256xf32> to vector<256x256xf32>
    %eq3A_251 = arith.cmpf oeq, %select_n3A_246, %eq3A_250 : vector<256x256xf32>
    %jit3A_252 = arith.constant 1073741824 : i32
    %broadcast_in_dim3A_253 = vector.broadcast %jit3A_252 : i32 to vector<256x256xi32>
    %select_n3A_254 = arith.select %eq3A_251, %iota3A, %broadcast_in_dim3A_253 : vector<256x256xi1>, vector<256x256xi32>
    %reduce_min3A_255 = arith.constant dense<2147483647> : vector<256xi32>
    %reduce_min3A_256 = vector.multi_reduction <minsi>, %select_n3A_254, %reduce_min3A_255 [0] : vector<256x256xi32> to vector<256xi32>
    %broadcast_in_dim3A_257 = vector.shape_cast %reduce_min3A_256 : vector<256xi32> to vector<1x256xi32>
    %eq3A_258 = vector.broadcast %broadcast_in_dim3A_257 : vector<1x256xi32> to vector<256x256xi32>
    %eq3A_259 = arith.cmpi eq, %iota3A, %eq3A_258 : vector<256x256xi32>
    %jit3A_260 = arith.constant 0xFF800000 : f32
    %broadcast_in_dim3A_261 = vector.broadcast %jit3A_260 : f32 to vector<256x256xf32>
    %select_n3A_262 = arith.select %eq3A_259, %broadcast_in_dim3A_261, %select_n3A_246 : vector<256x256xi1>, vector<256x256xf32>
    %reduce_max3A_263 = arith.constant dense<0xFF800000> : vector<256xf32>
    %reduce_max3A_264 = vector.multi_reduction <maximumf>, %select_n3A_262, %reduce_max3A_263 [0] : vector<256x256xf32> to vector<256xf32>
    %broadcast_in_dim3A_265 = vector.shape_cast %reduce_max3A_264 : vector<256xf32> to vector<1x256xf32>
    %eq3A_266 = vector.broadcast %broadcast_in_dim3A_265 : vector<1x256xf32> to vector<256x256xf32>
    %eq3A_267 = arith.cmpf oeq, %select_n3A_262, %eq3A_266 : vector<256x256xf32>
    %jit3A_268 = arith.constant 1073741824 : i32
    %broadcast_in_dim3A_269 = vector.broadcast %jit3A_268 : i32 to vector<256x256xi32>
    %select_n3A_270 = arith.select %eq3A_267, %iota3A, %broadcast_in_dim3A_269 : vector<256x256xi1>, vector<256x256xi32>
    %reduce_min3A_271 = arith.constant dense<2147483647> : vector<256xi32>
    %reduce_min3A_272 = vector.multi_reduction <minsi>, %select_n3A_270, %reduce_min3A_271 [0] : vector<256x256xi32> to vector<256xi32>
    %broadcast_in_dim3A_273 = vector.shape_cast %reduce_min3A_272 : vector<256xi32> to vector<1x256xi32>
    %concatenate3A = tpu.concatenate %broadcast_in_dim3A_29, %broadcast_in_dim3A_41, %broadcast_in_dim3A_57, %broadcast_in_dim3A_73, %broadcast_in_dim3A_89, %broadcast_in_dim3A_105, %broadcast_in_dim3A_121, %broadcast_in_dim3A_137, %broadcast_in_dim3A_153, %broadcast_in_dim3A_169, %broadcast_in_dim3A_185, %broadcast_in_dim3A_201, %broadcast_in_dim3A_217, %broadcast_in_dim3A_233, %broadcast_in_dim3A_249, %broadcast_in_dim3A_265 in 0 : vector<1x256xf32>, vector<1x256xf32>, vector<1x256xf32>, vector<1x256xf32>, vector<1x256xf32>, vector<1x256xf32>, vector<1x256xf32>, vector<1x256xf32>, vector<1x256xf32>, vector<1x256xf32>, vector<1x256xf32>, vector<1x256xf32>, vector<1x256xf32>, vector<1x256xf32>, vector<1x256xf32>, vector<1x256xf32> -> vector<16x256xf32>
    %concatenate3A_274 = tpu.concatenate %broadcast_in_dim3A_33, %broadcast_in_dim3A_49, %broadcast_in_dim3A_65, %broadcast_in_dim3A_81, %broadcast_in_dim3A_97, %broadcast_in_dim3A_113, %broadcast_in_dim3A_129, %broadcast_in_dim3A_145, %broadcast_in_dim3A_161, %broadcast_in_dim3A_177, %broadcast_in_dim3A_193, %broadcast_in_dim3A_209, %broadcast_in_dim3A_225, %broadcast_in_dim3A_241, %broadcast_in_dim3A_257, %broadcast_in_dim3A_273 in 0 : vector<1x256xi32>, vector<1x256xi32>, vector<1x256xi32>, vector<1x256xi32>, vector<1x256xi32>, vector<1x256xi32>, vector<1x256xi32>, vector<1x256xi32>, vector<1x256xi32>, vector<1x256xi32>, vector<1x256xi32>, vector<1x256xi32>, vector<1x256xi32>, vector<1x256xi32>, vector<1x256xi32>, vector<1x256xi32> -> vector<16x256xi32>
    %convert_element_type3A = arith.sitofp %concatenate3A_274 : vector<16x256xi32> to vector<16x256xf32>
    %slice3A_275 = vector.extract_strided_slice %dot_general3A_5 {offsets = [0, 256], sizes = [256, 256], strides = [1, 1]} : vector<256x1024xf32> to vector<256x256xf32>
    %reduce_sum3A_276 = arith.constant dense<0.000000e+00> : vector<256xf32>
    %reduce_sum3A_277 = vector.multi_reduction <add>, %slice3A_275, %reduce_sum3A_276 [1] : vector<256x256xf32> to vector<256xf32>
    %broadcast_in_dim3A_278 = vector.shape_cast %reduce_sum3A_277 : vector<256xf32> to vector<256x1xf32>
    %div3A_279 = arith.constant 2.560000e+02 : f32
    %div3A_280 = vector.broadcast %div3A_279 : f32 to vector<256x1xf32>
    %div3A_281 = arith.divf %broadcast_in_dim3A_278, %div3A_280 : vector<256x1xf32>
    %sub3A_282 = vector.broadcast %div3A_281 : vector<256x1xf32> to vector<256x256xf32>
    %sub3A_283 = arith.subf %slice3A_275, %sub3A_282 : vector<256x256xf32>
    %mul3A_284 = arith.mulf %sub3A_283, %sub3A_283 : vector<256x256xf32>
    %reduce_sum3A_285 = arith.constant dense<0.000000e+00> : vector<256xf32>
    %reduce_sum3A_286 = vector.multi_reduction <add>, %mul3A_284, %reduce_sum3A_285 [1] : vector<256x256xf32> to vector<256xf32>
    %broadcast_in_dim3A_287 = vector.shape_cast %reduce_sum3A_286 : vector<256xf32> to vector<256x1xf32>
    %div3A_288 = arith.constant 2.560000e+02 : f32
    %div3A_289 = vector.broadcast %div3A_288 : f32 to vector<256x1xf32>
    %div3A_290 = arith.divf %broadcast_in_dim3A_287, %div3A_289 : vector<256x1xf32>
    %add3A_291 = arith.constant 9.99999974E-6 : f32
    %add3A_292 = vector.broadcast %add3A_291 : f32 to vector<256x1xf32>
    %add3A_293 = arith.addf %div3A_290, %add3A_292 : vector<256x1xf32>
    %rsqrt3A_294 = math.rsqrt %add3A_293 : vector<256x1xf32>
    %mul3A_295 = vector.broadcast %rsqrt3A_294 : vector<256x1xf32> to vector<256x256xf32>
    %mul3A_296 = arith.mulf %sub3A_283, %mul3A_295 : vector<256x256xf32>
    %get3A_297 = arith.constant 1 : index
    %get3A_298 = arith.constant 0 : index
    %get3A_299 = arith.constant 0 : index
    %get3A_300 = vector.load %arg3[%get3A_297, %get3A_298, %get3A_299] : memref<4x256x256xf32, #tpu.memory_space<vmem>>, vector<1x256x256xf32>
    %get3A_301 = vector.shape_cast %get3A_300 : vector<1x256x256xf32> to vector<256x256xf32>
    %dot_general3A_302 = arith.constant dense<0.000000e+00> : vector<256x256xf32>
    %dot_general3A_303 = tpu.matmul %get3A_301, %mul3A_296, %dot_general3A_302 {dimension_numbers = #tpu.dot_dimension_numbers<[1], [1], [0], [0], [0, 0, 1, 0], [], []>, transpose_lhs_hint = false} : vector<256x256xf32>, vector<256x256xf32>, vector<256x256xf32> -> vector<256x256xf32>
    %reduce_max3A_304 = arith.constant dense<0xFF800000> : vector<256xf32>
    %reduce_max3A_305 = vector.multi_reduction <maximumf>, %dot_general3A_303, %reduce_max3A_304 [0] : vector<256x256xf32> to vector<256xf32>
    %broadcast_in_dim3A_306 = vector.shape_cast %reduce_max3A_305 : vector<256xf32> to vector<1x256xf32>
    %eq3A_307 = vector.broadcast %broadcast_in_dim3A_306 : vector<1x256xf32> to vector<256x256xf32>
    %eq3A_308 = arith.cmpf oeq, %dot_general3A_303, %eq3A_307 : vector<256x256xf32>
    %jit3A_309 = arith.constant 1073741824 : i32
    %broadcast_in_dim3A_310 = vector.broadcast %jit3A_309 : i32 to vector<256x256xi32>
    %select_n3A_311 = arith.select %eq3A_308, %iota3A, %broadcast_in_dim3A_310 : vector<256x256xi1>, vector<256x256xi32>
    %reduce_min3A_312 = arith.constant dense<2147483647> : vector<256xi32>
    %reduce_min3A_313 = vector.multi_reduction <minsi>, %select_n3A_311, %reduce_min3A_312 [0] : vector<256x256xi32> to vector<256xi32>
    %broadcast_in_dim3A_314 = vector.shape_cast %reduce_min3A_313 : vector<256xi32> to vector<1x256xi32>
    %eq3A_315 = vector.broadcast %broadcast_in_dim3A_314 : vector<1x256xi32> to vector<256x256xi32>
    %eq3A_316 = arith.cmpi eq, %iota3A, %eq3A_315 : vector<256x256xi32>
    %jit3A_317 = arith.constant 0xFF800000 : f32
    %broadcast_in_dim3A_318 = vector.broadcast %jit3A_317 : f32 to vector<256x256xf32>
    %select_n3A_319 = arith.select %eq3A_316, %broadcast_in_dim3A_318, %dot_general3A_303 : vector<256x256xi1>, vector<256x256xf32>
    %reduce_max3A_320 = arith.constant dense<0xFF800000> : vector<256xf32>
    %reduce_max3A_321 = vector.multi_reduction <maximumf>, %select_n3A_319, %reduce_max3A_320 [0] : vector<256x256xf32> to vector<256xf32>
    %broadcast_in_dim3A_322 = vector.shape_cast %reduce_max3A_321 : vector<256xf32> to vector<1x256xf32>
    %eq3A_323 = vector.broadcast %broadcast_in_dim3A_322 : vector<1x256xf32> to vector<256x256xf32>
    %eq3A_324 = arith.cmpf oeq, %select_n3A_319, %eq3A_323 : vector<256x256xf32>
    %jit3A_325 = arith.constant 1073741824 : i32
    %broadcast_in_dim3A_326 = vector.broadcast %jit3A_325 : i32 to vector<256x256xi32>
    %select_n3A_327 = arith.select %eq3A_324, %iota3A, %broadcast_in_dim3A_326 : vector<256x256xi1>, vector<256x256xi32>
    %reduce_min3A_328 = arith.constant dense<2147483647> : vector<256xi32>
    %reduce_min3A_329 = vector.multi_reduction <minsi>, %select_n3A_327, %reduce_min3A_328 [0] : vector<256x256xi32> to vector<256xi32>
    %broadcast_in_dim3A_330 = vector.shape_cast %reduce_min3A_329 : vector<256xi32> to vector<1x256xi32>
    %eq3A_331 = vector.broadcast %broadcast_in_dim3A_330 : vector<1x256xi32> to vector<256x256xi32>
    %eq3A_332 = arith.cmpi eq, %iota3A, %eq3A_331 : vector<256x256xi32>
    %jit3A_333 = arith.constant 0xFF800000 : f32
    %broadcast_in_dim3A_334 = vector.broadcast %jit3A_333 : f32 to vector<256x256xf32>
    %select_n3A_335 = arith.select %eq3A_332, %broadcast_in_dim3A_334, %select_n3A_319 : vector<256x256xi1>, vector<256x256xf32>
    %reduce_max3A_336 = arith.constant dense<0xFF800000> : vector<256xf32>
    %reduce_max3A_337 = vector.multi_reduction <maximumf>, %select_n3A_335, %reduce_max3A_336 [0] : vector<256x256xf32> to vector<256xf32>
    %broadcast_in_dim3A_338 = vector.shape_cast %reduce_max3A_337 : vector<256xf32> to vector<1x256xf32>
    %eq3A_339 = vector.broadcast %broadcast_in_dim3A_338 : vector<1x256xf32> to vector<256x256xf32>
    %eq3A_340 = arith.cmpf oeq, %select_n3A_335, %eq3A_339 : vector<256x256xf32>
    %jit3A_341 = arith.constant 1073741824 : i32
    %broadcast_in_dim3A_342 = vector.broadcast %jit3A_341 : i32 to vector<256x256xi32>
    %select_n3A_343 = arith.select %eq3A_340, %iota3A, %broadcast_in_dim3A_342 : vector<256x256xi1>, vector<256x256xi32>
    %reduce_min3A_344 = arith.constant dense<2147483647> : vector<256xi32>
    %reduce_min3A_345 = vector.multi_reduction <minsi>, %select_n3A_343, %reduce_min3A_344 [0] : vector<256x256xi32> to vector<256xi32>
    %broadcast_in_dim3A_346 = vector.shape_cast %reduce_min3A_345 : vector<256xi32> to vector<1x256xi32>
    %eq3A_347 = vector.broadcast %broadcast_in_dim3A_346 : vector<1x256xi32> to vector<256x256xi32>
    %eq3A_348 = arith.cmpi eq, %iota3A, %eq3A_347 : vector<256x256xi32>
    %jit3A_349 = arith.constant 0xFF800000 : f32
    %broadcast_in_dim3A_350 = vector.broadcast %jit3A_349 : f32 to vector<256x256xf32>
    %select_n3A_351 = arith.select %eq3A_348, %broadcast_in_dim3A_350, %select_n3A_335 : vector<256x256xi1>, vector<256x256xf32>
    %reduce_max3A_352 = arith.constant dense<0xFF800000> : vector<256xf32>
    %reduce_max3A_353 = vector.multi_reduction <maximumf>, %select_n3A_351, %reduce_max3A_352 [0] : vector<256x256xf32> to vector<256xf32>
    %broadcast_in_dim3A_354 = vector.shape_cast %reduce_max3A_353 : vector<256xf32> to vector<1x256xf32>
    %eq3A_355 = vector.broadcast %broadcast_in_dim3A_354 : vector<1x256xf32> to vector<256x256xf32>
    %eq3A_356 = arith.cmpf oeq, %select_n3A_351, %eq3A_355 : vector<256x256xf32>
    %jit3A_357 = arith.constant 1073741824 : i32
    %broadcast_in_dim3A_358 = vector.broadcast %jit3A_357 : i32 to vector<256x256xi32>
    %select_n3A_359 = arith.select %eq3A_356, %iota3A, %broadcast_in_dim3A_358 : vector<256x256xi1>, vector<256x256xi32>
    %reduce_min3A_360 = arith.constant dense<2147483647> : vector<256xi32>
    %reduce_min3A_361 = vector.multi_reduction <minsi>, %select_n3A_359, %reduce_min3A_360 [0] : vector<256x256xi32> to vector<256xi32>
    %broadcast_in_dim3A_362 = vector.shape_cast %reduce_min3A_361 : vector<256xi32> to vector<1x256xi32>
    %eq3A_363 = vector.broadcast %broadcast_in_dim3A_362 : vector<1x256xi32> to vector<256x256xi32>
    %eq3A_364 = arith.cmpi eq, %iota3A, %eq3A_363 : vector<256x256xi32>
    %jit3A_365 = arith.constant 0xFF800000 : f32
    %broadcast_in_dim3A_366 = vector.broadcast %jit3A_365 : f32 to vector<256x256xf32>
    %select_n3A_367 = arith.select %eq3A_364, %broadcast_in_dim3A_366, %select_n3A_351 : vector<256x256xi1>, vector<256x256xf32>
    %reduce_max3A_368 = arith.constant dense<0xFF800000> : vector<256xf32>
    %reduce_max3A_369 = vector.multi_reduction <maximumf>, %select_n3A_367, %reduce_max3A_368 [0] : vector<256x256xf32> to vector<256xf32>
    %broadcast_in_dim3A_370 = vector.shape_cast %reduce_max3A_369 : vector<256xf32> to vector<1x256xf32>
    %eq3A_371 = vector.broadcast %broadcast_in_dim3A_370 : vector<1x256xf32> to vector<256x256xf32>
    %eq3A_372 = arith.cmpf oeq, %select_n3A_367, %eq3A_371 : vector<256x256xf32>
    %jit3A_373 = arith.constant 1073741824 : i32
    %broadcast_in_dim3A_374 = vector.broadcast %jit3A_373 : i32 to vector<256x256xi32>
    %select_n3A_375 = arith.select %eq3A_372, %iota3A, %broadcast_in_dim3A_374 : vector<256x256xi1>, vector<256x256xi32>
    %reduce_min3A_376 = arith.constant dense<2147483647> : vector<256xi32>
    %reduce_min3A_377 = vector.multi_reduction <minsi>, %select_n3A_375, %reduce_min3A_376 [0] : vector<256x256xi32> to vector<256xi32>
    %broadcast_in_dim3A_378 = vector.shape_cast %reduce_min3A_377 : vector<256xi32> to vector<1x256xi32>
    %eq3A_379 = vector.broadcast %broadcast_in_dim3A_378 : vector<1x256xi32> to vector<256x256xi32>
    %eq3A_380 = arith.cmpi eq, %iota3A, %eq3A_379 : vector<256x256xi32>
    %jit3A_381 = arith.constant 0xFF800000 : f32
    %broadcast_in_dim3A_382 = vector.broadcast %jit3A_381 : f32 to vector<256x256xf32>
    %select_n3A_383 = arith.select %eq3A_380, %broadcast_in_dim3A_382, %select_n3A_367 : vector<256x256xi1>, vector<256x256xf32>
    %reduce_max3A_384 = arith.constant dense<0xFF800000> : vector<256xf32>
    %reduce_max3A_385 = vector.multi_reduction <maximumf>, %select_n3A_383, %reduce_max3A_384 [0] : vector<256x256xf32> to vector<256xf32>
    %broadcast_in_dim3A_386 = vector.shape_cast %reduce_max3A_385 : vector<256xf32> to vector<1x256xf32>
    %eq3A_387 = vector.broadcast %broadcast_in_dim3A_386 : vector<1x256xf32> to vector<256x256xf32>
    %eq3A_388 = arith.cmpf oeq, %select_n3A_383, %eq3A_387 : vector<256x256xf32>
    %jit3A_389 = arith.constant 1073741824 : i32
    %broadcast_in_dim3A_390 = vector.broadcast %jit3A_389 : i32 to vector<256x256xi32>
    %select_n3A_391 = arith.select %eq3A_388, %iota3A, %broadcast_in_dim3A_390 : vector<256x256xi1>, vector<256x256xi32>
    %reduce_min3A_392 = arith.constant dense<2147483647> : vector<256xi32>
    %reduce_min3A_393 = vector.multi_reduction <minsi>, %select_n3A_391, %reduce_min3A_392 [0] : vector<256x256xi32> to vector<256xi32>
    %broadcast_in_dim3A_394 = vector.shape_cast %reduce_min3A_393 : vector<256xi32> to vector<1x256xi32>
    %eq3A_395 = vector.broadcast %broadcast_in_dim3A_394 : vector<1x256xi32> to vector<256x256xi32>
    %eq3A_396 = arith.cmpi eq, %iota3A, %eq3A_395 : vector<256x256xi32>
    %jit3A_397 = arith.constant 0xFF800000 : f32
    %broadcast_in_dim3A_398 = vector.broadcast %jit3A_397 : f32 to vector<256x256xf32>
    %select_n3A_399 = arith.select %eq3A_396, %broadcast_in_dim3A_398, %select_n3A_383 : vector<256x256xi1>, vector<256x256xf32>
    %reduce_max3A_400 = arith.constant dense<0xFF800000> : vector<256xf32>
    %reduce_max3A_401 = vector.multi_reduction <maximumf>, %select_n3A_399, %reduce_max3A_400 [0] : vector<256x256xf32> to vector<256xf32>
    %broadcast_in_dim3A_402 = vector.shape_cast %reduce_max3A_401 : vector<256xf32> to vector<1x256xf32>
    %eq3A_403 = vector.broadcast %broadcast_in_dim3A_402 : vector<1x256xf32> to vector<256x256xf32>
    %eq3A_404 = arith.cmpf oeq, %select_n3A_399, %eq3A_403 : vector<256x256xf32>
    %jit3A_405 = arith.constant 1073741824 : i32
    %broadcast_in_dim3A_406 = vector.broadcast %jit3A_405 : i32 to vector<256x256xi32>
    %select_n3A_407 = arith.select %eq3A_404, %iota3A, %broadcast_in_dim3A_406 : vector<256x256xi1>, vector<256x256xi32>
    %reduce_min3A_408 = arith.constant dense<2147483647> : vector<256xi32>
    %reduce_min3A_409 = vector.multi_reduction <minsi>, %select_n3A_407, %reduce_min3A_408 [0] : vector<256x256xi32> to vector<256xi32>
    %broadcast_in_dim3A_410 = vector.shape_cast %reduce_min3A_409 : vector<256xi32> to vector<1x256xi32>
    %eq3A_411 = vector.broadcast %broadcast_in_dim3A_410 : vector<1x256xi32> to vector<256x256xi32>
    %eq3A_412 = arith.cmpi eq, %iota3A, %eq3A_411 : vector<256x256xi32>
    %jit3A_413 = arith.constant 0xFF800000 : f32
    %broadcast_in_dim3A_414 = vector.broadcast %jit3A_413 : f32 to vector<256x256xf32>
    %select_n3A_415 = arith.select %eq3A_412, %broadcast_in_dim3A_414, %select_n3A_399 : vector<256x256xi1>, vector<256x256xf32>
    %reduce_max3A_416 = arith.constant dense<0xFF800000> : vector<256xf32>
    %reduce_max3A_417 = vector.multi_reduction <maximumf>, %select_n3A_415, %reduce_max3A_416 [0] : vector<256x256xf32> to vector<256xf32>
    %broadcast_in_dim3A_418 = vector.shape_cast %reduce_max3A_417 : vector<256xf32> to vector<1x256xf32>
    %eq3A_419 = vector.broadcast %broadcast_in_dim3A_418 : vector<1x256xf32> to vector<256x256xf32>
    %eq3A_420 = arith.cmpf oeq, %select_n3A_415, %eq3A_419 : vector<256x256xf32>
    %jit3A_421 = arith.constant 1073741824 : i32
    %broadcast_in_dim3A_422 = vector.broadcast %jit3A_421 : i32 to vector<256x256xi32>
    %select_n3A_423 = arith.select %eq3A_420, %iota3A, %broadcast_in_dim3A_422 : vector<256x256xi1>, vector<256x256xi32>
    %reduce_min3A_424 = arith.constant dense<2147483647> : vector<256xi32>
    %reduce_min3A_425 = vector.multi_reduction <minsi>, %select_n3A_423, %reduce_min3A_424 [0] : vector<256x256xi32> to vector<256xi32>
    %broadcast_in_dim3A_426 = vector.shape_cast %reduce_min3A_425 : vector<256xi32> to vector<1x256xi32>
    %eq3A_427 = vector.broadcast %broadcast_in_dim3A_426 : vector<1x256xi32> to vector<256x256xi32>
    %eq3A_428 = arith.cmpi eq, %iota3A, %eq3A_427 : vector<256x256xi32>
    %jit3A_429 = arith.constant 0xFF800000 : f32
    %broadcast_in_dim3A_430 = vector.broadcast %jit3A_429 : f32 to vector<256x256xf32>
    %select_n3A_431 = arith.select %eq3A_428, %broadcast_in_dim3A_430, %select_n3A_415 : vector<256x256xi1>, vector<256x256xf32>
    %reduce_max3A_432 = arith.constant dense<0xFF800000> : vector<256xf32>
    %reduce_max3A_433 = vector.multi_reduction <maximumf>, %select_n3A_431, %reduce_max3A_432 [0] : vector<256x256xf32> to vector<256xf32>
    %broadcast_in_dim3A_434 = vector.shape_cast %reduce_max3A_433 : vector<256xf32> to vector<1x256xf32>
    %eq3A_435 = vector.broadcast %broadcast_in_dim3A_434 : vector<1x256xf32> to vector<256x256xf32>
    %eq3A_436 = arith.cmpf oeq, %select_n3A_431, %eq3A_435 : vector<256x256xf32>
    %jit3A_437 = arith.constant 1073741824 : i32
    %broadcast_in_dim3A_438 = vector.broadcast %jit3A_437 : i32 to vector<256x256xi32>
    %select_n3A_439 = arith.select %eq3A_436, %iota3A, %broadcast_in_dim3A_438 : vector<256x256xi1>, vector<256x256xi32>
    %reduce_min3A_440 = arith.constant dense<2147483647> : vector<256xi32>
    %reduce_min3A_441 = vector.multi_reduction <minsi>, %select_n3A_439, %reduce_min3A_440 [0] : vector<256x256xi32> to vector<256xi32>
    %broadcast_in_dim3A_442 = vector.shape_cast %reduce_min3A_441 : vector<256xi32> to vector<1x256xi32>
    %eq3A_443 = vector.broadcast %broadcast_in_dim3A_442 : vector<1x256xi32> to vector<256x256xi32>
    %eq3A_444 = arith.cmpi eq, %iota3A, %eq3A_443 : vector<256x256xi32>
    %jit3A_445 = arith.constant 0xFF800000 : f32
    %broadcast_in_dim3A_446 = vector.broadcast %jit3A_445 : f32 to vector<256x256xf32>
    %select_n3A_447 = arith.select %eq3A_444, %broadcast_in_dim3A_446, %select_n3A_431 : vector<256x256xi1>, vector<256x256xf32>
    %reduce_max3A_448 = arith.constant dense<0xFF800000> : vector<256xf32>
    %reduce_max3A_449 = vector.multi_reduction <maximumf>, %select_n3A_447, %reduce_max3A_448 [0] : vector<256x256xf32> to vector<256xf32>
    %broadcast_in_dim3A_450 = vector.shape_cast %reduce_max3A_449 : vector<256xf32> to vector<1x256xf32>
    %eq3A_451 = vector.broadcast %broadcast_in_dim3A_450 : vector<1x256xf32> to vector<256x256xf32>
    %eq3A_452 = arith.cmpf oeq, %select_n3A_447, %eq3A_451 : vector<256x256xf32>
    %jit3A_453 = arith.constant 1073741824 : i32
    %broadcast_in_dim3A_454 = vector.broadcast %jit3A_453 : i32 to vector<256x256xi32>
    %select_n3A_455 = arith.select %eq3A_452, %iota3A, %broadcast_in_dim3A_454 : vector<256x256xi1>, vector<256x256xi32>
    %reduce_min3A_456 = arith.constant dense<2147483647> : vector<256xi32>
    %reduce_min3A_457 = vector.multi_reduction <minsi>, %select_n3A_455, %reduce_min3A_456 [0] : vector<256x256xi32> to vector<256xi32>
    %broadcast_in_dim3A_458 = vector.shape_cast %reduce_min3A_457 : vector<256xi32> to vector<1x256xi32>
    %eq3A_459 = vector.broadcast %broadcast_in_dim3A_458 : vector<1x256xi32> to vector<256x256xi32>
    %eq3A_460 = arith.cmpi eq, %iota3A, %eq3A_459 : vector<256x256xi32>
    %jit3A_461 = arith.constant 0xFF800000 : f32
    %broadcast_in_dim3A_462 = vector.broadcast %jit3A_461 : f32 to vector<256x256xf32>
    %select_n3A_463 = arith.select %eq3A_460, %broadcast_in_dim3A_462, %select_n3A_447 : vector<256x256xi1>, vector<256x256xf32>
    %reduce_max3A_464 = arith.constant dense<0xFF800000> : vector<256xf32>
    %reduce_max3A_465 = vector.multi_reduction <maximumf>, %select_n3A_463, %reduce_max3A_464 [0] : vector<256x256xf32> to vector<256xf32>
    %broadcast_in_dim3A_466 = vector.shape_cast %reduce_max3A_465 : vector<256xf32> to vector<1x256xf32>
    %eq3A_467 = vector.broadcast %broadcast_in_dim3A_466 : vector<1x256xf32> to vector<256x256xf32>
    %eq3A_468 = arith.cmpf oeq, %select_n3A_463, %eq3A_467 : vector<256x256xf32>
    %jit3A_469 = arith.constant 1073741824 : i32
    %broadcast_in_dim3A_470 = vector.broadcast %jit3A_469 : i32 to vector<256x256xi32>
    %select_n3A_471 = arith.select %eq3A_468, %iota3A, %broadcast_in_dim3A_470 : vector<256x256xi1>, vector<256x256xi32>
    %reduce_min3A_472 = arith.constant dense<2147483647> : vector<256xi32>
    %reduce_min3A_473 = vector.multi_reduction <minsi>, %select_n3A_471, %reduce_min3A_472 [0] : vector<256x256xi32> to vector<256xi32>
    %broadcast_in_dim3A_474 = vector.shape_cast %reduce_min3A_473 : vector<256xi32> to vector<1x256xi32>
    %eq3A_475 = vector.broadcast %broadcast_in_dim3A_474 : vector<1x256xi32> to vector<256x256xi32>
    %eq3A_476 = arith.cmpi eq, %iota3A, %eq3A_475 : vector<256x256xi32>
    %jit3A_477 = arith.constant 0xFF800000 : f32
    %broadcast_in_dim3A_478 = vector.broadcast %jit3A_477 : f32 to vector<256x256xf32>
    %select_n3A_479 = arith.select %eq3A_476, %broadcast_in_dim3A_478, %select_n3A_463 : vector<256x256xi1>, vector<256x256xf32>
    %reduce_max3A_480 = arith.constant dense<0xFF800000> : vector<256xf32>
    %reduce_max3A_481 = vector.multi_reduction <maximumf>, %select_n3A_479, %reduce_max3A_480 [0] : vector<256x256xf32> to vector<256xf32>
    %broadcast_in_dim3A_482 = vector.shape_cast %reduce_max3A_481 : vector<256xf32> to vector<1x256xf32>
    %eq3A_483 = vector.broadcast %broadcast_in_dim3A_482 : vector<1x256xf32> to vector<256x256xf32>
    %eq3A_484 = arith.cmpf oeq, %select_n3A_479, %eq3A_483 : vector<256x256xf32>
    %jit3A_485 = arith.constant 1073741824 : i32
    %broadcast_in_dim3A_486 = vector.broadcast %jit3A_485 : i32 to vector<256x256xi32>
    %select_n3A_487 = arith.select %eq3A_484, %iota3A, %broadcast_in_dim3A_486 : vector<256x256xi1>, vector<256x256xi32>
    %reduce_min3A_488 = arith.constant dense<2147483647> : vector<256xi32>
    %reduce_min3A_489 = vector.multi_reduction <minsi>, %select_n3A_487, %reduce_min3A_488 [0] : vector<256x256xi32> to vector<256xi32>
    %broadcast_in_dim3A_490 = vector.shape_cast %reduce_min3A_489 : vector<256xi32> to vector<1x256xi32>
    %eq3A_491 = vector.broadcast %broadcast_in_dim3A_490 : vector<1x256xi32> to vector<256x256xi32>
    %eq3A_492 = arith.cmpi eq, %iota3A, %eq3A_491 : vector<256x256xi32>
    %jit3A_493 = arith.constant 0xFF800000 : f32
    %broadcast_in_dim3A_494 = vector.broadcast %jit3A_493 : f32 to vector<256x256xf32>
    %select_n3A_495 = arith.select %eq3A_492, %broadcast_in_dim3A_494, %select_n3A_479 : vector<256x256xi1>, vector<256x256xf32>
    %reduce_max3A_496 = arith.constant dense<0xFF800000> : vector<256xf32>
    %reduce_max3A_497 = vector.multi_reduction <maximumf>, %select_n3A_495, %reduce_max3A_496 [0] : vector<256x256xf32> to vector<256xf32>
    %broadcast_in_dim3A_498 = vector.shape_cast %reduce_max3A_497 : vector<256xf32> to vector<1x256xf32>
    %eq3A_499 = vector.broadcast %broadcast_in_dim3A_498 : vector<1x256xf32> to vector<256x256xf32>
    %eq3A_500 = arith.cmpf oeq, %select_n3A_495, %eq3A_499 : vector<256x256xf32>
    %jit3A_501 = arith.constant 1073741824 : i32
    %broadcast_in_dim3A_502 = vector.broadcast %jit3A_501 : i32 to vector<256x256xi32>
    %select_n3A_503 = arith.select %eq3A_500, %iota3A, %broadcast_in_dim3A_502 : vector<256x256xi1>, vector<256x256xi32>
    %reduce_min3A_504 = arith.constant dense<2147483647> : vector<256xi32>
    %reduce_min3A_505 = vector.multi_reduction <minsi>, %select_n3A_503, %reduce_min3A_504 [0] : vector<256x256xi32> to vector<256xi32>
    %broadcast_in_dim3A_506 = vector.shape_cast %reduce_min3A_505 : vector<256xi32> to vector<1x256xi32>
    %eq3A_507 = vector.broadcast %broadcast_in_dim3A_506 : vector<1x256xi32> to vector<256x256xi32>
    %eq3A_508 = arith.cmpi eq, %iota3A, %eq3A_507 : vector<256x256xi32>
    %jit3A_509 = arith.constant 0xFF800000 : f32
    %broadcast_in_dim3A_510 = vector.broadcast %jit3A_509 : f32 to vector<256x256xf32>
    %select_n3A_511 = arith.select %eq3A_508, %broadcast_in_dim3A_510, %select_n3A_495 : vector<256x256xi1>, vector<256x256xf32>
    %reduce_max3A_512 = arith.constant dense<0xFF800000> : vector<256xf32>
    %reduce_max3A_513 = vector.multi_reduction <maximumf>, %select_n3A_511, %reduce_max3A_512 [0] : vector<256x256xf32> to vector<256xf32>
    %broadcast_in_dim3A_514 = vector.shape_cast %reduce_max3A_513 : vector<256xf32> to vector<1x256xf32>
    %eq3A_515 = vector.broadcast %broadcast_in_dim3A_514 : vector<1x256xf32> to vector<256x256xf32>
    %eq3A_516 = arith.cmpf oeq, %select_n3A_511, %eq3A_515 : vector<256x256xf32>
    %jit3A_517 = arith.constant 1073741824 : i32
    %broadcast_in_dim3A_518 = vector.broadcast %jit3A_517 : i32 to vector<256x256xi32>
    %select_n3A_519 = arith.select %eq3A_516, %iota3A, %broadcast_in_dim3A_518 : vector<256x256xi1>, vector<256x256xi32>
    %reduce_min3A_520 = arith.constant dense<2147483647> : vector<256xi32>
    %reduce_min3A_521 = vector.multi_reduction <minsi>, %select_n3A_519, %reduce_min3A_520 [0] : vector<256x256xi32> to vector<256xi32>
    %broadcast_in_dim3A_522 = vector.shape_cast %reduce_min3A_521 : vector<256xi32> to vector<1x256xi32>
    %eq3A_523 = vector.broadcast %broadcast_in_dim3A_522 : vector<1x256xi32> to vector<256x256xi32>
    %eq3A_524 = arith.cmpi eq, %iota3A, %eq3A_523 : vector<256x256xi32>
    %jit3A_525 = arith.constant 0xFF800000 : f32
    %broadcast_in_dim3A_526 = vector.broadcast %jit3A_525 : f32 to vector<256x256xf32>
    %select_n3A_527 = arith.select %eq3A_524, %broadcast_in_dim3A_526, %select_n3A_511 : vector<256x256xi1>, vector<256x256xf32>
    %reduce_max3A_528 = arith.constant dense<0xFF800000> : vector<256xf32>
    %reduce_max3A_529 = vector.multi_reduction <maximumf>, %select_n3A_527, %reduce_max3A_528 [0] : vector<256x256xf32> to vector<256xf32>
    %broadcast_in_dim3A_530 = vector.shape_cast %reduce_max3A_529 : vector<256xf32> to vector<1x256xf32>
    %eq3A_531 = vector.broadcast %broadcast_in_dim3A_530 : vector<1x256xf32> to vector<256x256xf32>
    %eq3A_532 = arith.cmpf oeq, %select_n3A_527, %eq3A_531 : vector<256x256xf32>
    %jit3A_533 = arith.constant 1073741824 : i32
    %broadcast_in_dim3A_534 = vector.broadcast %jit3A_533 : i32 to vector<256x256xi32>
    %select_n3A_535 = arith.select %eq3A_532, %iota3A, %broadcast_in_dim3A_534 : vector<256x256xi1>, vector<256x256xi32>
    %reduce_min3A_536 = arith.constant dense<2147483647> : vector<256xi32>
    %reduce_min3A_537 = vector.multi_reduction <minsi>, %select_n3A_535, %reduce_min3A_536 [0] : vector<256x256xi32> to vector<256xi32>
    %broadcast_in_dim3A_538 = vector.shape_cast %reduce_min3A_537 : vector<256xi32> to vector<1x256xi32>
    %eq3A_539 = vector.broadcast %broadcast_in_dim3A_538 : vector<1x256xi32> to vector<256x256xi32>
    %eq3A_540 = arith.cmpi eq, %iota3A, %eq3A_539 : vector<256x256xi32>
    %jit3A_541 = arith.constant 0xFF800000 : f32
    %broadcast_in_dim3A_542 = vector.broadcast %jit3A_541 : f32 to vector<256x256xf32>
    %select_n3A_543 = arith.select %eq3A_540, %broadcast_in_dim3A_542, %select_n3A_527 : vector<256x256xi1>, vector<256x256xf32>
    %reduce_max3A_544 = arith.constant dense<0xFF800000> : vector<256xf32>
    %reduce_max3A_545 = vector.multi_reduction <maximumf>, %select_n3A_543, %reduce_max3A_544 [0] : vector<256x256xf32> to vector<256xf32>
    %broadcast_in_dim3A_546 = vector.shape_cast %reduce_max3A_545 : vector<256xf32> to vector<1x256xf32>
    %eq3A_547 = vector.broadcast %broadcast_in_dim3A_546 : vector<1x256xf32> to vector<256x256xf32>
    %eq3A_548 = arith.cmpf oeq, %select_n3A_543, %eq3A_547 : vector<256x256xf32>
    %jit3A_549 = arith.constant 1073741824 : i32
    %broadcast_in_dim3A_550 = vector.broadcast %jit3A_549 : i32 to vector<256x256xi32>
    %select_n3A_551 = arith.select %eq3A_548, %iota3A, %broadcast_in_dim3A_550 : vector<256x256xi1>, vector<256x256xi32>
    %reduce_min3A_552 = arith.constant dense<2147483647> : vector<256xi32>
    %reduce_min3A_553 = vector.multi_reduction <minsi>, %select_n3A_551, %reduce_min3A_552 [0] : vector<256x256xi32> to vector<256xi32>
    %broadcast_in_dim3A_554 = vector.shape_cast %reduce_min3A_553 : vector<256xi32> to vector<1x256xi32>
    %concatenate3A_555 = tpu.concatenate %broadcast_in_dim3A_306, %broadcast_in_dim3A_322, %broadcast_in_dim3A_338, %broadcast_in_dim3A_354, %broadcast_in_dim3A_370, %broadcast_in_dim3A_386, %broadcast_in_dim3A_402, %broadcast_in_dim3A_418, %broadcast_in_dim3A_434, %broadcast_in_dim3A_450, %broadcast_in_dim3A_466, %broadcast_in_dim3A_482, %broadcast_in_dim3A_498, %broadcast_in_dim3A_514, %broadcast_in_dim3A_530, %broadcast_in_dim3A_546 in 0 : vector<1x256xf32>, vector<1x256xf32>, vector<1x256xf32>, vector<1x256xf32>, vector<1x256xf32>, vector<1x256xf32>, vector<1x256xf32>, vector<1x256xf32>, vector<1x256xf32>, vector<1x256xf32>, vector<1x256xf32>, vector<1x256xf32>, vector<1x256xf32>, vector<1x256xf32>, vector<1x256xf32>, vector<1x256xf32> -> vector<16x256xf32>
    %concatenate3A_556 = tpu.concatenate %broadcast_in_dim3A_314, %broadcast_in_dim3A_330, %broadcast_in_dim3A_346, %broadcast_in_dim3A_362, %broadcast_in_dim3A_378, %broadcast_in_dim3A_394, %broadcast_in_dim3A_410, %broadcast_in_dim3A_426, %broadcast_in_dim3A_442, %broadcast_in_dim3A_458, %broadcast_in_dim3A_474, %broadcast_in_dim3A_490, %broadcast_in_dim3A_506, %broadcast_in_dim3A_522, %broadcast_in_dim3A_538, %broadcast_in_dim3A_554 in 0 : vector<1x256xi32>, vector<1x256xi32>, vector<1x256xi32>, vector<1x256xi32>, vector<1x256xi32>, vector<1x256xi32>, vector<1x256xi32>, vector<1x256xi32>, vector<1x256xi32>, vector<1x256xi32>, vector<1x256xi32>, vector<1x256xi32>, vector<1x256xi32>, vector<1x256xi32>, vector<1x256xi32>, vector<1x256xi32> -> vector<16x256xi32>
    %convert_element_type3A_557 = arith.sitofp %concatenate3A_556 : vector<16x256xi32> to vector<16x256xf32>
    %get3A_558 = arith.constant 0 : index
    %get3A_559 = arith.constant 0 : index
    %get3A_560 = vector.load %arg4[%get3A_558, %get3A_559] : memref<256x16xf32, #tpu.memory_space<vmem>>, vector<256x16xf32>
    %dot_general3A_561 = arith.constant dense<0.000000e+00> : vector<256x256xf32>
    %dot_general3A_562 = tpu.matmul %get3A_560, %concatenate3A, %dot_general3A_561 {dimension_numbers = #tpu.dot_dimension_numbers<[1], [0], [0], [1], [0, 0, 1, 1], [], []>, precision = #tpu.contract_precision<fp32>, transpose_lhs_hint = false} : vector<256x16xf32>, vector<16x256xf32>, vector<256x256xf32> -> vector<256x256xf32>
    %get3A_563 = arith.constant 0 : index
    %get3A_564 = arith.constant 0 : index
    %get3A_565 = vector.load %arg5[%get3A_563, %get3A_564] : memref<256x16xf32, #tpu.memory_space<vmem>>, vector<256x16xf32>
    %dot_general3A_566 = arith.constant dense<0.000000e+00> : vector<256x256xf32>
    %dot_general3A_567 = tpu.matmul %get3A_565, %concatenate3A_555, %dot_general3A_566 {dimension_numbers = #tpu.dot_dimension_numbers<[1], [0], [0], [1], [0, 0, 1, 1], [], []>, precision = #tpu.contract_precision<fp32>, transpose_lhs_hint = false} : vector<256x16xf32>, vector<16x256xf32>, vector<256x256xf32> -> vector<256x256xf32>
    %add3A_568 = arith.addf %dot_general3A_562, %dot_general3A_567 : vector<256x256xf32>
    %reduce_max3A_569 = arith.constant dense<0xFF800000> : vector<256xf32>
    %reduce_max3A_570 = vector.multi_reduction <maximumf>, %add3A_568, %reduce_max3A_569 [0] : vector<256x256xf32> to vector<256xf32>
    %broadcast_in_dim3A_571 = vector.shape_cast %reduce_max3A_570 : vector<256xf32> to vector<1x256xf32>
    %eq3A_572 = vector.broadcast %broadcast_in_dim3A_571 : vector<1x256xf32> to vector<256x256xf32>
    %eq3A_573 = arith.cmpf oeq, %add3A_568, %eq3A_572 : vector<256x256xf32>
    %jit3A_574 = arith.constant 1073741824 : i32
    %broadcast_in_dim3A_575 = vector.broadcast %jit3A_574 : i32 to vector<256x256xi32>
    %select_n3A_576 = arith.select %eq3A_573, %iota3A, %broadcast_in_dim3A_575 : vector<256x256xi1>, vector<256x256xi32>
    %reduce_min3A_577 = arith.constant dense<2147483647> : vector<256xi32>
    %reduce_min3A_578 = vector.multi_reduction <minsi>, %select_n3A_576, %reduce_min3A_577 [0] : vector<256x256xi32> to vector<256xi32>
    %broadcast_in_dim3A_579 = vector.shape_cast %reduce_min3A_578 : vector<256xi32> to vector<1x256xi32>
    %eq3A_580 = vector.broadcast %broadcast_in_dim3A_579 : vector<1x256xi32> to vector<256x256xi32>
    %eq3A_581 = arith.cmpi eq, %iota3A, %eq3A_580 : vector<256x256xi32>
    %jit3A_582 = arith.constant 0xFF800000 : f32
    %broadcast_in_dim3A_583 = vector.broadcast %jit3A_582 : f32 to vector<256x256xf32>
    %select_n3A_584 = arith.select %eq3A_581, %broadcast_in_dim3A_583, %add3A_568 : vector<256x256xi1>, vector<256x256xf32>
    %shift_right_arithmetic3A = arith.constant 4 : i32
    %shift_right_arithmetic3A_585 = vector.broadcast %shift_right_arithmetic3A : i32 to vector<1x256xi32>
    %shift_right_arithmetic3A_586 = arith.shrsi %broadcast_in_dim3A_579, %shift_right_arithmetic3A_585 : vector<1x256xi32>
    %and3A = arith.constant 15 : i32
    %and3A_587 = vector.broadcast %and3A : i32 to vector<1x256xi32>
    %and3A_588 = arith.andi %broadcast_in_dim3A_579, %and3A_587 : vector<1x256xi32>
    %eq3A_589 = vector.broadcast %shift_right_arithmetic3A_586 : vector<1x256xi32> to vector<16x256xi32>
    %eq3A_590 = arith.cmpi eq, %iota3A_6, %eq3A_589 : vector<16x256xi32>
    %jit3A_591 = arith.constant 0.000000e+00 : f32
    %broadcast_in_dim3A_592 = vector.broadcast %jit3A_591 : f32 to vector<16x256xf32>
    %select_n3A_593 = arith.select %eq3A_590, %convert_element_type3A, %broadcast_in_dim3A_592 : vector<16x256xi1>, vector<16x256xf32>
    %reduce_sum3A_594 = arith.constant dense<0.000000e+00> : vector<256xf32>
    %reduce_sum3A_595 = vector.multi_reduction <add>, %select_n3A_593, %reduce_sum3A_594 [0] : vector<16x256xf32> to vector<256xf32>
    %broadcast_in_dim3A_596 = vector.shape_cast %reduce_sum3A_595 : vector<256xf32> to vector<1x256xf32>
    %eq3A_597 = vector.broadcast %and3A_588 : vector<1x256xi32> to vector<16x256xi32>
    %eq3A_598 = arith.cmpi eq, %iota3A_6, %eq3A_597 : vector<16x256xi32>
    %jit3A_599 = arith.constant 0.000000e+00 : f32
    %broadcast_in_dim3A_600 = vector.broadcast %jit3A_599 : f32 to vector<16x256xf32>
    %select_n3A_601 = arith.select %eq3A_598, %convert_element_type3A_557, %broadcast_in_dim3A_600 : vector<16x256xi1>, vector<16x256xf32>
    %reduce_sum3A_602 = arith.constant dense<0.000000e+00> : vector<256xf32>
    %reduce_sum3A_603 = vector.multi_reduction <add>, %select_n3A_601, %reduce_sum3A_602 [0] : vector<16x256xf32> to vector<256xf32>
    %broadcast_in_dim3A_604 = vector.shape_cast %reduce_sum3A_603 : vector<256xf32> to vector<1x256xf32>
    %mul3A_605 = arith.constant 2.560000e+02 : f32
    %mul3A_606 = vector.broadcast %mul3A_605 : f32 to vector<1x256xf32>
    %mul3A_607 = arith.mulf %broadcast_in_dim3A_596, %mul3A_606 : vector<1x256xf32>
    %add3A_608 = arith.addf %mul3A_607, %broadcast_in_dim3A_604 : vector<1x256xf32>
    %reduce_max3A_609 = arith.constant dense<0xFF800000> : vector<256xf32>
    %reduce_max3A_610 = vector.multi_reduction <maximumf>, %select_n3A_584, %reduce_max3A_609 [0] : vector<256x256xf32> to vector<256xf32>
    %broadcast_in_dim3A_611 = vector.shape_cast %reduce_max3A_610 : vector<256xf32> to vector<1x256xf32>
    %eq3A_612 = vector.broadcast %broadcast_in_dim3A_611 : vector<1x256xf32> to vector<256x256xf32>
    %eq3A_613 = arith.cmpf oeq, %select_n3A_584, %eq3A_612 : vector<256x256xf32>
    %jit3A_614 = arith.constant 1073741824 : i32
    %broadcast_in_dim3A_615 = vector.broadcast %jit3A_614 : i32 to vector<256x256xi32>
    %select_n3A_616 = arith.select %eq3A_613, %iota3A, %broadcast_in_dim3A_615 : vector<256x256xi1>, vector<256x256xi32>
    %reduce_min3A_617 = arith.constant dense<2147483647> : vector<256xi32>
    %reduce_min3A_618 = vector.multi_reduction <minsi>, %select_n3A_616, %reduce_min3A_617 [0] : vector<256x256xi32> to vector<256xi32>
    %broadcast_in_dim3A_619 = vector.shape_cast %reduce_min3A_618 : vector<256xi32> to vector<1x256xi32>
    %eq3A_620 = vector.broadcast %broadcast_in_dim3A_619 : vector<1x256xi32> to vector<256x256xi32>
    %eq3A_621 = arith.cmpi eq, %iota3A, %eq3A_620 : vector<256x256xi32>
    %jit3A_622 = arith.constant 0xFF800000 : f32
    %broadcast_in_dim3A_623 = vector.broadcast %jit3A_622 : f32 to vector<256x256xf32>
    %select_n3A_624 = arith.select %eq3A_621, %broadcast_in_dim3A_623, %select_n3A_584 : vector<256x256xi1>, vector<256x256xf32>
    %shift_right_arithmetic3A_625 = arith.constant 4 : i32
    %shift_right_arithmetic3A_626 = vector.broadcast %shift_right_arithmetic3A_625 : i32 to vector<1x256xi32>
    %shift_right_arithmetic3A_627 = arith.shrsi %broadcast_in_dim3A_619, %shift_right_arithmetic3A_626 : vector<1x256xi32>
    %and3A_628 = arith.constant 15 : i32
    %and3A_629 = vector.broadcast %and3A_628 : i32 to vector<1x256xi32>
    %and3A_630 = arith.andi %broadcast_in_dim3A_619, %and3A_629 : vector<1x256xi32>
    %eq3A_631 = vector.broadcast %shift_right_arithmetic3A_627 : vector<1x256xi32> to vector<16x256xi32>
    %eq3A_632 = arith.cmpi eq, %iota3A_6, %eq3A_631 : vector<16x256xi32>
    %jit3A_633 = arith.constant 0.000000e+00 : f32
    %broadcast_in_dim3A_634 = vector.broadcast %jit3A_633 : f32 to vector<16x256xf32>
    %select_n3A_635 = arith.select %eq3A_632, %convert_element_type3A, %broadcast_in_dim3A_634 : vector<16x256xi1>, vector<16x256xf32>
    %reduce_sum3A_636 = arith.constant dense<0.000000e+00> : vector<256xf32>
    %reduce_sum3A_637 = vector.multi_reduction <add>, %select_n3A_635, %reduce_sum3A_636 [0] : vector<16x256xf32> to vector<256xf32>
    %broadcast_in_dim3A_638 = vector.shape_cast %reduce_sum3A_637 : vector<256xf32> to vector<1x256xf32>
    %eq3A_639 = vector.broadcast %and3A_630 : vector<1x256xi32> to vector<16x256xi32>
    %eq3A_640 = arith.cmpi eq, %iota3A_6, %eq3A_639 : vector<16x256xi32>
    %jit3A_641 = arith.constant 0.000000e+00 : f32
    %broadcast_in_dim3A_642 = vector.broadcast %jit3A_641 : f32 to vector<16x256xf32>
    %select_n3A_643 = arith.select %eq3A_640, %convert_element_type3A_557, %broadcast_in_dim3A_642 : vector<16x256xi1>, vector<16x256xf32>
    %reduce_sum3A_644 = arith.constant dense<0.000000e+00> : vector<256xf32>
    %reduce_sum3A_645 = vector.multi_reduction <add>, %select_n3A_643, %reduce_sum3A_644 [0] : vector<16x256xf32> to vector<256xf32>
    %broadcast_in_dim3A_646 = vector.shape_cast %reduce_sum3A_645 : vector<256xf32> to vector<1x256xf32>
    %mul3A_647 = arith.constant 2.560000e+02 : f32
    %mul3A_648 = vector.broadcast %mul3A_647 : f32 to vector<1x256xf32>
    %mul3A_649 = arith.mulf %broadcast_in_dim3A_638, %mul3A_648 : vector<1x256xf32>
    %add3A_650 = arith.addf %mul3A_649, %broadcast_in_dim3A_646 : vector<1x256xf32>
    %reduce_max3A_651 = arith.constant dense<0xFF800000> : vector<256xf32>
    %reduce_max3A_652 = vector.multi_reduction <maximumf>, %select_n3A_624, %reduce_max3A_651 [0] : vector<256x256xf32> to vector<256xf32>
    %broadcast_in_dim3A_653 = vector.shape_cast %reduce_max3A_652 : vector<256xf32> to vector<1x256xf32>
    %eq3A_654 = vector.broadcast %broadcast_in_dim3A_653 : vector<1x256xf32> to vector<256x256xf32>
    %eq3A_655 = arith.cmpf oeq, %select_n3A_624, %eq3A_654 : vector<256x256xf32>
    %jit3A_656 = arith.constant 1073741824 : i32
    %broadcast_in_dim3A_657 = vector.broadcast %jit3A_656 : i32 to vector<256x256xi32>
    %select_n3A_658 = arith.select %eq3A_655, %iota3A, %broadcast_in_dim3A_657 : vector<256x256xi1>, vector<256x256xi32>
    %reduce_min3A_659 = arith.constant dense<2147483647> : vector<256xi32>
    %reduce_min3A_660 = vector.multi_reduction <minsi>, %select_n3A_658, %reduce_min3A_659 [0] : vector<256x256xi32> to vector<256xi32>
    %broadcast_in_dim3A_661 = vector.shape_cast %reduce_min3A_660 : vector<256xi32> to vector<1x256xi32>
    %eq3A_662 = vector.broadcast %broadcast_in_dim3A_661 : vector<1x256xi32> to vector<256x256xi32>
    %eq3A_663 = arith.cmpi eq, %iota3A, %eq3A_662 : vector<256x256xi32>
    %jit3A_664 = arith.constant 0xFF800000 : f32
    %broadcast_in_dim3A_665 = vector.broadcast %jit3A_664 : f32 to vector<256x256xf32>
    %select_n3A_666 = arith.select %eq3A_663, %broadcast_in_dim3A_665, %select_n3A_624 : vector<256x256xi1>, vector<256x256xf32>
    %shift_right_arithmetic3A_667 = arith.constant 4 : i32
    %shift_right_arithmetic3A_668 = vector.broadcast %shift_right_arithmetic3A_667 : i32 to vector<1x256xi32>
    %shift_right_arithmetic3A_669 = arith.shrsi %broadcast_in_dim3A_661, %shift_right_arithmetic3A_668 : vector<1x256xi32>
    %and3A_670 = arith.constant 15 : i32
    %and3A_671 = vector.broadcast %and3A_670 : i32 to vector<1x256xi32>
    %and3A_672 = arith.andi %broadcast_in_dim3A_661, %and3A_671 : vector<1x256xi32>
    %eq3A_673 = vector.broadcast %shift_right_arithmetic3A_669 : vector<1x256xi32> to vector<16x256xi32>
    %eq3A_674 = arith.cmpi eq, %iota3A_6, %eq3A_673 : vector<16x256xi32>
    %jit3A_675 = arith.constant 0.000000e+00 : f32
    %broadcast_in_dim3A_676 = vector.broadcast %jit3A_675 : f32 to vector<16x256xf32>
    %select_n3A_677 = arith.select %eq3A_674, %convert_element_type3A, %broadcast_in_dim3A_676 : vector<16x256xi1>, vector<16x256xf32>
    %reduce_sum3A_678 = arith.constant dense<0.000000e+00> : vector<256xf32>
    %reduce_sum3A_679 = vector.multi_reduction <add>, %select_n3A_677, %reduce_sum3A_678 [0] : vector<16x256xf32> to vector<256xf32>
    %broadcast_in_dim3A_680 = vector.shape_cast %reduce_sum3A_679 : vector<256xf32> to vector<1x256xf32>
    %eq3A_681 = vector.broadcast %and3A_672 : vector<1x256xi32> to vector<16x256xi32>
    %eq3A_682 = arith.cmpi eq, %iota3A_6, %eq3A_681 : vector<16x256xi32>
    %jit3A_683 = arith.constant 0.000000e+00 : f32
    %broadcast_in_dim3A_684 = vector.broadcast %jit3A_683 : f32 to vector<16x256xf32>
    %select_n3A_685 = arith.select %eq3A_682, %convert_element_type3A_557, %broadcast_in_dim3A_684 : vector<16x256xi1>, vector<16x256xf32>
    %reduce_sum3A_686 = arith.constant dense<0.000000e+00> : vector<256xf32>
    %reduce_sum3A_687 = vector.multi_reduction <add>, %select_n3A_685, %reduce_sum3A_686 [0] : vector<16x256xf32> to vector<256xf32>
    %broadcast_in_dim3A_688 = vector.shape_cast %reduce_sum3A_687 : vector<256xf32> to vector<1x256xf32>
    %mul3A_689 = arith.constant 2.560000e+02 : f32
    %mul3A_690 = vector.broadcast %mul3A_689 : f32 to vector<1x256xf32>
    %mul3A_691 = arith.mulf %broadcast_in_dim3A_680, %mul3A_690 : vector<1x256xf32>
    %add3A_692 = arith.addf %mul3A_691, %broadcast_in_dim3A_688 : vector<1x256xf32>
    %reduce_max3A_693 = arith.constant dense<0xFF800000> : vector<256xf32>
    %reduce_max3A_694 = vector.multi_reduction <maximumf>, %select_n3A_666, %reduce_max3A_693 [0] : vector<256x256xf32> to vector<256xf32>
    %broadcast_in_dim3A_695 = vector.shape_cast %reduce_max3A_694 : vector<256xf32> to vector<1x256xf32>
    %eq3A_696 = vector.broadcast %broadcast_in_dim3A_695 : vector<1x256xf32> to vector<256x256xf32>
    %eq3A_697 = arith.cmpf oeq, %select_n3A_666, %eq3A_696 : vector<256x256xf32>
    %jit3A_698 = arith.constant 1073741824 : i32
    %broadcast_in_dim3A_699 = vector.broadcast %jit3A_698 : i32 to vector<256x256xi32>
    %select_n3A_700 = arith.select %eq3A_697, %iota3A, %broadcast_in_dim3A_699 : vector<256x256xi1>, vector<256x256xi32>
    %reduce_min3A_701 = arith.constant dense<2147483647> : vector<256xi32>
    %reduce_min3A_702 = vector.multi_reduction <minsi>, %select_n3A_700, %reduce_min3A_701 [0] : vector<256x256xi32> to vector<256xi32>
    %broadcast_in_dim3A_703 = vector.shape_cast %reduce_min3A_702 : vector<256xi32> to vector<1x256xi32>
    %eq3A_704 = vector.broadcast %broadcast_in_dim3A_703 : vector<1x256xi32> to vector<256x256xi32>
    %eq3A_705 = arith.cmpi eq, %iota3A, %eq3A_704 : vector<256x256xi32>
    %jit3A_706 = arith.constant 0xFF800000 : f32
    %broadcast_in_dim3A_707 = vector.broadcast %jit3A_706 : f32 to vector<256x256xf32>
    %select_n3A_708 = arith.select %eq3A_705, %broadcast_in_dim3A_707, %select_n3A_666 : vector<256x256xi1>, vector<256x256xf32>
    %shift_right_arithmetic3A_709 = arith.constant 4 : i32
    %shift_right_arithmetic3A_710 = vector.broadcast %shift_right_arithmetic3A_709 : i32 to vector<1x256xi32>
    %shift_right_arithmetic3A_711 = arith.shrsi %broadcast_in_dim3A_703, %shift_right_arithmetic3A_710 : vector<1x256xi32>
    %and3A_712 = arith.constant 15 : i32
    %and3A_713 = vector.broadcast %and3A_712 : i32 to vector<1x256xi32>
    %and3A_714 = arith.andi %broadcast_in_dim3A_703, %and3A_713 : vector<1x256xi32>
    %eq3A_715 = vector.broadcast %shift_right_arithmetic3A_711 : vector<1x256xi32> to vector<16x256xi32>
    %eq3A_716 = arith.cmpi eq, %iota3A_6, %eq3A_715 : vector<16x256xi32>
    %jit3A_717 = arith.constant 0.000000e+00 : f32
    %broadcast_in_dim3A_718 = vector.broadcast %jit3A_717 : f32 to vector<16x256xf32>
    %select_n3A_719 = arith.select %eq3A_716, %convert_element_type3A, %broadcast_in_dim3A_718 : vector<16x256xi1>, vector<16x256xf32>
    %reduce_sum3A_720 = arith.constant dense<0.000000e+00> : vector<256xf32>
    %reduce_sum3A_721 = vector.multi_reduction <add>, %select_n3A_719, %reduce_sum3A_720 [0] : vector<16x256xf32> to vector<256xf32>
    %broadcast_in_dim3A_722 = vector.shape_cast %reduce_sum3A_721 : vector<256xf32> to vector<1x256xf32>
    %eq3A_723 = vector.broadcast %and3A_714 : vector<1x256xi32> to vector<16x256xi32>
    %eq3A_724 = arith.cmpi eq, %iota3A_6, %eq3A_723 : vector<16x256xi32>
    %jit3A_725 = arith.constant 0.000000e+00 : f32
    %broadcast_in_dim3A_726 = vector.broadcast %jit3A_725 : f32 to vector<16x256xf32>
    %select_n3A_727 = arith.select %eq3A_724, %convert_element_type3A_557, %broadcast_in_dim3A_726 : vector<16x256xi1>, vector<16x256xf32>
    %reduce_sum3A_728 = arith.constant dense<0.000000e+00> : vector<256xf32>
    %reduce_sum3A_729 = vector.multi_reduction <add>, %select_n3A_727, %reduce_sum3A_728 [0] : vector<16x256xf32> to vector<256xf32>
    %broadcast_in_dim3A_730 = vector.shape_cast %reduce_sum3A_729 : vector<256xf32> to vector<1x256xf32>
    %mul3A_731 = arith.constant 2.560000e+02 : f32
    %mul3A_732 = vector.broadcast %mul3A_731 : f32 to vector<1x256xf32>
    %mul3A_733 = arith.mulf %broadcast_in_dim3A_722, %mul3A_732 : vector<1x256xf32>
    %add3A_734 = arith.addf %mul3A_733, %broadcast_in_dim3A_730 : vector<1x256xf32>
    %reduce_max3A_735 = arith.constant dense<0xFF800000> : vector<256xf32>
    %reduce_max3A_736 = vector.multi_reduction <maximumf>, %select_n3A_708, %reduce_max3A_735 [0] : vector<256x256xf32> to vector<256xf32>
    %broadcast_in_dim3A_737 = vector.shape_cast %reduce_max3A_736 : vector<256xf32> to vector<1x256xf32>
    %eq3A_738 = vector.broadcast %broadcast_in_dim3A_737 : vector<1x256xf32> to vector<256x256xf32>
    %eq3A_739 = arith.cmpf oeq, %select_n3A_708, %eq3A_738 : vector<256x256xf32>
    %jit3A_740 = arith.constant 1073741824 : i32
    %broadcast_in_dim3A_741 = vector.broadcast %jit3A_740 : i32 to vector<256x256xi32>
    %select_n3A_742 = arith.select %eq3A_739, %iota3A, %broadcast_in_dim3A_741 : vector<256x256xi1>, vector<256x256xi32>
    %reduce_min3A_743 = arith.constant dense<2147483647> : vector<256xi32>
    %reduce_min3A_744 = vector.multi_reduction <minsi>, %select_n3A_742, %reduce_min3A_743 [0] : vector<256x256xi32> to vector<256xi32>
    %broadcast_in_dim3A_745 = vector.shape_cast %reduce_min3A_744 : vector<256xi32> to vector<1x256xi32>
    %eq3A_746 = vector.broadcast %broadcast_in_dim3A_745 : vector<1x256xi32> to vector<256x256xi32>
    %eq3A_747 = arith.cmpi eq, %iota3A, %eq3A_746 : vector<256x256xi32>
    %jit3A_748 = arith.constant 0xFF800000 : f32
    %broadcast_in_dim3A_749 = vector.broadcast %jit3A_748 : f32 to vector<256x256xf32>
    %select_n3A_750 = arith.select %eq3A_747, %broadcast_in_dim3A_749, %select_n3A_708 : vector<256x256xi1>, vector<256x256xf32>
    %shift_right_arithmetic3A_751 = arith.constant 4 : i32
    %shift_right_arithmetic3A_752 = vector.broadcast %shift_right_arithmetic3A_751 : i32 to vector<1x256xi32>
    %shift_right_arithmetic3A_753 = arith.shrsi %broadcast_in_dim3A_745, %shift_right_arithmetic3A_752 : vector<1x256xi32>
    %and3A_754 = arith.constant 15 : i32
    %and3A_755 = vector.broadcast %and3A_754 : i32 to vector<1x256xi32>
    %and3A_756 = arith.andi %broadcast_in_dim3A_745, %and3A_755 : vector<1x256xi32>
    %eq3A_757 = vector.broadcast %shift_right_arithmetic3A_753 : vector<1x256xi32> to vector<16x256xi32>
    %eq3A_758 = arith.cmpi eq, %iota3A_6, %eq3A_757 : vector<16x256xi32>
    %jit3A_759 = arith.constant 0.000000e+00 : f32
    %broadcast_in_dim3A_760 = vector.broadcast %jit3A_759 : f32 to vector<16x256xf32>
    %select_n3A_761 = arith.select %eq3A_758, %convert_element_type3A, %broadcast_in_dim3A_760 : vector<16x256xi1>, vector<16x256xf32>
    %reduce_sum3A_762 = arith.constant dense<0.000000e+00> : vector<256xf32>
    %reduce_sum3A_763 = vector.multi_reduction <add>, %select_n3A_761, %reduce_sum3A_762 [0] : vector<16x256xf32> to vector<256xf32>
    %broadcast_in_dim3A_764 = vector.shape_cast %reduce_sum3A_763 : vector<256xf32> to vector<1x256xf32>
    %eq3A_765 = vector.broadcast %and3A_756 : vector<1x256xi32> to vector<16x256xi32>
    %eq3A_766 = arith.cmpi eq, %iota3A_6, %eq3A_765 : vector<16x256xi32>
    %jit3A_767 = arith.constant 0.000000e+00 : f32
    %broadcast_in_dim3A_768 = vector.broadcast %jit3A_767 : f32 to vector<16x256xf32>
    %select_n3A_769 = arith.select %eq3A_766, %convert_element_type3A_557, %broadcast_in_dim3A_768 : vector<16x256xi1>, vector<16x256xf32>
    %reduce_sum3A_770 = arith.constant dense<0.000000e+00> : vector<256xf32>
    %reduce_sum3A_771 = vector.multi_reduction <add>, %select_n3A_769, %reduce_sum3A_770 [0] : vector<16x256xf32> to vector<256xf32>
    %broadcast_in_dim3A_772 = vector.shape_cast %reduce_sum3A_771 : vector<256xf32> to vector<1x256xf32>
    %mul3A_773 = arith.constant 2.560000e+02 : f32
    %mul3A_774 = vector.broadcast %mul3A_773 : f32 to vector<1x256xf32>
    %mul3A_775 = arith.mulf %broadcast_in_dim3A_764, %mul3A_774 : vector<1x256xf32>
    %add3A_776 = arith.addf %mul3A_775, %broadcast_in_dim3A_772 : vector<1x256xf32>
    %reduce_max3A_777 = arith.constant dense<0xFF800000> : vector<256xf32>
    %reduce_max3A_778 = vector.multi_reduction <maximumf>, %select_n3A_750, %reduce_max3A_777 [0] : vector<256x256xf32> to vector<256xf32>
    %broadcast_in_dim3A_779 = vector.shape_cast %reduce_max3A_778 : vector<256xf32> to vector<1x256xf32>
    %eq3A_780 = vector.broadcast %broadcast_in_dim3A_779 : vector<1x256xf32> to vector<256x256xf32>
    %eq3A_781 = arith.cmpf oeq, %select_n3A_750, %eq3A_780 : vector<256x256xf32>
    %jit3A_782 = arith.constant 1073741824 : i32
    %broadcast_in_dim3A_783 = vector.broadcast %jit3A_782 : i32 to vector<256x256xi32>
    %select_n3A_784 = arith.select %eq3A_781, %iota3A, %broadcast_in_dim3A_783 : vector<256x256xi1>, vector<256x256xi32>
    %reduce_min3A_785 = arith.constant dense<2147483647> : vector<256xi32>
    %reduce_min3A_786 = vector.multi_reduction <minsi>, %select_n3A_784, %reduce_min3A_785 [0] : vector<256x256xi32> to vector<256xi32>
    %broadcast_in_dim3A_787 = vector.shape_cast %reduce_min3A_786 : vector<256xi32> to vector<1x256xi32>
    %eq3A_788 = vector.broadcast %broadcast_in_dim3A_787 : vector<1x256xi32> to vector<256x256xi32>
    %eq3A_789 = arith.cmpi eq, %iota3A, %eq3A_788 : vector<256x256xi32>
    %jit3A_790 = arith.constant 0xFF800000 : f32
    %broadcast_in_dim3A_791 = vector.broadcast %jit3A_790 : f32 to vector<256x256xf32>
    %select_n3A_792 = arith.select %eq3A_789, %broadcast_in_dim3A_791, %select_n3A_750 : vector<256x256xi1>, vector<256x256xf32>
    %shift_right_arithmetic3A_793 = arith.constant 4 : i32
    %shift_right_arithmetic3A_794 = vector.broadcast %shift_right_arithmetic3A_793 : i32 to vector<1x256xi32>
    %shift_right_arithmetic3A_795 = arith.shrsi %broadcast_in_dim3A_787, %shift_right_arithmetic3A_794 : vector<1x256xi32>
    %and3A_796 = arith.constant 15 : i32
    %and3A_797 = vector.broadcast %and3A_796 : i32 to vector<1x256xi32>
    %and3A_798 = arith.andi %broadcast_in_dim3A_787, %and3A_797 : vector<1x256xi32>
    %eq3A_799 = vector.broadcast %shift_right_arithmetic3A_795 : vector<1x256xi32> to vector<16x256xi32>
    %eq3A_800 = arith.cmpi eq, %iota3A_6, %eq3A_799 : vector<16x256xi32>
    %jit3A_801 = arith.constant 0.000000e+00 : f32
    %broadcast_in_dim3A_802 = vector.broadcast %jit3A_801 : f32 to vector<16x256xf32>
    %select_n3A_803 = arith.select %eq3A_800, %convert_element_type3A, %broadcast_in_dim3A_802 : vector<16x256xi1>, vector<16x256xf32>
    %reduce_sum3A_804 = arith.constant dense<0.000000e+00> : vector<256xf32>
    %reduce_sum3A_805 = vector.multi_reduction <add>, %select_n3A_803, %reduce_sum3A_804 [0] : vector<16x256xf32> to vector<256xf32>
    %broadcast_in_dim3A_806 = vector.shape_cast %reduce_sum3A_805 : vector<256xf32> to vector<1x256xf32>
    %eq3A_807 = vector.broadcast %and3A_798 : vector<1x256xi32> to vector<16x256xi32>
    %eq3A_808 = arith.cmpi eq, %iota3A_6, %eq3A_807 : vector<16x256xi32>
    %jit3A_809 = arith.constant 0.000000e+00 : f32
    %broadcast_in_dim3A_810 = vector.broadcast %jit3A_809 : f32 to vector<16x256xf32>
    %select_n3A_811 = arith.select %eq3A_808, %convert_element_type3A_557, %broadcast_in_dim3A_810 : vector<16x256xi1>, vector<16x256xf32>
    %reduce_sum3A_812 = arith.constant dense<0.000000e+00> : vector<256xf32>
    %reduce_sum3A_813 = vector.multi_reduction <add>, %select_n3A_811, %reduce_sum3A_812 [0] : vector<16x256xf32> to vector<256xf32>
    %broadcast_in_dim3A_814 = vector.shape_cast %reduce_sum3A_813 : vector<256xf32> to vector<1x256xf32>
    %mul3A_815 = arith.constant 2.560000e+02 : f32
    %mul3A_816 = vector.broadcast %mul3A_815 : f32 to vector<1x256xf32>
    %mul3A_817 = arith.mulf %broadcast_in_dim3A_806, %mul3A_816 : vector<1x256xf32>
    %add3A_818 = arith.addf %mul3A_817, %broadcast_in_dim3A_814 : vector<1x256xf32>
    %reduce_max3A_819 = arith.constant dense<0xFF800000> : vector<256xf32>
    %reduce_max3A_820 = vector.multi_reduction <maximumf>, %select_n3A_792, %reduce_max3A_819 [0] : vector<256x256xf32> to vector<256xf32>
    %broadcast_in_dim3A_821 = vector.shape_cast %reduce_max3A_820 : vector<256xf32> to vector<1x256xf32>
    %eq3A_822 = vector.broadcast %broadcast_in_dim3A_821 : vector<1x256xf32> to vector<256x256xf32>
    %eq3A_823 = arith.cmpf oeq, %select_n3A_792, %eq3A_822 : vector<256x256xf32>
    %jit3A_824 = arith.constant 1073741824 : i32
    %broadcast_in_dim3A_825 = vector.broadcast %jit3A_824 : i32 to vector<256x256xi32>
    %select_n3A_826 = arith.select %eq3A_823, %iota3A, %broadcast_in_dim3A_825 : vector<256x256xi1>, vector<256x256xi32>
    %reduce_min3A_827 = arith.constant dense<2147483647> : vector<256xi32>
    %reduce_min3A_828 = vector.multi_reduction <minsi>, %select_n3A_826, %reduce_min3A_827 [0] : vector<256x256xi32> to vector<256xi32>
    %broadcast_in_dim3A_829 = vector.shape_cast %reduce_min3A_828 : vector<256xi32> to vector<1x256xi32>
    %eq3A_830 = vector.broadcast %broadcast_in_dim3A_829 : vector<1x256xi32> to vector<256x256xi32>
    %eq3A_831 = arith.cmpi eq, %iota3A, %eq3A_830 : vector<256x256xi32>
    %jit3A_832 = arith.constant 0xFF800000 : f32
    %broadcast_in_dim3A_833 = vector.broadcast %jit3A_832 : f32 to vector<256x256xf32>
    %select_n3A_834 = arith.select %eq3A_831, %broadcast_in_dim3A_833, %select_n3A_792 : vector<256x256xi1>, vector<256x256xf32>
    %shift_right_arithmetic3A_835 = arith.constant 4 : i32
    %shift_right_arithmetic3A_836 = vector.broadcast %shift_right_arithmetic3A_835 : i32 to vector<1x256xi32>
    %shift_right_arithmetic3A_837 = arith.shrsi %broadcast_in_dim3A_829, %shift_right_arithmetic3A_836 : vector<1x256xi32>
    %and3A_838 = arith.constant 15 : i32
    %and3A_839 = vector.broadcast %and3A_838 : i32 to vector<1x256xi32>
    %and3A_840 = arith.andi %broadcast_in_dim3A_829, %and3A_839 : vector<1x256xi32>
    %eq3A_841 = vector.broadcast %shift_right_arithmetic3A_837 : vector<1x256xi32> to vector<16x256xi32>
    %eq3A_842 = arith.cmpi eq, %iota3A_6, %eq3A_841 : vector<16x256xi32>
    %jit3A_843 = arith.constant 0.000000e+00 : f32
    %broadcast_in_dim3A_844 = vector.broadcast %jit3A_843 : f32 to vector<16x256xf32>
    %select_n3A_845 = arith.select %eq3A_842, %convert_element_type3A, %broadcast_in_dim3A_844 : vector<16x256xi1>, vector<16x256xf32>
    %reduce_sum3A_846 = arith.constant dense<0.000000e+00> : vector<256xf32>
    %reduce_sum3A_847 = vector.multi_reduction <add>, %select_n3A_845, %reduce_sum3A_846 [0] : vector<16x256xf32> to vector<256xf32>
    %broadcast_in_dim3A_848 = vector.shape_cast %reduce_sum3A_847 : vector<256xf32> to vector<1x256xf32>
    %eq3A_849 = vector.broadcast %and3A_840 : vector<1x256xi32> to vector<16x256xi32>
    %eq3A_850 = arith.cmpi eq, %iota3A_6, %eq3A_849 : vector<16x256xi32>
    %jit3A_851 = arith.constant 0.000000e+00 : f32
    %broadcast_in_dim3A_852 = vector.broadcast %jit3A_851 : f32 to vector<16x256xf32>
    %select_n3A_853 = arith.select %eq3A_850, %convert_element_type3A_557, %broadcast_in_dim3A_852 : vector<16x256xi1>, vector<16x256xf32>
    %reduce_sum3A_854 = arith.constant dense<0.000000e+00> : vector<256xf32>
    %reduce_sum3A_855 = vector.multi_reduction <add>, %select_n3A_853, %reduce_sum3A_854 [0] : vector<16x256xf32> to vector<256xf32>
    %broadcast_in_dim3A_856 = vector.shape_cast %reduce_sum3A_855 : vector<256xf32> to vector<1x256xf32>
    %mul3A_857 = arith.constant 2.560000e+02 : f32
    %mul3A_858 = vector.broadcast %mul3A_857 : f32 to vector<1x256xf32>
    %mul3A_859 = arith.mulf %broadcast_in_dim3A_848, %mul3A_858 : vector<1x256xf32>
    %add3A_860 = arith.addf %mul3A_859, %broadcast_in_dim3A_856 : vector<1x256xf32>
    %reduce_max3A_861 = arith.constant dense<0xFF800000> : vector<256xf32>
    %reduce_max3A_862 = vector.multi_reduction <maximumf>, %select_n3A_834, %reduce_max3A_861 [0] : vector<256x256xf32> to vector<256xf32>
    %broadcast_in_dim3A_863 = vector.shape_cast %reduce_max3A_862 : vector<256xf32> to vector<1x256xf32>
    %eq3A_864 = vector.broadcast %broadcast_in_dim3A_863 : vector<1x256xf32> to vector<256x256xf32>
    %eq3A_865 = arith.cmpf oeq, %select_n3A_834, %eq3A_864 : vector<256x256xf32>
    %jit3A_866 = arith.constant 1073741824 : i32
    %broadcast_in_dim3A_867 = vector.broadcast %jit3A_866 : i32 to vector<256x256xi32>
    %select_n3A_868 = arith.select %eq3A_865, %iota3A, %broadcast_in_dim3A_867 : vector<256x256xi1>, vector<256x256xi32>
    %reduce_min3A_869 = arith.constant dense<2147483647> : vector<256xi32>
    %reduce_min3A_870 = vector.multi_reduction <minsi>, %select_n3A_868, %reduce_min3A_869 [0] : vector<256x256xi32> to vector<256xi32>
    %broadcast_in_dim3A_871 = vector.shape_cast %reduce_min3A_870 : vector<256xi32> to vector<1x256xi32>
    %eq3A_872 = vector.broadcast %broadcast_in_dim3A_871 : vector<1x256xi32> to vector<256x256xi32>
    %eq3A_873 = arith.cmpi eq, %iota3A, %eq3A_872 : vector<256x256xi32>
    %jit3A_874 = arith.constant 0xFF800000 : f32
    %broadcast_in_dim3A_875 = vector.broadcast %jit3A_874 : f32 to vector<256x256xf32>
    %select_n3A_876 = arith.select %eq3A_873, %broadcast_in_dim3A_875, %select_n3A_834 : vector<256x256xi1>, vector<256x256xf32>
    %shift_right_arithmetic3A_877 = arith.constant 4 : i32
    %shift_right_arithmetic3A_878 = vector.broadcast %shift_right_arithmetic3A_877 : i32 to vector<1x256xi32>
    %shift_right_arithmetic3A_879 = arith.shrsi %broadcast_in_dim3A_871, %shift_right_arithmetic3A_878 : vector<1x256xi32>
    %and3A_880 = arith.constant 15 : i32
    %and3A_881 = vector.broadcast %and3A_880 : i32 to vector<1x256xi32>
    %and3A_882 = arith.andi %broadcast_in_dim3A_871, %and3A_881 : vector<1x256xi32>
    %eq3A_883 = vector.broadcast %shift_right_arithmetic3A_879 : vector<1x256xi32> to vector<16x256xi32>
    %eq3A_884 = arith.cmpi eq, %iota3A_6, %eq3A_883 : vector<16x256xi32>
    %jit3A_885 = arith.constant 0.000000e+00 : f32
    %broadcast_in_dim3A_886 = vector.broadcast %jit3A_885 : f32 to vector<16x256xf32>
    %select_n3A_887 = arith.select %eq3A_884, %convert_element_type3A, %broadcast_in_dim3A_886 : vector<16x256xi1>, vector<16x256xf32>
    %reduce_sum3A_888 = arith.constant dense<0.000000e+00> : vector<256xf32>
    %reduce_sum3A_889 = vector.multi_reduction <add>, %select_n3A_887, %reduce_sum3A_888 [0] : vector<16x256xf32> to vector<256xf32>
    %broadcast_in_dim3A_890 = vector.shape_cast %reduce_sum3A_889 : vector<256xf32> to vector<1x256xf32>
    %eq3A_891 = vector.broadcast %and3A_882 : vector<1x256xi32> to vector<16x256xi32>
    %eq3A_892 = arith.cmpi eq, %iota3A_6, %eq3A_891 : vector<16x256xi32>
    %jit3A_893 = arith.constant 0.000000e+00 : f32
    %broadcast_in_dim3A_894 = vector.broadcast %jit3A_893 : f32 to vector<16x256xf32>
    %select_n3A_895 = arith.select %eq3A_892, %convert_element_type3A_557, %broadcast_in_dim3A_894 : vector<16x256xi1>, vector<16x256xf32>
    %reduce_sum3A_896 = arith.constant dense<0.000000e+00> : vector<256xf32>
    %reduce_sum3A_897 = vector.multi_reduction <add>, %select_n3A_895, %reduce_sum3A_896 [0] : vector<16x256xf32> to vector<256xf32>
    %broadcast_in_dim3A_898 = vector.shape_cast %reduce_sum3A_897 : vector<256xf32> to vector<1x256xf32>
    %mul3A_899 = arith.constant 2.560000e+02 : f32
    %mul3A_900 = vector.broadcast %mul3A_899 : f32 to vector<1x256xf32>
    %mul3A_901 = arith.mulf %broadcast_in_dim3A_890, %mul3A_900 : vector<1x256xf32>
    %add3A_902 = arith.addf %mul3A_901, %broadcast_in_dim3A_898 : vector<1x256xf32>
    %reduce_max3A_903 = arith.constant dense<0xFF800000> : vector<256xf32>
    %reduce_max3A_904 = vector.multi_reduction <maximumf>, %select_n3A_876, %reduce_max3A_903 [0] : vector<256x256xf32> to vector<256xf32>
    %broadcast_in_dim3A_905 = vector.shape_cast %reduce_max3A_904 : vector<256xf32> to vector<1x256xf32>
    %eq3A_906 = vector.broadcast %broadcast_in_dim3A_905 : vector<1x256xf32> to vector<256x256xf32>
    %eq3A_907 = arith.cmpf oeq, %select_n3A_876, %eq3A_906 : vector<256x256xf32>
    %jit3A_908 = arith.constant 1073741824 : i32
    %broadcast_in_dim3A_909 = vector.broadcast %jit3A_908 : i32 to vector<256x256xi32>
    %select_n3A_910 = arith.select %eq3A_907, %iota3A, %broadcast_in_dim3A_909 : vector<256x256xi1>, vector<256x256xi32>
    %reduce_min3A_911 = arith.constant dense<2147483647> : vector<256xi32>
    %reduce_min3A_912 = vector.multi_reduction <minsi>, %select_n3A_910, %reduce_min3A_911 [0] : vector<256x256xi32> to vector<256xi32>
    %broadcast_in_dim3A_913 = vector.shape_cast %reduce_min3A_912 : vector<256xi32> to vector<1x256xi32>
    %eq3A_914 = vector.broadcast %broadcast_in_dim3A_913 : vector<1x256xi32> to vector<256x256xi32>
    %eq3A_915 = arith.cmpi eq, %iota3A, %eq3A_914 : vector<256x256xi32>
    %jit3A_916 = arith.constant 0xFF800000 : f32
    %broadcast_in_dim3A_917 = vector.broadcast %jit3A_916 : f32 to vector<256x256xf32>
    %select_n3A_918 = arith.select %eq3A_915, %broadcast_in_dim3A_917, %select_n3A_876 : vector<256x256xi1>, vector<256x256xf32>
    %shift_right_arithmetic3A_919 = arith.constant 4 : i32
    %shift_right_arithmetic3A_920 = vector.broadcast %shift_right_arithmetic3A_919 : i32 to vector<1x256xi32>
    %shift_right_arithmetic3A_921 = arith.shrsi %broadcast_in_dim3A_913, %shift_right_arithmetic3A_920 : vector<1x256xi32>
    %and3A_922 = arith.constant 15 : i32
    %and3A_923 = vector.broadcast %and3A_922 : i32 to vector<1x256xi32>
    %and3A_924 = arith.andi %broadcast_in_dim3A_913, %and3A_923 : vector<1x256xi32>
    %eq3A_925 = vector.broadcast %shift_right_arithmetic3A_921 : vector<1x256xi32> to vector<16x256xi32>
    %eq3A_926 = arith.cmpi eq, %iota3A_6, %eq3A_925 : vector<16x256xi32>
    %jit3A_927 = arith.constant 0.000000e+00 : f32
    %broadcast_in_dim3A_928 = vector.broadcast %jit3A_927 : f32 to vector<16x256xf32>
    %select_n3A_929 = arith.select %eq3A_926, %convert_element_type3A, %broadcast_in_dim3A_928 : vector<16x256xi1>, vector<16x256xf32>
    %reduce_sum3A_930 = arith.constant dense<0.000000e+00> : vector<256xf32>
    %reduce_sum3A_931 = vector.multi_reduction <add>, %select_n3A_929, %reduce_sum3A_930 [0] : vector<16x256xf32> to vector<256xf32>
    %broadcast_in_dim3A_932 = vector.shape_cast %reduce_sum3A_931 : vector<256xf32> to vector<1x256xf32>
    %eq3A_933 = vector.broadcast %and3A_924 : vector<1x256xi32> to vector<16x256xi32>
    %eq3A_934 = arith.cmpi eq, %iota3A_6, %eq3A_933 : vector<16x256xi32>
    %jit3A_935 = arith.constant 0.000000e+00 : f32
    %broadcast_in_dim3A_936 = vector.broadcast %jit3A_935 : f32 to vector<16x256xf32>
    %select_n3A_937 = arith.select %eq3A_934, %convert_element_type3A_557, %broadcast_in_dim3A_936 : vector<16x256xi1>, vector<16x256xf32>
    %reduce_sum3A_938 = arith.constant dense<0.000000e+00> : vector<256xf32>
    %reduce_sum3A_939 = vector.multi_reduction <add>, %select_n3A_937, %reduce_sum3A_938 [0] : vector<16x256xf32> to vector<256xf32>
    %broadcast_in_dim3A_940 = vector.shape_cast %reduce_sum3A_939 : vector<256xf32> to vector<1x256xf32>
    %mul3A_941 = arith.constant 2.560000e+02 : f32
    %mul3A_942 = vector.broadcast %mul3A_941 : f32 to vector<1x256xf32>
    %mul3A_943 = arith.mulf %broadcast_in_dim3A_932, %mul3A_942 : vector<1x256xf32>
    %add3A_944 = arith.addf %mul3A_943, %broadcast_in_dim3A_940 : vector<1x256xf32>
    %reduce_max3A_945 = arith.constant dense<0xFF800000> : vector<256xf32>
    %reduce_max3A_946 = vector.multi_reduction <maximumf>, %select_n3A_918, %reduce_max3A_945 [0] : vector<256x256xf32> to vector<256xf32>
    %broadcast_in_dim3A_947 = vector.shape_cast %reduce_max3A_946 : vector<256xf32> to vector<1x256xf32>
    %eq3A_948 = vector.broadcast %broadcast_in_dim3A_947 : vector<1x256xf32> to vector<256x256xf32>
    %eq3A_949 = arith.cmpf oeq, %select_n3A_918, %eq3A_948 : vector<256x256xf32>
    %jit3A_950 = arith.constant 1073741824 : i32
    %broadcast_in_dim3A_951 = vector.broadcast %jit3A_950 : i32 to vector<256x256xi32>
    %select_n3A_952 = arith.select %eq3A_949, %iota3A, %broadcast_in_dim3A_951 : vector<256x256xi1>, vector<256x256xi32>
    %reduce_min3A_953 = arith.constant dense<2147483647> : vector<256xi32>
    %reduce_min3A_954 = vector.multi_reduction <minsi>, %select_n3A_952, %reduce_min3A_953 [0] : vector<256x256xi32> to vector<256xi32>
    %broadcast_in_dim3A_955 = vector.shape_cast %reduce_min3A_954 : vector<256xi32> to vector<1x256xi32>
    %eq3A_956 = vector.broadcast %broadcast_in_dim3A_955 : vector<1x256xi32> to vector<256x256xi32>
    %eq3A_957 = arith.cmpi eq, %iota3A, %eq3A_956 : vector<256x256xi32>
    %jit3A_958 = arith.constant 0xFF800000 : f32
    %broadcast_in_dim3A_959 = vector.broadcast %jit3A_958 : f32 to vector<256x256xf32>
    %select_n3A_960 = arith.select %eq3A_957, %broadcast_in_dim3A_959, %select_n3A_918 : vector<256x256xi1>, vector<256x256xf32>
    %shift_right_arithmetic3A_961 = arith.constant 4 : i32
    %shift_right_arithmetic3A_962 = vector.broadcast %shift_right_arithmetic3A_961 : i32 to vector<1x256xi32>
    %shift_right_arithmetic3A_963 = arith.shrsi %broadcast_in_dim3A_955, %shift_right_arithmetic3A_962 : vector<1x256xi32>
    %and3A_964 = arith.constant 15 : i32
    %and3A_965 = vector.broadcast %and3A_964 : i32 to vector<1x256xi32>
    %and3A_966 = arith.andi %broadcast_in_dim3A_955, %and3A_965 : vector<1x256xi32>
    %eq3A_967 = vector.broadcast %shift_right_arithmetic3A_963 : vector<1x256xi32> to vector<16x256xi32>
    %eq3A_968 = arith.cmpi eq, %iota3A_6, %eq3A_967 : vector<16x256xi32>
    %jit3A_969 = arith.constant 0.000000e+00 : f32
    %broadcast_in_dim3A_970 = vector.broadcast %jit3A_969 : f32 to vector<16x256xf32>
    %select_n3A_971 = arith.select %eq3A_968, %convert_element_type3A, %broadcast_in_dim3A_970 : vector<16x256xi1>, vector<16x256xf32>
    %reduce_sum3A_972 = arith.constant dense<0.000000e+00> : vector<256xf32>
    %reduce_sum3A_973 = vector.multi_reduction <add>, %select_n3A_971, %reduce_sum3A_972 [0] : vector<16x256xf32> to vector<256xf32>
    %broadcast_in_dim3A_974 = vector.shape_cast %reduce_sum3A_973 : vector<256xf32> to vector<1x256xf32>
    %eq3A_975 = vector.broadcast %and3A_966 : vector<1x256xi32> to vector<16x256xi32>
    %eq3A_976 = arith.cmpi eq, %iota3A_6, %eq3A_975 : vector<16x256xi32>
    %jit3A_977 = arith.constant 0.000000e+00 : f32
    %broadcast_in_dim3A_978 = vector.broadcast %jit3A_977 : f32 to vector<16x256xf32>
    %select_n3A_979 = arith.select %eq3A_976, %convert_element_type3A_557, %broadcast_in_dim3A_978 : vector<16x256xi1>, vector<16x256xf32>
    %reduce_sum3A_980 = arith.constant dense<0.000000e+00> : vector<256xf32>
    %reduce_sum3A_981 = vector.multi_reduction <add>, %select_n3A_979, %reduce_sum3A_980 [0] : vector<16x256xf32> to vector<256xf32>
    %broadcast_in_dim3A_982 = vector.shape_cast %reduce_sum3A_981 : vector<256xf32> to vector<1x256xf32>
    %mul3A_983 = arith.constant 2.560000e+02 : f32
    %mul3A_984 = vector.broadcast %mul3A_983 : f32 to vector<1x256xf32>
    %mul3A_985 = arith.mulf %broadcast_in_dim3A_974, %mul3A_984 : vector<1x256xf32>
    %add3A_986 = arith.addf %mul3A_985, %broadcast_in_dim3A_982 : vector<1x256xf32>
    %reduce_max3A_987 = arith.constant dense<0xFF800000> : vector<256xf32>
    %reduce_max3A_988 = vector.multi_reduction <maximumf>, %select_n3A_960, %reduce_max3A_987 [0] : vector<256x256xf32> to vector<256xf32>
    %broadcast_in_dim3A_989 = vector.shape_cast %reduce_max3A_988 : vector<256xf32> to vector<1x256xf32>
    %eq3A_990 = vector.broadcast %broadcast_in_dim3A_989 : vector<1x256xf32> to vector<256x256xf32>
    %eq3A_991 = arith.cmpf oeq, %select_n3A_960, %eq3A_990 : vector<256x256xf32>
    %jit3A_992 = arith.constant 1073741824 : i32
    %broadcast_in_dim3A_993 = vector.broadcast %jit3A_992 : i32 to vector<256x256xi32>
    %select_n3A_994 = arith.select %eq3A_991, %iota3A, %broadcast_in_dim3A_993 : vector<256x256xi1>, vector<256x256xi32>
    %reduce_min3A_995 = arith.constant dense<2147483647> : vector<256xi32>
    %reduce_min3A_996 = vector.multi_reduction <minsi>, %select_n3A_994, %reduce_min3A_995 [0] : vector<256x256xi32> to vector<256xi32>
    %broadcast_in_dim3A_997 = vector.shape_cast %reduce_min3A_996 : vector<256xi32> to vector<1x256xi32>
    %eq3A_998 = vector.broadcast %broadcast_in_dim3A_997 : vector<1x256xi32> to vector<256x256xi32>
    %eq3A_999 = arith.cmpi eq, %iota3A, %eq3A_998 : vector<256x256xi32>
    %jit3A_1000 = arith.constant 0xFF800000 : f32
    %broadcast_in_dim3A_1001 = vector.broadcast %jit3A_1000 : f32 to vector<256x256xf32>
    %select_n3A_1002 = arith.select %eq3A_999, %broadcast_in_dim3A_1001, %select_n3A_960 : vector<256x256xi1>, vector<256x256xf32>
    %shift_right_arithmetic3A_1003 = arith.constant 4 : i32
    %shift_right_arithmetic3A_1004 = vector.broadcast %shift_right_arithmetic3A_1003 : i32 to vector<1x256xi32>
    %shift_right_arithmetic3A_1005 = arith.shrsi %broadcast_in_dim3A_997, %shift_right_arithmetic3A_1004 : vector<1x256xi32>
    %and3A_1006 = arith.constant 15 : i32
    %and3A_1007 = vector.broadcast %and3A_1006 : i32 to vector<1x256xi32>
    %and3A_1008 = arith.andi %broadcast_in_dim3A_997, %and3A_1007 : vector<1x256xi32>
    %eq3A_1009 = vector.broadcast %shift_right_arithmetic3A_1005 : vector<1x256xi32> to vector<16x256xi32>
    %eq3A_1010 = arith.cmpi eq, %iota3A_6, %eq3A_1009 : vector<16x256xi32>
    %jit3A_1011 = arith.constant 0.000000e+00 : f32
    %broadcast_in_dim3A_1012 = vector.broadcast %jit3A_1011 : f32 to vector<16x256xf32>
    %select_n3A_1013 = arith.select %eq3A_1010, %convert_element_type3A, %broadcast_in_dim3A_1012 : vector<16x256xi1>, vector<16x256xf32>
    %reduce_sum3A_1014 = arith.constant dense<0.000000e+00> : vector<256xf32>
    %reduce_sum3A_1015 = vector.multi_reduction <add>, %select_n3A_1013, %reduce_sum3A_1014 [0] : vector<16x256xf32> to vector<256xf32>
    %broadcast_in_dim3A_1016 = vector.shape_cast %reduce_sum3A_1015 : vector<256xf32> to vector<1x256xf32>
    %eq3A_1017 = vector.broadcast %and3A_1008 : vector<1x256xi32> to vector<16x256xi32>
    %eq3A_1018 = arith.cmpi eq, %iota3A_6, %eq3A_1017 : vector<16x256xi32>
    %jit3A_1019 = arith.constant 0.000000e+00 : f32
    %broadcast_in_dim3A_1020 = vector.broadcast %jit3A_1019 : f32 to vector<16x256xf32>
    %select_n3A_1021 = arith.select %eq3A_1018, %convert_element_type3A_557, %broadcast_in_dim3A_1020 : vector<16x256xi1>, vector<16x256xf32>
    %reduce_sum3A_1022 = arith.constant dense<0.000000e+00> : vector<256xf32>
    %reduce_sum3A_1023 = vector.multi_reduction <add>, %select_n3A_1021, %reduce_sum3A_1022 [0] : vector<16x256xf32> to vector<256xf32>
    %broadcast_in_dim3A_1024 = vector.shape_cast %reduce_sum3A_1023 : vector<256xf32> to vector<1x256xf32>
    %mul3A_1025 = arith.constant 2.560000e+02 : f32
    %mul3A_1026 = vector.broadcast %mul3A_1025 : f32 to vector<1x256xf32>
    %mul3A_1027 = arith.mulf %broadcast_in_dim3A_1016, %mul3A_1026 : vector<1x256xf32>
    %add3A_1028 = arith.addf %mul3A_1027, %broadcast_in_dim3A_1024 : vector<1x256xf32>
    %reduce_max3A_1029 = arith.constant dense<0xFF800000> : vector<256xf32>
    %reduce_max3A_1030 = vector.multi_reduction <maximumf>, %select_n3A_1002, %reduce_max3A_1029 [0] : vector<256x256xf32> to vector<256xf32>
    %broadcast_in_dim3A_1031 = vector.shape_cast %reduce_max3A_1030 : vector<256xf32> to vector<1x256xf32>
    %eq3A_1032 = vector.broadcast %broadcast_in_dim3A_1031 : vector<1x256xf32> to vector<256x256xf32>
    %eq3A_1033 = arith.cmpf oeq, %select_n3A_1002, %eq3A_1032 : vector<256x256xf32>
    %jit3A_1034 = arith.constant 1073741824 : i32
    %broadcast_in_dim3A_1035 = vector.broadcast %jit3A_1034 : i32 to vector<256x256xi32>
    %select_n3A_1036 = arith.select %eq3A_1033, %iota3A, %broadcast_in_dim3A_1035 : vector<256x256xi1>, vector<256x256xi32>
    %reduce_min3A_1037 = arith.constant dense<2147483647> : vector<256xi32>
    %reduce_min3A_1038 = vector.multi_reduction <minsi>, %select_n3A_1036, %reduce_min3A_1037 [0] : vector<256x256xi32> to vector<256xi32>
    %broadcast_in_dim3A_1039 = vector.shape_cast %reduce_min3A_1038 : vector<256xi32> to vector<1x256xi32>
    %eq3A_1040 = vector.broadcast %broadcast_in_dim3A_1039 : vector<1x256xi32> to vector<256x256xi32>
    %eq3A_1041 = arith.cmpi eq, %iota3A, %eq3A_1040 : vector<256x256xi32>
    %jit3A_1042 = arith.constant 0xFF800000 : f32
    %broadcast_in_dim3A_1043 = vector.broadcast %jit3A_1042 : f32 to vector<256x256xf32>
    %select_n3A_1044 = arith.select %eq3A_1041, %broadcast_in_dim3A_1043, %select_n3A_1002 : vector<256x256xi1>, vector<256x256xf32>
    %shift_right_arithmetic3A_1045 = arith.constant 4 : i32
    %shift_right_arithmetic3A_1046 = vector.broadcast %shift_right_arithmetic3A_1045 : i32 to vector<1x256xi32>
    %shift_right_arithmetic3A_1047 = arith.shrsi %broadcast_in_dim3A_1039, %shift_right_arithmetic3A_1046 : vector<1x256xi32>
    %and3A_1048 = arith.constant 15 : i32
    %and3A_1049 = vector.broadcast %and3A_1048 : i32 to vector<1x256xi32>
    %and3A_1050 = arith.andi %broadcast_in_dim3A_1039, %and3A_1049 : vector<1x256xi32>
    %eq3A_1051 = vector.broadcast %shift_right_arithmetic3A_1047 : vector<1x256xi32> to vector<16x256xi32>
    %eq3A_1052 = arith.cmpi eq, %iota3A_6, %eq3A_1051 : vector<16x256xi32>
    %jit3A_1053 = arith.constant 0.000000e+00 : f32
    %broadcast_in_dim3A_1054 = vector.broadcast %jit3A_1053 : f32 to vector<16x256xf32>
    %select_n3A_1055 = arith.select %eq3A_1052, %convert_element_type3A, %broadcast_in_dim3A_1054 : vector<16x256xi1>, vector<16x256xf32>
    %reduce_sum3A_1056 = arith.constant dense<0.000000e+00> : vector<256xf32>
    %reduce_sum3A_1057 = vector.multi_reduction <add>, %select_n3A_1055, %reduce_sum3A_1056 [0] : vector<16x256xf32> to vector<256xf32>
    %broadcast_in_dim3A_1058 = vector.shape_cast %reduce_sum3A_1057 : vector<256xf32> to vector<1x256xf32>
    %eq3A_1059 = vector.broadcast %and3A_1050 : vector<1x256xi32> to vector<16x256xi32>
    %eq3A_1060 = arith.cmpi eq, %iota3A_6, %eq3A_1059 : vector<16x256xi32>
    %jit3A_1061 = arith.constant 0.000000e+00 : f32
    %broadcast_in_dim3A_1062 = vector.broadcast %jit3A_1061 : f32 to vector<16x256xf32>
    %select_n3A_1063 = arith.select %eq3A_1060, %convert_element_type3A_557, %broadcast_in_dim3A_1062 : vector<16x256xi1>, vector<16x256xf32>
    %reduce_sum3A_1064 = arith.constant dense<0.000000e+00> : vector<256xf32>
    %reduce_sum3A_1065 = vector.multi_reduction <add>, %select_n3A_1063, %reduce_sum3A_1064 [0] : vector<16x256xf32> to vector<256xf32>
    %broadcast_in_dim3A_1066 = vector.shape_cast %reduce_sum3A_1065 : vector<256xf32> to vector<1x256xf32>
    %mul3A_1067 = arith.constant 2.560000e+02 : f32
    %mul3A_1068 = vector.broadcast %mul3A_1067 : f32 to vector<1x256xf32>
    %mul3A_1069 = arith.mulf %broadcast_in_dim3A_1058, %mul3A_1068 : vector<1x256xf32>
    %add3A_1070 = arith.addf %mul3A_1069, %broadcast_in_dim3A_1066 : vector<1x256xf32>
    %reduce_max3A_1071 = arith.constant dense<0xFF800000> : vector<256xf32>
    %reduce_max3A_1072 = vector.multi_reduction <maximumf>, %select_n3A_1044, %reduce_max3A_1071 [0] : vector<256x256xf32> to vector<256xf32>
    %broadcast_in_dim3A_1073 = vector.shape_cast %reduce_max3A_1072 : vector<256xf32> to vector<1x256xf32>
    %eq3A_1074 = vector.broadcast %broadcast_in_dim3A_1073 : vector<1x256xf32> to vector<256x256xf32>
    %eq3A_1075 = arith.cmpf oeq, %select_n3A_1044, %eq3A_1074 : vector<256x256xf32>
    %jit3A_1076 = arith.constant 1073741824 : i32
    %broadcast_in_dim3A_1077 = vector.broadcast %jit3A_1076 : i32 to vector<256x256xi32>
    %select_n3A_1078 = arith.select %eq3A_1075, %iota3A, %broadcast_in_dim3A_1077 : vector<256x256xi1>, vector<256x256xi32>
    %reduce_min3A_1079 = arith.constant dense<2147483647> : vector<256xi32>
    %reduce_min3A_1080 = vector.multi_reduction <minsi>, %select_n3A_1078, %reduce_min3A_1079 [0] : vector<256x256xi32> to vector<256xi32>
    %broadcast_in_dim3A_1081 = vector.shape_cast %reduce_min3A_1080 : vector<256xi32> to vector<1x256xi32>
    %eq3A_1082 = vector.broadcast %broadcast_in_dim3A_1081 : vector<1x256xi32> to vector<256x256xi32>
    %eq3A_1083 = arith.cmpi eq, %iota3A, %eq3A_1082 : vector<256x256xi32>
    %jit3A_1084 = arith.constant 0xFF800000 : f32
    %broadcast_in_dim3A_1085 = vector.broadcast %jit3A_1084 : f32 to vector<256x256xf32>
    %select_n3A_1086 = arith.select %eq3A_1083, %broadcast_in_dim3A_1085, %select_n3A_1044 : vector<256x256xi1>, vector<256x256xf32>
    %shift_right_arithmetic3A_1087 = arith.constant 4 : i32
    %shift_right_arithmetic3A_1088 = vector.broadcast %shift_right_arithmetic3A_1087 : i32 to vector<1x256xi32>
    %shift_right_arithmetic3A_1089 = arith.shrsi %broadcast_in_dim3A_1081, %shift_right_arithmetic3A_1088 : vector<1x256xi32>
    %and3A_1090 = arith.constant 15 : i32
    %and3A_1091 = vector.broadcast %and3A_1090 : i32 to vector<1x256xi32>
    %and3A_1092 = arith.andi %broadcast_in_dim3A_1081, %and3A_1091 : vector<1x256xi32>
    %eq3A_1093 = vector.broadcast %shift_right_arithmetic3A_1089 : vector<1x256xi32> to vector<16x256xi32>
    %eq3A_1094 = arith.cmpi eq, %iota3A_6, %eq3A_1093 : vector<16x256xi32>
    %jit3A_1095 = arith.constant 0.000000e+00 : f32
    %broadcast_in_dim3A_1096 = vector.broadcast %jit3A_1095 : f32 to vector<16x256xf32>
    %select_n3A_1097 = arith.select %eq3A_1094, %convert_element_type3A, %broadcast_in_dim3A_1096 : vector<16x256xi1>, vector<16x256xf32>
    %reduce_sum3A_1098 = arith.constant dense<0.000000e+00> : vector<256xf32>
    %reduce_sum3A_1099 = vector.multi_reduction <add>, %select_n3A_1097, %reduce_sum3A_1098 [0] : vector<16x256xf32> to vector<256xf32>
    %broadcast_in_dim3A_1100 = vector.shape_cast %reduce_sum3A_1099 : vector<256xf32> to vector<1x256xf32>
    %eq3A_1101 = vector.broadcast %and3A_1092 : vector<1x256xi32> to vector<16x256xi32>
    %eq3A_1102 = arith.cmpi eq, %iota3A_6, %eq3A_1101 : vector<16x256xi32>
    %jit3A_1103 = arith.constant 0.000000e+00 : f32
    %broadcast_in_dim3A_1104 = vector.broadcast %jit3A_1103 : f32 to vector<16x256xf32>
    %select_n3A_1105 = arith.select %eq3A_1102, %convert_element_type3A_557, %broadcast_in_dim3A_1104 : vector<16x256xi1>, vector<16x256xf32>
    %reduce_sum3A_1106 = arith.constant dense<0.000000e+00> : vector<256xf32>
    %reduce_sum3A_1107 = vector.multi_reduction <add>, %select_n3A_1105, %reduce_sum3A_1106 [0] : vector<16x256xf32> to vector<256xf32>
    %broadcast_in_dim3A_1108 = vector.shape_cast %reduce_sum3A_1107 : vector<256xf32> to vector<1x256xf32>
    %mul3A_1109 = arith.constant 2.560000e+02 : f32
    %mul3A_1110 = vector.broadcast %mul3A_1109 : f32 to vector<1x256xf32>
    %mul3A_1111 = arith.mulf %broadcast_in_dim3A_1100, %mul3A_1110 : vector<1x256xf32>
    %add3A_1112 = arith.addf %mul3A_1111, %broadcast_in_dim3A_1108 : vector<1x256xf32>
    %reduce_max3A_1113 = arith.constant dense<0xFF800000> : vector<256xf32>
    %reduce_max3A_1114 = vector.multi_reduction <maximumf>, %select_n3A_1086, %reduce_max3A_1113 [0] : vector<256x256xf32> to vector<256xf32>
    %broadcast_in_dim3A_1115 = vector.shape_cast %reduce_max3A_1114 : vector<256xf32> to vector<1x256xf32>
    %eq3A_1116 = vector.broadcast %broadcast_in_dim3A_1115 : vector<1x256xf32> to vector<256x256xf32>
    %eq3A_1117 = arith.cmpf oeq, %select_n3A_1086, %eq3A_1116 : vector<256x256xf32>
    %jit3A_1118 = arith.constant 1073741824 : i32
    %broadcast_in_dim3A_1119 = vector.broadcast %jit3A_1118 : i32 to vector<256x256xi32>
    %select_n3A_1120 = arith.select %eq3A_1117, %iota3A, %broadcast_in_dim3A_1119 : vector<256x256xi1>, vector<256x256xi32>
    %reduce_min3A_1121 = arith.constant dense<2147483647> : vector<256xi32>
    %reduce_min3A_1122 = vector.multi_reduction <minsi>, %select_n3A_1120, %reduce_min3A_1121 [0] : vector<256x256xi32> to vector<256xi32>
    %broadcast_in_dim3A_1123 = vector.shape_cast %reduce_min3A_1122 : vector<256xi32> to vector<1x256xi32>
    %eq3A_1124 = vector.broadcast %broadcast_in_dim3A_1123 : vector<1x256xi32> to vector<256x256xi32>
    %eq3A_1125 = arith.cmpi eq, %iota3A, %eq3A_1124 : vector<256x256xi32>
    %jit3A_1126 = arith.constant 0xFF800000 : f32
    %broadcast_in_dim3A_1127 = vector.broadcast %jit3A_1126 : f32 to vector<256x256xf32>
    %select_n3A_1128 = arith.select %eq3A_1125, %broadcast_in_dim3A_1127, %select_n3A_1086 : vector<256x256xi1>, vector<256x256xf32>
    %shift_right_arithmetic3A_1129 = arith.constant 4 : i32
    %shift_right_arithmetic3A_1130 = vector.broadcast %shift_right_arithmetic3A_1129 : i32 to vector<1x256xi32>
    %shift_right_arithmetic3A_1131 = arith.shrsi %broadcast_in_dim3A_1123, %shift_right_arithmetic3A_1130 : vector<1x256xi32>
    %and3A_1132 = arith.constant 15 : i32
    %and3A_1133 = vector.broadcast %and3A_1132 : i32 to vector<1x256xi32>
    %and3A_1134 = arith.andi %broadcast_in_dim3A_1123, %and3A_1133 : vector<1x256xi32>
    %eq3A_1135 = vector.broadcast %shift_right_arithmetic3A_1131 : vector<1x256xi32> to vector<16x256xi32>
    %eq3A_1136 = arith.cmpi eq, %iota3A_6, %eq3A_1135 : vector<16x256xi32>
    %jit3A_1137 = arith.constant 0.000000e+00 : f32
    %broadcast_in_dim3A_1138 = vector.broadcast %jit3A_1137 : f32 to vector<16x256xf32>
    %select_n3A_1139 = arith.select %eq3A_1136, %convert_element_type3A, %broadcast_in_dim3A_1138 : vector<16x256xi1>, vector<16x256xf32>
    %reduce_sum3A_1140 = arith.constant dense<0.000000e+00> : vector<256xf32>
    %reduce_sum3A_1141 = vector.multi_reduction <add>, %select_n3A_1139, %reduce_sum3A_1140 [0] : vector<16x256xf32> to vector<256xf32>
    %broadcast_in_dim3A_1142 = vector.shape_cast %reduce_sum3A_1141 : vector<256xf32> to vector<1x256xf32>
    %eq3A_1143 = vector.broadcast %and3A_1134 : vector<1x256xi32> to vector<16x256xi32>
    %eq3A_1144 = arith.cmpi eq, %iota3A_6, %eq3A_1143 : vector<16x256xi32>
    %jit3A_1145 = arith.constant 0.000000e+00 : f32
    %broadcast_in_dim3A_1146 = vector.broadcast %jit3A_1145 : f32 to vector<16x256xf32>
    %select_n3A_1147 = arith.select %eq3A_1144, %convert_element_type3A_557, %broadcast_in_dim3A_1146 : vector<16x256xi1>, vector<16x256xf32>
    %reduce_sum3A_1148 = arith.constant dense<0.000000e+00> : vector<256xf32>
    %reduce_sum3A_1149 = vector.multi_reduction <add>, %select_n3A_1147, %reduce_sum3A_1148 [0] : vector<16x256xf32> to vector<256xf32>
    %broadcast_in_dim3A_1150 = vector.shape_cast %reduce_sum3A_1149 : vector<256xf32> to vector<1x256xf32>
    %mul3A_1151 = arith.constant 2.560000e+02 : f32
    %mul3A_1152 = vector.broadcast %mul3A_1151 : f32 to vector<1x256xf32>
    %mul3A_1153 = arith.mulf %broadcast_in_dim3A_1142, %mul3A_1152 : vector<1x256xf32>
    %add3A_1154 = arith.addf %mul3A_1153, %broadcast_in_dim3A_1150 : vector<1x256xf32>
    %reduce_max3A_1155 = arith.constant dense<0xFF800000> : vector<256xf32>
    %reduce_max3A_1156 = vector.multi_reduction <maximumf>, %select_n3A_1128, %reduce_max3A_1155 [0] : vector<256x256xf32> to vector<256xf32>
    %broadcast_in_dim3A_1157 = vector.shape_cast %reduce_max3A_1156 : vector<256xf32> to vector<1x256xf32>
    %eq3A_1158 = vector.broadcast %broadcast_in_dim3A_1157 : vector<1x256xf32> to vector<256x256xf32>
    %eq3A_1159 = arith.cmpf oeq, %select_n3A_1128, %eq3A_1158 : vector<256x256xf32>
    %jit3A_1160 = arith.constant 1073741824 : i32
    %broadcast_in_dim3A_1161 = vector.broadcast %jit3A_1160 : i32 to vector<256x256xi32>
    %select_n3A_1162 = arith.select %eq3A_1159, %iota3A, %broadcast_in_dim3A_1161 : vector<256x256xi1>, vector<256x256xi32>
    %reduce_min3A_1163 = arith.constant dense<2147483647> : vector<256xi32>
    %reduce_min3A_1164 = vector.multi_reduction <minsi>, %select_n3A_1162, %reduce_min3A_1163 [0] : vector<256x256xi32> to vector<256xi32>
    %broadcast_in_dim3A_1165 = vector.shape_cast %reduce_min3A_1164 : vector<256xi32> to vector<1x256xi32>
    %eq3A_1166 = vector.broadcast %broadcast_in_dim3A_1165 : vector<1x256xi32> to vector<256x256xi32>
    %eq3A_1167 = arith.cmpi eq, %iota3A, %eq3A_1166 : vector<256x256xi32>
    %jit3A_1168 = arith.constant 0xFF800000 : f32
    %broadcast_in_dim3A_1169 = vector.broadcast %jit3A_1168 : f32 to vector<256x256xf32>
    %select_n3A_1170 = arith.select %eq3A_1167, %broadcast_in_dim3A_1169, %select_n3A_1128 : vector<256x256xi1>, vector<256x256xf32>
    %shift_right_arithmetic3A_1171 = arith.constant 4 : i32
    %shift_right_arithmetic3A_1172 = vector.broadcast %shift_right_arithmetic3A_1171 : i32 to vector<1x256xi32>
    %shift_right_arithmetic3A_1173 = arith.shrsi %broadcast_in_dim3A_1165, %shift_right_arithmetic3A_1172 : vector<1x256xi32>
    %and3A_1174 = arith.constant 15 : i32
    %and3A_1175 = vector.broadcast %and3A_1174 : i32 to vector<1x256xi32>
    %and3A_1176 = arith.andi %broadcast_in_dim3A_1165, %and3A_1175 : vector<1x256xi32>
    %eq3A_1177 = vector.broadcast %shift_right_arithmetic3A_1173 : vector<1x256xi32> to vector<16x256xi32>
    %eq3A_1178 = arith.cmpi eq, %iota3A_6, %eq3A_1177 : vector<16x256xi32>
    %jit3A_1179 = arith.constant 0.000000e+00 : f32
    %broadcast_in_dim3A_1180 = vector.broadcast %jit3A_1179 : f32 to vector<16x256xf32>
    %select_n3A_1181 = arith.select %eq3A_1178, %convert_element_type3A, %broadcast_in_dim3A_1180 : vector<16x256xi1>, vector<16x256xf32>
    %reduce_sum3A_1182 = arith.constant dense<0.000000e+00> : vector<256xf32>
    %reduce_sum3A_1183 = vector.multi_reduction <add>, %select_n3A_1181, %reduce_sum3A_1182 [0] : vector<16x256xf32> to vector<256xf32>
    %broadcast_in_dim3A_1184 = vector.shape_cast %reduce_sum3A_1183 : vector<256xf32> to vector<1x256xf32>
    %eq3A_1185 = vector.broadcast %and3A_1176 : vector<1x256xi32> to vector<16x256xi32>
    %eq3A_1186 = arith.cmpi eq, %iota3A_6, %eq3A_1185 : vector<16x256xi32>
    %jit3A_1187 = arith.constant 0.000000e+00 : f32
    %broadcast_in_dim3A_1188 = vector.broadcast %jit3A_1187 : f32 to vector<16x256xf32>
    %select_n3A_1189 = arith.select %eq3A_1186, %convert_element_type3A_557, %broadcast_in_dim3A_1188 : vector<16x256xi1>, vector<16x256xf32>
    %reduce_sum3A_1190 = arith.constant dense<0.000000e+00> : vector<256xf32>
    %reduce_sum3A_1191 = vector.multi_reduction <add>, %select_n3A_1189, %reduce_sum3A_1190 [0] : vector<16x256xf32> to vector<256xf32>
    %broadcast_in_dim3A_1192 = vector.shape_cast %reduce_sum3A_1191 : vector<256xf32> to vector<1x256xf32>
    %mul3A_1193 = arith.constant 2.560000e+02 : f32
    %mul3A_1194 = vector.broadcast %mul3A_1193 : f32 to vector<1x256xf32>
    %mul3A_1195 = arith.mulf %broadcast_in_dim3A_1184, %mul3A_1194 : vector<1x256xf32>
    %add3A_1196 = arith.addf %mul3A_1195, %broadcast_in_dim3A_1192 : vector<1x256xf32>
    %reduce_max3A_1197 = arith.constant dense<0xFF800000> : vector<256xf32>
    %reduce_max3A_1198 = vector.multi_reduction <maximumf>, %select_n3A_1170, %reduce_max3A_1197 [0] : vector<256x256xf32> to vector<256xf32>
    %broadcast_in_dim3A_1199 = vector.shape_cast %reduce_max3A_1198 : vector<256xf32> to vector<1x256xf32>
    %eq3A_1200 = vector.broadcast %broadcast_in_dim3A_1199 : vector<1x256xf32> to vector<256x256xf32>
    %eq3A_1201 = arith.cmpf oeq, %select_n3A_1170, %eq3A_1200 : vector<256x256xf32>
    %jit3A_1202 = arith.constant 1073741824 : i32
    %broadcast_in_dim3A_1203 = vector.broadcast %jit3A_1202 : i32 to vector<256x256xi32>
    %select_n3A_1204 = arith.select %eq3A_1201, %iota3A, %broadcast_in_dim3A_1203 : vector<256x256xi1>, vector<256x256xi32>
    %reduce_min3A_1205 = arith.constant dense<2147483647> : vector<256xi32>
    %reduce_min3A_1206 = vector.multi_reduction <minsi>, %select_n3A_1204, %reduce_min3A_1205 [0] : vector<256x256xi32> to vector<256xi32>
    %broadcast_in_dim3A_1207 = vector.shape_cast %reduce_min3A_1206 : vector<256xi32> to vector<1x256xi32>
    %shift_right_arithmetic3A_1208 = arith.constant 4 : i32
    %shift_right_arithmetic3A_1209 = vector.broadcast %shift_right_arithmetic3A_1208 : i32 to vector<1x256xi32>
    %shift_right_arithmetic3A_1210 = arith.shrsi %broadcast_in_dim3A_1207, %shift_right_arithmetic3A_1209 : vector<1x256xi32>
    %and3A_1211 = arith.constant 15 : i32
    %and3A_1212 = vector.broadcast %and3A_1211 : i32 to vector<1x256xi32>
    %and3A_1213 = arith.andi %broadcast_in_dim3A_1207, %and3A_1212 : vector<1x256xi32>
    %eq3A_1214 = vector.broadcast %shift_right_arithmetic3A_1210 : vector<1x256xi32> to vector<16x256xi32>
    %eq3A_1215 = arith.cmpi eq, %iota3A_6, %eq3A_1214 : vector<16x256xi32>
    %jit3A_1216 = arith.constant 0.000000e+00 : f32
    %broadcast_in_dim3A_1217 = vector.broadcast %jit3A_1216 : f32 to vector<16x256xf32>
    %select_n3A_1218 = arith.select %eq3A_1215, %convert_element_type3A, %broadcast_in_dim3A_1217 : vector<16x256xi1>, vector<16x256xf32>
    %reduce_sum3A_1219 = arith.constant dense<0.000000e+00> : vector<256xf32>
    %reduce_sum3A_1220 = vector.multi_reduction <add>, %select_n3A_1218, %reduce_sum3A_1219 [0] : vector<16x256xf32> to vector<256xf32>
    %broadcast_in_dim3A_1221 = vector.shape_cast %reduce_sum3A_1220 : vector<256xf32> to vector<1x256xf32>
    %eq3A_1222 = vector.broadcast %and3A_1213 : vector<1x256xi32> to vector<16x256xi32>
    %eq3A_1223 = arith.cmpi eq, %iota3A_6, %eq3A_1222 : vector<16x256xi32>
    %jit3A_1224 = arith.constant 0.000000e+00 : f32
    %broadcast_in_dim3A_1225 = vector.broadcast %jit3A_1224 : f32 to vector<16x256xf32>
    %select_n3A_1226 = arith.select %eq3A_1223, %convert_element_type3A_557, %broadcast_in_dim3A_1225 : vector<16x256xi1>, vector<16x256xf32>
    %reduce_sum3A_1227 = arith.constant dense<0.000000e+00> : vector<256xf32>
    %reduce_sum3A_1228 = vector.multi_reduction <add>, %select_n3A_1226, %reduce_sum3A_1227 [0] : vector<16x256xf32> to vector<256xf32>
    %broadcast_in_dim3A_1229 = vector.shape_cast %reduce_sum3A_1228 : vector<256xf32> to vector<1x256xf32>
    %mul3A_1230 = arith.constant 2.560000e+02 : f32
    %mul3A_1231 = vector.broadcast %mul3A_1230 : f32 to vector<1x256xf32>
    %mul3A_1232 = arith.mulf %broadcast_in_dim3A_1221, %mul3A_1231 : vector<1x256xf32>
    %add3A_1233 = arith.addf %mul3A_1232, %broadcast_in_dim3A_1229 : vector<1x256xf32>
    %concatenate3A_1234 = tpu.concatenate %broadcast_in_dim3A_571, %broadcast_in_dim3A_611, %broadcast_in_dim3A_653, %broadcast_in_dim3A_695, %broadcast_in_dim3A_737, %broadcast_in_dim3A_779, %broadcast_in_dim3A_821, %broadcast_in_dim3A_863, %broadcast_in_dim3A_905, %broadcast_in_dim3A_947, %broadcast_in_dim3A_989, %broadcast_in_dim3A_1031, %broadcast_in_dim3A_1073, %broadcast_in_dim3A_1115, %broadcast_in_dim3A_1157, %broadcast_in_dim3A_1199 in 0 : vector<1x256xf32>, vector<1x256xf32>, vector<1x256xf32>, vector<1x256xf32>, vector<1x256xf32>, vector<1x256xf32>, vector<1x256xf32>, vector<1x256xf32>, vector<1x256xf32>, vector<1x256xf32>, vector<1x256xf32>, vector<1x256xf32>, vector<1x256xf32>, vector<1x256xf32>, vector<1x256xf32>, vector<1x256xf32> -> vector<16x256xf32>
    %concatenate3A_1235 = tpu.concatenate %add3A_608, %add3A_650, %add3A_692, %add3A_734, %add3A_776, %add3A_818, %add3A_860, %add3A_902, %add3A_944, %add3A_986, %add3A_1028, %add3A_1070, %add3A_1112, %add3A_1154, %add3A_1196, %add3A_1233 in 0 : vector<1x256xf32>, vector<1x256xf32>, vector<1x256xf32>, vector<1x256xf32>, vector<1x256xf32>, vector<1x256xf32>, vector<1x256xf32>, vector<1x256xf32>, vector<1x256xf32>, vector<1x256xf32>, vector<1x256xf32>, vector<1x256xf32>, vector<1x256xf32>, vector<1x256xf32>, vector<1x256xf32>, vector<1x256xf32> -> vector<16x256xf32>
    %reduce_max3A_1236 = arith.constant dense<0xFF800000> : vector<256xf32>
    %reduce_max3A_1237 = vector.multi_reduction <maximumf>, %concatenate3A_1234, %reduce_max3A_1236 [0] : vector<16x256xf32> to vector<256xf32>
    %broadcast_in_dim3A_1238 = vector.shape_cast %reduce_max3A_1237 : vector<256xf32> to vector<1x256xf32>
    %sub3A_1239 = vector.broadcast %broadcast_in_dim3A_1238 : vector<1x256xf32> to vector<16x256xf32>
    %sub3A_1240 = arith.subf %concatenate3A_1234, %sub3A_1239 : vector<16x256xf32>
    %exp3A = math.exp %sub3A_1240 : vector<16x256xf32>
    %reduce_sum3A_1241 = arith.constant dense<0.000000e+00> : vector<256xf32>
    %reduce_sum3A_1242 = vector.multi_reduction <add>, %exp3A, %reduce_sum3A_1241 [0] : vector<16x256xf32> to vector<256xf32>
    %broadcast_in_dim3A_1243 = vector.shape_cast %reduce_sum3A_1242 : vector<256xf32> to vector<1x256xf32>
    %div3A_1244 = vector.broadcast %broadcast_in_dim3A_1243 : vector<1x256xf32> to vector<16x256xf32>
    %div3A_1245 = arith.divf %exp3A, %div3A_1244 : vector<16x256xf32>
    %slice3A_1246 = vector.extract_strided_slice %dot_general3A_5 {offsets = [0, 512], sizes = [256, 256], strides = [1, 1]} : vector<256x1024xf32> to vector<256x256xf32>
    %reduce_sum3A_1247 = arith.constant dense<0.000000e+00> : vector<256xf32>
    %reduce_sum3A_1248 = vector.multi_reduction <add>, %slice3A_1246, %reduce_sum3A_1247 [1] : vector<256x256xf32> to vector<256xf32>
    %broadcast_in_dim3A_1249 = vector.shape_cast %reduce_sum3A_1248 : vector<256xf32> to vector<256x1xf32>
    %div3A_1250 = arith.constant 2.560000e+02 : f32
    %div3A_1251 = vector.broadcast %div3A_1250 : f32 to vector<256x1xf32>
    %div3A_1252 = arith.divf %broadcast_in_dim3A_1249, %div3A_1251 : vector<256x1xf32>
    %sub3A_1253 = vector.broadcast %div3A_1252 : vector<256x1xf32> to vector<256x256xf32>
    %sub3A_1254 = arith.subf %slice3A_1246, %sub3A_1253 : vector<256x256xf32>
    %mul3A_1255 = arith.mulf %sub3A_1254, %sub3A_1254 : vector<256x256xf32>
    %reduce_sum3A_1256 = arith.constant dense<0.000000e+00> : vector<256xf32>
    %reduce_sum3A_1257 = vector.multi_reduction <add>, %mul3A_1255, %reduce_sum3A_1256 [1] : vector<256x256xf32> to vector<256xf32>
    %broadcast_in_dim3A_1258 = vector.shape_cast %reduce_sum3A_1257 : vector<256xf32> to vector<256x1xf32>
    %div3A_1259 = arith.constant 2.560000e+02 : f32
    %div3A_1260 = vector.broadcast %div3A_1259 : f32 to vector<256x1xf32>
    %div3A_1261 = arith.divf %broadcast_in_dim3A_1258, %div3A_1260 : vector<256x1xf32>
    %add3A_1262 = arith.constant 9.99999974E-6 : f32
    %add3A_1263 = vector.broadcast %add3A_1262 : f32 to vector<256x1xf32>
    %add3A_1264 = arith.addf %div3A_1261, %add3A_1263 : vector<256x1xf32>
    %rsqrt3A_1265 = math.rsqrt %add3A_1264 : vector<256x1xf32>
    %mul3A_1266 = vector.broadcast %rsqrt3A_1265 : vector<256x1xf32> to vector<256x256xf32>
    %mul3A_1267 = arith.mulf %sub3A_1254, %mul3A_1266 : vector<256x256xf32>
    %get3A_1268 = arith.constant 2 : index
    %get3A_1269 = arith.constant 0 : index
    %get3A_1270 = arith.constant 0 : index
    %get3A_1271 = vector.load %arg3[%get3A_1268, %get3A_1269, %get3A_1270] : memref<4x256x256xf32, #tpu.memory_space<vmem>>, vector<1x256x256xf32>
    %get3A_1272 = vector.shape_cast %get3A_1271 : vector<1x256x256xf32> to vector<256x256xf32>
    %dot_general3A_1273 = arith.constant dense<0.000000e+00> : vector<256x256xf32>
    %dot_general3A_1274 = tpu.matmul %get3A_1272, %mul3A_1267, %dot_general3A_1273 {dimension_numbers = #tpu.dot_dimension_numbers<[1], [1], [0], [0], [0, 0, 1, 0], [], []>, transpose_lhs_hint = false} : vector<256x256xf32>, vector<256x256xf32>, vector<256x256xf32> -> vector<256x256xf32>
    %reduce_max3A_1275 = arith.constant dense<0xFF800000> : vector<256xf32>
    %reduce_max3A_1276 = vector.multi_reduction <maximumf>, %dot_general3A_1274, %reduce_max3A_1275 [0] : vector<256x256xf32> to vector<256xf32>
    %broadcast_in_dim3A_1277 = vector.shape_cast %reduce_max3A_1276 : vector<256xf32> to vector<1x256xf32>
    %eq3A_1278 = vector.broadcast %broadcast_in_dim3A_1277 : vector<1x256xf32> to vector<256x256xf32>
    %eq3A_1279 = arith.cmpf oeq, %dot_general3A_1274, %eq3A_1278 : vector<256x256xf32>
    %jit3A_1280 = arith.constant 1073741824 : i32
    %broadcast_in_dim3A_1281 = vector.broadcast %jit3A_1280 : i32 to vector<256x256xi32>
    %select_n3A_1282 = arith.select %eq3A_1279, %iota3A, %broadcast_in_dim3A_1281 : vector<256x256xi1>, vector<256x256xi32>
    %reduce_min3A_1283 = arith.constant dense<2147483647> : vector<256xi32>
    %reduce_min3A_1284 = vector.multi_reduction <minsi>, %select_n3A_1282, %reduce_min3A_1283 [0] : vector<256x256xi32> to vector<256xi32>
    %broadcast_in_dim3A_1285 = vector.shape_cast %reduce_min3A_1284 : vector<256xi32> to vector<1x256xi32>
    %eq3A_1286 = vector.broadcast %broadcast_in_dim3A_1285 : vector<1x256xi32> to vector<256x256xi32>
    %eq3A_1287 = arith.cmpi eq, %iota3A, %eq3A_1286 : vector<256x256xi32>
    %jit3A_1288 = arith.constant 0xFF800000 : f32
    %broadcast_in_dim3A_1289 = vector.broadcast %jit3A_1288 : f32 to vector<256x256xf32>
    %select_n3A_1290 = arith.select %eq3A_1287, %broadcast_in_dim3A_1289, %dot_general3A_1274 : vector<256x256xi1>, vector<256x256xf32>
    %reduce_max3A_1291 = arith.constant dense<0xFF800000> : vector<256xf32>
    %reduce_max3A_1292 = vector.multi_reduction <maximumf>, %select_n3A_1290, %reduce_max3A_1291 [0] : vector<256x256xf32> to vector<256xf32>
    %broadcast_in_dim3A_1293 = vector.shape_cast %reduce_max3A_1292 : vector<256xf32> to vector<1x256xf32>
    %eq3A_1294 = vector.broadcast %broadcast_in_dim3A_1293 : vector<1x256xf32> to vector<256x256xf32>
    %eq3A_1295 = arith.cmpf oeq, %select_n3A_1290, %eq3A_1294 : vector<256x256xf32>
    %jit3A_1296 = arith.constant 1073741824 : i32
    %broadcast_in_dim3A_1297 = vector.broadcast %jit3A_1296 : i32 to vector<256x256xi32>
    %select_n3A_1298 = arith.select %eq3A_1295, %iota3A, %broadcast_in_dim3A_1297 : vector<256x256xi1>, vector<256x256xi32>
    %reduce_min3A_1299 = arith.constant dense<2147483647> : vector<256xi32>
    %reduce_min3A_1300 = vector.multi_reduction <minsi>, %select_n3A_1298, %reduce_min3A_1299 [0] : vector<256x256xi32> to vector<256xi32>
    %broadcast_in_dim3A_1301 = vector.shape_cast %reduce_min3A_1300 : vector<256xi32> to vector<1x256xi32>
    %eq3A_1302 = vector.broadcast %broadcast_in_dim3A_1301 : vector<1x256xi32> to vector<256x256xi32>
    %eq3A_1303 = arith.cmpi eq, %iota3A, %eq3A_1302 : vector<256x256xi32>
    %jit3A_1304 = arith.constant 0xFF800000 : f32
    %broadcast_in_dim3A_1305 = vector.broadcast %jit3A_1304 : f32 to vector<256x256xf32>
    %select_n3A_1306 = arith.select %eq3A_1303, %broadcast_in_dim3A_1305, %select_n3A_1290 : vector<256x256xi1>, vector<256x256xf32>
    %reduce_max3A_1307 = arith.constant dense<0xFF800000> : vector<256xf32>
    %reduce_max3A_1308 = vector.multi_reduction <maximumf>, %select_n3A_1306, %reduce_max3A_1307 [0] : vector<256x256xf32> to vector<256xf32>
    %broadcast_in_dim3A_1309 = vector.shape_cast %reduce_max3A_1308 : vector<256xf32> to vector<1x256xf32>
    %eq3A_1310 = vector.broadcast %broadcast_in_dim3A_1309 : vector<1x256xf32> to vector<256x256xf32>
    %eq3A_1311 = arith.cmpf oeq, %select_n3A_1306, %eq3A_1310 : vector<256x256xf32>
    %jit3A_1312 = arith.constant 1073741824 : i32
    %broadcast_in_dim3A_1313 = vector.broadcast %jit3A_1312 : i32 to vector<256x256xi32>
    %select_n3A_1314 = arith.select %eq3A_1311, %iota3A, %broadcast_in_dim3A_1313 : vector<256x256xi1>, vector<256x256xi32>
    %reduce_min3A_1315 = arith.constant dense<2147483647> : vector<256xi32>
    %reduce_min3A_1316 = vector.multi_reduction <minsi>, %select_n3A_1314, %reduce_min3A_1315 [0] : vector<256x256xi32> to vector<256xi32>
    %broadcast_in_dim3A_1317 = vector.shape_cast %reduce_min3A_1316 : vector<256xi32> to vector<1x256xi32>
    %eq3A_1318 = vector.broadcast %broadcast_in_dim3A_1317 : vector<1x256xi32> to vector<256x256xi32>
    %eq3A_1319 = arith.cmpi eq, %iota3A, %eq3A_1318 : vector<256x256xi32>
    %jit3A_1320 = arith.constant 0xFF800000 : f32
    %broadcast_in_dim3A_1321 = vector.broadcast %jit3A_1320 : f32 to vector<256x256xf32>
    %select_n3A_1322 = arith.select %eq3A_1319, %broadcast_in_dim3A_1321, %select_n3A_1306 : vector<256x256xi1>, vector<256x256xf32>
    %reduce_max3A_1323 = arith.constant dense<0xFF800000> : vector<256xf32>
    %reduce_max3A_1324 = vector.multi_reduction <maximumf>, %select_n3A_1322, %reduce_max3A_1323 [0] : vector<256x256xf32> to vector<256xf32>
    %broadcast_in_dim3A_1325 = vector.shape_cast %reduce_max3A_1324 : vector<256xf32> to vector<1x256xf32>
    %eq3A_1326 = vector.broadcast %broadcast_in_dim3A_1325 : vector<1x256xf32> to vector<256x256xf32>
    %eq3A_1327 = arith.cmpf oeq, %select_n3A_1322, %eq3A_1326 : vector<256x256xf32>
    %jit3A_1328 = arith.constant 1073741824 : i32
    %broadcast_in_dim3A_1329 = vector.broadcast %jit3A_1328 : i32 to vector<256x256xi32>
    %select_n3A_1330 = arith.select %eq3A_1327, %iota3A, %broadcast_in_dim3A_1329 : vector<256x256xi1>, vector<256x256xi32>
    %reduce_min3A_1331 = arith.constant dense<2147483647> : vector<256xi32>
    %reduce_min3A_1332 = vector.multi_reduction <minsi>, %select_n3A_1330, %reduce_min3A_1331 [0] : vector<256x256xi32> to vector<256xi32>
    %broadcast_in_dim3A_1333 = vector.shape_cast %reduce_min3A_1332 : vector<256xi32> to vector<1x256xi32>
    %eq3A_1334 = vector.broadcast %broadcast_in_dim3A_1333 : vector<1x256xi32> to vector<256x256xi32>
    %eq3A_1335 = arith.cmpi eq, %iota3A, %eq3A_1334 : vector<256x256xi32>
    %jit3A_1336 = arith.constant 0xFF800000 : f32
    %broadcast_in_dim3A_1337 = vector.broadcast %jit3A_1336 : f32 to vector<256x256xf32>
    %select_n3A_1338 = arith.select %eq3A_1335, %broadcast_in_dim3A_1337, %select_n3A_1322 : vector<256x256xi1>, vector<256x256xf32>
    %reduce_max3A_1339 = arith.constant dense<0xFF800000> : vector<256xf32>
    %reduce_max3A_1340 = vector.multi_reduction <maximumf>, %select_n3A_1338, %reduce_max3A_1339 [0] : vector<256x256xf32> to vector<256xf32>
    %broadcast_in_dim3A_1341 = vector.shape_cast %reduce_max3A_1340 : vector<256xf32> to vector<1x256xf32>
    %eq3A_1342 = vector.broadcast %broadcast_in_dim3A_1341 : vector<1x256xf32> to vector<256x256xf32>
    %eq3A_1343 = arith.cmpf oeq, %select_n3A_1338, %eq3A_1342 : vector<256x256xf32>
    %jit3A_1344 = arith.constant 1073741824 : i32
    %broadcast_in_dim3A_1345 = vector.broadcast %jit3A_1344 : i32 to vector<256x256xi32>
    %select_n3A_1346 = arith.select %eq3A_1343, %iota3A, %broadcast_in_dim3A_1345 : vector<256x256xi1>, vector<256x256xi32>
    %reduce_min3A_1347 = arith.constant dense<2147483647> : vector<256xi32>
    %reduce_min3A_1348 = vector.multi_reduction <minsi>, %select_n3A_1346, %reduce_min3A_1347 [0] : vector<256x256xi32> to vector<256xi32>
    %broadcast_in_dim3A_1349 = vector.shape_cast %reduce_min3A_1348 : vector<256xi32> to vector<1x256xi32>
    %eq3A_1350 = vector.broadcast %broadcast_in_dim3A_1349 : vector<1x256xi32> to vector<256x256xi32>
    %eq3A_1351 = arith.cmpi eq, %iota3A, %eq3A_1350 : vector<256x256xi32>
    %jit3A_1352 = arith.constant 0xFF800000 : f32
    %broadcast_in_dim3A_1353 = vector.broadcast %jit3A_1352 : f32 to vector<256x256xf32>
    %select_n3A_1354 = arith.select %eq3A_1351, %broadcast_in_dim3A_1353, %select_n3A_1338 : vector<256x256xi1>, vector<256x256xf32>
    %reduce_max3A_1355 = arith.constant dense<0xFF800000> : vector<256xf32>
    %reduce_max3A_1356 = vector.multi_reduction <maximumf>, %select_n3A_1354, %reduce_max3A_1355 [0] : vector<256x256xf32> to vector<256xf32>
    %broadcast_in_dim3A_1357 = vector.shape_cast %reduce_max3A_1356 : vector<256xf32> to vector<1x256xf32>
    %eq3A_1358 = vector.broadcast %broadcast_in_dim3A_1357 : vector<1x256xf32> to vector<256x256xf32>
    %eq3A_1359 = arith.cmpf oeq, %select_n3A_1354, %eq3A_1358 : vector<256x256xf32>
    %jit3A_1360 = arith.constant 1073741824 : i32
    %broadcast_in_dim3A_1361 = vector.broadcast %jit3A_1360 : i32 to vector<256x256xi32>
    %select_n3A_1362 = arith.select %eq3A_1359, %iota3A, %broadcast_in_dim3A_1361 : vector<256x256xi1>, vector<256x256xi32>
    %reduce_min3A_1363 = arith.constant dense<2147483647> : vector<256xi32>
    %reduce_min3A_1364 = vector.multi_reduction <minsi>, %select_n3A_1362, %reduce_min3A_1363 [0] : vector<256x256xi32> to vector<256xi32>
    %broadcast_in_dim3A_1365 = vector.shape_cast %reduce_min3A_1364 : vector<256xi32> to vector<1x256xi32>
    %eq3A_1366 = vector.broadcast %broadcast_in_dim3A_1365 : vector<1x256xi32> to vector<256x256xi32>
    %eq3A_1367 = arith.cmpi eq, %iota3A, %eq3A_1366 : vector<256x256xi32>
    %jit3A_1368 = arith.constant 0xFF800000 : f32
    %broadcast_in_dim3A_1369 = vector.broadcast %jit3A_1368 : f32 to vector<256x256xf32>
    %select_n3A_1370 = arith.select %eq3A_1367, %broadcast_in_dim3A_1369, %select_n3A_1354 : vector<256x256xi1>, vector<256x256xf32>
    %reduce_max3A_1371 = arith.constant dense<0xFF800000> : vector<256xf32>
    %reduce_max3A_1372 = vector.multi_reduction <maximumf>, %select_n3A_1370, %reduce_max3A_1371 [0] : vector<256x256xf32> to vector<256xf32>
    %broadcast_in_dim3A_1373 = vector.shape_cast %reduce_max3A_1372 : vector<256xf32> to vector<1x256xf32>
    %eq3A_1374 = vector.broadcast %broadcast_in_dim3A_1373 : vector<1x256xf32> to vector<256x256xf32>
    %eq3A_1375 = arith.cmpf oeq, %select_n3A_1370, %eq3A_1374 : vector<256x256xf32>
    %jit3A_1376 = arith.constant 1073741824 : i32
    %broadcast_in_dim3A_1377 = vector.broadcast %jit3A_1376 : i32 to vector<256x256xi32>
    %select_n3A_1378 = arith.select %eq3A_1375, %iota3A, %broadcast_in_dim3A_1377 : vector<256x256xi1>, vector<256x256xi32>
    %reduce_min3A_1379 = arith.constant dense<2147483647> : vector<256xi32>
    %reduce_min3A_1380 = vector.multi_reduction <minsi>, %select_n3A_1378, %reduce_min3A_1379 [0] : vector<256x256xi32> to vector<256xi32>
    %broadcast_in_dim3A_1381 = vector.shape_cast %reduce_min3A_1380 : vector<256xi32> to vector<1x256xi32>
    %eq3A_1382 = vector.broadcast %broadcast_in_dim3A_1381 : vector<1x256xi32> to vector<256x256xi32>
    %eq3A_1383 = arith.cmpi eq, %iota3A, %eq3A_1382 : vector<256x256xi32>
    %jit3A_1384 = arith.constant 0xFF800000 : f32
    %broadcast_in_dim3A_1385 = vector.broadcast %jit3A_1384 : f32 to vector<256x256xf32>
    %select_n3A_1386 = arith.select %eq3A_1383, %broadcast_in_dim3A_1385, %select_n3A_1370 : vector<256x256xi1>, vector<256x256xf32>
    %reduce_max3A_1387 = arith.constant dense<0xFF800000> : vector<256xf32>
    %reduce_max3A_1388 = vector.multi_reduction <maximumf>, %select_n3A_1386, %reduce_max3A_1387 [0] : vector<256x256xf32> to vector<256xf32>
    %broadcast_in_dim3A_1389 = vector.shape_cast %reduce_max3A_1388 : vector<256xf32> to vector<1x256xf32>
    %eq3A_1390 = vector.broadcast %broadcast_in_dim3A_1389 : vector<1x256xf32> to vector<256x256xf32>
    %eq3A_1391 = arith.cmpf oeq, %select_n3A_1386, %eq3A_1390 : vector<256x256xf32>
    %jit3A_1392 = arith.constant 1073741824 : i32
    %broadcast_in_dim3A_1393 = vector.broadcast %jit3A_1392 : i32 to vector<256x256xi32>
    %select_n3A_1394 = arith.select %eq3A_1391, %iota3A, %broadcast_in_dim3A_1393 : vector<256x256xi1>, vector<256x256xi32>
    %reduce_min3A_1395 = arith.constant dense<2147483647> : vector<256xi32>
    %reduce_min3A_1396 = vector.multi_reduction <minsi>, %select_n3A_1394, %reduce_min3A_1395 [0] : vector<256x256xi32> to vector<256xi32>
    %broadcast_in_dim3A_1397 = vector.shape_cast %reduce_min3A_1396 : vector<256xi32> to vector<1x256xi32>
    %eq3A_1398 = vector.broadcast %broadcast_in_dim3A_1397 : vector<1x256xi32> to vector<256x256xi32>
    %eq3A_1399 = arith.cmpi eq, %iota3A, %eq3A_1398 : vector<256x256xi32>
    %jit3A_1400 = arith.constant 0xFF800000 : f32
    %broadcast_in_dim3A_1401 = vector.broadcast %jit3A_1400 : f32 to vector<256x256xf32>
    %select_n3A_1402 = arith.select %eq3A_1399, %broadcast_in_dim3A_1401, %select_n3A_1386 : vector<256x256xi1>, vector<256x256xf32>
    %reduce_max3A_1403 = arith.constant dense<0xFF800000> : vector<256xf32>
    %reduce_max3A_1404 = vector.multi_reduction <maximumf>, %select_n3A_1402, %reduce_max3A_1403 [0] : vector<256x256xf32> to vector<256xf32>
    %broadcast_in_dim3A_1405 = vector.shape_cast %reduce_max3A_1404 : vector<256xf32> to vector<1x256xf32>
    %eq3A_1406 = vector.broadcast %broadcast_in_dim3A_1405 : vector<1x256xf32> to vector<256x256xf32>
    %eq3A_1407 = arith.cmpf oeq, %select_n3A_1402, %eq3A_1406 : vector<256x256xf32>
    %jit3A_1408 = arith.constant 1073741824 : i32
    %broadcast_in_dim3A_1409 = vector.broadcast %jit3A_1408 : i32 to vector<256x256xi32>
    %select_n3A_1410 = arith.select %eq3A_1407, %iota3A, %broadcast_in_dim3A_1409 : vector<256x256xi1>, vector<256x256xi32>
    %reduce_min3A_1411 = arith.constant dense<2147483647> : vector<256xi32>
    %reduce_min3A_1412 = vector.multi_reduction <minsi>, %select_n3A_1410, %reduce_min3A_1411 [0] : vector<256x256xi32> to vector<256xi32>
    %broadcast_in_dim3A_1413 = vector.shape_cast %reduce_min3A_1412 : vector<256xi32> to vector<1x256xi32>
    %eq3A_1414 = vector.broadcast %broadcast_in_dim3A_1413 : vector<1x256xi32> to vector<256x256xi32>
    %eq3A_1415 = arith.cmpi eq, %iota3A, %eq3A_1414 : vector<256x256xi32>
    %jit3A_1416 = arith.constant 0xFF800000 : f32
    %broadcast_in_dim3A_1417 = vector.broadcast %jit3A_1416 : f32 to vector<256x256xf32>
    %select_n3A_1418 = arith.select %eq3A_1415, %broadcast_in_dim3A_1417, %select_n3A_1402 : vector<256x256xi1>, vector<256x256xf32>
    %reduce_max3A_1419 = arith.constant dense<0xFF800000> : vector<256xf32>
    %reduce_max3A_1420 = vector.multi_reduction <maximumf>, %select_n3A_1418, %reduce_max3A_1419 [0] : vector<256x256xf32> to vector<256xf32>
    %broadcast_in_dim3A_1421 = vector.shape_cast %reduce_max3A_1420 : vector<256xf32> to vector<1x256xf32>
    %eq3A_1422 = vector.broadcast %broadcast_in_dim3A_1421 : vector<1x256xf32> to vector<256x256xf32>
    %eq3A_1423 = arith.cmpf oeq, %select_n3A_1418, %eq3A_1422 : vector<256x256xf32>
    %jit3A_1424 = arith.constant 1073741824 : i32
    %broadcast_in_dim3A_1425 = vector.broadcast %jit3A_1424 : i32 to vector<256x256xi32>
    %select_n3A_1426 = arith.select %eq3A_1423, %iota3A, %broadcast_in_dim3A_1425 : vector<256x256xi1>, vector<256x256xi32>
    %reduce_min3A_1427 = arith.constant dense<2147483647> : vector<256xi32>
    %reduce_min3A_1428 = vector.multi_reduction <minsi>, %select_n3A_1426, %reduce_min3A_1427 [0] : vector<256x256xi32> to vector<256xi32>
    %broadcast_in_dim3A_1429 = vector.shape_cast %reduce_min3A_1428 : vector<256xi32> to vector<1x256xi32>
    %eq3A_1430 = vector.broadcast %broadcast_in_dim3A_1429 : vector<1x256xi32> to vector<256x256xi32>
    %eq3A_1431 = arith.cmpi eq, %iota3A, %eq3A_1430 : vector<256x256xi32>
    %jit3A_1432 = arith.constant 0xFF800000 : f32
    %broadcast_in_dim3A_1433 = vector.broadcast %jit3A_1432 : f32 to vector<256x256xf32>
    %select_n3A_1434 = arith.select %eq3A_1431, %broadcast_in_dim3A_1433, %select_n3A_1418 : vector<256x256xi1>, vector<256x256xf32>
    %reduce_max3A_1435 = arith.constant dense<0xFF800000> : vector<256xf32>
    %reduce_max3A_1436 = vector.multi_reduction <maximumf>, %select_n3A_1434, %reduce_max3A_1435 [0] : vector<256x256xf32> to vector<256xf32>
    %broadcast_in_dim3A_1437 = vector.shape_cast %reduce_max3A_1436 : vector<256xf32> to vector<1x256xf32>
    %eq3A_1438 = vector.broadcast %broadcast_in_dim3A_1437 : vector<1x256xf32> to vector<256x256xf32>
    %eq3A_1439 = arith.cmpf oeq, %select_n3A_1434, %eq3A_1438 : vector<256x256xf32>
    %jit3A_1440 = arith.constant 1073741824 : i32
    %broadcast_in_dim3A_1441 = vector.broadcast %jit3A_1440 : i32 to vector<256x256xi32>
    %select_n3A_1442 = arith.select %eq3A_1439, %iota3A, %broadcast_in_dim3A_1441 : vector<256x256xi1>, vector<256x256xi32>
    %reduce_min3A_1443 = arith.constant dense<2147483647> : vector<256xi32>
    %reduce_min3A_1444 = vector.multi_reduction <minsi>, %select_n3A_1442, %reduce_min3A_1443 [0] : vector<256x256xi32> to vector<256xi32>
    %broadcast_in_dim3A_1445 = vector.shape_cast %reduce_min3A_1444 : vector<256xi32> to vector<1x256xi32>
    %eq3A_1446 = vector.broadcast %broadcast_in_dim3A_1445 : vector<1x256xi32> to vector<256x256xi32>
    %eq3A_1447 = arith.cmpi eq, %iota3A, %eq3A_1446 : vector<256x256xi32>
    %jit3A_1448 = arith.constant 0xFF800000 : f32
    %broadcast_in_dim3A_1449 = vector.broadcast %jit3A_1448 : f32 to vector<256x256xf32>
    %select_n3A_1450 = arith.select %eq3A_1447, %broadcast_in_dim3A_1449, %select_n3A_1434 : vector<256x256xi1>, vector<256x256xf32>
    %reduce_max3A_1451 = arith.constant dense<0xFF800000> : vector<256xf32>
    %reduce_max3A_1452 = vector.multi_reduction <maximumf>, %select_n3A_1450, %reduce_max3A_1451 [0] : vector<256x256xf32> to vector<256xf32>
    %broadcast_in_dim3A_1453 = vector.shape_cast %reduce_max3A_1452 : vector<256xf32> to vector<1x256xf32>
    %eq3A_1454 = vector.broadcast %broadcast_in_dim3A_1453 : vector<1x256xf32> to vector<256x256xf32>
    %eq3A_1455 = arith.cmpf oeq, %select_n3A_1450, %eq3A_1454 : vector<256x256xf32>
    %jit3A_1456 = arith.constant 1073741824 : i32
    %broadcast_in_dim3A_1457 = vector.broadcast %jit3A_1456 : i32 to vector<256x256xi32>
    %select_n3A_1458 = arith.select %eq3A_1455, %iota3A, %broadcast_in_dim3A_1457 : vector<256x256xi1>, vector<256x256xi32>
    %reduce_min3A_1459 = arith.constant dense<2147483647> : vector<256xi32>
    %reduce_min3A_1460 = vector.multi_reduction <minsi>, %select_n3A_1458, %reduce_min3A_1459 [0] : vector<256x256xi32> to vector<256xi32>
    %broadcast_in_dim3A_1461 = vector.shape_cast %reduce_min3A_1460 : vector<256xi32> to vector<1x256xi32>
    %eq3A_1462 = vector.broadcast %broadcast_in_dim3A_1461 : vector<1x256xi32> to vector<256x256xi32>
    %eq3A_1463 = arith.cmpi eq, %iota3A, %eq3A_1462 : vector<256x256xi32>
    %jit3A_1464 = arith.constant 0xFF800000 : f32
    %broadcast_in_dim3A_1465 = vector.broadcast %jit3A_1464 : f32 to vector<256x256xf32>
    %select_n3A_1466 = arith.select %eq3A_1463, %broadcast_in_dim3A_1465, %select_n3A_1450 : vector<256x256xi1>, vector<256x256xf32>
    %reduce_max3A_1467 = arith.constant dense<0xFF800000> : vector<256xf32>
    %reduce_max3A_1468 = vector.multi_reduction <maximumf>, %select_n3A_1466, %reduce_max3A_1467 [0] : vector<256x256xf32> to vector<256xf32>
    %broadcast_in_dim3A_1469 = vector.shape_cast %reduce_max3A_1468 : vector<256xf32> to vector<1x256xf32>
    %eq3A_1470 = vector.broadcast %broadcast_in_dim3A_1469 : vector<1x256xf32> to vector<256x256xf32>
    %eq3A_1471 = arith.cmpf oeq, %select_n3A_1466, %eq3A_1470 : vector<256x256xf32>
    %jit3A_1472 = arith.constant 1073741824 : i32
    %broadcast_in_dim3A_1473 = vector.broadcast %jit3A_1472 : i32 to vector<256x256xi32>
    %select_n3A_1474 = arith.select %eq3A_1471, %iota3A, %broadcast_in_dim3A_1473 : vector<256x256xi1>, vector<256x256xi32>
    %reduce_min3A_1475 = arith.constant dense<2147483647> : vector<256xi32>
    %reduce_min3A_1476 = vector.multi_reduction <minsi>, %select_n3A_1474, %reduce_min3A_1475 [0] : vector<256x256xi32> to vector<256xi32>
    %broadcast_in_dim3A_1477 = vector.shape_cast %reduce_min3A_1476 : vector<256xi32> to vector<1x256xi32>
    %eq3A_1478 = vector.broadcast %broadcast_in_dim3A_1477 : vector<1x256xi32> to vector<256x256xi32>
    %eq3A_1479 = arith.cmpi eq, %iota3A, %eq3A_1478 : vector<256x256xi32>
    %jit3A_1480 = arith.constant 0xFF800000 : f32
    %broadcast_in_dim3A_1481 = vector.broadcast %jit3A_1480 : f32 to vector<256x256xf32>
    %select_n3A_1482 = arith.select %eq3A_1479, %broadcast_in_dim3A_1481, %select_n3A_1466 : vector<256x256xi1>, vector<256x256xf32>
    %reduce_max3A_1483 = arith.constant dense<0xFF800000> : vector<256xf32>
    %reduce_max3A_1484 = vector.multi_reduction <maximumf>, %select_n3A_1482, %reduce_max3A_1483 [0] : vector<256x256xf32> to vector<256xf32>
    %broadcast_in_dim3A_1485 = vector.shape_cast %reduce_max3A_1484 : vector<256xf32> to vector<1x256xf32>
    %eq3A_1486 = vector.broadcast %broadcast_in_dim3A_1485 : vector<1x256xf32> to vector<256x256xf32>
    %eq3A_1487 = arith.cmpf oeq, %select_n3A_1482, %eq3A_1486 : vector<256x256xf32>
    %jit3A_1488 = arith.constant 1073741824 : i32
    %broadcast_in_dim3A_1489 = vector.broadcast %jit3A_1488 : i32 to vector<256x256xi32>
    %select_n3A_1490 = arith.select %eq3A_1487, %iota3A, %broadcast_in_dim3A_1489 : vector<256x256xi1>, vector<256x256xi32>
    %reduce_min3A_1491 = arith.constant dense<2147483647> : vector<256xi32>
    %reduce_min3A_1492 = vector.multi_reduction <minsi>, %select_n3A_1490, %reduce_min3A_1491 [0] : vector<256x256xi32> to vector<256xi32>
    %broadcast_in_dim3A_1493 = vector.shape_cast %reduce_min3A_1492 : vector<256xi32> to vector<1x256xi32>
    %eq3A_1494 = vector.broadcast %broadcast_in_dim3A_1493 : vector<1x256xi32> to vector<256x256xi32>
    %eq3A_1495 = arith.cmpi eq, %iota3A, %eq3A_1494 : vector<256x256xi32>
    %jit3A_1496 = arith.constant 0xFF800000 : f32
    %broadcast_in_dim3A_1497 = vector.broadcast %jit3A_1496 : f32 to vector<256x256xf32>
    %select_n3A_1498 = arith.select %eq3A_1495, %broadcast_in_dim3A_1497, %select_n3A_1482 : vector<256x256xi1>, vector<256x256xf32>
    %reduce_max3A_1499 = arith.constant dense<0xFF800000> : vector<256xf32>
    %reduce_max3A_1500 = vector.multi_reduction <maximumf>, %select_n3A_1498, %reduce_max3A_1499 [0] : vector<256x256xf32> to vector<256xf32>
    %broadcast_in_dim3A_1501 = vector.shape_cast %reduce_max3A_1500 : vector<256xf32> to vector<1x256xf32>
    %eq3A_1502 = vector.broadcast %broadcast_in_dim3A_1501 : vector<1x256xf32> to vector<256x256xf32>
    %eq3A_1503 = arith.cmpf oeq, %select_n3A_1498, %eq3A_1502 : vector<256x256xf32>
    %jit3A_1504 = arith.constant 1073741824 : i32
    %broadcast_in_dim3A_1505 = vector.broadcast %jit3A_1504 : i32 to vector<256x256xi32>
    %select_n3A_1506 = arith.select %eq3A_1503, %iota3A, %broadcast_in_dim3A_1505 : vector<256x256xi1>, vector<256x256xi32>
    %reduce_min3A_1507 = arith.constant dense<2147483647> : vector<256xi32>
    %reduce_min3A_1508 = vector.multi_reduction <minsi>, %select_n3A_1506, %reduce_min3A_1507 [0] : vector<256x256xi32> to vector<256xi32>
    %broadcast_in_dim3A_1509 = vector.shape_cast %reduce_min3A_1508 : vector<256xi32> to vector<1x256xi32>
    %eq3A_1510 = vector.broadcast %broadcast_in_dim3A_1509 : vector<1x256xi32> to vector<256x256xi32>
    %eq3A_1511 = arith.cmpi eq, %iota3A, %eq3A_1510 : vector<256x256xi32>
    %jit3A_1512 = arith.constant 0xFF800000 : f32
    %broadcast_in_dim3A_1513 = vector.broadcast %jit3A_1512 : f32 to vector<256x256xf32>
    %select_n3A_1514 = arith.select %eq3A_1511, %broadcast_in_dim3A_1513, %select_n3A_1498 : vector<256x256xi1>, vector<256x256xf32>
    %reduce_max3A_1515 = arith.constant dense<0xFF800000> : vector<256xf32>
    %reduce_max3A_1516 = vector.multi_reduction <maximumf>, %select_n3A_1514, %reduce_max3A_1515 [0] : vector<256x256xf32> to vector<256xf32>
    %broadcast_in_dim3A_1517 = vector.shape_cast %reduce_max3A_1516 : vector<256xf32> to vector<1x256xf32>
    %eq3A_1518 = vector.broadcast %broadcast_in_dim3A_1517 : vector<1x256xf32> to vector<256x256xf32>
    %eq3A_1519 = arith.cmpf oeq, %select_n3A_1514, %eq3A_1518 : vector<256x256xf32>
    %jit3A_1520 = arith.constant 1073741824 : i32
    %broadcast_in_dim3A_1521 = vector.broadcast %jit3A_1520 : i32 to vector<256x256xi32>
    %select_n3A_1522 = arith.select %eq3A_1519, %iota3A, %broadcast_in_dim3A_1521 : vector<256x256xi1>, vector<256x256xi32>
    %reduce_min3A_1523 = arith.constant dense<2147483647> : vector<256xi32>
    %reduce_min3A_1524 = vector.multi_reduction <minsi>, %select_n3A_1522, %reduce_min3A_1523 [0] : vector<256x256xi32> to vector<256xi32>
    %broadcast_in_dim3A_1525 = vector.shape_cast %reduce_min3A_1524 : vector<256xi32> to vector<1x256xi32>
    %concatenate3A_1526 = tpu.concatenate %broadcast_in_dim3A_1277, %broadcast_in_dim3A_1293, %broadcast_in_dim3A_1309, %broadcast_in_dim3A_1325, %broadcast_in_dim3A_1341, %broadcast_in_dim3A_1357, %broadcast_in_dim3A_1373, %broadcast_in_dim3A_1389, %broadcast_in_dim3A_1405, %broadcast_in_dim3A_1421, %broadcast_in_dim3A_1437, %broadcast_in_dim3A_1453, %broadcast_in_dim3A_1469, %broadcast_in_dim3A_1485, %broadcast_in_dim3A_1501, %broadcast_in_dim3A_1517 in 0 : vector<1x256xf32>, vector<1x256xf32>, vector<1x256xf32>, vector<1x256xf32>, vector<1x256xf32>, vector<1x256xf32>, vector<1x256xf32>, vector<1x256xf32>, vector<1x256xf32>, vector<1x256xf32>, vector<1x256xf32>, vector<1x256xf32>, vector<1x256xf32>, vector<1x256xf32>, vector<1x256xf32>, vector<1x256xf32> -> vector<16x256xf32>
    %concatenate3A_1527 = tpu.concatenate %broadcast_in_dim3A_1285, %broadcast_in_dim3A_1301, %broadcast_in_dim3A_1317, %broadcast_in_dim3A_1333, %broadcast_in_dim3A_1349, %broadcast_in_dim3A_1365, %broadcast_in_dim3A_1381, %broadcast_in_dim3A_1397, %broadcast_in_dim3A_1413, %broadcast_in_dim3A_1429, %broadcast_in_dim3A_1445, %broadcast_in_dim3A_1461, %broadcast_in_dim3A_1477, %broadcast_in_dim3A_1493, %broadcast_in_dim3A_1509, %broadcast_in_dim3A_1525 in 0 : vector<1x256xi32>, vector<1x256xi32>, vector<1x256xi32>, vector<1x256xi32>, vector<1x256xi32>, vector<1x256xi32>, vector<1x256xi32>, vector<1x256xi32>, vector<1x256xi32>, vector<1x256xi32>, vector<1x256xi32>, vector<1x256xi32>, vector<1x256xi32>, vector<1x256xi32>, vector<1x256xi32>, vector<1x256xi32> -> vector<16x256xi32>
    %convert_element_type3A_1528 = arith.sitofp %concatenate3A_1527 : vector<16x256xi32> to vector<16x256xf32>
    %slice3A_1529 = vector.extract_strided_slice %dot_general3A_5 {offsets = [0, 768], sizes = [256, 256], strides = [1, 1]} : vector<256x1024xf32> to vector<256x256xf32>
    %reduce_sum3A_1530 = arith.constant dense<0.000000e+00> : vector<256xf32>
    %reduce_sum3A_1531 = vector.multi_reduction <add>, %slice3A_1529, %reduce_sum3A_1530 [1] : vector<256x256xf32> to vector<256xf32>
    %broadcast_in_dim3A_1532 = vector.shape_cast %reduce_sum3A_1531 : vector<256xf32> to vector<256x1xf32>
    %div3A_1533 = arith.constant 2.560000e+02 : f32
    %div3A_1534 = vector.broadcast %div3A_1533 : f32 to vector<256x1xf32>
    %div3A_1535 = arith.divf %broadcast_in_dim3A_1532, %div3A_1534 : vector<256x1xf32>
    %sub3A_1536 = vector.broadcast %div3A_1535 : vector<256x1xf32> to vector<256x256xf32>
    %sub3A_1537 = arith.subf %slice3A_1529, %sub3A_1536 : vector<256x256xf32>
    %mul3A_1538 = arith.mulf %sub3A_1537, %sub3A_1537 : vector<256x256xf32>
    %reduce_sum3A_1539 = arith.constant dense<0.000000e+00> : vector<256xf32>
    %reduce_sum3A_1540 = vector.multi_reduction <add>, %mul3A_1538, %reduce_sum3A_1539 [1] : vector<256x256xf32> to vector<256xf32>
    %broadcast_in_dim3A_1541 = vector.shape_cast %reduce_sum3A_1540 : vector<256xf32> to vector<256x1xf32>
    %div3A_1542 = arith.constant 2.560000e+02 : f32
    %div3A_1543 = vector.broadcast %div3A_1542 : f32 to vector<256x1xf32>
    %div3A_1544 = arith.divf %broadcast_in_dim3A_1541, %div3A_1543 : vector<256x1xf32>
    %add3A_1545 = arith.constant 9.99999974E-6 : f32
    %add3A_1546 = vector.broadcast %add3A_1545 : f32 to vector<256x1xf32>
    %add3A_1547 = arith.addf %div3A_1544, %add3A_1546 : vector<256x1xf32>
    %rsqrt3A_1548 = math.rsqrt %add3A_1547 : vector<256x1xf32>
    %mul3A_1549 = vector.broadcast %rsqrt3A_1548 : vector<256x1xf32> to vector<256x256xf32>
    %mul3A_1550 = arith.mulf %sub3A_1537, %mul3A_1549 : vector<256x256xf32>
    %get3A_1551 = arith.constant 3 : index
    %get3A_1552 = arith.constant 0 : index
    %get3A_1553 = arith.constant 0 : index
    %get3A_1554 = vector.load %arg3[%get3A_1551, %get3A_1552, %get3A_1553] : memref<4x256x256xf32, #tpu.memory_space<vmem>>, vector<1x256x256xf32>
    %get3A_1555 = vector.shape_cast %get3A_1554 : vector<1x256x256xf32> to vector<256x256xf32>
    %dot_general3A_1556 = arith.constant dense<0.000000e+00> : vector<256x256xf32>
    %dot_general3A_1557 = tpu.matmul %get3A_1555, %mul3A_1550, %dot_general3A_1556 {dimension_numbers = #tpu.dot_dimension_numbers<[1], [1], [0], [0], [0, 0, 1, 0], [], []>, transpose_lhs_hint = false} : vector<256x256xf32>, vector<256x256xf32>, vector<256x256xf32> -> vector<256x256xf32>
    %reduce_max3A_1558 = arith.constant dense<0xFF800000> : vector<256xf32>
    %reduce_max3A_1559 = vector.multi_reduction <maximumf>, %dot_general3A_1557, %reduce_max3A_1558 [0] : vector<256x256xf32> to vector<256xf32>
    %broadcast_in_dim3A_1560 = vector.shape_cast %reduce_max3A_1559 : vector<256xf32> to vector<1x256xf32>
    %eq3A_1561 = vector.broadcast %broadcast_in_dim3A_1560 : vector<1x256xf32> to vector<256x256xf32>
    %eq3A_1562 = arith.cmpf oeq, %dot_general3A_1557, %eq3A_1561 : vector<256x256xf32>
    %jit3A_1563 = arith.constant 1073741824 : i32
    %broadcast_in_dim3A_1564 = vector.broadcast %jit3A_1563 : i32 to vector<256x256xi32>
    %select_n3A_1565 = arith.select %eq3A_1562, %iota3A, %broadcast_in_dim3A_1564 : vector<256x256xi1>, vector<256x256xi32>
    %reduce_min3A_1566 = arith.constant dense<2147483647> : vector<256xi32>
    %reduce_min3A_1567 = vector.multi_reduction <minsi>, %select_n3A_1565, %reduce_min3A_1566 [0] : vector<256x256xi32> to vector<256xi32>
    %broadcast_in_dim3A_1568 = vector.shape_cast %reduce_min3A_1567 : vector<256xi32> to vector<1x256xi32>
    %eq3A_1569 = vector.broadcast %broadcast_in_dim3A_1568 : vector<1x256xi32> to vector<256x256xi32>
    %eq3A_1570 = arith.cmpi eq, %iota3A, %eq3A_1569 : vector<256x256xi32>
    %jit3A_1571 = arith.constant 0xFF800000 : f32
    %broadcast_in_dim3A_1572 = vector.broadcast %jit3A_1571 : f32 to vector<256x256xf32>
    %select_n3A_1573 = arith.select %eq3A_1570, %broadcast_in_dim3A_1572, %dot_general3A_1557 : vector<256x256xi1>, vector<256x256xf32>
    %reduce_max3A_1574 = arith.constant dense<0xFF800000> : vector<256xf32>
    %reduce_max3A_1575 = vector.multi_reduction <maximumf>, %select_n3A_1573, %reduce_max3A_1574 [0] : vector<256x256xf32> to vector<256xf32>
    %broadcast_in_dim3A_1576 = vector.shape_cast %reduce_max3A_1575 : vector<256xf32> to vector<1x256xf32>
    %eq3A_1577 = vector.broadcast %broadcast_in_dim3A_1576 : vector<1x256xf32> to vector<256x256xf32>
    %eq3A_1578 = arith.cmpf oeq, %select_n3A_1573, %eq3A_1577 : vector<256x256xf32>
    %jit3A_1579 = arith.constant 1073741824 : i32
    %broadcast_in_dim3A_1580 = vector.broadcast %jit3A_1579 : i32 to vector<256x256xi32>
    %select_n3A_1581 = arith.select %eq3A_1578, %iota3A, %broadcast_in_dim3A_1580 : vector<256x256xi1>, vector<256x256xi32>
    %reduce_min3A_1582 = arith.constant dense<2147483647> : vector<256xi32>
    %reduce_min3A_1583 = vector.multi_reduction <minsi>, %select_n3A_1581, %reduce_min3A_1582 [0] : vector<256x256xi32> to vector<256xi32>
    %broadcast_in_dim3A_1584 = vector.shape_cast %reduce_min3A_1583 : vector<256xi32> to vector<1x256xi32>
    %eq3A_1585 = vector.broadcast %broadcast_in_dim3A_1584 : vector<1x256xi32> to vector<256x256xi32>
    %eq3A_1586 = arith.cmpi eq, %iota3A, %eq3A_1585 : vector<256x256xi32>
    %jit3A_1587 = arith.constant 0xFF800000 : f32
    %broadcast_in_dim3A_1588 = vector.broadcast %jit3A_1587 : f32 to vector<256x256xf32>
    %select_n3A_1589 = arith.select %eq3A_1586, %broadcast_in_dim3A_1588, %select_n3A_1573 : vector<256x256xi1>, vector<256x256xf32>
    %reduce_max3A_1590 = arith.constant dense<0xFF800000> : vector<256xf32>
    %reduce_max3A_1591 = vector.multi_reduction <maximumf>, %select_n3A_1589, %reduce_max3A_1590 [0] : vector<256x256xf32> to vector<256xf32>
    %broadcast_in_dim3A_1592 = vector.shape_cast %reduce_max3A_1591 : vector<256xf32> to vector<1x256xf32>
    %eq3A_1593 = vector.broadcast %broadcast_in_dim3A_1592 : vector<1x256xf32> to vector<256x256xf32>
    %eq3A_1594 = arith.cmpf oeq, %select_n3A_1589, %eq3A_1593 : vector<256x256xf32>
    %jit3A_1595 = arith.constant 1073741824 : i32
    %broadcast_in_dim3A_1596 = vector.broadcast %jit3A_1595 : i32 to vector<256x256xi32>
    %select_n3A_1597 = arith.select %eq3A_1594, %iota3A, %broadcast_in_dim3A_1596 : vector<256x256xi1>, vector<256x256xi32>
    %reduce_min3A_1598 = arith.constant dense<2147483647> : vector<256xi32>
    %reduce_min3A_1599 = vector.multi_reduction <minsi>, %select_n3A_1597, %reduce_min3A_1598 [0] : vector<256x256xi32> to vector<256xi32>
    %broadcast_in_dim3A_1600 = vector.shape_cast %reduce_min3A_1599 : vector<256xi32> to vector<1x256xi32>
    %eq3A_1601 = vector.broadcast %broadcast_in_dim3A_1600 : vector<1x256xi32> to vector<256x256xi32>
    %eq3A_1602 = arith.cmpi eq, %iota3A, %eq3A_1601 : vector<256x256xi32>
    %jit3A_1603 = arith.constant 0xFF800000 : f32
    %broadcast_in_dim3A_1604 = vector.broadcast %jit3A_1603 : f32 to vector<256x256xf32>
    %select_n3A_1605 = arith.select %eq3A_1602, %broadcast_in_dim3A_1604, %select_n3A_1589 : vector<256x256xi1>, vector<256x256xf32>
    %reduce_max3A_1606 = arith.constant dense<0xFF800000> : vector<256xf32>
    %reduce_max3A_1607 = vector.multi_reduction <maximumf>, %select_n3A_1605, %reduce_max3A_1606 [0] : vector<256x256xf32> to vector<256xf32>
    %broadcast_in_dim3A_1608 = vector.shape_cast %reduce_max3A_1607 : vector<256xf32> to vector<1x256xf32>
    %eq3A_1609 = vector.broadcast %broadcast_in_dim3A_1608 : vector<1x256xf32> to vector<256x256xf32>
    %eq3A_1610 = arith.cmpf oeq, %select_n3A_1605, %eq3A_1609 : vector<256x256xf32>
    %jit3A_1611 = arith.constant 1073741824 : i32
    %broadcast_in_dim3A_1612 = vector.broadcast %jit3A_1611 : i32 to vector<256x256xi32>
    %select_n3A_1613 = arith.select %eq3A_1610, %iota3A, %broadcast_in_dim3A_1612 : vector<256x256xi1>, vector<256x256xi32>
    %reduce_min3A_1614 = arith.constant dense<2147483647> : vector<256xi32>
    %reduce_min3A_1615 = vector.multi_reduction <minsi>, %select_n3A_1613, %reduce_min3A_1614 [0] : vector<256x256xi32> to vector<256xi32>
    %broadcast_in_dim3A_1616 = vector.shape_cast %reduce_min3A_1615 : vector<256xi32> to vector<1x256xi32>
    %eq3A_1617 = vector.broadcast %broadcast_in_dim3A_1616 : vector<1x256xi32> to vector<256x256xi32>
    %eq3A_1618 = arith.cmpi eq, %iota3A, %eq3A_1617 : vector<256x256xi32>
    %jit3A_1619 = arith.constant 0xFF800000 : f32
    %broadcast_in_dim3A_1620 = vector.broadcast %jit3A_1619 : f32 to vector<256x256xf32>
    %select_n3A_1621 = arith.select %eq3A_1618, %broadcast_in_dim3A_1620, %select_n3A_1605 : vector<256x256xi1>, vector<256x256xf32>
    %reduce_max3A_1622 = arith.constant dense<0xFF800000> : vector<256xf32>
    %reduce_max3A_1623 = vector.multi_reduction <maximumf>, %select_n3A_1621, %reduce_max3A_1622 [0] : vector<256x256xf32> to vector<256xf32>
    %broadcast_in_dim3A_1624 = vector.shape_cast %reduce_max3A_1623 : vector<256xf32> to vector<1x256xf32>
    %eq3A_1625 = vector.broadcast %broadcast_in_dim3A_1624 : vector<1x256xf32> to vector<256x256xf32>
    %eq3A_1626 = arith.cmpf oeq, %select_n3A_1621, %eq3A_1625 : vector<256x256xf32>
    %jit3A_1627 = arith.constant 1073741824 : i32
    %broadcast_in_dim3A_1628 = vector.broadcast %jit3A_1627 : i32 to vector<256x256xi32>
    %select_n3A_1629 = arith.select %eq3A_1626, %iota3A, %broadcast_in_dim3A_1628 : vector<256x256xi1>, vector<256x256xi32>
    %reduce_min3A_1630 = arith.constant dense<2147483647> : vector<256xi32>
    %reduce_min3A_1631 = vector.multi_reduction <minsi>, %select_n3A_1629, %reduce_min3A_1630 [0] : vector<256x256xi32> to vector<256xi32>
    %broadcast_in_dim3A_1632 = vector.shape_cast %reduce_min3A_1631 : vector<256xi32> to vector<1x256xi32>
    %eq3A_1633 = vector.broadcast %broadcast_in_dim3A_1632 : vector<1x256xi32> to vector<256x256xi32>
    %eq3A_1634 = arith.cmpi eq, %iota3A, %eq3A_1633 : vector<256x256xi32>
    %jit3A_1635 = arith.constant 0xFF800000 : f32
    %broadcast_in_dim3A_1636 = vector.broadcast %jit3A_1635 : f32 to vector<256x256xf32>
    %select_n3A_1637 = arith.select %eq3A_1634, %broadcast_in_dim3A_1636, %select_n3A_1621 : vector<256x256xi1>, vector<256x256xf32>
    %reduce_max3A_1638 = arith.constant dense<0xFF800000> : vector<256xf32>
    %reduce_max3A_1639 = vector.multi_reduction <maximumf>, %select_n3A_1637, %reduce_max3A_1638 [0] : vector<256x256xf32> to vector<256xf32>
    %broadcast_in_dim3A_1640 = vector.shape_cast %reduce_max3A_1639 : vector<256xf32> to vector<1x256xf32>
    %eq3A_1641 = vector.broadcast %broadcast_in_dim3A_1640 : vector<1x256xf32> to vector<256x256xf32>
    %eq3A_1642 = arith.cmpf oeq, %select_n3A_1637, %eq3A_1641 : vector<256x256xf32>
    %jit3A_1643 = arith.constant 1073741824 : i32
    %broadcast_in_dim3A_1644 = vector.broadcast %jit3A_1643 : i32 to vector<256x256xi32>
    %select_n3A_1645 = arith.select %eq3A_1642, %iota3A, %broadcast_in_dim3A_1644 : vector<256x256xi1>, vector<256x256xi32>
    %reduce_min3A_1646 = arith.constant dense<2147483647> : vector<256xi32>
    %reduce_min3A_1647 = vector.multi_reduction <minsi>, %select_n3A_1645, %reduce_min3A_1646 [0] : vector<256x256xi32> to vector<256xi32>
    %broadcast_in_dim3A_1648 = vector.shape_cast %reduce_min3A_1647 : vector<256xi32> to vector<1x256xi32>
    %eq3A_1649 = vector.broadcast %broadcast_in_dim3A_1648 : vector<1x256xi32> to vector<256x256xi32>
    %eq3A_1650 = arith.cmpi eq, %iota3A, %eq3A_1649 : vector<256x256xi32>
    %jit3A_1651 = arith.constant 0xFF800000 : f32
    %broadcast_in_dim3A_1652 = vector.broadcast %jit3A_1651 : f32 to vector<256x256xf32>
    %select_n3A_1653 = arith.select %eq3A_1650, %broadcast_in_dim3A_1652, %select_n3A_1637 : vector<256x256xi1>, vector<256x256xf32>
    %reduce_max3A_1654 = arith.constant dense<0xFF800000> : vector<256xf32>
    %reduce_max3A_1655 = vector.multi_reduction <maximumf>, %select_n3A_1653, %reduce_max3A_1654 [0] : vector<256x256xf32> to vector<256xf32>
    %broadcast_in_dim3A_1656 = vector.shape_cast %reduce_max3A_1655 : vector<256xf32> to vector<1x256xf32>
    %eq3A_1657 = vector.broadcast %broadcast_in_dim3A_1656 : vector<1x256xf32> to vector<256x256xf32>
    %eq3A_1658 = arith.cmpf oeq, %select_n3A_1653, %eq3A_1657 : vector<256x256xf32>
    %jit3A_1659 = arith.constant 1073741824 : i32
    %broadcast_in_dim3A_1660 = vector.broadcast %jit3A_1659 : i32 to vector<256x256xi32>
    %select_n3A_1661 = arith.select %eq3A_1658, %iota3A, %broadcast_in_dim3A_1660 : vector<256x256xi1>, vector<256x256xi32>
    %reduce_min3A_1662 = arith.constant dense<2147483647> : vector<256xi32>
    %reduce_min3A_1663 = vector.multi_reduction <minsi>, %select_n3A_1661, %reduce_min3A_1662 [0] : vector<256x256xi32> to vector<256xi32>
    %broadcast_in_dim3A_1664 = vector.shape_cast %reduce_min3A_1663 : vector<256xi32> to vector<1x256xi32>
    %eq3A_1665 = vector.broadcast %broadcast_in_dim3A_1664 : vector<1x256xi32> to vector<256x256xi32>
    %eq3A_1666 = arith.cmpi eq, %iota3A, %eq3A_1665 : vector<256x256xi32>
    %jit3A_1667 = arith.constant 0xFF800000 : f32
    %broadcast_in_dim3A_1668 = vector.broadcast %jit3A_1667 : f32 to vector<256x256xf32>
    %select_n3A_1669 = arith.select %eq3A_1666, %broadcast_in_dim3A_1668, %select_n3A_1653 : vector<256x256xi1>, vector<256x256xf32>
    %reduce_max3A_1670 = arith.constant dense<0xFF800000> : vector<256xf32>
    %reduce_max3A_1671 = vector.multi_reduction <maximumf>, %select_n3A_1669, %reduce_max3A_1670 [0] : vector<256x256xf32> to vector<256xf32>
    %broadcast_in_dim3A_1672 = vector.shape_cast %reduce_max3A_1671 : vector<256xf32> to vector<1x256xf32>
    %eq3A_1673 = vector.broadcast %broadcast_in_dim3A_1672 : vector<1x256xf32> to vector<256x256xf32>
    %eq3A_1674 = arith.cmpf oeq, %select_n3A_1669, %eq3A_1673 : vector<256x256xf32>
    %jit3A_1675 = arith.constant 1073741824 : i32
    %broadcast_in_dim3A_1676 = vector.broadcast %jit3A_1675 : i32 to vector<256x256xi32>
    %select_n3A_1677 = arith.select %eq3A_1674, %iota3A, %broadcast_in_dim3A_1676 : vector<256x256xi1>, vector<256x256xi32>
    %reduce_min3A_1678 = arith.constant dense<2147483647> : vector<256xi32>
    %reduce_min3A_1679 = vector.multi_reduction <minsi>, %select_n3A_1677, %reduce_min3A_1678 [0] : vector<256x256xi32> to vector<256xi32>
    %broadcast_in_dim3A_1680 = vector.shape_cast %reduce_min3A_1679 : vector<256xi32> to vector<1x256xi32>
    %eq3A_1681 = vector.broadcast %broadcast_in_dim3A_1680 : vector<1x256xi32> to vector<256x256xi32>
    %eq3A_1682 = arith.cmpi eq, %iota3A, %eq3A_1681 : vector<256x256xi32>
    %jit3A_1683 = arith.constant 0xFF800000 : f32
    %broadcast_in_dim3A_1684 = vector.broadcast %jit3A_1683 : f32 to vector<256x256xf32>
    %select_n3A_1685 = arith.select %eq3A_1682, %broadcast_in_dim3A_1684, %select_n3A_1669 : vector<256x256xi1>, vector<256x256xf32>
    %reduce_max3A_1686 = arith.constant dense<0xFF800000> : vector<256xf32>
    %reduce_max3A_1687 = vector.multi_reduction <maximumf>, %select_n3A_1685, %reduce_max3A_1686 [0] : vector<256x256xf32> to vector<256xf32>
    %broadcast_in_dim3A_1688 = vector.shape_cast %reduce_max3A_1687 : vector<256xf32> to vector<1x256xf32>
    %eq3A_1689 = vector.broadcast %broadcast_in_dim3A_1688 : vector<1x256xf32> to vector<256x256xf32>
    %eq3A_1690 = arith.cmpf oeq, %select_n3A_1685, %eq3A_1689 : vector<256x256xf32>
    %jit3A_1691 = arith.constant 1073741824 : i32
    %broadcast_in_dim3A_1692 = vector.broadcast %jit3A_1691 : i32 to vector<256x256xi32>
    %select_n3A_1693 = arith.select %eq3A_1690, %iota3A, %broadcast_in_dim3A_1692 : vector<256x256xi1>, vector<256x256xi32>
    %reduce_min3A_1694 = arith.constant dense<2147483647> : vector<256xi32>
    %reduce_min3A_1695 = vector.multi_reduction <minsi>, %select_n3A_1693, %reduce_min3A_1694 [0] : vector<256x256xi32> to vector<256xi32>
    %broadcast_in_dim3A_1696 = vector.shape_cast %reduce_min3A_1695 : vector<256xi32> to vector<1x256xi32>
    %eq3A_1697 = vector.broadcast %broadcast_in_dim3A_1696 : vector<1x256xi32> to vector<256x256xi32>
    %eq3A_1698 = arith.cmpi eq, %iota3A, %eq3A_1697 : vector<256x256xi32>
    %jit3A_1699 = arith.constant 0xFF800000 : f32
    %broadcast_in_dim3A_1700 = vector.broadcast %jit3A_1699 : f32 to vector<256x256xf32>
    %select_n3A_1701 = arith.select %eq3A_1698, %broadcast_in_dim3A_1700, %select_n3A_1685 : vector<256x256xi1>, vector<256x256xf32>
    %reduce_max3A_1702 = arith.constant dense<0xFF800000> : vector<256xf32>
    %reduce_max3A_1703 = vector.multi_reduction <maximumf>, %select_n3A_1701, %reduce_max3A_1702 [0] : vector<256x256xf32> to vector<256xf32>
    %broadcast_in_dim3A_1704 = vector.shape_cast %reduce_max3A_1703 : vector<256xf32> to vector<1x256xf32>
    %eq3A_1705 = vector.broadcast %broadcast_in_dim3A_1704 : vector<1x256xf32> to vector<256x256xf32>
    %eq3A_1706 = arith.cmpf oeq, %select_n3A_1701, %eq3A_1705 : vector<256x256xf32>
    %jit3A_1707 = arith.constant 1073741824 : i32
    %broadcast_in_dim3A_1708 = vector.broadcast %jit3A_1707 : i32 to vector<256x256xi32>
    %select_n3A_1709 = arith.select %eq3A_1706, %iota3A, %broadcast_in_dim3A_1708 : vector<256x256xi1>, vector<256x256xi32>
    %reduce_min3A_1710 = arith.constant dense<2147483647> : vector<256xi32>
    %reduce_min3A_1711 = vector.multi_reduction <minsi>, %select_n3A_1709, %reduce_min3A_1710 [0] : vector<256x256xi32> to vector<256xi32>
    %broadcast_in_dim3A_1712 = vector.shape_cast %reduce_min3A_1711 : vector<256xi32> to vector<1x256xi32>
    %eq3A_1713 = vector.broadcast %broadcast_in_dim3A_1712 : vector<1x256xi32> to vector<256x256xi32>
    %eq3A_1714 = arith.cmpi eq, %iota3A, %eq3A_1713 : vector<256x256xi32>
    %jit3A_1715 = arith.constant 0xFF800000 : f32
    %broadcast_in_dim3A_1716 = vector.broadcast %jit3A_1715 : f32 to vector<256x256xf32>
    %select_n3A_1717 = arith.select %eq3A_1714, %broadcast_in_dim3A_1716, %select_n3A_1701 : vector<256x256xi1>, vector<256x256xf32>
    %reduce_max3A_1718 = arith.constant dense<0xFF800000> : vector<256xf32>
    %reduce_max3A_1719 = vector.multi_reduction <maximumf>, %select_n3A_1717, %reduce_max3A_1718 [0] : vector<256x256xf32> to vector<256xf32>
    %broadcast_in_dim3A_1720 = vector.shape_cast %reduce_max3A_1719 : vector<256xf32> to vector<1x256xf32>
    %eq3A_1721 = vector.broadcast %broadcast_in_dim3A_1720 : vector<1x256xf32> to vector<256x256xf32>
    %eq3A_1722 = arith.cmpf oeq, %select_n3A_1717, %eq3A_1721 : vector<256x256xf32>
    %jit3A_1723 = arith.constant 1073741824 : i32
    %broadcast_in_dim3A_1724 = vector.broadcast %jit3A_1723 : i32 to vector<256x256xi32>
    %select_n3A_1725 = arith.select %eq3A_1722, %iota3A, %broadcast_in_dim3A_1724 : vector<256x256xi1>, vector<256x256xi32>
    %reduce_min3A_1726 = arith.constant dense<2147483647> : vector<256xi32>
    %reduce_min3A_1727 = vector.multi_reduction <minsi>, %select_n3A_1725, %reduce_min3A_1726 [0] : vector<256x256xi32> to vector<256xi32>
    %broadcast_in_dim3A_1728 = vector.shape_cast %reduce_min3A_1727 : vector<256xi32> to vector<1x256xi32>
    %eq3A_1729 = vector.broadcast %broadcast_in_dim3A_1728 : vector<1x256xi32> to vector<256x256xi32>
    %eq3A_1730 = arith.cmpi eq, %iota3A, %eq3A_1729 : vector<256x256xi32>
    %jit3A_1731 = arith.constant 0xFF800000 : f32
    %broadcast_in_dim3A_1732 = vector.broadcast %jit3A_1731 : f32 to vector<256x256xf32>
    %select_n3A_1733 = arith.select %eq3A_1730, %broadcast_in_dim3A_1732, %select_n3A_1717 : vector<256x256xi1>, vector<256x256xf32>
    %reduce_max3A_1734 = arith.constant dense<0xFF800000> : vector<256xf32>
    %reduce_max3A_1735 = vector.multi_reduction <maximumf>, %select_n3A_1733, %reduce_max3A_1734 [0] : vector<256x256xf32> to vector<256xf32>
    %broadcast_in_dim3A_1736 = vector.shape_cast %reduce_max3A_1735 : vector<256xf32> to vector<1x256xf32>
    %eq3A_1737 = vector.broadcast %broadcast_in_dim3A_1736 : vector<1x256xf32> to vector<256x256xf32>
    %eq3A_1738 = arith.cmpf oeq, %select_n3A_1733, %eq3A_1737 : vector<256x256xf32>
    %jit3A_1739 = arith.constant 1073741824 : i32
    %broadcast_in_dim3A_1740 = vector.broadcast %jit3A_1739 : i32 to vector<256x256xi32>
    %select_n3A_1741 = arith.select %eq3A_1738, %iota3A, %broadcast_in_dim3A_1740 : vector<256x256xi1>, vector<256x256xi32>
    %reduce_min3A_1742 = arith.constant dense<2147483647> : vector<256xi32>
    %reduce_min3A_1743 = vector.multi_reduction <minsi>, %select_n3A_1741, %reduce_min3A_1742 [0] : vector<256x256xi32> to vector<256xi32>
    %broadcast_in_dim3A_1744 = vector.shape_cast %reduce_min3A_1743 : vector<256xi32> to vector<1x256xi32>
    %eq3A_1745 = vector.broadcast %broadcast_in_dim3A_1744 : vector<1x256xi32> to vector<256x256xi32>
    %eq3A_1746 = arith.cmpi eq, %iota3A, %eq3A_1745 : vector<256x256xi32>
    %jit3A_1747 = arith.constant 0xFF800000 : f32
    %broadcast_in_dim3A_1748 = vector.broadcast %jit3A_1747 : f32 to vector<256x256xf32>
    %select_n3A_1749 = arith.select %eq3A_1746, %broadcast_in_dim3A_1748, %select_n3A_1733 : vector<256x256xi1>, vector<256x256xf32>
    %reduce_max3A_1750 = arith.constant dense<0xFF800000> : vector<256xf32>
    %reduce_max3A_1751 = vector.multi_reduction <maximumf>, %select_n3A_1749, %reduce_max3A_1750 [0] : vector<256x256xf32> to vector<256xf32>
    %broadcast_in_dim3A_1752 = vector.shape_cast %reduce_max3A_1751 : vector<256xf32> to vector<1x256xf32>
    %eq3A_1753 = vector.broadcast %broadcast_in_dim3A_1752 : vector<1x256xf32> to vector<256x256xf32>
    %eq3A_1754 = arith.cmpf oeq, %select_n3A_1749, %eq3A_1753 : vector<256x256xf32>
    %jit3A_1755 = arith.constant 1073741824 : i32
    %broadcast_in_dim3A_1756 = vector.broadcast %jit3A_1755 : i32 to vector<256x256xi32>
    %select_n3A_1757 = arith.select %eq3A_1754, %iota3A, %broadcast_in_dim3A_1756 : vector<256x256xi1>, vector<256x256xi32>
    %reduce_min3A_1758 = arith.constant dense<2147483647> : vector<256xi32>
    %reduce_min3A_1759 = vector.multi_reduction <minsi>, %select_n3A_1757, %reduce_min3A_1758 [0] : vector<256x256xi32> to vector<256xi32>
    %broadcast_in_dim3A_1760 = vector.shape_cast %reduce_min3A_1759 : vector<256xi32> to vector<1x256xi32>
    %eq3A_1761 = vector.broadcast %broadcast_in_dim3A_1760 : vector<1x256xi32> to vector<256x256xi32>
    %eq3A_1762 = arith.cmpi eq, %iota3A, %eq3A_1761 : vector<256x256xi32>
    %jit3A_1763 = arith.constant 0xFF800000 : f32
    %broadcast_in_dim3A_1764 = vector.broadcast %jit3A_1763 : f32 to vector<256x256xf32>
    %select_n3A_1765 = arith.select %eq3A_1762, %broadcast_in_dim3A_1764, %select_n3A_1749 : vector<256x256xi1>, vector<256x256xf32>
    %reduce_max3A_1766 = arith.constant dense<0xFF800000> : vector<256xf32>
    %reduce_max3A_1767 = vector.multi_reduction <maximumf>, %select_n3A_1765, %reduce_max3A_1766 [0] : vector<256x256xf32> to vector<256xf32>
    %broadcast_in_dim3A_1768 = vector.shape_cast %reduce_max3A_1767 : vector<256xf32> to vector<1x256xf32>
    %eq3A_1769 = vector.broadcast %broadcast_in_dim3A_1768 : vector<1x256xf32> to vector<256x256xf32>
    %eq3A_1770 = arith.cmpf oeq, %select_n3A_1765, %eq3A_1769 : vector<256x256xf32>
    %jit3A_1771 = arith.constant 1073741824 : i32
    %broadcast_in_dim3A_1772 = vector.broadcast %jit3A_1771 : i32 to vector<256x256xi32>
    %select_n3A_1773 = arith.select %eq3A_1770, %iota3A, %broadcast_in_dim3A_1772 : vector<256x256xi1>, vector<256x256xi32>
    %reduce_min3A_1774 = arith.constant dense<2147483647> : vector<256xi32>
    %reduce_min3A_1775 = vector.multi_reduction <minsi>, %select_n3A_1773, %reduce_min3A_1774 [0] : vector<256x256xi32> to vector<256xi32>
    %broadcast_in_dim3A_1776 = vector.shape_cast %reduce_min3A_1775 : vector<256xi32> to vector<1x256xi32>
    %eq3A_1777 = vector.broadcast %broadcast_in_dim3A_1776 : vector<1x256xi32> to vector<256x256xi32>
    %eq3A_1778 = arith.cmpi eq, %iota3A, %eq3A_1777 : vector<256x256xi32>
    %jit3A_1779 = arith.constant 0xFF800000 : f32
    %broadcast_in_dim3A_1780 = vector.broadcast %jit3A_1779 : f32 to vector<256x256xf32>
    %select_n3A_1781 = arith.select %eq3A_1778, %broadcast_in_dim3A_1780, %select_n3A_1765 : vector<256x256xi1>, vector<256x256xf32>
    %reduce_max3A_1782 = arith.constant dense<0xFF800000> : vector<256xf32>
    %reduce_max3A_1783 = vector.multi_reduction <maximumf>, %select_n3A_1781, %reduce_max3A_1782 [0] : vector<256x256xf32> to vector<256xf32>
    %broadcast_in_dim3A_1784 = vector.shape_cast %reduce_max3A_1783 : vector<256xf32> to vector<1x256xf32>
    %eq3A_1785 = vector.broadcast %broadcast_in_dim3A_1784 : vector<1x256xf32> to vector<256x256xf32>
    %eq3A_1786 = arith.cmpf oeq, %select_n3A_1781, %eq3A_1785 : vector<256x256xf32>
    %jit3A_1787 = arith.constant 1073741824 : i32
    %broadcast_in_dim3A_1788 = vector.broadcast %jit3A_1787 : i32 to vector<256x256xi32>
    %select_n3A_1789 = arith.select %eq3A_1786, %iota3A, %broadcast_in_dim3A_1788 : vector<256x256xi1>, vector<256x256xi32>
    %reduce_min3A_1790 = arith.constant dense<2147483647> : vector<256xi32>
    %reduce_min3A_1791 = vector.multi_reduction <minsi>, %select_n3A_1789, %reduce_min3A_1790 [0] : vector<256x256xi32> to vector<256xi32>
    %broadcast_in_dim3A_1792 = vector.shape_cast %reduce_min3A_1791 : vector<256xi32> to vector<1x256xi32>
    %eq3A_1793 = vector.broadcast %broadcast_in_dim3A_1792 : vector<1x256xi32> to vector<256x256xi32>
    %eq3A_1794 = arith.cmpi eq, %iota3A, %eq3A_1793 : vector<256x256xi32>
    %jit3A_1795 = arith.constant 0xFF800000 : f32
    %broadcast_in_dim3A_1796 = vector.broadcast %jit3A_1795 : f32 to vector<256x256xf32>
    %select_n3A_1797 = arith.select %eq3A_1794, %broadcast_in_dim3A_1796, %select_n3A_1781 : vector<256x256xi1>, vector<256x256xf32>
    %reduce_max3A_1798 = arith.constant dense<0xFF800000> : vector<256xf32>
    %reduce_max3A_1799 = vector.multi_reduction <maximumf>, %select_n3A_1797, %reduce_max3A_1798 [0] : vector<256x256xf32> to vector<256xf32>
    %broadcast_in_dim3A_1800 = vector.shape_cast %reduce_max3A_1799 : vector<256xf32> to vector<1x256xf32>
    %eq3A_1801 = vector.broadcast %broadcast_in_dim3A_1800 : vector<1x256xf32> to vector<256x256xf32>
    %eq3A_1802 = arith.cmpf oeq, %select_n3A_1797, %eq3A_1801 : vector<256x256xf32>
    %jit3A_1803 = arith.constant 1073741824 : i32
    %broadcast_in_dim3A_1804 = vector.broadcast %jit3A_1803 : i32 to vector<256x256xi32>
    %select_n3A_1805 = arith.select %eq3A_1802, %iota3A, %broadcast_in_dim3A_1804 : vector<256x256xi1>, vector<256x256xi32>
    %reduce_min3A_1806 = arith.constant dense<2147483647> : vector<256xi32>
    %reduce_min3A_1807 = vector.multi_reduction <minsi>, %select_n3A_1805, %reduce_min3A_1806 [0] : vector<256x256xi32> to vector<256xi32>
    %broadcast_in_dim3A_1808 = vector.shape_cast %reduce_min3A_1807 : vector<256xi32> to vector<1x256xi32>
    %concatenate3A_1809 = tpu.concatenate %broadcast_in_dim3A_1560, %broadcast_in_dim3A_1576, %broadcast_in_dim3A_1592, %broadcast_in_dim3A_1608, %broadcast_in_dim3A_1624, %broadcast_in_dim3A_1640, %broadcast_in_dim3A_1656, %broadcast_in_dim3A_1672, %broadcast_in_dim3A_1688, %broadcast_in_dim3A_1704, %broadcast_in_dim3A_1720, %broadcast_in_dim3A_1736, %broadcast_in_dim3A_1752, %broadcast_in_dim3A_1768, %broadcast_in_dim3A_1784, %broadcast_in_dim3A_1800 in 0 : vector<1x256xf32>, vector<1x256xf32>, vector<1x256xf32>, vector<1x256xf32>, vector<1x256xf32>, vector<1x256xf32>, vector<1x256xf32>, vector<1x256xf32>, vector<1x256xf32>, vector<1x256xf32>, vector<1x256xf32>, vector<1x256xf32>, vector<1x256xf32>, vector<1x256xf32>, vector<1x256xf32>, vector<1x256xf32> -> vector<16x256xf32>
    %concatenate3A_1810 = tpu.concatenate %broadcast_in_dim3A_1568, %broadcast_in_dim3A_1584, %broadcast_in_dim3A_1600, %broadcast_in_dim3A_1616, %broadcast_in_dim3A_1632, %broadcast_in_dim3A_1648, %broadcast_in_dim3A_1664, %broadcast_in_dim3A_1680, %broadcast_in_dim3A_1696, %broadcast_in_dim3A_1712, %broadcast_in_dim3A_1728, %broadcast_in_dim3A_1744, %broadcast_in_dim3A_1760, %broadcast_in_dim3A_1776, %broadcast_in_dim3A_1792, %broadcast_in_dim3A_1808 in 0 : vector<1x256xi32>, vector<1x256xi32>, vector<1x256xi32>, vector<1x256xi32>, vector<1x256xi32>, vector<1x256xi32>, vector<1x256xi32>, vector<1x256xi32>, vector<1x256xi32>, vector<1x256xi32>, vector<1x256xi32>, vector<1x256xi32>, vector<1x256xi32>, vector<1x256xi32>, vector<1x256xi32>, vector<1x256xi32> -> vector<16x256xi32>
    %convert_element_type3A_1811 = arith.sitofp %concatenate3A_1810 : vector<16x256xi32> to vector<16x256xf32>
    %get3A_1812 = arith.constant 0 : index
    %get3A_1813 = arith.constant 0 : index
    %get3A_1814 = vector.load %arg4[%get3A_1812, %get3A_1813] : memref<256x16xf32, #tpu.memory_space<vmem>>, vector<256x16xf32>
    %dot_general3A_1815 = arith.constant dense<0.000000e+00> : vector<256x256xf32>
    %dot_general3A_1816 = tpu.matmul %get3A_1814, %concatenate3A_1526, %dot_general3A_1815 {dimension_numbers = #tpu.dot_dimension_numbers<[1], [0], [0], [1], [0, 0, 1, 1], [], []>, precision = #tpu.contract_precision<fp32>, transpose_lhs_hint = false} : vector<256x16xf32>, vector<16x256xf32>, vector<256x256xf32> -> vector<256x256xf32>
    %get3A_1817 = arith.constant 0 : index
    %get3A_1818 = arith.constant 0 : index
    %get3A_1819 = vector.load %arg5[%get3A_1817, %get3A_1818] : memref<256x16xf32, #tpu.memory_space<vmem>>, vector<256x16xf32>
    %dot_general3A_1820 = arith.constant dense<0.000000e+00> : vector<256x256xf32>
    %dot_general3A_1821 = tpu.matmul %get3A_1819, %concatenate3A_1809, %dot_general3A_1820 {dimension_numbers = #tpu.dot_dimension_numbers<[1], [0], [0], [1], [0, 0, 1, 1], [], []>, precision = #tpu.contract_precision<fp32>, transpose_lhs_hint = false} : vector<256x16xf32>, vector<16x256xf32>, vector<256x256xf32> -> vector<256x256xf32>
    %add3A_1822 = arith.addf %dot_general3A_1816, %dot_general3A_1821 : vector<256x256xf32>
    %reduce_max3A_1823 = arith.constant dense<0xFF800000> : vector<256xf32>
    %reduce_max3A_1824 = vector.multi_reduction <maximumf>, %add3A_1822, %reduce_max3A_1823 [0] : vector<256x256xf32> to vector<256xf32>
    %broadcast_in_dim3A_1825 = vector.shape_cast %reduce_max3A_1824 : vector<256xf32> to vector<1x256xf32>
    %eq3A_1826 = vector.broadcast %broadcast_in_dim3A_1825 : vector<1x256xf32> to vector<256x256xf32>
    %eq3A_1827 = arith.cmpf oeq, %add3A_1822, %eq3A_1826 : vector<256x256xf32>
    %jit3A_1828 = arith.constant 1073741824 : i32
    %broadcast_in_dim3A_1829 = vector.broadcast %jit3A_1828 : i32 to vector<256x256xi32>
    %select_n3A_1830 = arith.select %eq3A_1827, %iota3A, %broadcast_in_dim3A_1829 : vector<256x256xi1>, vector<256x256xi32>
    %reduce_min3A_1831 = arith.constant dense<2147483647> : vector<256xi32>
    %reduce_min3A_1832 = vector.multi_reduction <minsi>, %select_n3A_1830, %reduce_min3A_1831 [0] : vector<256x256xi32> to vector<256xi32>
    %broadcast_in_dim3A_1833 = vector.shape_cast %reduce_min3A_1832 : vector<256xi32> to vector<1x256xi32>
    %eq3A_1834 = vector.broadcast %broadcast_in_dim3A_1833 : vector<1x256xi32> to vector<256x256xi32>
    %eq3A_1835 = arith.cmpi eq, %iota3A, %eq3A_1834 : vector<256x256xi32>
    %jit3A_1836 = arith.constant 0xFF800000 : f32
    %broadcast_in_dim3A_1837 = vector.broadcast %jit3A_1836 : f32 to vector<256x256xf32>
    %select_n3A_1838 = arith.select %eq3A_1835, %broadcast_in_dim3A_1837, %add3A_1822 : vector<256x256xi1>, vector<256x256xf32>
    %shift_right_arithmetic3A_1839 = arith.constant 4 : i32
    %shift_right_arithmetic3A_1840 = vector.broadcast %shift_right_arithmetic3A_1839 : i32 to vector<1x256xi32>
    %shift_right_arithmetic3A_1841 = arith.shrsi %broadcast_in_dim3A_1833, %shift_right_arithmetic3A_1840 : vector<1x256xi32>
    %and3A_1842 = arith.constant 15 : i32
    %and3A_1843 = vector.broadcast %and3A_1842 : i32 to vector<1x256xi32>
    %and3A_1844 = arith.andi %broadcast_in_dim3A_1833, %and3A_1843 : vector<1x256xi32>
    %eq3A_1845 = vector.broadcast %shift_right_arithmetic3A_1841 : vector<1x256xi32> to vector<16x256xi32>
    %eq3A_1846 = arith.cmpi eq, %iota3A_6, %eq3A_1845 : vector<16x256xi32>
    %jit3A_1847 = arith.constant 0.000000e+00 : f32
    %broadcast_in_dim3A_1848 = vector.broadcast %jit3A_1847 : f32 to vector<16x256xf32>
    %select_n3A_1849 = arith.select %eq3A_1846, %convert_element_type3A_1528, %broadcast_in_dim3A_1848 : vector<16x256xi1>, vector<16x256xf32>
    %reduce_sum3A_1850 = arith.constant dense<0.000000e+00> : vector<256xf32>
    %reduce_sum3A_1851 = vector.multi_reduction <add>, %select_n3A_1849, %reduce_sum3A_1850 [0] : vector<16x256xf32> to vector<256xf32>
    %broadcast_in_dim3A_1852 = vector.shape_cast %reduce_sum3A_1851 : vector<256xf32> to vector<1x256xf32>
    %eq3A_1853 = vector.broadcast %and3A_1844 : vector<1x256xi32> to vector<16x256xi32>
    %eq3A_1854 = arith.cmpi eq, %iota3A_6, %eq3A_1853 : vector<16x256xi32>
    %jit3A_1855 = arith.constant 0.000000e+00 : f32
    %broadcast_in_dim3A_1856 = vector.broadcast %jit3A_1855 : f32 to vector<16x256xf32>
    %select_n3A_1857 = arith.select %eq3A_1854, %convert_element_type3A_1811, %broadcast_in_dim3A_1856 : vector<16x256xi1>, vector<16x256xf32>
    %reduce_sum3A_1858 = arith.constant dense<0.000000e+00> : vector<256xf32>
    %reduce_sum3A_1859 = vector.multi_reduction <add>, %select_n3A_1857, %reduce_sum3A_1858 [0] : vector<16x256xf32> to vector<256xf32>
    %broadcast_in_dim3A_1860 = vector.shape_cast %reduce_sum3A_1859 : vector<256xf32> to vector<1x256xf32>
    %mul3A_1861 = arith.constant 2.560000e+02 : f32
    %mul3A_1862 = vector.broadcast %mul3A_1861 : f32 to vector<1x256xf32>
    %mul3A_1863 = arith.mulf %broadcast_in_dim3A_1852, %mul3A_1862 : vector<1x256xf32>
    %add3A_1864 = arith.addf %mul3A_1863, %broadcast_in_dim3A_1860 : vector<1x256xf32>
    %reduce_max3A_1865 = arith.constant dense<0xFF800000> : vector<256xf32>
    %reduce_max3A_1866 = vector.multi_reduction <maximumf>, %select_n3A_1838, %reduce_max3A_1865 [0] : vector<256x256xf32> to vector<256xf32>
    %broadcast_in_dim3A_1867 = vector.shape_cast %reduce_max3A_1866 : vector<256xf32> to vector<1x256xf32>
    %eq3A_1868 = vector.broadcast %broadcast_in_dim3A_1867 : vector<1x256xf32> to vector<256x256xf32>
    %eq3A_1869 = arith.cmpf oeq, %select_n3A_1838, %eq3A_1868 : vector<256x256xf32>
    %jit3A_1870 = arith.constant 1073741824 : i32
    %broadcast_in_dim3A_1871 = vector.broadcast %jit3A_1870 : i32 to vector<256x256xi32>
    %select_n3A_1872 = arith.select %eq3A_1869, %iota3A, %broadcast_in_dim3A_1871 : vector<256x256xi1>, vector<256x256xi32>
    %reduce_min3A_1873 = arith.constant dense<2147483647> : vector<256xi32>
    %reduce_min3A_1874 = vector.multi_reduction <minsi>, %select_n3A_1872, %reduce_min3A_1873 [0] : vector<256x256xi32> to vector<256xi32>
    %broadcast_in_dim3A_1875 = vector.shape_cast %reduce_min3A_1874 : vector<256xi32> to vector<1x256xi32>
    %eq3A_1876 = vector.broadcast %broadcast_in_dim3A_1875 : vector<1x256xi32> to vector<256x256xi32>
    %eq3A_1877 = arith.cmpi eq, %iota3A, %eq3A_1876 : vector<256x256xi32>
    %jit3A_1878 = arith.constant 0xFF800000 : f32
    %broadcast_in_dim3A_1879 = vector.broadcast %jit3A_1878 : f32 to vector<256x256xf32>
    %select_n3A_1880 = arith.select %eq3A_1877, %broadcast_in_dim3A_1879, %select_n3A_1838 : vector<256x256xi1>, vector<256x256xf32>
    %shift_right_arithmetic3A_1881 = arith.constant 4 : i32
    %shift_right_arithmetic3A_1882 = vector.broadcast %shift_right_arithmetic3A_1881 : i32 to vector<1x256xi32>
    %shift_right_arithmetic3A_1883 = arith.shrsi %broadcast_in_dim3A_1875, %shift_right_arithmetic3A_1882 : vector<1x256xi32>
    %and3A_1884 = arith.constant 15 : i32
    %and3A_1885 = vector.broadcast %and3A_1884 : i32 to vector<1x256xi32>
    %and3A_1886 = arith.andi %broadcast_in_dim3A_1875, %and3A_1885 : vector<1x256xi32>
    %eq3A_1887 = vector.broadcast %shift_right_arithmetic3A_1883 : vector<1x256xi32> to vector<16x256xi32>
    %eq3A_1888 = arith.cmpi eq, %iota3A_6, %eq3A_1887 : vector<16x256xi32>
    %jit3A_1889 = arith.constant 0.000000e+00 : f32
    %broadcast_in_dim3A_1890 = vector.broadcast %jit3A_1889 : f32 to vector<16x256xf32>
    %select_n3A_1891 = arith.select %eq3A_1888, %convert_element_type3A_1528, %broadcast_in_dim3A_1890 : vector<16x256xi1>, vector<16x256xf32>
    %reduce_sum3A_1892 = arith.constant dense<0.000000e+00> : vector<256xf32>
    %reduce_sum3A_1893 = vector.multi_reduction <add>, %select_n3A_1891, %reduce_sum3A_1892 [0] : vector<16x256xf32> to vector<256xf32>
    %broadcast_in_dim3A_1894 = vector.shape_cast %reduce_sum3A_1893 : vector<256xf32> to vector<1x256xf32>
    %eq3A_1895 = vector.broadcast %and3A_1886 : vector<1x256xi32> to vector<16x256xi32>
    %eq3A_1896 = arith.cmpi eq, %iota3A_6, %eq3A_1895 : vector<16x256xi32>
    %jit3A_1897 = arith.constant 0.000000e+00 : f32
    %broadcast_in_dim3A_1898 = vector.broadcast %jit3A_1897 : f32 to vector<16x256xf32>
    %select_n3A_1899 = arith.select %eq3A_1896, %convert_element_type3A_1811, %broadcast_in_dim3A_1898 : vector<16x256xi1>, vector<16x256xf32>
    %reduce_sum3A_1900 = arith.constant dense<0.000000e+00> : vector<256xf32>
    %reduce_sum3A_1901 = vector.multi_reduction <add>, %select_n3A_1899, %reduce_sum3A_1900 [0] : vector<16x256xf32> to vector<256xf32>
    %broadcast_in_dim3A_1902 = vector.shape_cast %reduce_sum3A_1901 : vector<256xf32> to vector<1x256xf32>
    %mul3A_1903 = arith.constant 2.560000e+02 : f32
    %mul3A_1904 = vector.broadcast %mul3A_1903 : f32 to vector<1x256xf32>
    %mul3A_1905 = arith.mulf %broadcast_in_dim3A_1894, %mul3A_1904 : vector<1x256xf32>
    %add3A_1906 = arith.addf %mul3A_1905, %broadcast_in_dim3A_1902 : vector<1x256xf32>
    %reduce_max3A_1907 = arith.constant dense<0xFF800000> : vector<256xf32>
    %reduce_max3A_1908 = vector.multi_reduction <maximumf>, %select_n3A_1880, %reduce_max3A_1907 [0] : vector<256x256xf32> to vector<256xf32>
    %broadcast_in_dim3A_1909 = vector.shape_cast %reduce_max3A_1908 : vector<256xf32> to vector<1x256xf32>
    %eq3A_1910 = vector.broadcast %broadcast_in_dim3A_1909 : vector<1x256xf32> to vector<256x256xf32>
    %eq3A_1911 = arith.cmpf oeq, %select_n3A_1880, %eq3A_1910 : vector<256x256xf32>
    %jit3A_1912 = arith.constant 1073741824 : i32
    %broadcast_in_dim3A_1913 = vector.broadcast %jit3A_1912 : i32 to vector<256x256xi32>
    %select_n3A_1914 = arith.select %eq3A_1911, %iota3A, %broadcast_in_dim3A_1913 : vector<256x256xi1>, vector<256x256xi32>
    %reduce_min3A_1915 = arith.constant dense<2147483647> : vector<256xi32>
    %reduce_min3A_1916 = vector.multi_reduction <minsi>, %select_n3A_1914, %reduce_min3A_1915 [0] : vector<256x256xi32> to vector<256xi32>
    %broadcast_in_dim3A_1917 = vector.shape_cast %reduce_min3A_1916 : vector<256xi32> to vector<1x256xi32>
    %eq3A_1918 = vector.broadcast %broadcast_in_dim3A_1917 : vector<1x256xi32> to vector<256x256xi32>
    %eq3A_1919 = arith.cmpi eq, %iota3A, %eq3A_1918 : vector<256x256xi32>
    %jit3A_1920 = arith.constant 0xFF800000 : f32
    %broadcast_in_dim3A_1921 = vector.broadcast %jit3A_1920 : f32 to vector<256x256xf32>
    %select_n3A_1922 = arith.select %eq3A_1919, %broadcast_in_dim3A_1921, %select_n3A_1880 : vector<256x256xi1>, vector<256x256xf32>
    %shift_right_arithmetic3A_1923 = arith.constant 4 : i32
    %shift_right_arithmetic3A_1924 = vector.broadcast %shift_right_arithmetic3A_1923 : i32 to vector<1x256xi32>
    %shift_right_arithmetic3A_1925 = arith.shrsi %broadcast_in_dim3A_1917, %shift_right_arithmetic3A_1924 : vector<1x256xi32>
    %and3A_1926 = arith.constant 15 : i32
    %and3A_1927 = vector.broadcast %and3A_1926 : i32 to vector<1x256xi32>
    %and3A_1928 = arith.andi %broadcast_in_dim3A_1917, %and3A_1927 : vector<1x256xi32>
    %eq3A_1929 = vector.broadcast %shift_right_arithmetic3A_1925 : vector<1x256xi32> to vector<16x256xi32>
    %eq3A_1930 = arith.cmpi eq, %iota3A_6, %eq3A_1929 : vector<16x256xi32>
    %jit3A_1931 = arith.constant 0.000000e+00 : f32
    %broadcast_in_dim3A_1932 = vector.broadcast %jit3A_1931 : f32 to vector<16x256xf32>
    %select_n3A_1933 = arith.select %eq3A_1930, %convert_element_type3A_1528, %broadcast_in_dim3A_1932 : vector<16x256xi1>, vector<16x256xf32>
    %reduce_sum3A_1934 = arith.constant dense<0.000000e+00> : vector<256xf32>
    %reduce_sum3A_1935 = vector.multi_reduction <add>, %select_n3A_1933, %reduce_sum3A_1934 [0] : vector<16x256xf32> to vector<256xf32>
    %broadcast_in_dim3A_1936 = vector.shape_cast %reduce_sum3A_1935 : vector<256xf32> to vector<1x256xf32>
    %eq3A_1937 = vector.broadcast %and3A_1928 : vector<1x256xi32> to vector<16x256xi32>
    %eq3A_1938 = arith.cmpi eq, %iota3A_6, %eq3A_1937 : vector<16x256xi32>
    %jit3A_1939 = arith.constant 0.000000e+00 : f32
    %broadcast_in_dim3A_1940 = vector.broadcast %jit3A_1939 : f32 to vector<16x256xf32>
    %select_n3A_1941 = arith.select %eq3A_1938, %convert_element_type3A_1811, %broadcast_in_dim3A_1940 : vector<16x256xi1>, vector<16x256xf32>
    %reduce_sum3A_1942 = arith.constant dense<0.000000e+00> : vector<256xf32>
    %reduce_sum3A_1943 = vector.multi_reduction <add>, %select_n3A_1941, %reduce_sum3A_1942 [0] : vector<16x256xf32> to vector<256xf32>
    %broadcast_in_dim3A_1944 = vector.shape_cast %reduce_sum3A_1943 : vector<256xf32> to vector<1x256xf32>
    %mul3A_1945 = arith.constant 2.560000e+02 : f32
    %mul3A_1946 = vector.broadcast %mul3A_1945 : f32 to vector<1x256xf32>
    %mul3A_1947 = arith.mulf %broadcast_in_dim3A_1936, %mul3A_1946 : vector<1x256xf32>
    %add3A_1948 = arith.addf %mul3A_1947, %broadcast_in_dim3A_1944 : vector<1x256xf32>
    %reduce_max3A_1949 = arith.constant dense<0xFF800000> : vector<256xf32>
    %reduce_max3A_1950 = vector.multi_reduction <maximumf>, %select_n3A_1922, %reduce_max3A_1949 [0] : vector<256x256xf32> to vector<256xf32>
    %broadcast_in_dim3A_1951 = vector.shape_cast %reduce_max3A_1950 : vector<256xf32> to vector<1x256xf32>
    %eq3A_1952 = vector.broadcast %broadcast_in_dim3A_1951 : vector<1x256xf32> to vector<256x256xf32>
    %eq3A_1953 = arith.cmpf oeq, %select_n3A_1922, %eq3A_1952 : vector<256x256xf32>
    %jit3A_1954 = arith.constant 1073741824 : i32
    %broadcast_in_dim3A_1955 = vector.broadcast %jit3A_1954 : i32 to vector<256x256xi32>
    %select_n3A_1956 = arith.select %eq3A_1953, %iota3A, %broadcast_in_dim3A_1955 : vector<256x256xi1>, vector<256x256xi32>
    %reduce_min3A_1957 = arith.constant dense<2147483647> : vector<256xi32>
    %reduce_min3A_1958 = vector.multi_reduction <minsi>, %select_n3A_1956, %reduce_min3A_1957 [0] : vector<256x256xi32> to vector<256xi32>
    %broadcast_in_dim3A_1959 = vector.shape_cast %reduce_min3A_1958 : vector<256xi32> to vector<1x256xi32>
    %eq3A_1960 = vector.broadcast %broadcast_in_dim3A_1959 : vector<1x256xi32> to vector<256x256xi32>
    %eq3A_1961 = arith.cmpi eq, %iota3A, %eq3A_1960 : vector<256x256xi32>
    %jit3A_1962 = arith.constant 0xFF800000 : f32
    %broadcast_in_dim3A_1963 = vector.broadcast %jit3A_1962 : f32 to vector<256x256xf32>
    %select_n3A_1964 = arith.select %eq3A_1961, %broadcast_in_dim3A_1963, %select_n3A_1922 : vector<256x256xi1>, vector<256x256xf32>
    %shift_right_arithmetic3A_1965 = arith.constant 4 : i32
    %shift_right_arithmetic3A_1966 = vector.broadcast %shift_right_arithmetic3A_1965 : i32 to vector<1x256xi32>
    %shift_right_arithmetic3A_1967 = arith.shrsi %broadcast_in_dim3A_1959, %shift_right_arithmetic3A_1966 : vector<1x256xi32>
    %and3A_1968 = arith.constant 15 : i32
    %and3A_1969 = vector.broadcast %and3A_1968 : i32 to vector<1x256xi32>
    %and3A_1970 = arith.andi %broadcast_in_dim3A_1959, %and3A_1969 : vector<1x256xi32>
    %eq3A_1971 = vector.broadcast %shift_right_arithmetic3A_1967 : vector<1x256xi32> to vector<16x256xi32>
    %eq3A_1972 = arith.cmpi eq, %iota3A_6, %eq3A_1971 : vector<16x256xi32>
    %jit3A_1973 = arith.constant 0.000000e+00 : f32
    %broadcast_in_dim3A_1974 = vector.broadcast %jit3A_1973 : f32 to vector<16x256xf32>
    %select_n3A_1975 = arith.select %eq3A_1972, %convert_element_type3A_1528, %broadcast_in_dim3A_1974 : vector<16x256xi1>, vector<16x256xf32>
    %reduce_sum3A_1976 = arith.constant dense<0.000000e+00> : vector<256xf32>
    %reduce_sum3A_1977 = vector.multi_reduction <add>, %select_n3A_1975, %reduce_sum3A_1976 [0] : vector<16x256xf32> to vector<256xf32>
    %broadcast_in_dim3A_1978 = vector.shape_cast %reduce_sum3A_1977 : vector<256xf32> to vector<1x256xf32>
    %eq3A_1979 = vector.broadcast %and3A_1970 : vector<1x256xi32> to vector<16x256xi32>
    %eq3A_1980 = arith.cmpi eq, %iota3A_6, %eq3A_1979 : vector<16x256xi32>
    %jit3A_1981 = arith.constant 0.000000e+00 : f32
    %broadcast_in_dim3A_1982 = vector.broadcast %jit3A_1981 : f32 to vector<16x256xf32>
    %select_n3A_1983 = arith.select %eq3A_1980, %convert_element_type3A_1811, %broadcast_in_dim3A_1982 : vector<16x256xi1>, vector<16x256xf32>
    %reduce_sum3A_1984 = arith.constant dense<0.000000e+00> : vector<256xf32>
    %reduce_sum3A_1985 = vector.multi_reduction <add>, %select_n3A_1983, %reduce_sum3A_1984 [0] : vector<16x256xf32> to vector<256xf32>
    %broadcast_in_dim3A_1986 = vector.shape_cast %reduce_sum3A_1985 : vector<256xf32> to vector<1x256xf32>
    %mul3A_1987 = arith.constant 2.560000e+02 : f32
    %mul3A_1988 = vector.broadcast %mul3A_1987 : f32 to vector<1x256xf32>
    %mul3A_1989 = arith.mulf %broadcast_in_dim3A_1978, %mul3A_1988 : vector<1x256xf32>
    %add3A_1990 = arith.addf %mul3A_1989, %broadcast_in_dim3A_1986 : vector<1x256xf32>
    %reduce_max3A_1991 = arith.constant dense<0xFF800000> : vector<256xf32>
    %reduce_max3A_1992 = vector.multi_reduction <maximumf>, %select_n3A_1964, %reduce_max3A_1991 [0] : vector<256x256xf32> to vector<256xf32>
    %broadcast_in_dim3A_1993 = vector.shape_cast %reduce_max3A_1992 : vector<256xf32> to vector<1x256xf32>
    %eq3A_1994 = vector.broadcast %broadcast_in_dim3A_1993 : vector<1x256xf32> to vector<256x256xf32>
    %eq3A_1995 = arith.cmpf oeq, %select_n3A_1964, %eq3A_1994 : vector<256x256xf32>
    %jit3A_1996 = arith.constant 1073741824 : i32
    %broadcast_in_dim3A_1997 = vector.broadcast %jit3A_1996 : i32 to vector<256x256xi32>
    %select_n3A_1998 = arith.select %eq3A_1995, %iota3A, %broadcast_in_dim3A_1997 : vector<256x256xi1>, vector<256x256xi32>
    %reduce_min3A_1999 = arith.constant dense<2147483647> : vector<256xi32>
    %reduce_min3A_2000 = vector.multi_reduction <minsi>, %select_n3A_1998, %reduce_min3A_1999 [0] : vector<256x256xi32> to vector<256xi32>
    %broadcast_in_dim3A_2001 = vector.shape_cast %reduce_min3A_2000 : vector<256xi32> to vector<1x256xi32>
    %eq3A_2002 = vector.broadcast %broadcast_in_dim3A_2001 : vector<1x256xi32> to vector<256x256xi32>
    %eq3A_2003 = arith.cmpi eq, %iota3A, %eq3A_2002 : vector<256x256xi32>
    %jit3A_2004 = arith.constant 0xFF800000 : f32
    %broadcast_in_dim3A_2005 = vector.broadcast %jit3A_2004 : f32 to vector<256x256xf32>
    %select_n3A_2006 = arith.select %eq3A_2003, %broadcast_in_dim3A_2005, %select_n3A_1964 : vector<256x256xi1>, vector<256x256xf32>
    %shift_right_arithmetic3A_2007 = arith.constant 4 : i32
    %shift_right_arithmetic3A_2008 = vector.broadcast %shift_right_arithmetic3A_2007 : i32 to vector<1x256xi32>
    %shift_right_arithmetic3A_2009 = arith.shrsi %broadcast_in_dim3A_2001, %shift_right_arithmetic3A_2008 : vector<1x256xi32>
    %and3A_2010 = arith.constant 15 : i32
    %and3A_2011 = vector.broadcast %and3A_2010 : i32 to vector<1x256xi32>
    %and3A_2012 = arith.andi %broadcast_in_dim3A_2001, %and3A_2011 : vector<1x256xi32>
    %eq3A_2013 = vector.broadcast %shift_right_arithmetic3A_2009 : vector<1x256xi32> to vector<16x256xi32>
    %eq3A_2014 = arith.cmpi eq, %iota3A_6, %eq3A_2013 : vector<16x256xi32>
    %jit3A_2015 = arith.constant 0.000000e+00 : f32
    %broadcast_in_dim3A_2016 = vector.broadcast %jit3A_2015 : f32 to vector<16x256xf32>
    %select_n3A_2017 = arith.select %eq3A_2014, %convert_element_type3A_1528, %broadcast_in_dim3A_2016 : vector<16x256xi1>, vector<16x256xf32>
    %reduce_sum3A_2018 = arith.constant dense<0.000000e+00> : vector<256xf32>
    %reduce_sum3A_2019 = vector.multi_reduction <add>, %select_n3A_2017, %reduce_sum3A_2018 [0] : vector<16x256xf32> to vector<256xf32>
    %broadcast_in_dim3A_2020 = vector.shape_cast %reduce_sum3A_2019 : vector<256xf32> to vector<1x256xf32>
    %eq3A_2021 = vector.broadcast %and3A_2012 : vector<1x256xi32> to vector<16x256xi32>
    %eq3A_2022 = arith.cmpi eq, %iota3A_6, %eq3A_2021 : vector<16x256xi32>
    %jit3A_2023 = arith.constant 0.000000e+00 : f32
    %broadcast_in_dim3A_2024 = vector.broadcast %jit3A_2023 : f32 to vector<16x256xf32>
    %select_n3A_2025 = arith.select %eq3A_2022, %convert_element_type3A_1811, %broadcast_in_dim3A_2024 : vector<16x256xi1>, vector<16x256xf32>
    %reduce_sum3A_2026 = arith.constant dense<0.000000e+00> : vector<256xf32>
    %reduce_sum3A_2027 = vector.multi_reduction <add>, %select_n3A_2025, %reduce_sum3A_2026 [0] : vector<16x256xf32> to vector<256xf32>
    %broadcast_in_dim3A_2028 = vector.shape_cast %reduce_sum3A_2027 : vector<256xf32> to vector<1x256xf32>
    %mul3A_2029 = arith.constant 2.560000e+02 : f32
    %mul3A_2030 = vector.broadcast %mul3A_2029 : f32 to vector<1x256xf32>
    %mul3A_2031 = arith.mulf %broadcast_in_dim3A_2020, %mul3A_2030 : vector<1x256xf32>
    %add3A_2032 = arith.addf %mul3A_2031, %broadcast_in_dim3A_2028 : vector<1x256xf32>
    %reduce_max3A_2033 = arith.constant dense<0xFF800000> : vector<256xf32>
    %reduce_max3A_2034 = vector.multi_reduction <maximumf>, %select_n3A_2006, %reduce_max3A_2033 [0] : vector<256x256xf32> to vector<256xf32>
    %broadcast_in_dim3A_2035 = vector.shape_cast %reduce_max3A_2034 : vector<256xf32> to vector<1x256xf32>
    %eq3A_2036 = vector.broadcast %broadcast_in_dim3A_2035 : vector<1x256xf32> to vector<256x256xf32>
    %eq3A_2037 = arith.cmpf oeq, %select_n3A_2006, %eq3A_2036 : vector<256x256xf32>
    %jit3A_2038 = arith.constant 1073741824 : i32
    %broadcast_in_dim3A_2039 = vector.broadcast %jit3A_2038 : i32 to vector<256x256xi32>
    %select_n3A_2040 = arith.select %eq3A_2037, %iota3A, %broadcast_in_dim3A_2039 : vector<256x256xi1>, vector<256x256xi32>
    %reduce_min3A_2041 = arith.constant dense<2147483647> : vector<256xi32>
    %reduce_min3A_2042 = vector.multi_reduction <minsi>, %select_n3A_2040, %reduce_min3A_2041 [0] : vector<256x256xi32> to vector<256xi32>
    %broadcast_in_dim3A_2043 = vector.shape_cast %reduce_min3A_2042 : vector<256xi32> to vector<1x256xi32>
    %eq3A_2044 = vector.broadcast %broadcast_in_dim3A_2043 : vector<1x256xi32> to vector<256x256xi32>
    %eq3A_2045 = arith.cmpi eq, %iota3A, %eq3A_2044 : vector<256x256xi32>
    %jit3A_2046 = arith.constant 0xFF800000 : f32
    %broadcast_in_dim3A_2047 = vector.broadcast %jit3A_2046 : f32 to vector<256x256xf32>
    %select_n3A_2048 = arith.select %eq3A_2045, %broadcast_in_dim3A_2047, %select_n3A_2006 : vector<256x256xi1>, vector<256x256xf32>
    %shift_right_arithmetic3A_2049 = arith.constant 4 : i32
    %shift_right_arithmetic3A_2050 = vector.broadcast %shift_right_arithmetic3A_2049 : i32 to vector<1x256xi32>
    %shift_right_arithmetic3A_2051 = arith.shrsi %broadcast_in_dim3A_2043, %shift_right_arithmetic3A_2050 : vector<1x256xi32>
    %and3A_2052 = arith.constant 15 : i32
    %and3A_2053 = vector.broadcast %and3A_2052 : i32 to vector<1x256xi32>
    %and3A_2054 = arith.andi %broadcast_in_dim3A_2043, %and3A_2053 : vector<1x256xi32>
    %eq3A_2055 = vector.broadcast %shift_right_arithmetic3A_2051 : vector<1x256xi32> to vector<16x256xi32>
    %eq3A_2056 = arith.cmpi eq, %iota3A_6, %eq3A_2055 : vector<16x256xi32>
    %jit3A_2057 = arith.constant 0.000000e+00 : f32
    %broadcast_in_dim3A_2058 = vector.broadcast %jit3A_2057 : f32 to vector<16x256xf32>
    %select_n3A_2059 = arith.select %eq3A_2056, %convert_element_type3A_1528, %broadcast_in_dim3A_2058 : vector<16x256xi1>, vector<16x256xf32>
    %reduce_sum3A_2060 = arith.constant dense<0.000000e+00> : vector<256xf32>
    %reduce_sum3A_2061 = vector.multi_reduction <add>, %select_n3A_2059, %reduce_sum3A_2060 [0] : vector<16x256xf32> to vector<256xf32>
    %broadcast_in_dim3A_2062 = vector.shape_cast %reduce_sum3A_2061 : vector<256xf32> to vector<1x256xf32>
    %eq3A_2063 = vector.broadcast %and3A_2054 : vector<1x256xi32> to vector<16x256xi32>
    %eq3A_2064 = arith.cmpi eq, %iota3A_6, %eq3A_2063 : vector<16x256xi32>
    %jit3A_2065 = arith.constant 0.000000e+00 : f32
    %broadcast_in_dim3A_2066 = vector.broadcast %jit3A_2065 : f32 to vector<16x256xf32>
    %select_n3A_2067 = arith.select %eq3A_2064, %convert_element_type3A_1811, %broadcast_in_dim3A_2066 : vector<16x256xi1>, vector<16x256xf32>
    %reduce_sum3A_2068 = arith.constant dense<0.000000e+00> : vector<256xf32>
    %reduce_sum3A_2069 = vector.multi_reduction <add>, %select_n3A_2067, %reduce_sum3A_2068 [0] : vector<16x256xf32> to vector<256xf32>
    %broadcast_in_dim3A_2070 = vector.shape_cast %reduce_sum3A_2069 : vector<256xf32> to vector<1x256xf32>
    %mul3A_2071 = arith.constant 2.560000e+02 : f32
    %mul3A_2072 = vector.broadcast %mul3A_2071 : f32 to vector<1x256xf32>
    %mul3A_2073 = arith.mulf %broadcast_in_dim3A_2062, %mul3A_2072 : vector<1x256xf32>
    %add3A_2074 = arith.addf %mul3A_2073, %broadcast_in_dim3A_2070 : vector<1x256xf32>
    %reduce_max3A_2075 = arith.constant dense<0xFF800000> : vector<256xf32>
    %reduce_max3A_2076 = vector.multi_reduction <maximumf>, %select_n3A_2048, %reduce_max3A_2075 [0] : vector<256x256xf32> to vector<256xf32>
    %broadcast_in_dim3A_2077 = vector.shape_cast %reduce_max3A_2076 : vector<256xf32> to vector<1x256xf32>
    %eq3A_2078 = vector.broadcast %broadcast_in_dim3A_2077 : vector<1x256xf32> to vector<256x256xf32>
    %eq3A_2079 = arith.cmpf oeq, %select_n3A_2048, %eq3A_2078 : vector<256x256xf32>
    %jit3A_2080 = arith.constant 1073741824 : i32
    %broadcast_in_dim3A_2081 = vector.broadcast %jit3A_2080 : i32 to vector<256x256xi32>
    %select_n3A_2082 = arith.select %eq3A_2079, %iota3A, %broadcast_in_dim3A_2081 : vector<256x256xi1>, vector<256x256xi32>
    %reduce_min3A_2083 = arith.constant dense<2147483647> : vector<256xi32>
    %reduce_min3A_2084 = vector.multi_reduction <minsi>, %select_n3A_2082, %reduce_min3A_2083 [0] : vector<256x256xi32> to vector<256xi32>
    %broadcast_in_dim3A_2085 = vector.shape_cast %reduce_min3A_2084 : vector<256xi32> to vector<1x256xi32>
    %eq3A_2086 = vector.broadcast %broadcast_in_dim3A_2085 : vector<1x256xi32> to vector<256x256xi32>
    %eq3A_2087 = arith.cmpi eq, %iota3A, %eq3A_2086 : vector<256x256xi32>
    %jit3A_2088 = arith.constant 0xFF800000 : f32
    %broadcast_in_dim3A_2089 = vector.broadcast %jit3A_2088 : f32 to vector<256x256xf32>
    %select_n3A_2090 = arith.select %eq3A_2087, %broadcast_in_dim3A_2089, %select_n3A_2048 : vector<256x256xi1>, vector<256x256xf32>
    %shift_right_arithmetic3A_2091 = arith.constant 4 : i32
    %shift_right_arithmetic3A_2092 = vector.broadcast %shift_right_arithmetic3A_2091 : i32 to vector<1x256xi32>
    %shift_right_arithmetic3A_2093 = arith.shrsi %broadcast_in_dim3A_2085, %shift_right_arithmetic3A_2092 : vector<1x256xi32>
    %and3A_2094 = arith.constant 15 : i32
    %and3A_2095 = vector.broadcast %and3A_2094 : i32 to vector<1x256xi32>
    %and3A_2096 = arith.andi %broadcast_in_dim3A_2085, %and3A_2095 : vector<1x256xi32>
    %eq3A_2097 = vector.broadcast %shift_right_arithmetic3A_2093 : vector<1x256xi32> to vector<16x256xi32>
    %eq3A_2098 = arith.cmpi eq, %iota3A_6, %eq3A_2097 : vector<16x256xi32>
    %jit3A_2099 = arith.constant 0.000000e+00 : f32
    %broadcast_in_dim3A_2100 = vector.broadcast %jit3A_2099 : f32 to vector<16x256xf32>
    %select_n3A_2101 = arith.select %eq3A_2098, %convert_element_type3A_1528, %broadcast_in_dim3A_2100 : vector<16x256xi1>, vector<16x256xf32>
    %reduce_sum3A_2102 = arith.constant dense<0.000000e+00> : vector<256xf32>
    %reduce_sum3A_2103 = vector.multi_reduction <add>, %select_n3A_2101, %reduce_sum3A_2102 [0] : vector<16x256xf32> to vector<256xf32>
    %broadcast_in_dim3A_2104 = vector.shape_cast %reduce_sum3A_2103 : vector<256xf32> to vector<1x256xf32>
    %eq3A_2105 = vector.broadcast %and3A_2096 : vector<1x256xi32> to vector<16x256xi32>
    %eq3A_2106 = arith.cmpi eq, %iota3A_6, %eq3A_2105 : vector<16x256xi32>
    %jit3A_2107 = arith.constant 0.000000e+00 : f32
    %broadcast_in_dim3A_2108 = vector.broadcast %jit3A_2107 : f32 to vector<16x256xf32>
    %select_n3A_2109 = arith.select %eq3A_2106, %convert_element_type3A_1811, %broadcast_in_dim3A_2108 : vector<16x256xi1>, vector<16x256xf32>
    %reduce_sum3A_2110 = arith.constant dense<0.000000e+00> : vector<256xf32>
    %reduce_sum3A_2111 = vector.multi_reduction <add>, %select_n3A_2109, %reduce_sum3A_2110 [0] : vector<16x256xf32> to vector<256xf32>
    %broadcast_in_dim3A_2112 = vector.shape_cast %reduce_sum3A_2111 : vector<256xf32> to vector<1x256xf32>
    %mul3A_2113 = arith.constant 2.560000e+02 : f32
    %mul3A_2114 = vector.broadcast %mul3A_2113 : f32 to vector<1x256xf32>
    %mul3A_2115 = arith.mulf %broadcast_in_dim3A_2104, %mul3A_2114 : vector<1x256xf32>
    %add3A_2116 = arith.addf %mul3A_2115, %broadcast_in_dim3A_2112 : vector<1x256xf32>
    %reduce_max3A_2117 = arith.constant dense<0xFF800000> : vector<256xf32>
    %reduce_max3A_2118 = vector.multi_reduction <maximumf>, %select_n3A_2090, %reduce_max3A_2117 [0] : vector<256x256xf32> to vector<256xf32>
    %broadcast_in_dim3A_2119 = vector.shape_cast %reduce_max3A_2118 : vector<256xf32> to vector<1x256xf32>
    %eq3A_2120 = vector.broadcast %broadcast_in_dim3A_2119 : vector<1x256xf32> to vector<256x256xf32>
    %eq3A_2121 = arith.cmpf oeq, %select_n3A_2090, %eq3A_2120 : vector<256x256xf32>
    %jit3A_2122 = arith.constant 1073741824 : i32
    %broadcast_in_dim3A_2123 = vector.broadcast %jit3A_2122 : i32 to vector<256x256xi32>
    %select_n3A_2124 = arith.select %eq3A_2121, %iota3A, %broadcast_in_dim3A_2123 : vector<256x256xi1>, vector<256x256xi32>
    %reduce_min3A_2125 = arith.constant dense<2147483647> : vector<256xi32>
    %reduce_min3A_2126 = vector.multi_reduction <minsi>, %select_n3A_2124, %reduce_min3A_2125 [0] : vector<256x256xi32> to vector<256xi32>
    %broadcast_in_dim3A_2127 = vector.shape_cast %reduce_min3A_2126 : vector<256xi32> to vector<1x256xi32>
    %eq3A_2128 = vector.broadcast %broadcast_in_dim3A_2127 : vector<1x256xi32> to vector<256x256xi32>
    %eq3A_2129 = arith.cmpi eq, %iota3A, %eq3A_2128 : vector<256x256xi32>
    %jit3A_2130 = arith.constant 0xFF800000 : f32
    %broadcast_in_dim3A_2131 = vector.broadcast %jit3A_2130 : f32 to vector<256x256xf32>
    %select_n3A_2132 = arith.select %eq3A_2129, %broadcast_in_dim3A_2131, %select_n3A_2090 : vector<256x256xi1>, vector<256x256xf32>
    %shift_right_arithmetic3A_2133 = arith.constant 4 : i32
    %shift_right_arithmetic3A_2134 = vector.broadcast %shift_right_arithmetic3A_2133 : i32 to vector<1x256xi32>
    %shift_right_arithmetic3A_2135 = arith.shrsi %broadcast_in_dim3A_2127, %shift_right_arithmetic3A_2134 : vector<1x256xi32>
    %and3A_2136 = arith.constant 15 : i32
    %and3A_2137 = vector.broadcast %and3A_2136 : i32 to vector<1x256xi32>
    %and3A_2138 = arith.andi %broadcast_in_dim3A_2127, %and3A_2137 : vector<1x256xi32>
    %eq3A_2139 = vector.broadcast %shift_right_arithmetic3A_2135 : vector<1x256xi32> to vector<16x256xi32>
    %eq3A_2140 = arith.cmpi eq, %iota3A_6, %eq3A_2139 : vector<16x256xi32>
    %jit3A_2141 = arith.constant 0.000000e+00 : f32
    %broadcast_in_dim3A_2142 = vector.broadcast %jit3A_2141 : f32 to vector<16x256xf32>
    %select_n3A_2143 = arith.select %eq3A_2140, %convert_element_type3A_1528, %broadcast_in_dim3A_2142 : vector<16x256xi1>, vector<16x256xf32>
    %reduce_sum3A_2144 = arith.constant dense<0.000000e+00> : vector<256xf32>
    %reduce_sum3A_2145 = vector.multi_reduction <add>, %select_n3A_2143, %reduce_sum3A_2144 [0] : vector<16x256xf32> to vector<256xf32>
    %broadcast_in_dim3A_2146 = vector.shape_cast %reduce_sum3A_2145 : vector<256xf32> to vector<1x256xf32>
    %eq3A_2147 = vector.broadcast %and3A_2138 : vector<1x256xi32> to vector<16x256xi32>
    %eq3A_2148 = arith.cmpi eq, %iota3A_6, %eq3A_2147 : vector<16x256xi32>
    %jit3A_2149 = arith.constant 0.000000e+00 : f32
    %broadcast_in_dim3A_2150 = vector.broadcast %jit3A_2149 : f32 to vector<16x256xf32>
    %select_n3A_2151 = arith.select %eq3A_2148, %convert_element_type3A_1811, %broadcast_in_dim3A_2150 : vector<16x256xi1>, vector<16x256xf32>
    %reduce_sum3A_2152 = arith.constant dense<0.000000e+00> : vector<256xf32>
    %reduce_sum3A_2153 = vector.multi_reduction <add>, %select_n3A_2151, %reduce_sum3A_2152 [0] : vector<16x256xf32> to vector<256xf32>
    %broadcast_in_dim3A_2154 = vector.shape_cast %reduce_sum3A_2153 : vector<256xf32> to vector<1x256xf32>
    %mul3A_2155 = arith.constant 2.560000e+02 : f32
    %mul3A_2156 = vector.broadcast %mul3A_2155 : f32 to vector<1x256xf32>
    %mul3A_2157 = arith.mulf %broadcast_in_dim3A_2146, %mul3A_2156 : vector<1x256xf32>
    %add3A_2158 = arith.addf %mul3A_2157, %broadcast_in_dim3A_2154 : vector<1x256xf32>
    %reduce_max3A_2159 = arith.constant dense<0xFF800000> : vector<256xf32>
    %reduce_max3A_2160 = vector.multi_reduction <maximumf>, %select_n3A_2132, %reduce_max3A_2159 [0] : vector<256x256xf32> to vector<256xf32>
    %broadcast_in_dim3A_2161 = vector.shape_cast %reduce_max3A_2160 : vector<256xf32> to vector<1x256xf32>
    %eq3A_2162 = vector.broadcast %broadcast_in_dim3A_2161 : vector<1x256xf32> to vector<256x256xf32>
    %eq3A_2163 = arith.cmpf oeq, %select_n3A_2132, %eq3A_2162 : vector<256x256xf32>
    %jit3A_2164 = arith.constant 1073741824 : i32
    %broadcast_in_dim3A_2165 = vector.broadcast %jit3A_2164 : i32 to vector<256x256xi32>
    %select_n3A_2166 = arith.select %eq3A_2163, %iota3A, %broadcast_in_dim3A_2165 : vector<256x256xi1>, vector<256x256xi32>
    %reduce_min3A_2167 = arith.constant dense<2147483647> : vector<256xi32>
    %reduce_min3A_2168 = vector.multi_reduction <minsi>, %select_n3A_2166, %reduce_min3A_2167 [0] : vector<256x256xi32> to vector<256xi32>
    %broadcast_in_dim3A_2169 = vector.shape_cast %reduce_min3A_2168 : vector<256xi32> to vector<1x256xi32>
    %eq3A_2170 = vector.broadcast %broadcast_in_dim3A_2169 : vector<1x256xi32> to vector<256x256xi32>
    %eq3A_2171 = arith.cmpi eq, %iota3A, %eq3A_2170 : vector<256x256xi32>
    %jit3A_2172 = arith.constant 0xFF800000 : f32
    %broadcast_in_dim3A_2173 = vector.broadcast %jit3A_2172 : f32 to vector<256x256xf32>
    %select_n3A_2174 = arith.select %eq3A_2171, %broadcast_in_dim3A_2173, %select_n3A_2132 : vector<256x256xi1>, vector<256x256xf32>
    %shift_right_arithmetic3A_2175 = arith.constant 4 : i32
    %shift_right_arithmetic3A_2176 = vector.broadcast %shift_right_arithmetic3A_2175 : i32 to vector<1x256xi32>
    %shift_right_arithmetic3A_2177 = arith.shrsi %broadcast_in_dim3A_2169, %shift_right_arithmetic3A_2176 : vector<1x256xi32>
    %and3A_2178 = arith.constant 15 : i32
    %and3A_2179 = vector.broadcast %and3A_2178 : i32 to vector<1x256xi32>
    %and3A_2180 = arith.andi %broadcast_in_dim3A_2169, %and3A_2179 : vector<1x256xi32>
    %eq3A_2181 = vector.broadcast %shift_right_arithmetic3A_2177 : vector<1x256xi32> to vector<16x256xi32>
    %eq3A_2182 = arith.cmpi eq, %iota3A_6, %eq3A_2181 : vector<16x256xi32>
    %jit3A_2183 = arith.constant 0.000000e+00 : f32
    %broadcast_in_dim3A_2184 = vector.broadcast %jit3A_2183 : f32 to vector<16x256xf32>
    %select_n3A_2185 = arith.select %eq3A_2182, %convert_element_type3A_1528, %broadcast_in_dim3A_2184 : vector<16x256xi1>, vector<16x256xf32>
    %reduce_sum3A_2186 = arith.constant dense<0.000000e+00> : vector<256xf32>
    %reduce_sum3A_2187 = vector.multi_reduction <add>, %select_n3A_2185, %reduce_sum3A_2186 [0] : vector<16x256xf32> to vector<256xf32>
    %broadcast_in_dim3A_2188 = vector.shape_cast %reduce_sum3A_2187 : vector<256xf32> to vector<1x256xf32>
    %eq3A_2189 = vector.broadcast %and3A_2180 : vector<1x256xi32> to vector<16x256xi32>
    %eq3A_2190 = arith.cmpi eq, %iota3A_6, %eq3A_2189 : vector<16x256xi32>
    %jit3A_2191 = arith.constant 0.000000e+00 : f32
    %broadcast_in_dim3A_2192 = vector.broadcast %jit3A_2191 : f32 to vector<16x256xf32>
    %select_n3A_2193 = arith.select %eq3A_2190, %convert_element_type3A_1811, %broadcast_in_dim3A_2192 : vector<16x256xi1>, vector<16x256xf32>
    %reduce_sum3A_2194 = arith.constant dense<0.000000e+00> : vector<256xf32>
    %reduce_sum3A_2195 = vector.multi_reduction <add>, %select_n3A_2193, %reduce_sum3A_2194 [0] : vector<16x256xf32> to vector<256xf32>
    %broadcast_in_dim3A_2196 = vector.shape_cast %reduce_sum3A_2195 : vector<256xf32> to vector<1x256xf32>
    %mul3A_2197 = arith.constant 2.560000e+02 : f32
    %mul3A_2198 = vector.broadcast %mul3A_2197 : f32 to vector<1x256xf32>
    %mul3A_2199 = arith.mulf %broadcast_in_dim3A_2188, %mul3A_2198 : vector<1x256xf32>
    %add3A_2200 = arith.addf %mul3A_2199, %broadcast_in_dim3A_2196 : vector<1x256xf32>
    %reduce_max3A_2201 = arith.constant dense<0xFF800000> : vector<256xf32>
    %reduce_max3A_2202 = vector.multi_reduction <maximumf>, %select_n3A_2174, %reduce_max3A_2201 [0] : vector<256x256xf32> to vector<256xf32>
    %broadcast_in_dim3A_2203 = vector.shape_cast %reduce_max3A_2202 : vector<256xf32> to vector<1x256xf32>
    %eq3A_2204 = vector.broadcast %broadcast_in_dim3A_2203 : vector<1x256xf32> to vector<256x256xf32>
    %eq3A_2205 = arith.cmpf oeq, %select_n3A_2174, %eq3A_2204 : vector<256x256xf32>
    %jit3A_2206 = arith.constant 1073741824 : i32
    %broadcast_in_dim3A_2207 = vector.broadcast %jit3A_2206 : i32 to vector<256x256xi32>
    %select_n3A_2208 = arith.select %eq3A_2205, %iota3A, %broadcast_in_dim3A_2207 : vector<256x256xi1>, vector<256x256xi32>
    %reduce_min3A_2209 = arith.constant dense<2147483647> : vector<256xi32>
    %reduce_min3A_2210 = vector.multi_reduction <minsi>, %select_n3A_2208, %reduce_min3A_2209 [0] : vector<256x256xi32> to vector<256xi32>
    %broadcast_in_dim3A_2211 = vector.shape_cast %reduce_min3A_2210 : vector<256xi32> to vector<1x256xi32>
    %eq3A_2212 = vector.broadcast %broadcast_in_dim3A_2211 : vector<1x256xi32> to vector<256x256xi32>
    %eq3A_2213 = arith.cmpi eq, %iota3A, %eq3A_2212 : vector<256x256xi32>
    %jit3A_2214 = arith.constant 0xFF800000 : f32
    %broadcast_in_dim3A_2215 = vector.broadcast %jit3A_2214 : f32 to vector<256x256xf32>
    %select_n3A_2216 = arith.select %eq3A_2213, %broadcast_in_dim3A_2215, %select_n3A_2174 : vector<256x256xi1>, vector<256x256xf32>
    %shift_right_arithmetic3A_2217 = arith.constant 4 : i32
    %shift_right_arithmetic3A_2218 = vector.broadcast %shift_right_arithmetic3A_2217 : i32 to vector<1x256xi32>
    %shift_right_arithmetic3A_2219 = arith.shrsi %broadcast_in_dim3A_2211, %shift_right_arithmetic3A_2218 : vector<1x256xi32>
    %and3A_2220 = arith.constant 15 : i32
    %and3A_2221 = vector.broadcast %and3A_2220 : i32 to vector<1x256xi32>
    %and3A_2222 = arith.andi %broadcast_in_dim3A_2211, %and3A_2221 : vector<1x256xi32>
    %eq3A_2223 = vector.broadcast %shift_right_arithmetic3A_2219 : vector<1x256xi32> to vector<16x256xi32>
    %eq3A_2224 = arith.cmpi eq, %iota3A_6, %eq3A_2223 : vector<16x256xi32>
    %jit3A_2225 = arith.constant 0.000000e+00 : f32
    %broadcast_in_dim3A_2226 = vector.broadcast %jit3A_2225 : f32 to vector<16x256xf32>
    %select_n3A_2227 = arith.select %eq3A_2224, %convert_element_type3A_1528, %broadcast_in_dim3A_2226 : vector<16x256xi1>, vector<16x256xf32>
    %reduce_sum3A_2228 = arith.constant dense<0.000000e+00> : vector<256xf32>
    %reduce_sum3A_2229 = vector.multi_reduction <add>, %select_n3A_2227, %reduce_sum3A_2228 [0] : vector<16x256xf32> to vector<256xf32>
    %broadcast_in_dim3A_2230 = vector.shape_cast %reduce_sum3A_2229 : vector<256xf32> to vector<1x256xf32>
    %eq3A_2231 = vector.broadcast %and3A_2222 : vector<1x256xi32> to vector<16x256xi32>
    %eq3A_2232 = arith.cmpi eq, %iota3A_6, %eq3A_2231 : vector<16x256xi32>
    %jit3A_2233 = arith.constant 0.000000e+00 : f32
    %broadcast_in_dim3A_2234 = vector.broadcast %jit3A_2233 : f32 to vector<16x256xf32>
    %select_n3A_2235 = arith.select %eq3A_2232, %convert_element_type3A_1811, %broadcast_in_dim3A_2234 : vector<16x256xi1>, vector<16x256xf32>
    %reduce_sum3A_2236 = arith.constant dense<0.000000e+00> : vector<256xf32>
    %reduce_sum3A_2237 = vector.multi_reduction <add>, %select_n3A_2235, %reduce_sum3A_2236 [0] : vector<16x256xf32> to vector<256xf32>
    %broadcast_in_dim3A_2238 = vector.shape_cast %reduce_sum3A_2237 : vector<256xf32> to vector<1x256xf32>
    %mul3A_2239 = arith.constant 2.560000e+02 : f32
    %mul3A_2240 = vector.broadcast %mul3A_2239 : f32 to vector<1x256xf32>
    %mul3A_2241 = arith.mulf %broadcast_in_dim3A_2230, %mul3A_2240 : vector<1x256xf32>
    %add3A_2242 = arith.addf %mul3A_2241, %broadcast_in_dim3A_2238 : vector<1x256xf32>
    %reduce_max3A_2243 = arith.constant dense<0xFF800000> : vector<256xf32>
    %reduce_max3A_2244 = vector.multi_reduction <maximumf>, %select_n3A_2216, %reduce_max3A_2243 [0] : vector<256x256xf32> to vector<256xf32>
    %broadcast_in_dim3A_2245 = vector.shape_cast %reduce_max3A_2244 : vector<256xf32> to vector<1x256xf32>
    %eq3A_2246 = vector.broadcast %broadcast_in_dim3A_2245 : vector<1x256xf32> to vector<256x256xf32>
    %eq3A_2247 = arith.cmpf oeq, %select_n3A_2216, %eq3A_2246 : vector<256x256xf32>
    %jit3A_2248 = arith.constant 1073741824 : i32
    %broadcast_in_dim3A_2249 = vector.broadcast %jit3A_2248 : i32 to vector<256x256xi32>
    %select_n3A_2250 = arith.select %eq3A_2247, %iota3A, %broadcast_in_dim3A_2249 : vector<256x256xi1>, vector<256x256xi32>
    %reduce_min3A_2251 = arith.constant dense<2147483647> : vector<256xi32>
    %reduce_min3A_2252 = vector.multi_reduction <minsi>, %select_n3A_2250, %reduce_min3A_2251 [0] : vector<256x256xi32> to vector<256xi32>
    %broadcast_in_dim3A_2253 = vector.shape_cast %reduce_min3A_2252 : vector<256xi32> to vector<1x256xi32>
    %eq3A_2254 = vector.broadcast %broadcast_in_dim3A_2253 : vector<1x256xi32> to vector<256x256xi32>
    %eq3A_2255 = arith.cmpi eq, %iota3A, %eq3A_2254 : vector<256x256xi32>
    %jit3A_2256 = arith.constant 0xFF800000 : f32
    %broadcast_in_dim3A_2257 = vector.broadcast %jit3A_2256 : f32 to vector<256x256xf32>
    %select_n3A_2258 = arith.select %eq3A_2255, %broadcast_in_dim3A_2257, %select_n3A_2216 : vector<256x256xi1>, vector<256x256xf32>
    %shift_right_arithmetic3A_2259 = arith.constant 4 : i32
    %shift_right_arithmetic3A_2260 = vector.broadcast %shift_right_arithmetic3A_2259 : i32 to vector<1x256xi32>
    %shift_right_arithmetic3A_2261 = arith.shrsi %broadcast_in_dim3A_2253, %shift_right_arithmetic3A_2260 : vector<1x256xi32>
    %and3A_2262 = arith.constant 15 : i32
    %and3A_2263 = vector.broadcast %and3A_2262 : i32 to vector<1x256xi32>
    %and3A_2264 = arith.andi %broadcast_in_dim3A_2253, %and3A_2263 : vector<1x256xi32>
    %eq3A_2265 = vector.broadcast %shift_right_arithmetic3A_2261 : vector<1x256xi32> to vector<16x256xi32>
    %eq3A_2266 = arith.cmpi eq, %iota3A_6, %eq3A_2265 : vector<16x256xi32>
    %jit3A_2267 = arith.constant 0.000000e+00 : f32
    %broadcast_in_dim3A_2268 = vector.broadcast %jit3A_2267 : f32 to vector<16x256xf32>
    %select_n3A_2269 = arith.select %eq3A_2266, %convert_element_type3A_1528, %broadcast_in_dim3A_2268 : vector<16x256xi1>, vector<16x256xf32>
    %reduce_sum3A_2270 = arith.constant dense<0.000000e+00> : vector<256xf32>
    %reduce_sum3A_2271 = vector.multi_reduction <add>, %select_n3A_2269, %reduce_sum3A_2270 [0] : vector<16x256xf32> to vector<256xf32>
    %broadcast_in_dim3A_2272 = vector.shape_cast %reduce_sum3A_2271 : vector<256xf32> to vector<1x256xf32>
    %eq3A_2273 = vector.broadcast %and3A_2264 : vector<1x256xi32> to vector<16x256xi32>
    %eq3A_2274 = arith.cmpi eq, %iota3A_6, %eq3A_2273 : vector<16x256xi32>
    %jit3A_2275 = arith.constant 0.000000e+00 : f32
    %broadcast_in_dim3A_2276 = vector.broadcast %jit3A_2275 : f32 to vector<16x256xf32>
    %select_n3A_2277 = arith.select %eq3A_2274, %convert_element_type3A_1811, %broadcast_in_dim3A_2276 : vector<16x256xi1>, vector<16x256xf32>
    %reduce_sum3A_2278 = arith.constant dense<0.000000e+00> : vector<256xf32>
    %reduce_sum3A_2279 = vector.multi_reduction <add>, %select_n3A_2277, %reduce_sum3A_2278 [0] : vector<16x256xf32> to vector<256xf32>
    %broadcast_in_dim3A_2280 = vector.shape_cast %reduce_sum3A_2279 : vector<256xf32> to vector<1x256xf32>
    %mul3A_2281 = arith.constant 2.560000e+02 : f32
    %mul3A_2282 = vector.broadcast %mul3A_2281 : f32 to vector<1x256xf32>
    %mul3A_2283 = arith.mulf %broadcast_in_dim3A_2272, %mul3A_2282 : vector<1x256xf32>
    %add3A_2284 = arith.addf %mul3A_2283, %broadcast_in_dim3A_2280 : vector<1x256xf32>
    %reduce_max3A_2285 = arith.constant dense<0xFF800000> : vector<256xf32>
    %reduce_max3A_2286 = vector.multi_reduction <maximumf>, %select_n3A_2258, %reduce_max3A_2285 [0] : vector<256x256xf32> to vector<256xf32>
    %broadcast_in_dim3A_2287 = vector.shape_cast %reduce_max3A_2286 : vector<256xf32> to vector<1x256xf32>
    %eq3A_2288 = vector.broadcast %broadcast_in_dim3A_2287 : vector<1x256xf32> to vector<256x256xf32>
    %eq3A_2289 = arith.cmpf oeq, %select_n3A_2258, %eq3A_2288 : vector<256x256xf32>
    %jit3A_2290 = arith.constant 1073741824 : i32
    %broadcast_in_dim3A_2291 = vector.broadcast %jit3A_2290 : i32 to vector<256x256xi32>
    %select_n3A_2292 = arith.select %eq3A_2289, %iota3A, %broadcast_in_dim3A_2291 : vector<256x256xi1>, vector<256x256xi32>
    %reduce_min3A_2293 = arith.constant dense<2147483647> : vector<256xi32>
    %reduce_min3A_2294 = vector.multi_reduction <minsi>, %select_n3A_2292, %reduce_min3A_2293 [0] : vector<256x256xi32> to vector<256xi32>
    %broadcast_in_dim3A_2295 = vector.shape_cast %reduce_min3A_2294 : vector<256xi32> to vector<1x256xi32>
    %eq3A_2296 = vector.broadcast %broadcast_in_dim3A_2295 : vector<1x256xi32> to vector<256x256xi32>
    %eq3A_2297 = arith.cmpi eq, %iota3A, %eq3A_2296 : vector<256x256xi32>
    %jit3A_2298 = arith.constant 0xFF800000 : f32
    %broadcast_in_dim3A_2299 = vector.broadcast %jit3A_2298 : f32 to vector<256x256xf32>
    %select_n3A_2300 = arith.select %eq3A_2297, %broadcast_in_dim3A_2299, %select_n3A_2258 : vector<256x256xi1>, vector<256x256xf32>
    %shift_right_arithmetic3A_2301 = arith.constant 4 : i32
    %shift_right_arithmetic3A_2302 = vector.broadcast %shift_right_arithmetic3A_2301 : i32 to vector<1x256xi32>
    %shift_right_arithmetic3A_2303 = arith.shrsi %broadcast_in_dim3A_2295, %shift_right_arithmetic3A_2302 : vector<1x256xi32>
    %and3A_2304 = arith.constant 15 : i32
    %and3A_2305 = vector.broadcast %and3A_2304 : i32 to vector<1x256xi32>
    %and3A_2306 = arith.andi %broadcast_in_dim3A_2295, %and3A_2305 : vector<1x256xi32>
    %eq3A_2307 = vector.broadcast %shift_right_arithmetic3A_2303 : vector<1x256xi32> to vector<16x256xi32>
    %eq3A_2308 = arith.cmpi eq, %iota3A_6, %eq3A_2307 : vector<16x256xi32>
    %jit3A_2309 = arith.constant 0.000000e+00 : f32
    %broadcast_in_dim3A_2310 = vector.broadcast %jit3A_2309 : f32 to vector<16x256xf32>
    %select_n3A_2311 = arith.select %eq3A_2308, %convert_element_type3A_1528, %broadcast_in_dim3A_2310 : vector<16x256xi1>, vector<16x256xf32>
    %reduce_sum3A_2312 = arith.constant dense<0.000000e+00> : vector<256xf32>
    %reduce_sum3A_2313 = vector.multi_reduction <add>, %select_n3A_2311, %reduce_sum3A_2312 [0] : vector<16x256xf32> to vector<256xf32>
    %broadcast_in_dim3A_2314 = vector.shape_cast %reduce_sum3A_2313 : vector<256xf32> to vector<1x256xf32>
    %eq3A_2315 = vector.broadcast %and3A_2306 : vector<1x256xi32> to vector<16x256xi32>
    %eq3A_2316 = arith.cmpi eq, %iota3A_6, %eq3A_2315 : vector<16x256xi32>
    %jit3A_2317 = arith.constant 0.000000e+00 : f32
    %broadcast_in_dim3A_2318 = vector.broadcast %jit3A_2317 : f32 to vector<16x256xf32>
    %select_n3A_2319 = arith.select %eq3A_2316, %convert_element_type3A_1811, %broadcast_in_dim3A_2318 : vector<16x256xi1>, vector<16x256xf32>
    %reduce_sum3A_2320 = arith.constant dense<0.000000e+00> : vector<256xf32>
    %reduce_sum3A_2321 = vector.multi_reduction <add>, %select_n3A_2319, %reduce_sum3A_2320 [0] : vector<16x256xf32> to vector<256xf32>
    %broadcast_in_dim3A_2322 = vector.shape_cast %reduce_sum3A_2321 : vector<256xf32> to vector<1x256xf32>
    %mul3A_2323 = arith.constant 2.560000e+02 : f32
    %mul3A_2324 = vector.broadcast %mul3A_2323 : f32 to vector<1x256xf32>
    %mul3A_2325 = arith.mulf %broadcast_in_dim3A_2314, %mul3A_2324 : vector<1x256xf32>
    %add3A_2326 = arith.addf %mul3A_2325, %broadcast_in_dim3A_2322 : vector<1x256xf32>
    %reduce_max3A_2327 = arith.constant dense<0xFF800000> : vector<256xf32>
    %reduce_max3A_2328 = vector.multi_reduction <maximumf>, %select_n3A_2300, %reduce_max3A_2327 [0] : vector<256x256xf32> to vector<256xf32>
    %broadcast_in_dim3A_2329 = vector.shape_cast %reduce_max3A_2328 : vector<256xf32> to vector<1x256xf32>
    %eq3A_2330 = vector.broadcast %broadcast_in_dim3A_2329 : vector<1x256xf32> to vector<256x256xf32>
    %eq3A_2331 = arith.cmpf oeq, %select_n3A_2300, %eq3A_2330 : vector<256x256xf32>
    %jit3A_2332 = arith.constant 1073741824 : i32
    %broadcast_in_dim3A_2333 = vector.broadcast %jit3A_2332 : i32 to vector<256x256xi32>
    %select_n3A_2334 = arith.select %eq3A_2331, %iota3A, %broadcast_in_dim3A_2333 : vector<256x256xi1>, vector<256x256xi32>
    %reduce_min3A_2335 = arith.constant dense<2147483647> : vector<256xi32>
    %reduce_min3A_2336 = vector.multi_reduction <minsi>, %select_n3A_2334, %reduce_min3A_2335 [0] : vector<256x256xi32> to vector<256xi32>
    %broadcast_in_dim3A_2337 = vector.shape_cast %reduce_min3A_2336 : vector<256xi32> to vector<1x256xi32>
    %eq3A_2338 = vector.broadcast %broadcast_in_dim3A_2337 : vector<1x256xi32> to vector<256x256xi32>
    %eq3A_2339 = arith.cmpi eq, %iota3A, %eq3A_2338 : vector<256x256xi32>
    %jit3A_2340 = arith.constant 0xFF800000 : f32
    %broadcast_in_dim3A_2341 = vector.broadcast %jit3A_2340 : f32 to vector<256x256xf32>
    %select_n3A_2342 = arith.select %eq3A_2339, %broadcast_in_dim3A_2341, %select_n3A_2300 : vector<256x256xi1>, vector<256x256xf32>
    %shift_right_arithmetic3A_2343 = arith.constant 4 : i32
    %shift_right_arithmetic3A_2344 = vector.broadcast %shift_right_arithmetic3A_2343 : i32 to vector<1x256xi32>
    %shift_right_arithmetic3A_2345 = arith.shrsi %broadcast_in_dim3A_2337, %shift_right_arithmetic3A_2344 : vector<1x256xi32>
    %and3A_2346 = arith.constant 15 : i32
    %and3A_2347 = vector.broadcast %and3A_2346 : i32 to vector<1x256xi32>
    %and3A_2348 = arith.andi %broadcast_in_dim3A_2337, %and3A_2347 : vector<1x256xi32>
    %eq3A_2349 = vector.broadcast %shift_right_arithmetic3A_2345 : vector<1x256xi32> to vector<16x256xi32>
    %eq3A_2350 = arith.cmpi eq, %iota3A_6, %eq3A_2349 : vector<16x256xi32>
    %jit3A_2351 = arith.constant 0.000000e+00 : f32
    %broadcast_in_dim3A_2352 = vector.broadcast %jit3A_2351 : f32 to vector<16x256xf32>
    %select_n3A_2353 = arith.select %eq3A_2350, %convert_element_type3A_1528, %broadcast_in_dim3A_2352 : vector<16x256xi1>, vector<16x256xf32>
    %reduce_sum3A_2354 = arith.constant dense<0.000000e+00> : vector<256xf32>
    %reduce_sum3A_2355 = vector.multi_reduction <add>, %select_n3A_2353, %reduce_sum3A_2354 [0] : vector<16x256xf32> to vector<256xf32>
    %broadcast_in_dim3A_2356 = vector.shape_cast %reduce_sum3A_2355 : vector<256xf32> to vector<1x256xf32>
    %eq3A_2357 = vector.broadcast %and3A_2348 : vector<1x256xi32> to vector<16x256xi32>
    %eq3A_2358 = arith.cmpi eq, %iota3A_6, %eq3A_2357 : vector<16x256xi32>
    %jit3A_2359 = arith.constant 0.000000e+00 : f32
    %broadcast_in_dim3A_2360 = vector.broadcast %jit3A_2359 : f32 to vector<16x256xf32>
    %select_n3A_2361 = arith.select %eq3A_2358, %convert_element_type3A_1811, %broadcast_in_dim3A_2360 : vector<16x256xi1>, vector<16x256xf32>
    %reduce_sum3A_2362 = arith.constant dense<0.000000e+00> : vector<256xf32>
    %reduce_sum3A_2363 = vector.multi_reduction <add>, %select_n3A_2361, %reduce_sum3A_2362 [0] : vector<16x256xf32> to vector<256xf32>
    %broadcast_in_dim3A_2364 = vector.shape_cast %reduce_sum3A_2363 : vector<256xf32> to vector<1x256xf32>
    %mul3A_2365 = arith.constant 2.560000e+02 : f32
    %mul3A_2366 = vector.broadcast %mul3A_2365 : f32 to vector<1x256xf32>
    %mul3A_2367 = arith.mulf %broadcast_in_dim3A_2356, %mul3A_2366 : vector<1x256xf32>
    %add3A_2368 = arith.addf %mul3A_2367, %broadcast_in_dim3A_2364 : vector<1x256xf32>
    %reduce_max3A_2369 = arith.constant dense<0xFF800000> : vector<256xf32>
    %reduce_max3A_2370 = vector.multi_reduction <maximumf>, %select_n3A_2342, %reduce_max3A_2369 [0] : vector<256x256xf32> to vector<256xf32>
    %broadcast_in_dim3A_2371 = vector.shape_cast %reduce_max3A_2370 : vector<256xf32> to vector<1x256xf32>
    %eq3A_2372 = vector.broadcast %broadcast_in_dim3A_2371 : vector<1x256xf32> to vector<256x256xf32>
    %eq3A_2373 = arith.cmpf oeq, %select_n3A_2342, %eq3A_2372 : vector<256x256xf32>
    %jit3A_2374 = arith.constant 1073741824 : i32
    %broadcast_in_dim3A_2375 = vector.broadcast %jit3A_2374 : i32 to vector<256x256xi32>
    %select_n3A_2376 = arith.select %eq3A_2373, %iota3A, %broadcast_in_dim3A_2375 : vector<256x256xi1>, vector<256x256xi32>
    %reduce_min3A_2377 = arith.constant dense<2147483647> : vector<256xi32>
    %reduce_min3A_2378 = vector.multi_reduction <minsi>, %select_n3A_2376, %reduce_min3A_2377 [0] : vector<256x256xi32> to vector<256xi32>
    %broadcast_in_dim3A_2379 = vector.shape_cast %reduce_min3A_2378 : vector<256xi32> to vector<1x256xi32>
    %eq3A_2380 = vector.broadcast %broadcast_in_dim3A_2379 : vector<1x256xi32> to vector<256x256xi32>
    %eq3A_2381 = arith.cmpi eq, %iota3A, %eq3A_2380 : vector<256x256xi32>
    %jit3A_2382 = arith.constant 0xFF800000 : f32
    %broadcast_in_dim3A_2383 = vector.broadcast %jit3A_2382 : f32 to vector<256x256xf32>
    %select_n3A_2384 = arith.select %eq3A_2381, %broadcast_in_dim3A_2383, %select_n3A_2342 : vector<256x256xi1>, vector<256x256xf32>
    %shift_right_arithmetic3A_2385 = arith.constant 4 : i32
    %shift_right_arithmetic3A_2386 = vector.broadcast %shift_right_arithmetic3A_2385 : i32 to vector<1x256xi32>
    %shift_right_arithmetic3A_2387 = arith.shrsi %broadcast_in_dim3A_2379, %shift_right_arithmetic3A_2386 : vector<1x256xi32>
    %and3A_2388 = arith.constant 15 : i32
    %and3A_2389 = vector.broadcast %and3A_2388 : i32 to vector<1x256xi32>
    %and3A_2390 = arith.andi %broadcast_in_dim3A_2379, %and3A_2389 : vector<1x256xi32>
    %eq3A_2391 = vector.broadcast %shift_right_arithmetic3A_2387 : vector<1x256xi32> to vector<16x256xi32>
    %eq3A_2392 = arith.cmpi eq, %iota3A_6, %eq3A_2391 : vector<16x256xi32>
    %jit3A_2393 = arith.constant 0.000000e+00 : f32
    %broadcast_in_dim3A_2394 = vector.broadcast %jit3A_2393 : f32 to vector<16x256xf32>
    %select_n3A_2395 = arith.select %eq3A_2392, %convert_element_type3A_1528, %broadcast_in_dim3A_2394 : vector<16x256xi1>, vector<16x256xf32>
    %reduce_sum3A_2396 = arith.constant dense<0.000000e+00> : vector<256xf32>
    %reduce_sum3A_2397 = vector.multi_reduction <add>, %select_n3A_2395, %reduce_sum3A_2396 [0] : vector<16x256xf32> to vector<256xf32>
    %broadcast_in_dim3A_2398 = vector.shape_cast %reduce_sum3A_2397 : vector<256xf32> to vector<1x256xf32>
    %eq3A_2399 = vector.broadcast %and3A_2390 : vector<1x256xi32> to vector<16x256xi32>
    %eq3A_2400 = arith.cmpi eq, %iota3A_6, %eq3A_2399 : vector<16x256xi32>
    %jit3A_2401 = arith.constant 0.000000e+00 : f32
    %broadcast_in_dim3A_2402 = vector.broadcast %jit3A_2401 : f32 to vector<16x256xf32>
    %select_n3A_2403 = arith.select %eq3A_2400, %convert_element_type3A_1811, %broadcast_in_dim3A_2402 : vector<16x256xi1>, vector<16x256xf32>
    %reduce_sum3A_2404 = arith.constant dense<0.000000e+00> : vector<256xf32>
    %reduce_sum3A_2405 = vector.multi_reduction <add>, %select_n3A_2403, %reduce_sum3A_2404 [0] : vector<16x256xf32> to vector<256xf32>
    %broadcast_in_dim3A_2406 = vector.shape_cast %reduce_sum3A_2405 : vector<256xf32> to vector<1x256xf32>
    %mul3A_2407 = arith.constant 2.560000e+02 : f32
    %mul3A_2408 = vector.broadcast %mul3A_2407 : f32 to vector<1x256xf32>
    %mul3A_2409 = arith.mulf %broadcast_in_dim3A_2398, %mul3A_2408 : vector<1x256xf32>
    %add3A_2410 = arith.addf %mul3A_2409, %broadcast_in_dim3A_2406 : vector<1x256xf32>
    %reduce_max3A_2411 = arith.constant dense<0xFF800000> : vector<256xf32>
    %reduce_max3A_2412 = vector.multi_reduction <maximumf>, %select_n3A_2384, %reduce_max3A_2411 [0] : vector<256x256xf32> to vector<256xf32>
    %broadcast_in_dim3A_2413 = vector.shape_cast %reduce_max3A_2412 : vector<256xf32> to vector<1x256xf32>
    %eq3A_2414 = vector.broadcast %broadcast_in_dim3A_2413 : vector<1x256xf32> to vector<256x256xf32>
    %eq3A_2415 = arith.cmpf oeq, %select_n3A_2384, %eq3A_2414 : vector<256x256xf32>
    %jit3A_2416 = arith.constant 1073741824 : i32
    %broadcast_in_dim3A_2417 = vector.broadcast %jit3A_2416 : i32 to vector<256x256xi32>
    %select_n3A_2418 = arith.select %eq3A_2415, %iota3A, %broadcast_in_dim3A_2417 : vector<256x256xi1>, vector<256x256xi32>
    %reduce_min3A_2419 = arith.constant dense<2147483647> : vector<256xi32>
    %reduce_min3A_2420 = vector.multi_reduction <minsi>, %select_n3A_2418, %reduce_min3A_2419 [0] : vector<256x256xi32> to vector<256xi32>
    %broadcast_in_dim3A_2421 = vector.shape_cast %reduce_min3A_2420 : vector<256xi32> to vector<1x256xi32>
    %eq3A_2422 = vector.broadcast %broadcast_in_dim3A_2421 : vector<1x256xi32> to vector<256x256xi32>
    %eq3A_2423 = arith.cmpi eq, %iota3A, %eq3A_2422 : vector<256x256xi32>
    %jit3A_2424 = arith.constant 0xFF800000 : f32
    %broadcast_in_dim3A_2425 = vector.broadcast %jit3A_2424 : f32 to vector<256x256xf32>
    %select_n3A_2426 = arith.select %eq3A_2423, %broadcast_in_dim3A_2425, %select_n3A_2384 : vector<256x256xi1>, vector<256x256xf32>
    %shift_right_arithmetic3A_2427 = arith.constant 4 : i32
    %shift_right_arithmetic3A_2428 = vector.broadcast %shift_right_arithmetic3A_2427 : i32 to vector<1x256xi32>
    %shift_right_arithmetic3A_2429 = arith.shrsi %broadcast_in_dim3A_2421, %shift_right_arithmetic3A_2428 : vector<1x256xi32>
    %and3A_2430 = arith.constant 15 : i32
    %and3A_2431 = vector.broadcast %and3A_2430 : i32 to vector<1x256xi32>
    %and3A_2432 = arith.andi %broadcast_in_dim3A_2421, %and3A_2431 : vector<1x256xi32>
    %eq3A_2433 = vector.broadcast %shift_right_arithmetic3A_2429 : vector<1x256xi32> to vector<16x256xi32>
    %eq3A_2434 = arith.cmpi eq, %iota3A_6, %eq3A_2433 : vector<16x256xi32>
    %jit3A_2435 = arith.constant 0.000000e+00 : f32
    %broadcast_in_dim3A_2436 = vector.broadcast %jit3A_2435 : f32 to vector<16x256xf32>
    %select_n3A_2437 = arith.select %eq3A_2434, %convert_element_type3A_1528, %broadcast_in_dim3A_2436 : vector<16x256xi1>, vector<16x256xf32>
    %reduce_sum3A_2438 = arith.constant dense<0.000000e+00> : vector<256xf32>
    %reduce_sum3A_2439 = vector.multi_reduction <add>, %select_n3A_2437, %reduce_sum3A_2438 [0] : vector<16x256xf32> to vector<256xf32>
    %broadcast_in_dim3A_2440 = vector.shape_cast %reduce_sum3A_2439 : vector<256xf32> to vector<1x256xf32>
    %eq3A_2441 = vector.broadcast %and3A_2432 : vector<1x256xi32> to vector<16x256xi32>
    %eq3A_2442 = arith.cmpi eq, %iota3A_6, %eq3A_2441 : vector<16x256xi32>
    %jit3A_2443 = arith.constant 0.000000e+00 : f32
    %broadcast_in_dim3A_2444 = vector.broadcast %jit3A_2443 : f32 to vector<16x256xf32>
    %select_n3A_2445 = arith.select %eq3A_2442, %convert_element_type3A_1811, %broadcast_in_dim3A_2444 : vector<16x256xi1>, vector<16x256xf32>
    %reduce_sum3A_2446 = arith.constant dense<0.000000e+00> : vector<256xf32>
    %reduce_sum3A_2447 = vector.multi_reduction <add>, %select_n3A_2445, %reduce_sum3A_2446 [0] : vector<16x256xf32> to vector<256xf32>
    %broadcast_in_dim3A_2448 = vector.shape_cast %reduce_sum3A_2447 : vector<256xf32> to vector<1x256xf32>
    %mul3A_2449 = arith.constant 2.560000e+02 : f32
    %mul3A_2450 = vector.broadcast %mul3A_2449 : f32 to vector<1x256xf32>
    %mul3A_2451 = arith.mulf %broadcast_in_dim3A_2440, %mul3A_2450 : vector<1x256xf32>
    %add3A_2452 = arith.addf %mul3A_2451, %broadcast_in_dim3A_2448 : vector<1x256xf32>
    %reduce_max3A_2453 = arith.constant dense<0xFF800000> : vector<256xf32>
    %reduce_max3A_2454 = vector.multi_reduction <maximumf>, %select_n3A_2426, %reduce_max3A_2453 [0] : vector<256x256xf32> to vector<256xf32>
    %broadcast_in_dim3A_2455 = vector.shape_cast %reduce_max3A_2454 : vector<256xf32> to vector<1x256xf32>
    %eq3A_2456 = vector.broadcast %broadcast_in_dim3A_2455 : vector<1x256xf32> to vector<256x256xf32>
    %eq3A_2457 = arith.cmpf oeq, %select_n3A_2426, %eq3A_2456 : vector<256x256xf32>
    %jit3A_2458 = arith.constant 1073741824 : i32
    %broadcast_in_dim3A_2459 = vector.broadcast %jit3A_2458 : i32 to vector<256x256xi32>
    %select_n3A_2460 = arith.select %eq3A_2457, %iota3A, %broadcast_in_dim3A_2459 : vector<256x256xi1>, vector<256x256xi32>
    %reduce_min3A_2461 = arith.constant dense<2147483647> : vector<256xi32>
    %reduce_min3A_2462 = vector.multi_reduction <minsi>, %select_n3A_2460, %reduce_min3A_2461 [0] : vector<256x256xi32> to vector<256xi32>
    %broadcast_in_dim3A_2463 = vector.shape_cast %reduce_min3A_2462 : vector<256xi32> to vector<1x256xi32>
    %shift_right_arithmetic3A_2464 = arith.constant 4 : i32
    %shift_right_arithmetic3A_2465 = vector.broadcast %shift_right_arithmetic3A_2464 : i32 to vector<1x256xi32>
    %shift_right_arithmetic3A_2466 = arith.shrsi %broadcast_in_dim3A_2463, %shift_right_arithmetic3A_2465 : vector<1x256xi32>
    %and3A_2467 = arith.constant 15 : i32
    %and3A_2468 = vector.broadcast %and3A_2467 : i32 to vector<1x256xi32>
    %and3A_2469 = arith.andi %broadcast_in_dim3A_2463, %and3A_2468 : vector<1x256xi32>
    %eq3A_2470 = vector.broadcast %shift_right_arithmetic3A_2466 : vector<1x256xi32> to vector<16x256xi32>
    %eq3A_2471 = arith.cmpi eq, %iota3A_6, %eq3A_2470 : vector<16x256xi32>
    %jit3A_2472 = arith.constant 0.000000e+00 : f32
    %broadcast_in_dim3A_2473 = vector.broadcast %jit3A_2472 : f32 to vector<16x256xf32>
    %select_n3A_2474 = arith.select %eq3A_2471, %convert_element_type3A_1528, %broadcast_in_dim3A_2473 : vector<16x256xi1>, vector<16x256xf32>
    %reduce_sum3A_2475 = arith.constant dense<0.000000e+00> : vector<256xf32>
    %reduce_sum3A_2476 = vector.multi_reduction <add>, %select_n3A_2474, %reduce_sum3A_2475 [0] : vector<16x256xf32> to vector<256xf32>
    %broadcast_in_dim3A_2477 = vector.shape_cast %reduce_sum3A_2476 : vector<256xf32> to vector<1x256xf32>
    %eq3A_2478 = vector.broadcast %and3A_2469 : vector<1x256xi32> to vector<16x256xi32>
    %eq3A_2479 = arith.cmpi eq, %iota3A_6, %eq3A_2478 : vector<16x256xi32>
    %jit3A_2480 = arith.constant 0.000000e+00 : f32
    %broadcast_in_dim3A_2481 = vector.broadcast %jit3A_2480 : f32 to vector<16x256xf32>
    %select_n3A_2482 = arith.select %eq3A_2479, %convert_element_type3A_1811, %broadcast_in_dim3A_2481 : vector<16x256xi1>, vector<16x256xf32>
    %reduce_sum3A_2483 = arith.constant dense<0.000000e+00> : vector<256xf32>
    %reduce_sum3A_2484 = vector.multi_reduction <add>, %select_n3A_2482, %reduce_sum3A_2483 [0] : vector<16x256xf32> to vector<256xf32>
    %broadcast_in_dim3A_2485 = vector.shape_cast %reduce_sum3A_2484 : vector<256xf32> to vector<1x256xf32>
    %mul3A_2486 = arith.constant 2.560000e+02 : f32
    %mul3A_2487 = vector.broadcast %mul3A_2486 : f32 to vector<1x256xf32>
    %mul3A_2488 = arith.mulf %broadcast_in_dim3A_2477, %mul3A_2487 : vector<1x256xf32>
    %add3A_2489 = arith.addf %mul3A_2488, %broadcast_in_dim3A_2485 : vector<1x256xf32>
    %concatenate3A_2490 = tpu.concatenate %broadcast_in_dim3A_1825, %broadcast_in_dim3A_1867, %broadcast_in_dim3A_1909, %broadcast_in_dim3A_1951, %broadcast_in_dim3A_1993, %broadcast_in_dim3A_2035, %broadcast_in_dim3A_2077, %broadcast_in_dim3A_2119, %broadcast_in_dim3A_2161, %broadcast_in_dim3A_2203, %broadcast_in_dim3A_2245, %broadcast_in_dim3A_2287, %broadcast_in_dim3A_2329, %broadcast_in_dim3A_2371, %broadcast_in_dim3A_2413, %broadcast_in_dim3A_2455 in 0 : vector<1x256xf32>, vector<1x256xf32>, vector<1x256xf32>, vector<1x256xf32>, vector<1x256xf32>, vector<1x256xf32>, vector<1x256xf32>, vector<1x256xf32>, vector<1x256xf32>, vector<1x256xf32>, vector<1x256xf32>, vector<1x256xf32>, vector<1x256xf32>, vector<1x256xf32>, vector<1x256xf32>, vector<1x256xf32> -> vector<16x256xf32>
    %concatenate3A_2491 = tpu.concatenate %add3A_1864, %add3A_1906, %add3A_1948, %add3A_1990, %add3A_2032, %add3A_2074, %add3A_2116, %add3A_2158, %add3A_2200, %add3A_2242, %add3A_2284, %add3A_2326, %add3A_2368, %add3A_2410, %add3A_2452, %add3A_2489 in 0 : vector<1x256xf32>, vector<1x256xf32>, vector<1x256xf32>, vector<1x256xf32>, vector<1x256xf32>, vector<1x256xf32>, vector<1x256xf32>, vector<1x256xf32>, vector<1x256xf32>, vector<1x256xf32>, vector<1x256xf32>, vector<1x256xf32>, vector<1x256xf32>, vector<1x256xf32>, vector<1x256xf32>, vector<1x256xf32> -> vector<16x256xf32>
    %reduce_max3A_2492 = arith.constant dense<0xFF800000> : vector<256xf32>
    %reduce_max3A_2493 = vector.multi_reduction <maximumf>, %concatenate3A_2490, %reduce_max3A_2492 [0] : vector<16x256xf32> to vector<256xf32>
    %broadcast_in_dim3A_2494 = vector.shape_cast %reduce_max3A_2493 : vector<256xf32> to vector<1x256xf32>
    %sub3A_2495 = vector.broadcast %broadcast_in_dim3A_2494 : vector<1x256xf32> to vector<16x256xf32>
    %sub3A_2496 = arith.subf %concatenate3A_2490, %sub3A_2495 : vector<16x256xf32>
    %exp3A_2497 = math.exp %sub3A_2496 : vector<16x256xf32>
    %reduce_sum3A_2498 = arith.constant dense<0.000000e+00> : vector<256xf32>
    %reduce_sum3A_2499 = vector.multi_reduction <add>, %exp3A_2497, %reduce_sum3A_2498 [0] : vector<16x256xf32> to vector<256xf32>
    %broadcast_in_dim3A_2500 = vector.shape_cast %reduce_sum3A_2499 : vector<256xf32> to vector<1x256xf32>
    %div3A_2501 = vector.broadcast %broadcast_in_dim3A_2500 : vector<1x256xf32> to vector<16x256xf32>
    %div3A_2502 = arith.divf %exp3A_2497, %div3A_2501 : vector<16x256xf32>
    %concatenate3A_2503 = tpu.concatenate %div3A_1245, %div3A_2502 in 0 : vector<16x256xf32>, vector<16x256xf32> -> vector<32x256xf32>
    %concatenate3A_2504 = tpu.concatenate %concatenate3A_1235, %concatenate3A_2491 in 0 : vector<16x256xf32>, vector<16x256xf32> -> vector<32x256xf32>
    %get3A_2505 = arith.constant 0 : index
    %get3A_2506 = arith.constant 0 : index
    %get3A_2507 = vector.load %arg6[%get3A_2505, %get3A_2506] : memref<32x512xf32, #tpu.memory_space<vmem>>, vector<32x512xf32>
    %dot_general3A_2508 = arith.constant dense<0.000000e+00> : vector<256x512xf32>
    %dot_general3A_2509 = tpu.matmul %concatenate3A_2503, %get3A_2507, %dot_general3A_2508 {dimension_numbers = #tpu.dot_dimension_numbers<[0], [0], [1], [1], [0, 1, 1, 1], [], []>, precision = #tpu.contract_precision<fp32>, transpose_lhs_hint = false} : vector<32x256xf32>, vector<32x512xf32>, vector<256x512xf32> -> vector<256x512xf32>
    %swap3A = arith.constant 0 : index
    %swap3A_2510 = arith.constant 0 : index
    %swap3A_2511 = vector.load %arg9[%swap3A, %swap3A_2510] : memref<256x512xf32, #tpu.memory_space<vmem>>, vector<256x512xf32>
    tpu.vector_store %arg9[%swap3A, %swap3A_2510], %dot_general3A_2509 {strides = array<i32>} : memref<256x512xf32, #tpu.memory_space<vmem>>, vector<256x512xf32>,
    %get3A_2512 = arith.constant 0 : index
    %get3A_2513 = arith.constant 0 : index
    %get3A_2514 = vector.load %arg7[%get3A_2512, %get3A_2513] : memref<32x32xf32, #tpu.memory_space<vmem>>, vector<32x32xf32>
    %dot_general3A_2515 = arith.constant dense<0.000000e+00> : vector<256x32xf32>
    %dot_general3A_2516 = tpu.matmul %concatenate3A_2504, %get3A_2514, %dot_general3A_2515 {dimension_numbers = #tpu.dot_dimension_numbers<[0], [0], [1], [1], [0, 1, 1, 1], [], []>, precision = #tpu.contract_precision<fp32>, transpose_lhs_hint = false} : vector<32x256xf32>, vector<32x32xf32>, vector<256x32xf32> -> vector<256x32xf32>
    %add3A_2517 = arith.constant 5.000000e-01 : f32
    %add3A_2518 = vector.broadcast %add3A_2517 : f32 to vector<256x32xf32>
    %add3A_2519 = arith.addf %dot_general3A_2516, %add3A_2518 : vector<256x32xf32>
    %convert_element_type3A_2520 = arith.fptosi %add3A_2519 : vector<256x32xf32> to vector<256x32xi32>
    %swap3A_2521 = arith.constant 0 : index
    %swap3A_2522 = arith.constant 0 : index
    %swap3A_2523 = vector.load %arg8[%swap3A_2521, %swap3A_2522] : memref<256x32xi32, #tpu.memory_space<vmem>>, vector<256x32xi32>
    tpu.vector_store %arg8[%swap3A_2521, %swap3A_2522], %convert_element_type3A_2520 {strides = array<i32>} : memref<256x32xi32, #tpu.memory_space<vmem>>, vector<256x32xi32>,
    return
  }
  func.func @transform_0(%arg0: i32) -> (i32, i32) {
    %c0_i32 = arith.constant 0 : i32
    %c0_i32_0 = arith.constant 0 : i32
    return %arg0, %c0_i32 : i32, i32
  }
  func.func @transform_1(%arg0: i32) -> (i32, i32) {
    %c0_i32 = arith.constant 0 : i32
    %c0_i32_0 = arith.constant 0 : i32
    %c0_i32_1 = arith.constant 0 : i32
    return %c0_i32, %c0_i32_0 : i32, i32
  }
  func.func @transform_2(%arg0: i32) -> (i32, i32, i32) {
    %c0_i32 = arith.constant 0 : i32
    %c0_i32_0 = arith.constant 0 : i32
    %c0_i32_1 = arith.constant 0 : i32
    %c0_i32_2 = arith.constant 0 : i32
    return %c0_i32, %c0_i32_0, %c0_i32_1 : i32, i32, i32
  }
  func.func @transform_3(%arg0: i32) -> (i32, i32) {
    %c0_i32 = arith.constant 0 : i32
    %c0_i32_0 = arith.constant 0 : i32
    %c0_i32_1 = arith.constant 0 : i32
    return %c0_i32, %c0_i32_0 : i32, i32
  }
  func.func @transform_4(%arg0: i32) -> (i32, i32) {
    %c0_i32 = arith.constant 0 : i32
    %c0_i32_0 = arith.constant 0 : i32
    %c0_i32_1 = arith.constant 0 : i32
    return %c0_i32, %c0_i32_0 : i32, i32
  }
  func.func @transform_5(%arg0: i32) -> (i32, i32) {
    %c0_i32 = arith.constant 0 : i32
    %c0_i32_0 = arith.constant 0 : i32
    %c0_i32_1 = arith.constant 0 : i32
    return %c0_i32, %c0_i32_0 : i32, i32
  }
  func.func @transform_6(%arg0: i32) -> (i32, i32) {
    %c0_i32 = arith.constant 0 : i32
    %c0_i32_0 = arith.constant 0 : i32
    %c0_i32_1 = arith.constant 0 : i32
    return %c0_i32, %c0_i32_0 : i32, i32
  }
  func.func @transform_7(%arg0: i32) -> (i32, i32) {
    %c0_i32 = arith.constant 0 : i32
    %c0_i32_0 = arith.constant 0 : i32
    return %arg0, %c0_i32 : i32, i32
  }
  func.func @transform_8(%arg0: i32) -> (i32, i32) {
    %c0_i32 = arith.constant 0 : i32
    %c0_i32_0 = arith.constant 0 : i32
    return %arg0, %c0_i32 : i32, i32
  }
}

module attributes {stable_mosaic.version = 14 : i64} {
  func.func @_gate_kernel(%arg0: i32, %arg1: memref<256x1024xf32, #tpu.memory_space<vmem>>, %arg2: memref<1024x1024xf32, #tpu.memory_space<vmem>>, %arg3: memref<256x1024xf32, #tpu.memory_space<vmem>>) attributes {dimension_semantics = [#tpu.dimension_semantics<arbitrary>], iteration_bounds = array<i64: 8>, scalar_prefetch = 0 : i64, scratch_operands = 0 : i64, tpu.core_type = #tpu.core_type<tc>, window_params = [{transform_indices = @transform_0, window_bounds = array<i64: 256, 1024>}, {pipeline_mode = #tpu.pipeline_mode<synchronous>, transform_indices = @transform_1, window_bounds = array<i64: 1024, 1024>}, {transform_indices = @transform_2, window_bounds = array<i64: 256, 1024>}]} {
    %get3A = arith.constant 0 : index
    %get3A_0 = arith.constant 0 : index
    %get3A_1 = vector.load %arg1[%get3A, %get3A_0] : memref<256x1024xf32, #tpu.memory_space<vmem>>, vector<256x1024xf32>
    %get3A_2 = arith.constant 0 : index
    %get3A_3 = arith.constant 0 : index
    %get3A_4 = vector.load %arg2[%get3A_2, %get3A_3] : memref<1024x1024xf32, #tpu.memory_space<vmem>>, vector<1024x1024xf32>
    %dot_general3A = arith.constant dense<0.000000e+00> : vector<256x1024xf32>
    %dot_general3A_5 = tpu.matmul %get3A_1, %get3A_4, %dot_general3A {dimension_numbers = #tpu.dot_dimension_numbers<[1], [1], [0], [0], [0, 0, 1, 0], [], []>, transpose_lhs_hint = false} : vector<256x1024xf32>, vector<1024x1024xf32>, vector<256x1024xf32> -> vector<256x1024xf32>
    %neg3A = arith.constant 0.000000e+00 : f32
    %neg3A_6 = vector.broadcast %neg3A : f32 to vector<256x1024xf32>
    %neg3A_7 = arith.subf %neg3A_6, %dot_general3A_5 : vector<256x1024xf32>
    %exp3A = math.exp %neg3A_7 : vector<256x1024xf32>
    %add3A = arith.constant 1.000000e+00 : f32
    %add3A_8 = vector.broadcast %add3A : f32 to vector<256x1024xf32>
    %add3A_9 = arith.addf %add3A_8, %exp3A : vector<256x1024xf32>
    %div3A = arith.divf %dot_general3A_5, %add3A_9 : vector<256x1024xf32>
    %swap3A = arith.constant 0 : index
    %swap3A_10 = arith.constant 0 : index
    %swap3A_11 = vector.load %arg3[%swap3A, %swap3A_10] : memref<256x1024xf32, #tpu.memory_space<vmem>>, vector<256x1024xf32>
    tpu.vector_store %arg3[%swap3A, %swap3A_10], %div3A {strides = array<i32>} : memref<256x1024xf32, #tpu.memory_space<vmem>>, vector<256x1024xf32>,
    return
  }
  func.func @transform_0(%arg0: i32) -> (i32, i32) {
    %c0_i32 = arith.constant 0 : i32
    %c0_i32_0 = arith.constant 0 : i32
    return %arg0, %c0_i32 : i32, i32
  }
  func.func @transform_1(%arg0: i32) -> (i32, i32) {
    %c0_i32 = arith.constant 0 : i32
    %c0_i32_0 = arith.constant 0 : i32
    %c0_i32_1 = arith.constant 0 : i32
    return %c0_i32, %c0_i32_0 : i32, i32
  }
  func.func @transform_2(%arg0: i32) -> (i32, i32) {
    %c0_i32 = arith.constant 0 : i32
    %c0_i32_0 = arith.constant 0 : i32
    return %arg0, %c0_i32 : i32, i32
  }
}

module attributes {stable_mosaic.version = 14 : i64} {
  func.func @_out_kernel(%arg0: i32, %arg1: memref<256x1024xf32, #tpu.memory_space<vmem>>, %arg2: memref<256x1024xf32, #tpu.memory_space<vmem>>, %arg3: memref<1024x1024xf32, #tpu.memory_space<vmem>>, %arg4: memref<256x1024xf32, #tpu.memory_space<vmem>>) attributes {dimension_semantics = [#tpu.dimension_semantics<arbitrary>], iteration_bounds = array<i64: 8>, scalar_prefetch = 0 : i64, scratch_operands = 0 : i64, tpu.core_type = #tpu.core_type<tc>, window_params = [{transform_indices = @transform_0, window_bounds = array<i64: 256, 1024>}, {transform_indices = @transform_1, window_bounds = array<i64: 256, 1024>}, {pipeline_mode = #tpu.pipeline_mode<synchronous>, transform_indices = @transform_2, window_bounds = array<i64: 1024, 1024>}, {transform_indices = @transform_3, window_bounds = array<i64: 256, 1024>}]} {
    %get3A = arith.constant 0 : index
    %get3A_0 = arith.constant 0 : index
    %get3A_1 = vector.load %arg2[%get3A, %get3A_0] : memref<256x1024xf32, #tpu.memory_space<vmem>>, vector<256x1024xf32>
    %get3A_2 = arith.constant 0 : index
    %get3A_3 = arith.constant 0 : index
    %get3A_4 = vector.load %arg1[%get3A_2, %get3A_3] : memref<256x1024xf32, #tpu.memory_space<vmem>>, vector<256x1024xf32>
    %mul3A = arith.mulf %get3A_1, %get3A_4 : vector<256x1024xf32>
    %get3A_5 = arith.constant 0 : index
    %get3A_6 = arith.constant 0 : index
    %get3A_7 = vector.load %arg3[%get3A_5, %get3A_6] : memref<1024x1024xf32, #tpu.memory_space<vmem>>, vector<1024x1024xf32>
    %dot_general3A = arith.constant dense<0.000000e+00> : vector<256x1024xf32>
    %dot_general3A_8 = tpu.matmul %mul3A, %get3A_7, %dot_general3A {dimension_numbers = #tpu.dot_dimension_numbers<[1], [1], [0], [0], [0, 0, 1, 0], [], []>, transpose_lhs_hint = false} : vector<256x1024xf32>, vector<1024x1024xf32>, vector<256x1024xf32> -> vector<256x1024xf32>
    %swap3A = arith.constant 0 : index
    %swap3A_9 = arith.constant 0 : index
    %swap3A_10 = vector.load %arg4[%swap3A, %swap3A_9] : memref<256x1024xf32, #tpu.memory_space<vmem>>, vector<256x1024xf32>
    tpu.vector_store %arg4[%swap3A, %swap3A_9], %dot_general3A_8 {strides = array<i32>} : memref<256x1024xf32, #tpu.memory_space<vmem>>, vector<256x1024xf32>,
    return
  }
  func.func @transform_0(%arg0: i32) -> (i32, i32) {
    %c0_i32 = arith.constant 0 : i32
    %c0_i32_0 = arith.constant 0 : i32
    return %arg0, %c0_i32 : i32, i32
  }
  func.func @transform_1(%arg0: i32) -> (i32, i32) {
    %c0_i32 = arith.constant 0 : i32
    %c0_i32_0 = arith.constant 0 : i32
    return %arg0, %c0_i32 : i32, i32
  }
  func.func @transform_2(%arg0: i32) -> (i32, i32) {
    %c0_i32 = arith.constant 0 : i32
    %c0_i32_0 = arith.constant 0 : i32
    %c0_i32_1 = arith.constant 0 : i32
    return %c0_i32, %c0_i32_0 : i32, i32
  }
  func.func @transform_3(%arg0: i32) -> (i32, i32) {
    %c0_i32 = arith.constant 0 : i32
    %c0_i32_0 = arith.constant 0 : i32
    return %arg0, %c0_i32 : i32, i32
  }
}

</mosaic_0001>

<sc_bundles>
// kernel: kernel.6.cloned.1.call-start
scs
__scs_entry_jumppad:
0x0: {  	(pc) =	sbr.rel $0x88, $3  }
0x1: {  	(tag) =	ssettag $0x0;
	lr =	simm.s32 $0x1  }
0x2: {  	[smem:$0x3F9B] =	sst lr;
	_ =	strace $0xD0000000  }
0x3: {  	_ = 	snop  }
0x4: {  	_ = 	snop  }
0x5: {  	_ = 	snop  }
0x6: {  	_ = 	snop  }
0x7: {  	_ = 	snop  }
__scs_overlays_trampoline_lowered:
0x8: {  	[smem:$0x3FAA] =	sst s0  }
0x9: {  	[smem:$0x3FAB] =	sst s1  }
0xa: {  	[smem:$0x3FAC] =	sst s2  }
0xb: {  	[smem:$0x3FAD] =	sst s3  }
0xc: {  	[smem:$0x3FAE] =	sst s4  }
0xd: {  	[smem:$0x3FAF] =	sst s5  }
0xe: {  	[smem:$0x3FB0] =	sst s6  }
0xf: {  	[smem:$0x3FB1] =	sst s7  }
0x10: {  	[smem:$0x3FB2] =	sst s8  }
0x11: {  	[smem:$0x3FB3] =	sst s9;
	s0 =	simm.s32 @!p0 $0x0  }
0x12: {  	s1 =	sld [smem:$0x3F99];
	s0 =	simm.s32 @p0 $0x1  }
0x13: {  	[smem:$0x3FB4] =	sst s0;
	s0 =	simm.s32 @!p1 $0x0  }
0x14: {  	s2 =	sld [smem:$0x3F98];
	s0 =	simm.s32 @p1 $0x1  }
0x15: {  	[smem:$0x3FB5] =	sst s0;
	s0 =	simm.s32 @!p2 $0x0  }
0x16: {  	s3 =	sld [smem:$0x3FDB];
	s0 =	simm.s32 @p2 $0x1  }
0x17: {  	s4 =	simm.s32 $0x1BF5;
	[smem:$0x3FB7] =	sst s0  }
0x18: {  	s0 =	sld [smem:$0x3F9A];
	_ =	swait.ge [sflag:s4], $0x0  }
0x19: {  	s7 =	sld [smem:$0x3F9B]  }
0x1a: {  	s8 =	sadd.s32 $0xFFFFE003, lr  }
0x1b: {  	s9 =	sadd.s32 $0xFFFFFEF7, lr;
	s5 =	simm.s32 $0xFFFFFFFF;
	p2 =	slt.u32 s8, $0xFFFFF086  }
0x1c: {  	p1 =	slt.u32 s9, $0xF7A;
	s5 =	simm.s32 @!p2 $0x0  }
0x1d: {  	s5 =	simm.s32 @p1 $0x1;
	p0 =	seq.s32 s7, s2  }
0x1e: {  	s7 =	smul.u32 @!p0 $0xF7A, s2;
	p2 =	seq.s32 @!p0 s5, $0x0  }
0x1f: {  	s9 =	smul.u32 $0xF7A, s1;
	s8 =	simm.s32 @!p0 $0x1BF5;
	p2 =	por !p2, p0  }
0x20: {  	[sflag:s8] =	ssyncset.s32 @!p0 $0xFFFFF086;
	s6 =	sadd.s32 @!p0 s3, s7;
	s7 =	simm.s32 @!p0 $0x108  }
0x21: {  	s3 =	sadd.s32 s3, s9;
	s6 =	sadd.s32 @!p0 $0x88, s6;
	s7 =	simm.s32 @p2 $0x1082  }
0x22: {  	[simem:s7], [sflag:s8] =	dma.local @!p0 [hbm:s6], $0xF7A  }
0x23: {  	s9 =	sor.u32 $0xD0000000, s2;
	s6 =	simm.s32 $0x108;
	_ =	swait.ge @!p0 [sflag:s8], $0x0  }
0x24: {  	s3 =	sadd.s32 $0x88, s3;
	s6 =	simm.s32 @!p1 $0x1082;
	[sflag:s4] =	ssyncset.s32 $0xFFFFF086  }
0x25: {  	[simem:s6], [sflag:s4] =	dma.local [hbm:s3], $0xF7A  }
0x26: {  	[smem:$0x3F9B] =	sst s1;
	(tag) =	ssettag s2;
	_ =	strace s9  }
0x27: {  	s1 =	sld [smem:$0x3FAB]  }
0x28: {  	s2 =	sld [smem:$0x3FAC]  }
0x29: {  	s4 =	sld [smem:$0x3FAE]  }
0x2a: {  	p0 =	seq.s32 s5, $0x0;
	s5 =	sld [smem:$0x3FAF]  }
0x2b: {  	s6 =	sld [smem:$0x3FB0]  }
0x2c: {  	s7 =	sld [smem:$0x3FB1]  }
0x2d: {  	s3 =	simm.s32 $0x108;
	s8 =	sld [smem:$0x3FB2]  }
0x2e: {  	s3 =	simm.s32 @!p0 $0x1082;
	s9 =	sld [smem:$0x3FB3]  }
0x2f: {  	lr =	sadd.s32 s0, s3;
	s0 =	sld [smem:$0x3FAA]  }
0x30: {  	s3 =	sld [smem:$0x3FAD]  }
0x31: {  	[smem:$0x3FB6] =	sst s10  }
0x32: {  	s10 =	sld [smem:$0x3FB4];
	_ =	sdelay $0x3  }
0x33: {  	p0 =	seq.s32 s10, $0x1;
	s10 =	sld [smem:$0x3FB6];
	_ =	sdelay $0x3  }
0x34: {  	[smem:$0x3FB6] =	sst s10  }
0x35: {  	s10 =	sld [smem:$0x3FB5];
	_ =	sdelay $0x3  }
0x36: {  	p1 =	seq.s32 s10, $0x1;
	s10 =	sld [smem:$0x3FB6];
	_ =	sdelay $0x3  }
0x37: {  	[smem:$0x3FB6] =	sst s10  }
0x38: {  	s10 =	sld [smem:$0x3FB7]  }
0x39: {  	_ = 	snop;
	(pc) =	sbr.ind lr, $3  }
0x3a: {  	_ = 	snop  }
0x3b: {  	_ = 	snop  }
0x3c: {  	p2 =	seq.s32 s10, $0x1;
	s10 =	sld [smem:$0x3FB6]  }
0x3d: {  	_ =	shalt  }
0x3e: {  	_ =	shalt  }
0x3f: {  	_ =	shalt  }
0x40: {  	_ =	shalt  }
0x41: {  	_ =	shalt  }
0x42: {  	_ =	shalt  }
0x43: {  	_ =	shalt  }
0x44: {  	_ =	shalt  }
0x45: {  	_ =	shalt  }
0x46: {  	_ =	shalt  }
0x47: {  	_ =	shalt  }
0x48: {  	_ =	shalt  }
0x49: {  	_ =	shalt  }
0x4a: {  	_ =	shalt  }
0x4b: {  	_ =	shalt  }
0x4c: {  	_ =	shalt  }
0x4d: {  	_ =	shalt  }
0x4e: {  	_ =	shalt  }
0x4f: {  	_ =	shalt  }
0x50: {  	_ =	shalt  }
0x51: {  	_ =	shalt  }
0x52: {  	_ =	shalt  }
0x53: {  	_ =	shalt  }
0x54: {  	_ =	shalt  }
0x55: {  	_ =	shalt  }
0x56: {  	_ =	shalt  }
0x57: {  	_ =	shalt  }
0x58: {  	_ =	shalt  }
0x59: {  	_ =	shalt  }
0x5a: {  	_ =	shalt  }
0x5b: {  	_ =	shalt  }
0x5c: {  	_ =	shalt  }
0x5d: {  	_ =	shalt  }
0x5e: {  	_ =	shalt  }
0x5f: {  	_ =	shalt  }
0x60: {  	_ =	shalt  }
0x61: {  	_ =	shalt  }
0x62: {  	_ =	shalt  }
0x63: {  	_ =	shalt  }
0x64: {  	_ =	shalt  }
0x65: {  	_ =	shalt  }
0x66: {  	_ =	shalt  }
0x67: {  	_ =	shalt  }
0x68: {  	_ =	shalt  }
0x69: {  	_ =	shalt  }
0x6a: {  	_ =	shalt  }
0x6b: {  	_ =	shalt  }
0x6c: {  	_ =	shalt  }
0x6d: {  	_ =	shalt  }
0x6e: {  	_ =	shalt  }
0x6f: {  	_ =	shalt  }
0x70: {  	_ =	shalt  }
0x71: {  	_ =	shalt  }
0x72: {  	_ =	shalt  }
0x73: {  	_ =	shalt  }
0x74: {  	_ =	shalt  }
0x75: {  	_ =	shalt  }
0x76: {  	_ =	shalt  }
0x77: {  	_ =	shalt  }
0x78: {  	_ =	shalt  }
0x79: {  	_ =	shalt  }
0x7a: {  	_ =	shalt  }
0x7b: {  	_ =	shalt  }
0x7c: {  	_ =	shalt  }
0x7d: {  	_ =	shalt  }
0x7e: {  	_ =	shalt  }
0x7f: {  	_ =	shalt  }
0x80: {  	_ =	shalt  }
0x81: {  	_ =	shalt  }
0x82: {  	_ =	shalt  }
0x83: {  	_ =	shalt  }
0x84: {  	_ =	shalt  }
0x85: {  	_ =	shalt  }
0x86: {  	_ =	shalt  }
0x87: {  	_ =	shalt  }
.Lfunc_end0:
.L_simem_size_0:
called_computation_lowered:
.L_overlay_start_0:
0x88: {  	s2 =	sld [smem:$0x3FD9]  }
0x89: {  	s3 =	sld [smem:$0x3FFE];
	_ =	sdelay $0x1  }
0x8a: {  	s1 =	srdreg.scid  }
0x8b: {  	s0 =	sand.u32 $0x1, s1  }
0x8c: {  	s17 =	sshll.u32 s0, $0xA;
	s2 =	sadd.s32 s3, s2  }
0x8d: {  	s2 =	sadd.s32 s2, s17  }
0x8e: {  	[smem:$0x3FC2] =	sst s2  }
0x8f: {  	_ = 	snop  }
0x90: {  	s2 =	sld [smem:$0x3FC4]  }
0x91: {  	s18 =	sld [smem:$0x3FD0];
	(tm) =	ssettm $0x1  }
0x92: {  	s4 =	sld [smem:$0x3FFB];
	_ =	sdelay $0x3  }
0x93: {  	_ =	strace s4  }
0x94: {  	s4 =	sld [smem:$0x3FFC];
	_ =	sdelay $0x3  }
0x95: {  	_ =	strace s4  }
0x96: {  	s4 =	sld [smem:$0x3FFD];
	_ =	sdelay $0x3  }
0x97: {  	_ =	strace s4  }
0x98: {  	_ =	strace $0x8FFFFFFF  }
0x99: {  	s19 =	sld [smem:$0x3FDB];
	_ =	sdelay $0x1  }
0x9a: {  	s5 =	simm.s32 $_scs_section_size  }
0x9b: {  	s6 =	simm.s32 $_size__tile_overlayer_lowered;
	s7 =	simm.s32 $_tile_overlayer_lowered  }
0x9c: {  	s22 =	simm.s32 $0x1BFF;
	s21 =	sshll.u32 s7, $0x1;
	s4 =	sadd.s32 s5, s19  }
0x9d: {  	s8 =	simm.s32 $0x0;
	s20 =	sshll.u32 s6, $0x1;
	s6 =	sadd.s32 s21, s4  }
0x9e: {  	[timem:s8], [sflag:s22] =	dma.local [hbm:s6], s20  }
0x9f: {  	_ =	swait.ge [sflag:s22], s20  }
0xa0: {  	s5 =	ssub.s32 $0x0, s20;
	[sflag:s22] =	ssyncset.done $0x0  }
0xa1: {  	[sflag:s22] =	ssyncadd.s32 s5;
	_ =	sdelay $0x1  }
0xa2: {  	s23 =	simm.s32 $0x1B8B  }
0xa3: {  	_ =	swait.ge [sflag:s23], $0x1  }
0xa4: {  	[sflag:s23] =	ssyncset.done $0x0  }
0xa5: {  	s25 =	simm.s32 $0x1B8E;
	s24 =	sld [smem:$0x3FFE];
	[sflag:s23] =	ssyncadd.s32 $0xFFFFFFFF  }
0xa6: {  	s26 =	simm.s32 $execute0_lowered;
	[smem:$0x3FD2] =	sst s25  }
0xa7: {  	s6 =	sshll.u32 s26, $0x1;
	_ =	strace $0x80000046;
	[dreg:$0x1] =	wrdreg $0xFFFFFFFF  }
0xa8: {  	s28 =	simm.s32 $_size_execute0_lowered;
	s4 =	sadd.s32 s4, s6;
	[dreg:$0x0] =	wrdreg $0x0  }
0xa9: {  	s6 =	sshll.u32 s28, $0x1;
	[dreg:$0x2] =	wrdreg s4  }
0xaa: {  	[dreg:$0x3] =	wrdreg s6  }
0xab: {  	[dreg:$0x4] =	wrdreg $0xC0  }
0xac: {  	_ =	task [dreg:s8], $0x5FFFF  }
0xad: {  	[dreg:$0x1] =	wrdreg $0xFFFFFFFF  }
0xae: {  	[dreg:$0x0] =	wrdreg $0x60  }
0xaf: {  	[dreg:$0x2] =	wrdreg s24  }
0xb0: {  	[dreg:$0x3] =	wrdreg s2  }
0xb1: {  	[dreg:$0x4] =	wrdreg s18  }
0xb2: {  	[dreg:$0x5] =	wrdreg $0x9  }
0xb3: {  	_ =	task.clear_ibuf [dreg:s8], $0x6FFFF;
	_ =	strace $0x90000046  }
0xb4: {  	s29 =	simm.s32 $0x9;
	_ =	strace $0x80000048  }
0xb5: {  	_ =	swait.ge [sflag:s29], $0x1  }
0xb6: {  	[sflag:s29] =	ssyncadd.s32 $0xFFFFFFFF  }
0xb7: {  	_ =	strace $0x90000048  }
0xb8: {  	_ =	sfence  }
0xb9: {  	s30 =	sld [smem:$0x0];
	_ =	sdelay $0x2  }
0xba: {  	s31 =	sshll.u32 s1, $0xD;
	s1 =	sshrl.u32 s1, $0x2  }
0xbb: {  	s3 =	sand.u32 $0x4000, s31;
	s1 =	sadd.s32 s1, s30  }
0xbc: {  	s0 =	sor.u32 s3, s0;
	s1 =	sshll.u32 s1, $0x11  }
0xbd: {  	s0 =	sor.u32 s1, s0  }
0xbe: {  	s0 =	sadd.s32 $0x8F2B, s0  }
0xbf: {  	[sflag:s0] =	ssyncadd.remote.s32 $0x1  }
0xc0: {  	_ =	sfence.sel $0xFFFF  }
0xc1: {  	[dreg:$0x0] =	wrdreg $0xFFFFFFFF;
	(pc) =	sbr.abs _section_cstart, $3  }
0xc2: {  	[dreg:$0x1] =	wrdreg $0xFFFFFFFF  }
0xc3: {  	_ =	task.clear_ibuf [dreg:s8], $0x2FFFF;
	_ =	strace $0x9FFFFFFF  }
0xc4: {  	(tm) =	ssettm $0x7FFFFFFF  }
0xc5: {  	_ =	shalt  }
tec
execute0_lowered:
.L_overlay_start_1:
0x0: {  	(tag) =	ssettag $0x1  }
0x1: {  	s0 =	rddreg [dreg:$0x0]  }
0x2: {  	s5 =	rddreg [dreg:$0x1]  }
0x3: {  	s1 =	srdreg.scid;
	s2 =	stileid.u32  }
0x4: {  	s4 =	simm.s32 $0x0;
	s1 =	sand.u32 $0x1, s1;
	s2 =	sshll.u32 s2, $0x7  }
0x5: {  	[smem:$0x7FF] =	sst s4;
	s28 =	sadd.s32 $0x100, s5;
	s29 =	sadd.s32 $0x200, s5  }
0x6: {  	s30 =	sadd.s32 $0x300, s5;
	_ =	strace $0x80000047;
	[dreg:$0x7] =	wrdreg s28  }
0x7: {  	s3 =	sshll.u32 s1, $0x6;
	s1 =	ssub.s32 $0x2, s1;
	[dreg:$0x8] =	wrdreg s29  }
0x8: {  	[dreg:$0x9] =	wrdreg s30;
	s3 =	sor.u32 s3, s2;
	s26 =	sshrl.u32 s1, $0x1  }
0x9: {  	s2 =	sshll.u32 s3, $0x4;
	[dreg:$0x4] =	wrdreg s3;
	s1 =	ssub.s32 s1, s26  }
0xa: {  	s3 =	sshll.u32 s3, $0x6;
	s2 =	sadd.s32 s2, s0;
	s31 =	smax.u32 s1, $0x1  }
0xb: {  	v2 =	vlaneseq.u32;
	s0 =	sadd.s32 s3, s0;
	s2 =	sadd.s32 $0x22000, s2;
	[dreg:$0xa] =	wrdreg s31  }
0xc: {  	vm0 =	vmmov $0xffff;
	v1 =	vshrl.u32 v2, $0x3;
	s0 =	sadd.s32 $0x2000, s0;
	[dreg:$0x5] =	wrdreg s2  }
0xd: {  	v0 =	vand.u32 $0x7, v2;
	v2 =	vor.u32 $0x8, v2;
	v1 =	vmul.u32 $0x8, v1;
	s1 =	simm.s32 $0x0;
	[dreg:$0x6] =	wrdreg s0  }
.LBB2_1:
0xe: {  	[dreg:$0xb] =	wrdreg s1  }
0xf: {  	s11 =	simm.s32 $0x0;
	s0 =	rddreg [dreg:$0x5];
	s2 =	simm.s32 $0x3  }
0x10: {  	[tilespmem:s11], [sflag:$0x3] =	stream.linear.gather [hbm4b:s0+s11], $0x2000, $0x38;
	[tilespmem:$0x1A400] =	vst v63  }
0x11: {  	_ =	swait.ge [sflag:s2], $0x2000  }
0x12: {  	[sflag:s2] =	ssyncset.done $0x0  }
0x13: {  	s3 =	simm.s32 $0x2000;
	s12 =	rddreg [dreg:$0x6];
	[sflag:s2] =	ssyncadd.s32 $0xFFFFE000  }
0x14: {  	[tilespmem:s3], [sflag:$0x3] =	stream.linear.gather [hbm4b:s12+s11], $0x8000, $0x38;
	[tilespmem:$0x1A400] =	vst v63  }
0x15: {  	_ =	swait.ge [sflag:s2], $0x8000  }
0x16: {  	[sflag:s2] =	ssyncset.done $0x0  }
0x17: {  	[sflag:s2] =	ssyncadd.s32 $0xFFFF8000  }
0x18: {  	v3 =	vld [tilespmem:$0x0];
	_ =	sdelay $0x4  }
0x19: {  	v4 =	vshll.u32 v3, $0x3  }
0x1a: {  	v3 =	vand.u32 $0x7, v3;
	v4 =	vand.u32 $0xFFFFFFC0, v4  }
0x1b: {  	v3 =	vor.u32 v3, v4  }
0x1c: {  	v4 =	vperm.xlane v3, v0;
	_ =	sdelay $0x1  }
0x1d: {  	v4 =	vadd.s32 v1, v4;
	_ =	sdelay $0x3  }
0x1e: {  	s14 =	simm.s32 $0xA000;
	s13 =	rddreg [dreg:$0x1]  }
0x1f: {  	[tilespmem:s14], [sflag:$0x1] =	stream.indirect_vreg.gather [hbm4b:s13+s11], $0x80, v4, vm0, $0xb8;
	[tilespmem:$0x1A400] =	vst v63  }
0x20: {  	s16 =	simm.s32 $0xA800;
	s15 =	rddreg [dreg:$0x7];
	v3 =	vperm.xlane v3, v2  }
0x21: {  	[tilespmem:s16], [sflag:$0x1] =	stream.indirect_vreg.gather [hbm4b:s15+s11], $0x80, v4, vm0, $0xb8;
	[tilespmem:$0x1A400] =	vst v63  }
0x22: {  	s4 =	simm.s32 $0xB000;
	s17 =	rddreg [dreg:$0x8];
	v3 =	vadd.s32 v1, v3  }
0x23: {  	[tilespmem:s4], [sflag:$0x1] =	stream.indirect_vreg.gather [hbm4b:s17+s11], $0x80, v4, vm0, $0xb8;
	[tilespmem:$0x1A400] =	vst v63  }
0x24: {  	s5 =	simm.s32 $0xB800;
	s18 =	rddreg [dreg:$0x9]  }
0x25: {  	[tilespmem:s5], [sflag:$0x1] =	stream.indirect_vreg.gather [hbm4b:s18+s11], $0x80, v4, vm0, $0xb8;
	[tilespmem:$0x1A400] =	vst v63  }
0x26: {  	s19 =	simm.s32 $0xC000  }
0x27: {  	[tilespmem:s19], [sflag:$0x1] =	stream.indirect_vreg.gather [hbm4b:s13+s11], $0x80, v3, vm0, $0xb8;
	[tilespmem:$0x1A400] =	vst v63  }
0x28: {  	s20 =	simm.s32 $0xC800  }
0x29: {  	[tilespmem:s20], [sflag:$0x1] =	stream.indirect_vreg.gather [hbm4b:s15+s11], $0x80, v3, vm0, $0xb8;
	[tilespmem:$0x1A400] =	vst v63  }
0x2a: {  	s21 =	simm.s32 $0xD000  }
0x2b: {  	[tilespmem:s21], [sflag:$0x1] =	stream.indirect_vreg.gather [hbm4b:s17+s11], $0x80, v3, vm0, $0xb8;
	[tilespmem:$0x1A400] =	vst v63  }
0x2c: {  	s22 =	simm.s32 $0xD800  }
0x2d: {  	[tilespmem:s22], [sflag:$0x1] =	stream.indirect_vreg.gather [hbm4b:s18+s11], $0x80, v3, vm0, $0xb8;
	[tilespmem:$0x1A400] =	vst v63  }
0x2e: {  	v3 =	vld [tilespmem:$0x10];
	_ =	sdelay $0x4  }
0x2f: {  	v63 =	vshll.u32 v3, $0x3  }
0x30: {  	v3 =	vand.u32 $0x7, v3;
	v4 =	vand.u32 $0xFFFFFFC0, v63  }
0x31: {  	v3 =	vor.u32 v3, v4  }
0x32: {  	v4 =	vperm.xlane v3, v0;
	_ =	sdelay $0x1  }
0x33: {  	v4 =	vadd.s32 v1, v4;
	_ =	sdelay $0x3  }
0x34: {  	s23 =	simm.s32 $0xE000  }
0x35: {  	[tilespmem:s23], [sflag:$0x1] =	stream.indirect_vreg.gather [hbm4b:s13+s11], $0x80, v4, vm0, $0xb8;
	[tilespmem:$0x1A400] =	vst v63  }
0x36: {  	s24 =	simm.s32 $0xE800;
	v3 =	vperm.xlane v3, v2  }
0x37: {  	[tilespmem:s24], [sflag:$0x1] =	stream.indirect_vreg.gather [hbm4b:s15+s11], $0x80, v4, vm0, $0xb8;
	[tilespmem:$0x1A400] =	vst v63  }
0x38: {  	s25 =	simm.s32 $0xF000;
	v3 =	vadd.s32 v1, v3  }
0x39: {  	[tilespmem:s25], [sflag:$0x1] =	stream.indirect_vreg.gather [hbm4b:s17+s11], $0x80, v4, vm0, $0xb8;
	[tilespmem:$0x1A400] =	vst v63  }
0x3a: {  	s26 =	simm.s32 $0xF800  }
0x3b: {  	[tilespmem:s26], [sflag:$0x1] =	stream.indirect_vreg.gather [hbm4b:s18+s11], $0x80, v4, vm0, $0xb8;
	[tilespmem:$0x1A400] =	vst v63  }
0x3c: {  	s28 =	simm.s32 $0x10000  }
0x3d: {  	[tilespmem:s28], [sflag:$0x1] =	stream.indirect_vreg.gather [hbm4b:s13+s11], $0x80, v3, vm0, $0xb8;
	[tilespmem:$0x1A400] =	vst v63  }
0x3e: {  	s29 =	simm.s32 $0x10800  }
0x3f: {  	[tilespmem:s29], [sflag:$0x1] =	stream.indirect_vreg.gather [hbm4b:s15+s11], $0x80, v3, vm0, $0xb8;
	[tilespmem:$0x1A400] =	vst v63  }
0x40: {  	s30 =	simm.s32 $0x11000  }
0x41: {  	[tilespmem:s30], [sflag:$0x1] =	stream.indirect_vreg.gather [hbm4b:s17+s11], $0x80, v3, vm0, $0xb8;
	[tilespmem:$0x1A400] =	vst v63  }
0x42: {  	s31 =	simm.s32 $0x11800;
	s7 =	simm.s32 $0x0  }
0x43: {  	[tilespmem:s31], [sflag:$0x1] =	stream.indirect_vreg.gather [hbm4b:s18+s11], $0x80, v3, vm0, $0xb8;
	[tilespmem:$0x1A400] =	vst v63  }
.LBB2_2:
0x44: {  	s0 =	sshllo.u32 s7, $0x1  }
0x45: {  	[dreg:$0xd] =	wrdreg s0;
	s0 =	sshll.u32 s0, $0x7  }
0x46: {  	s1 =	sand.u32 $0x3FFFFF80, s0  }
0x47: {  	v3 =	vld [tilespmem:s1+$0x0];
	_ =	sdelay $0x4  }
0x48: {  	v4 =	vshll.u32 v3, $0x3  }
0x49: {  	v3 =	vand.u32 $0x7, v3;
	v4 =	vand.u32 $0xFFFFFFC0, v4  }
0x4a: {  	v3 =	vor.u32 v3, v4  }
0x4b: {  	v4 =	vperm.xlane v3, v0;
	_ =	sdelay $0x1  }
0x4c: {  	v4 =	vadd.s32 v1, v4;
	_ =	sdelay $0x2  }
0x4d: {  	s2 =	rddreg [dreg:$0x1]  }
0x4e: {  	s3 =	simm.s32 $0x12000;
	[dreg:$0xe] =	wrdreg s0;
	s0 =	simm.s32 $0x0  }
0x4f: {  	[tilespmem:s3], [sflag:$0x2] =	stream.indirect_vreg.gather [hbm4b:s2+s0], $0x80, v4, vm0, $0xb8;
	[tilespmem:$0x1A400] =	vst v63  }
0x50: {  	s26 =	rddreg [dreg:$0x7];
	s4 =	simm.s32 $0x12800;
	v3 =	vperm.xlane v3, v2  }
0x51: {  	[tilespmem:s4], [sflag:$0x2] =	stream.indirect_vreg.gather [hbm4b:s26+s0], $0x80, v4, vm0, $0xb8;
	[tilespmem:$0x1A400] =	vst v63  }
0x52: {  	s28 =	rddreg [dreg:$0x8];
	s5 =	simm.s32 $0x13000;
	v3 =	vadd.s32 v1, v3  }
0x53: {  	[tilespmem:s5], [sflag:$0x2] =	stream.indirect_vreg.gather [hbm4b:s28+s0], $0x80, v4, vm0, $0xb8;
	[tilespmem:$0x1A400] =	vst v63  }
0x54: {  	s29 =	rddreg [dreg:$0x9];
	s6 =	simm.s32 $0x13800  }
0x55: {  	[tilespmem:s6], [sflag:$0x2] =	stream.indirect_vreg.gather [hbm4b:s29+s0], $0x80, v4, vm0, $0xb8;
	[tilespmem:$0x1A400] =	vst v63  }
0x56: {  	s30 =	simm.s32 $0x14000  }
0x57: {  	[tilespmem:s30], [sflag:$0x2] =	stream.indirect_vreg.gather [hbm4b:s2+s0], $0x80, v3, vm0, $0xb8;
	[tilespmem:$0x1A400] =	vst v63  }
0x58: {  	s31 =	simm.s32 $0x14800  }
0x59: {  	[tilespmem:s31], [sflag:$0x2] =	stream.indirect_vreg.gather [hbm4b:s26+s0], $0x80, v3, vm0, $0xb8;
	[tilespmem:$0x1A400] =	vst v63  }
0x5a: {  	s8 =	simm.s32 $0x15000  }
0x5b: {  	[tilespmem:s8], [sflag:$0x2] =	stream.indirect_vreg.gather [hbm4b:s28+s0], $0x80, v3, vm0, $0xb8;
	[tilespmem:$0x1A400] =	vst v63  }
0x5c: {  	s9 =	simm.s32 $0x15800  }
0x5d: {  	[tilespmem:s9], [sflag:$0x2] =	stream.indirect_vreg.gather [hbm4b:s29+s0], $0x80, v3, vm0, $0xb8;
	[tilespmem:$0x1A400] =	vst v63  }
0x5e: {  	v3 =	vld [tilespmem:s1+$0x10];
	_ =	sdelay $0x4  }
0x5f: {  	v4 =	vshll.u32 v3, $0x3  }
0x60: {  	v3 =	vand.u32 $0x7, v3;
	v4 =	vand.u32 $0xFFFFFFC0, v4  }
0x61: {  	v3 =	vor.u32 v3, v4  }
0x62: {  	v4 =	vperm.xlane v3, v0;
	_ =	sdelay $0x1  }
0x63: {  	v4 =	vadd.s32 v1, v4;
	_ =	sdelay $0x3  }
0x64: {  	s10 =	simm.s32 $0x16000  }
0x65: {  	[tilespmem:s10], [sflag:$0x2] =	stream.indirect_vreg.gather [hbm4b:s2+s0], $0x80, v4, vm0, $0xb8;
	[tilespmem:$0x1A400] =	vst v63  }
0x66: {  	s11 =	simm.s32 $0x16800;
	v3 =	vperm.xlane v3, v2  }
0x67: {  	[tilespmem:s11], [sflag:$0x2] =	stream.indirect_vreg.gather [hbm4b:s26+s0], $0x80, v4, vm0, $0xb8;
	[tilespmem:$0x1A400] =	vst v63  }
0x68: {  	s12 =	simm.s32 $0x17000;
	v3 =	vadd.s32 v1, v3  }
0x69: {  	[tilespmem:s12], [sflag:$0x2] =	stream.indirect_vreg.gather [hbm4b:s28+s0], $0x80, v4, vm0, $0xb8;
	[tilespmem:$0x1A400] =	vst v63  }
0x6a: {  	s13 =	simm.s32 $0x17800  }
0x6b: {  	[tilespmem:s13], [sflag:$0x2] =	stream.indirect_vreg.gather [hbm4b:s29+s0], $0x80, v4, vm0, $0xb8;
	[tilespmem:$0x1A400] =	vst v63  }
0x6c: {  	s14 =	simm.s32 $0x18000  }
0x6d: {  	[tilespmem:s14], [sflag:$0x2] =	stream.indirect_vreg.gather [hbm4b:s2+s0], $0x80, v3, vm0, $0xb8;
	[tilespmem:$0x1A400] =	vst v63  }
0x6e: {  	s15 =	simm.s32 $0x18800  }
0x6f: {  	[tilespmem:s15], [sflag:$0x2] =	stream.indirect_vreg.gather [hbm4b:s26+s0], $0x80, v3, vm0, $0xb8;
	[tilespmem:$0x1A400] =	vst v63  }
0x70: {  	s16 =	simm.s32 $0x19000  }
0x71: {  	[tilespmem:s16], [sflag:$0x2] =	stream.indirect_vreg.gather [hbm4b:s28+s0], $0x80, v3, vm0, $0xb8;
	[tilespmem:$0x1A400] =	vst v63  }
0x72: {  	s17 =	simm.s32 $0x19800;
	s18 =	sshll.u32 s7, $0xA;
	s19 =	simm.s32 $0x1  }
0x73: {  	[tilespmem:s17], [sflag:$0x2] =	stream.indirect_vreg.gather [hbm4b:s29+s0], $0x80, v3, vm0, $0xb8;
	[tilespmem:$0x1A400] =	vst v63  }
0x74: {  	s21 =	sshll.u32 s7, $0x8;
	s20 =	sand.u32 $0x7000, s18;
	_ =	swait.ge [sflag:s19], $0x8000  }
0x75: {  	s1 =	sadd.s32 $0x2000, s20;
	s2 =	sand.u32 $0x300, s21;
	[sflag:s19] =	ssyncset.done $0x0  }
0x76: {  	[dreg:$0x11] =	wrdreg s1;
	s1 =	sor.u32 s2, s1;
	[sflag:s19] =	ssyncadd.s32 $0xFFFF8000  }
0x77: {  	v3 =	vld [tilespmem:s1+$0x0]  }
0x78: {  	v4 =	vld [tilespmem:s1+$0x10]  }
0x79: {  	v5 =	vld [tilespmem:s1+$0x20]  }
0x7a: {  	v6 =	vld [tilespmem:s1+$0x30]  }
0x7b: {  	v7 =	vld [tilespmem:s1+$0x40]  }
0x7c: {  	v8 =	vld [tilespmem:s1+$0x50]  }
0x7d: {  	v9 =	vld [tilespmem:s1+$0x60]  }
0x7e: {  	v10 =	vld [tilespmem:s1+$0x70]  }
0x7f: {  	v11 =	vld [tilespmem:s1+$0x400]  }
0x80: {  	v12 =	vld [tilespmem:s1+$0x410]  }
0x81: {  	v13 =	vld [tilespmem:s1+$0x420]  }
0x82: {  	v14 =	vld [tilespmem:s1+$0x430]  }
0x83: {  	v15 =	vld [tilespmem:s1+$0x440]  }
0x84: {  	v16 =	vld [tilespmem:s1+$0x450]  }
0x85: {  	v17 =	vld [tilespmem:s1+$0x460]  }
0x86: {  	v18 =	vld [tilespmem:s1+$0x470]  }
0x87: {  	v19 =	vld [tilespmem:s1+$0x800]  }
0x88: {  	v20 =	vld [tilespmem:s1+$0x810]  }
0x89: {  	v21 =	vld [tilespmem:s1+$0x820]  }
0x8a: {  	v22 =	vld [tilespmem:s1+$0x830]  }
0x8b: {  	v23 =	vld [tilespmem:s1+$0x840]  }
0x8c: {  	v24 =	vld [tilespmem:s1+$0x850]  }
0x8d: {  	s2 =	sor.u32 s18, s2;
	v25 =	vld [tilespmem:s1+$0x860]  }
0x8e: {  	s22 =	sor.u32 $0xC00, s2;
	v26 =	vld [tilespmem:s1+$0x870]  }
0x8f: {  	s23 =	sor.u32 $0xC10, s2;
	v27 =	vld [tilespmem:s22+$0x2000]  }
0x90: {  	s24 =	sor.u32 $0xC20, s2;
	v28 =	vld [tilespmem:s23+$0x2000]  }
0x91: {  	s25 =	sor.u32 $0xC30, s2;
	v29 =	vld [tilespmem:s24+$0x2000]  }
0x92: {  	s26 =	sor.u32 $0xC40, s2;
	v30 =	vld [tilespmem:s25+$0x2000]  }
0x93: {  	s28 =	sor.u32 $0xC50, s2;
	v31 =	vld [tilespmem:s26+$0x2000]  }
0x94: {  	s30 =	sshll.u32 s7, $0x1;
	[dreg:$0xf] =	wrdreg s18;
	s29 =	sor.u32 $0xC60, s2;
	v32 =	vld [tilespmem:s28+$0x2000]  }
0x95: {  	s14 =	simm.s32 $0xFFFFFFFE;
	[dreg:$0xc] =	wrdreg s7;
	s31 =	sor.u32 $0xC70, s2;
	v33 =	vld [tilespmem:s29+$0x2000]  }
0x96: {  	s15 =	simm.s32 $0x1A000;
	s16 =	simm.s32 $0x0;
	[dreg:$0x12] =	wrdreg s30;
	v34 =	vld [tilespmem:s31+$0x2000]  }
.LBB2_3:
0x97: {  	s1 =	sand.u32 $0x1C00, s16  }
0x98: {  	s17 =	sand.u32 $0x60, s0;
	s3 =	sor.u32 $0xA000, s1  }
0x99: {  	s2 =	sor.u32 s17, s3  }
0x9a: {  	v35 =	vld [tilespmem:s2+$0x0]  }
0x9b: {  	v36 =	vld [tilespmem:s2+$0x80]  }
0x9c: {  	v37 =	vld [tilespmem:s2+$0x100]  }
0x9d: {  	v38 =	vld [tilespmem:s2+$0x180]  }
0x9e: {  	v39 =	vld [tilespmem:s2+$0x200]  }
0x9f: {  	v40 =	vld [tilespmem:s2+$0x280]  }
0xa0: {  	s5 =	sor.u32 $0xC000, s1;
	v41 =	vld [tilespmem:s2+$0x300]  }
0xa1: {  	s18 =	sor.u32 $0xC080, s1;
	s7 =	sor.u32 s17, s5;
	v42 =	vld [tilespmem:s2+$0x380]  }
0xa2: {  	s19 =	sor.u32 $0xC100, s1;
	s8 =	sor.u32 s17, s18;
	v43 =	vld [tilespmem:s7+$0x0]  }
0xa3: {  	s6 =	sor.u32 $0xC180, s1;
	s9 =	sor.u32 s17, s19;
	v44 =	vld [tilespmem:s8+$0x0]  }
0xa4: {  	s10 =	sor.u32 s17, s6;
	v45 =	vld [tilespmem:s9+$0x0];
	s7 =	sor.u32 $0xC200, s1  }
0xa5: {  	v46 =	vld [tilespmem:s10+$0x0];
	s2 =	sor.u32 $0xC280, s1;
	s4 =	sor.u32 s17, s7  }
0xa6: {  	s8 =	sor.u32 $0xC300, s1;
	s11 =	sor.u32 s17, s2;
	v47 =	vld [tilespmem:s4+$0x0]  }
0xa7: {  	s9 =	sor.u32 $0xC380, s1;
	s12 =	sor.u32 s17, s8;
	v48 =	vld [tilespmem:s11+$0x0]  }
0xa8: {  	s10 =	sor.u32 $0xE000, s1;
	s13 =	sor.u32 s17, s9;
	v49 =	vld [tilespmem:s12+$0x0]  }
0xa9: {  	s20 =	sor.u32 s17, s10;
	v50 =	vld [tilespmem:s13+$0x0];
	s11 =	sor.u32 $0xE080, s1  }
0xaa: {  	v51 =	vld [tilespmem:s20+$0x0];
	s12 =	sor.u32 $0xE100, s1;
	s21 =	sor.u32 s17, s11  }
0xab: {  	s20 =	sor.u32 $0xE180, s1;
	s22 =	sor.u32 s17, s12;
	v52 =	vld [tilespmem:s21+$0x0]  }
0xac: {  	s23 =	sor.u32 s17, s20;
	v53 =	vld [tilespmem:s22+$0x0];
	s21 =	sor.u32 $0xE200, s1;
	v35 =	vmul.f32 v35, v3;
	v36 =	vmul.f32 v36, v4  }
0xad: {  	v54 =	vld [tilespmem:s23+$0x0];
	s22 =	sor.u32 $0xE280, s1;
	v37 =	vmul.f32 v37, v5;
	s24 =	sor.u32 s17, s21;
	v38 =	vmul.f32 v38, v6  }
0xae: {  	s23 =	sor.u32 $0xE300, s1;
	v43 =	vmul.f32 v43, v11;
	s25 =	sor.u32 s17, s22;
	v39 =	vmul.f32 v39, v7;
	v55 =	vld [tilespmem:s24+$0x0]  }
0xaf: {  	v44 =	vmul.f32 v44, v12;
	s26 =	sor.u32 s17, s23;
	v40 =	vmul.f32 v40, v8;
	v56 =	vld [tilespmem:s25+$0x0];
	s24 =	sor.u32 $0xE380, s1  }
0xb0: {  	v60 =	vmul.f32 v45, v13;
	v41 =	vmul.f32 v41, v9;
	v45 =	vld [tilespmem:s26+$0x0];
	s25 =	sor.u32 $0x10000, s1;
	s28 =	sor.u32 s17, s24  }
0xb1: {  	v61 =	vmul.f32 v46, v14;
	v42 =	vmul.f32 v42, v10;
	s26 =	sor.u32 $0x10080, s1;
	v35 =	vadd.f32 v43, v35;
	s29 =	sor.u32 s17, s25;
	v46 =	vld [tilespmem:s28+$0x0]  }
0xb2: {  	v36 =	vadd.f32 v44, v36;
	v62 =	vmul.f32 v47, v15;
	v63 =	vmul.f32 v48, v16;
	s30 =	sor.u32 s17, s26;
	v48 =	vld [tilespmem:s29+$0x0];
	s28 =	sor.u32 $0x10100, s1  }
0xb3: {  	v37 =	vadd.f32 v60, v37;
	v38 =	vadd.f32 v61, v38;
	v57 =	vmul.f32 v49, v17;
	v49 =	vld [tilespmem:s30+$0x0];
	s29 =	sor.u32 $0x10180, s1;
	s31 =	sor.u32 s17, s28  }
0xb4: {  	v58 =	vmul.f32 v50, v18;
	v59 =	vmul.f32 v51, v19;
	s30 =	sor.u32 $0x10200, s1;
	v39 =	vadd.f32 v62, v39;
	s13 =	sor.u32 s17, s29;
	v47 =	vld [tilespmem:s31+$0x0]  }
0xb5: {  	v40 =	vadd.f32 v63, v40;
	v41 =	vadd.f32 v57, v41;
	v60 =	vmul.f32 v52, v20;
	v51 =	vld [tilespmem:s13+$0x0];
	s31 =	sor.u32 s17, s30;
	s13 =	sor.u32 $0x10280, s1  }
0xb6: {  	s4 =	sor.u32 $0x10300, s1;
	v42 =	vadd.f32 v58, v42;
	v61 =	vmul.f32 v53, v21;
	v62 =	vmul.f32 v54, v22;
	v53 =	vld [tilespmem:s31+$0x0];
	s31 =	sor.u32 s17, s13  }
0xb7: {  	v35 =	vadd.f32 v59, v35;
	s1 =	sor.u32 $0x10380, s1;
	v36 =	vadd.f32 v60, v36;
	v63 =	vmul.f32 v55, v23;
	v54 =	vld [tilespmem:s31+$0x0];
	s31 =	sor.u32 s17, s4  }
0xb8: {  	v37 =	vadd.f32 v61, v37;
	v38 =	vadd.f32 v62, v38;
	v56 =	vmul.f32 v56, v24;
	v50 =	vld [tilespmem:s31+$0x0];
	s31 =	sor.u32 s17, s1  }
0xb9: {  	v58 =	vmul.f32 v45, v25;
	v39 =	vadd.f32 v63, v39;
	v59 =	vmul.f32 v46, v26;
	v57 =	vld [tilespmem:s31+$0x0]  }
0xba: {  	v40 =	vadd.f32 v56, v40;
	v60 =	vmul.f32 v48, v27;
	v61 =	vmul.f32 v49, v28  }
0xbb: {  	v41 =	vadd.f32 v58, v41;
	v42 =	vadd.f32 v59, v42;
	v62 =	vmul.f32 v47, v29  }
0xbc: {  	v35 =	vadd.f32 v60, v35;
	v36 =	vadd.f32 v61, v36;
	v63 =	vmul.f32 v51, v30  }
0xbd: {  	v48 =	vmul.f32 v53, v31;
	v37 =	vadd.f32 v62, v37;
	v49 =	vmul.f32 v54, v32  }
0xbe: {  	v38 =	vadd.f32 v63, v38;
	v51 =	vmul.f32 v50, v33;
	v52 =	vmul.f32 v57, v34  }
0xbf: {  	v39 =	vadd.f32 v48, v39;
	v40 =	vadd.f32 v49, v40  }
0xc0: {  	v41 =	vadd.f32 v51, v41;
	v42 =	vadd.f32 v52, v42  }
0xc1: {  	v35 =	vadd.f32 v36, v35;
	v53 =	vadd.f32 v38, v37  }
0xc2: {  	v54 =	vadd.f32 v40, v39;
	v55 =	vadd.f32 v42, v41;
	_ =	sdelay $0x1  }
0xc3: {  	v35 =	vadd.f32 v53, v35;
	v56 =	vadd.f32 v55, v54;
	_ =	sdelay $0x1  }
0xc4: {  	v35 =	vadd.f32 v56, v35  }
0xc5: {  	s17 =	sor.u32 $0x10, s17  }
0xc6: {  	s3 =	sor.u32 s17, s3;
	[tilespmem:s15+$0x0] =	vst v35  }
0xc7: {  	v35 =	vld [tilespmem:s3+$0x0]  }
0xc8: {  	v57 =	vld [tilespmem:s3+$0x80]  }
0xc9: {  	v37 =	vld [tilespmem:s3+$0x100]  }
0xca: {  	v38 =	vld [tilespmem:s3+$0x180]  }
0xcb: {  	v39 =	vld [tilespmem:s3+$0x200]  }
0xcc: {  	v40 =	vld [tilespmem:s3+$0x280]  }
0xcd: {  	v41 =	vld [tilespmem:s3+$0x300]  }
0xce: {  	s5 =	sor.u32 s17, s5;
	v42 =	vld [tilespmem:s3+$0x380]  }
0xcf: {  	s31 =	sor.u32 s17, s18;
	v58 =	vld [tilespmem:s5+$0x0]  }
0xd0: {  	s6 =	sor.u32 s17, s6;
	v59 =	vld [tilespmem:s31+$0x0]  }
0xd1: {  	s7 =	sor.u32 s17, s7;
	v63 =	vld [tilespmem:s6+$0x0]  }
0xd2: {  	s2 =	sor.u32 s17, s2;
	v47 =	vld [tilespmem:s7+$0x0]  }
0xd3: {  	s8 =	sor.u32 s17, s8;
	v48 =	vld [tilespmem:s2+$0x0]  }
0xd4: {  	s9 =	sor.u32 s17, s9;
	v49 =	vld [tilespmem:s8+$0x0]  }
0xd5: {  	s10 =	sor.u32 s17, s10;
	v60 =	vld [tilespmem:s9+$0x0]  }
0xd6: {  	s11 =	sor.u32 s17, s11;
	v61 =	vld [tilespmem:s10+$0x0]  }
0xd7: {  	s12 =	sor.u32 s17, s12;
	v52 =	vld [tilespmem:s11+$0x0]  }
0xd8: {  	s18 =	sor.u32 s17, s20;
	v53 =	vld [tilespmem:s12+$0x0];
	v35 =	vmul.f32 v35, v3  }
0xd9: {  	s20 =	sor.u32 s17, s22;
	v54 =	vld [tilespmem:s18+$0x0];
	v43 =	vmul.f32 v58, v11;
	v36 =	vmul.f32 v57, v4  }
0xda: {  	s22 =	sor.u32 s17, s24;
	v56 =	vld [tilespmem:s20+$0x0];
	v44 =	vmul.f32 v59, v12;
	v37 =	vmul.f32 v37, v5  }
0xdb: {  	s5 =	sor.u32 s17, s19;
	v46 =	vld [tilespmem:s22+$0x0];
	v38 =	vmul.f32 v38, v6;
	v63 =	vmul.f32 v63, v14  }
0xdc: {  	s24 =	sor.u32 s17, s26;
	s26 =	sor.u32 s17, s29;
	v62 =	vld [tilespmem:s5+$0x0];
	v39 =	vmul.f32 v39, v7;
	v57 =	vmul.f32 v47, v15  }
0xdd: {  	s19 =	sor.u32 s17, s21;
	v50 =	vld [tilespmem:s26+$0x0];
	v40 =	vmul.f32 v40, v8;
	v58 =	vmul.f32 v48, v16  }
0xde: {  	s21 =	sor.u32 s17, s23;
	s23 =	sor.u32 s17, s25;
	v55 =	vld [tilespmem:s19+$0x0];
	v41 =	vmul.f32 v41, v9;
	v59 =	vmul.f32 v49, v17  }
0xdf: {  	s25 =	sor.u32 s17, s28;
	s28 =	sor.u32 s17, s30;
	s30 =	sor.u32 s17, s4;
	v45 =	vld [tilespmem:s21+$0x0];
	v42 =	vmul.f32 v42, v10;
	v60 =	vmul.f32 v60, v18;
	v35 =	vadd.f32 v43, v35  }
0xe0: {  	v51 =	vld [tilespmem:s30+$0x0];
	v61 =	vmul.f32 v61, v19;
	v36 =	vadd.f32 v44, v36;
	v38 =	vadd.f32 v63, v38  }
0xe1: {  	v47 =	vld [tilespmem:s23+$0x0];
	v62 =	vmul.f32 v62, v13;
	v39 =	vadd.f32 v57, v39;
	v40 =	vadd.f32 v58, v40  }
0xe2: {  	v48 =	vld [tilespmem:s24+$0x0];
	v41 =	vadd.f32 v59, v41;
	v63 =	vmul.f32 v53, v21;
	v57 =	vmul.f32 v54, v22  }
0xe3: {  	s29 =	sor.u32 s17, s13;
	v49 =	vld [tilespmem:s25+$0x0];
	v42 =	vadd.f32 v60, v42;
	v58 =	vmul.f32 v55, v23;
	v59 =	vmul.f32 v56, v24  }
0xe4: {  	v54 =	vld [tilespmem:s29+$0x0];
	v60 =	vmul.f32 v45, v25;
	v37 =	vadd.f32 v62, v37;
	v62 =	vmul.f32 v52, v20  }
0xe5: {  	s1 =	sor.u32 s17, s1;
	v56 =	vmul.f32 v50, v30;
	v52 =	vld [tilespmem:s28+$0x0];
	v35 =	vadd.f32 v61, v35;
	v38 =	vadd.f32 v57, v38  }
0xe6: {  	v39 =	vadd.f32 v58, v39;
	v61 =	vmul.f32 v46, v26;
	v36 =	vadd.f32 v62, v36;
	v62 =	vld [tilespmem:s1+$0x0]  }
0xe7: {  	v40 =	vadd.f32 v59, v40;
	v41 =	vadd.f32 v60, v41;
	v59 =	vmul.f32 v51, v33  }
0xe8: {  	v37 =	vadd.f32 v63, v37;
	v63 =	vmul.f32 v47, v27;
	v53 =	vmul.f32 v48, v28  }
0xe9: {  	v55 =	vmul.f32 v49, v29;
	v42 =	vadd.f32 v61, v42;
	v38 =	vadd.f32 v56, v38  }
0xea: {  	v41 =	vadd.f32 v59, v41;
	v35 =	vadd.f32 v63, v35;
	v58 =	vmul.f32 v54, v32  }
0xeb: {  	v36 =	vadd.f32 v53, v36;
	v57 =	vmul.f32 v52, v31;
	v46 =	vmul.f32 v62, v34  }
0xec: {  	v37 =	vadd.f32 v55, v37;
	v40 =	vadd.f32 v58, v40  }
0xed: {  	v39 =	vadd.f32 v57, v39;
	v42 =	vadd.f32 v46, v42  }
0xee: {  	v35 =	vadd.f32 v36, v35;
	v60 =	vadd.f32 v38, v37  }
0xef: {  	s14 =	sadd.s32 $0x2, s14;
	v61 =	vadd.f32 v40, v39;
	v62 =	vadd.f32 v42, v41  }
0xf0: {  	p0 =	slt.u32 s14, $0x3E  }
.Ltmp0:
0xf1: {  	v35 =	vadd.f32 v60, v35;
	v63 =	vadd.f32 v62, v61;
	(pc) =	sbr.rel @p0 .LBB2_3-.Ltmp0, $4  }
0xf2: {  	_ = 	snop  }
0xf3: {  	s31 =	sand.u32 $0x380, s0;
	v35 =	vadd.f32 v63, v35  }
0xf4: {  	s1 =	sor.u32 s17, s31  }
0xf5: {  	s16 =	sadd.s32 $0x100, s16;
	s15 =	sadd.s32 $0x20, s15;
	s0 =	sadd.s32 $0x20, s0;
	[tilespmem:s1+$0x1A000] =	vst v35  }
0xf6: {  	s0 =	rddreg [dreg:$0x4]  }
0xf7: {  	s1 =	rddreg [dreg:$0x12]  }
0xf8: {  	s4 =	rddreg [dreg:$0xc]  }
0xf9: {  	s16 =	rddreg [dreg:$0x2]  }
0xfa: {  	s17 =	simm.s32 $0x80;
	s0 =	sadd.s32 s0, s1;
	s15 =	sshll.u32 s4, $0x5  }
0xfb: {  	s18 =	simm.s32 $0x400;
	s0 =	sshll.u32 s0, $0x7;
	s1 =	sand.u32 $0x60, s15  }
0xfc: {  	s3 =	simm.s32 $0x1A000;
	s2 =	sand.u32 $0x3FC00, s0;
	s0 =	sadd.s32 s16, s1  }
0xfd: {  	s19 =	simm.s32 $0x3;
	[dreg:$0x10] =	wrdreg s2;
	s0 =	sadd.s32 s2, s0  }
0xfe: {  	[hbm4b:s0+s17] =	stream.strided.scatter [tilespmem:s3], [sflag:$0x3], $0x400, s18, s17, $0x38;
	[tilespmem:$0x1A400] =	vst v63  }
0xff: {  	_ =	swait.ge [sflag:s19], $0x400  }
0x100: {  	p0 =	seq.s32 s4, $0x1F;
	[sflag:s19] =	ssyncset.done $0x0;
	s7 =	rddreg [dreg:$0xf]  }
0x101: {  	[sflag:s19] =	ssyncadd.s32 $0xFFFFFC00;
	s0 =	sshrl.u32 @!p0 s7, $0x2  }
0x102: {  	v3 =	vld @!p0 [tilespmem:s0+$0x100];
	_ =	sdelay $0x4  }
0x103: {  	v4 =	vshll.u32 @!p0 v3, $0x3  }
0x104: {  	v5 =	vlaneseq.u32 @!p0;
	v3 =	vand.u32 @!p0 $0x7, v3;
	v4 =	vand.u32 @!p0 $0xFFFFFFC0, v4  }
0x105: {  	v6 =	vshrl.u32 @!p0 v5, $0x3;
	v3 =	vor.u32 @!p0 v3, v4;
	v4 =	vand.u32 @!p0 $0x7, v5  }
0x106: {  	v6 =	vmul.u32 @!p0 $0x8, v6;
	v7 =	vperm.xlane @!p0 v3, v4;
	_ =	sdelay $0x1  }
0x107: {  	v7 =	vadd.s32 @!p0 v6, v7;
	_ =	sdelay $0x3  }
0x108: {  	vm1 =	vmmov @!p0 $0xffff;
	s1 =	simm.s32 @!p0 $0x0;
	s2 =	simm.s32 @!p0 $0xA000;
	s3 =	rddreg [dreg:$0x1]  }
0x109: {  	v5 =	vor.u32 @!p0 $0x8, v5;
	[tilespmem:s2], [sflag:$0x1] =	stream.indirect_vreg.gather @!p0 [hbm4b:s3+s1], $0x80, v7, vm1, $0xb8;
	[tilespmem:$0x1A400] =	vst v63  }
0x10a: {  	s4 =	rddreg [dreg:$0x7];
	v3 =	vperm.xlane @!p0 v3, v5;
	s2 =	simm.s32 @!p0 $0xA800  }
0x10b: {  	[tilespmem:s2], [sflag:$0x1] =	stream.indirect_vreg.gather @!p0 [hbm4b:s4+s1], $0x80, v7, vm1, $0xb8;
	[tilespmem:$0x1A400] =	vst v63  }
0x10c: {  	s5 =	rddreg [dreg:$0x8];
	v3 =	vadd.s32 @!p0 v6, v3;
	s2 =	simm.s32 @!p0 $0xB000  }
0x10d: {  	[tilespmem:s2], [sflag:$0x1] =	stream.indirect_vreg.gather @!p0 [hbm4b:s5+s1], $0x80, v7, vm1, $0xb8;
	[tilespmem:$0x1A400] =	vst v63  }
0x10e: {  	s6 =	rddreg [dreg:$0x9];
	s2 =	simm.s32 @!p0 $0xB800  }
0x10f: {  	[tilespmem:s2], [sflag:$0x1] =	stream.indirect_vreg.gather @!p0 [hbm4b:s6+s1], $0x80, v7, vm1, $0xb8;
	[tilespmem:$0x1A400] =	vst v63  }
0x110: {  	s2 =	simm.s32 @!p0 $0xC000  }
0x111: {  	[tilespmem:s2], [sflag:$0x1] =	stream.indirect_vreg.gather @!p0 [hbm4b:s3+s1], $0x80, v3, vm1, $0xb8;
	[tilespmem:$0x1A400] =	vst v63  }
0x112: {  	s2 =	simm.s32 @!p0 $0xC800  }
0x113: {  	[tilespmem:s2], [sflag:$0x1] =	stream.indirect_vreg.gather @!p0 [hbm4b:s4+s1], $0x80, v3, vm1, $0xb8;
	[tilespmem:$0x1A400] =	vst v63  }
0x114: {  	s2 =	simm.s32 @!p0 $0xD000  }
0x115: {  	[tilespmem:s2], [sflag:$0x1] =	stream.indirect_vreg.gather @!p0 [hbm4b:s5+s1], $0x80, v3, vm1, $0xb8;
	[tilespmem:$0x1A400] =	vst v63  }
0x116: {  	s2 =	simm.s32 @!p0 $0xD800  }
0x117: {  	[tilespmem:s2], [sflag:$0x1] =	stream.indirect_vreg.gather @!p0 [hbm4b:s6+s1], $0x80, v3, vm1, $0xb8;
	[tilespmem:$0x1A400] =	vst v63  }
0x118: {  	v3 =	vld @!p0 [tilespmem:s0+$0x110];
	_ =	sdelay $0x4  }
0x119: {  	v7 =	vshll.u32 @!p0 v3, $0x3  }
0x11a: {  	v3 =	vand.u32 @!p0 $0x7, v3;
	v7 =	vand.u32 @!p0 $0xFFFFFFC0, v7  }
0x11b: {  	v3 =	vor.u32 @!p0 v3, v7  }
0x11c: {  	v4 =	vperm.xlane @!p0 v3, v4;
	_ =	sdelay $0x1  }
0x11d: {  	v4 =	vadd.s32 @!p0 v6, v4;
	_ =	sdelay $0x3  }
0x11e: {  	s0 =	simm.s32 @!p0 $0xE000  }
0x11f: {  	[tilespmem:s0], [sflag:$0x1] =	stream.indirect_vreg.gather @!p0 [hbm4b:s3+s1], $0x80, v4, vm1, $0xb8;
	[tilespmem:$0x1A400] =	vst v63  }
0x120: {  	v3 =	vperm.xlane @!p0 v3, v5;
	s0 =	simm.s32 @!p0 $0xE800  }
0x121: {  	[tilespmem:s0], [sflag:$0x1] =	stream.indirect_vreg.gather @!p0 [hbm4b:s4+s1], $0x80, v4, vm1, $0xb8;
	[tilespmem:$0x1A400] =	vst v63  }
0x122: {  	v3 =	vadd.s32 @!p0 v6, v3;
	s0 =	simm.s32 @!p0 $0xF000  }
0x123: {  	[tilespmem:s0], [sflag:$0x1] =	stream.indirect_vreg.gather @!p0 [hbm4b:s5+s1], $0x80, v4, vm1, $0xb8;
	[tilespmem:$0x1A400] =	vst v63  }
0x124: {  	s0 =	simm.s32 @!p0 $0xF800  }
0x125: {  	[tilespmem:s0], [sflag:$0x1] =	stream.indirect_vreg.gather @!p0 [hbm4b:s6+s1], $0x80, v4, vm1, $0xb8;
	[tilespmem:$0x1A400] =	vst v63  }
0x126: {  	s0 =	simm.s32 @!p0 $0x10000  }
0x127: {  	[tilespmem:s0], [sflag:$0x1] =	stream.indirect_vreg.gather @!p0 [hbm4b:s3+s1], $0x80, v3, vm1, $0xb8;
	[tilespmem:$0x1A400] =	vst v63  }
0x128: {  	s0 =	simm.s32 @!p0 $0x10800  }
0x129: {  	[tilespmem:s0], [sflag:$0x1] =	stream.indirect_vreg.gather @!p0 [hbm4b:s4+s1], $0x80, v3, vm1, $0xb8;
	[tilespmem:$0x1A400] =	vst v63  }
0x12a: {  	s0 =	simm.s32 @!p0 $0x11000  }
0x12b: {  	[tilespmem:s0], [sflag:$0x1] =	stream.indirect_vreg.gather @!p0 [hbm4b:s5+s1], $0x80, v3, vm1, $0xb8;
	[tilespmem:$0x1A400] =	vst v63  }
0x12c: {  	s20 =	simm.s32 $0x2;
	s0 =	simm.s32 @!p0 $0x11800  }
0x12d: {  	[tilespmem:s0], [sflag:$0x1] =	stream.indirect_vreg.gather @!p0 [hbm4b:s6+s1], $0x80, v3, vm1, $0xb8;
	[tilespmem:$0x1A400] =	vst v63  }
0x12e: {  	_ =	swait.ge [sflag:s20], $0x8000  }
0x12f: {  	s21 =	rddreg [dreg:$0xe]  }
0x130: {  	[sflag:s20] =	ssyncset.done $0x0;
	s22 =	rddreg [dreg:$0x11];
	s0 =	sand.u32 $0x380, s21  }
0x131: {  	[sflag:s20] =	ssyncadd.s32 $0xFFFF8000;
	s1 =	sadd.s32 s0, s22  }
0x132: {  	v3 =	vld [tilespmem:s1+$0x0]  }
0x133: {  	v4 =	vld [tilespmem:s1+$0x10]  }
0x134: {  	v5 =	vld [tilespmem:s1+$0x20]  }
0x135: {  	v6 =	vld [tilespmem:s1+$0x30]  }
0x136: {  	v7 =	vld [tilespmem:s1+$0x40]  }
0x137: {  	v8 =	vld [tilespmem:s1+$0x50]  }
0x138: {  	v9 =	vld [tilespmem:s1+$0x60]  }
0x139: {  	v10 =	vld [tilespmem:s1+$0x70]  }
0x13a: {  	v11 =	vld [tilespmem:s1+$0x400]  }
0x13b: {  	v12 =	vld [tilespmem:s1+$0x410]  }
0x13c: {  	v13 =	vld [tilespmem:s1+$0x420]  }
0x13d: {  	v14 =	vld [tilespmem:s1+$0x430]  }
0x13e: {  	v15 =	vld [tilespmem:s1+$0x440]  }
0x13f: {  	v16 =	vld [tilespmem:s1+$0x450]  }
0x140: {  	v17 =	vld [tilespmem:s1+$0x460]  }
0x141: {  	v18 =	vld [tilespmem:s1+$0x470]  }
0x142: {  	v19 =	vld [tilespmem:s1+$0x800]  }
0x143: {  	v20 =	vld [tilespmem:s1+$0x810]  }
0x144: {  	v21 =	vld [tilespmem:s1+$0x820]  }
0x145: {  	v22 =	vld [tilespmem:s1+$0x830]  }
0x146: {  	v23 =	vld [tilespmem:s1+$0x840]  }
0x147: {  	v24 =	vld [tilespmem:s1+$0x850]  }
0x148: {  	s0 =	sor.u32 s7, s0;
	v25 =	vld [tilespmem:s1+$0x860]  }
0x149: {  	v26 =	vld [tilespmem:s1+$0x870];
	s23 =	sor.u32 $0xC00, s0  }
0x14a: {  	s24 =	sor.u32 $0xC10, s0;
	v27 =	vld [tilespmem:s23+$0x2000]  }
0x14b: {  	s25 =	sor.u32 $0xC20, s0;
	v28 =	vld [tilespmem:s24+$0x2000]  }
0x14c: {  	s26 =	sor.u32 $0xC30, s0;
	v29 =	vld [tilespmem:s25+$0x2000]  }
0x14d: {  	s28 =	sor.u32 $0xC40, s0;
	v30 =	vld [tilespmem:s26+$0x2000]  }
0x14e: {  	s29 =	sor.u32 $0xC50, s0;
	v31 =	vld [tilespmem:s28+$0x2000]  }
0x14f: {  	s30 =	sor.u32 $0xC60, s0;
	v32 =	vld [tilespmem:s29+$0x2000]  }
0x150: {  	s31 =	simm.s32 $0x1A000;
	s0 =	sor.u32 $0xC70, s0;
	v33 =	vld [tilespmem:s30+$0x2000]  }
0x151: {  	s13 =	simm.s32 $0x0;
	s4 =	simm.s32 $0x0;
	s1 =	simm.s32 $0xFFFFFFFE;
	v34 =	vld [tilespmem:s0+$0x2000]  }
.LBB2_5:
0x152: {  	s2 =	sand.u32 $0x1C00, s13  }
0x153: {  	s16 =	sand.u32 $0x60, s4;
	s0 =	sor.u32 $0x12000, s2  }
0x154: {  	s3 =	sor.u32 $0x12080, s2;
	[dreg:$0x13] =	wrdreg s0;
	s0 =	sor.u32 s16, s0  }
0x155: {  	s7 =	sor.u32 $0x12100, s2;
	s6 =	sor.u32 s16, s3;
	v35 =	vld [tilespmem:s0+$0x0]  }
0x156: {  	s9 =	sor.u32 $0x12180, s2;
	s8 =	sor.u32 s16, s7;
	v36 =	vld [tilespmem:s6+$0x0]  }
0x157: {  	s11 =	sor.u32 $0x12200, s2;
	s10 =	sor.u32 s16, s9;
	v37 =	vld [tilespmem:s8+$0x0]  }
0x158: {  	s14 =	sor.u32 $0x12280, s2;
	s12 =	sor.u32 s16, s11;
	v38 =	vld [tilespmem:s10+$0x0]  }
0x159: {  	s17 =	sor.u32 $0x12300, s2;
	s15 =	sor.u32 s16, s14;
	v39 =	vld [tilespmem:s12+$0x0]  }
0x15a: {  	s22 =	sor.u32 $0x12380, s2;
	s18 =	sor.u32 s16, s17;
	v40 =	vld [tilespmem:s15+$0x0]  }
0x15b: {  	s23 =	sor.u32 $0x14000, s2;
	s19 =	sor.u32 s16, s22;
	v41 =	vld [tilespmem:s18+$0x0]  }
0x15c: {  	s24 =	sor.u32 $0x14080, s2;
	s20 =	sor.u32 s16, s23;
	v42 =	vld [tilespmem:s19+$0x0]  }
0x15d: {  	s25 =	sor.u32 $0x14100, s2;
	[dreg:$0x16] =	wrdreg s9;
	s21 =	sor.u32 s16, s24;
	v43 =	vld [tilespmem:s20+$0x0]  }
0x15e: {  	[dreg:$0x18] =	wrdreg s14;
	s26 =	sor.u32 s16, s25;
	s14 =	sor.u32 $0x16180, s2;
	v44 =	vld [tilespmem:s21+$0x0]  }
0x15f: {  	[dreg:$0x19] =	wrdreg s17;
	s17 =	sor.u32 $0x16200, s2;
	v45 =	vld [tilespmem:s26+$0x0];
	s9 =	sor.u32 s16, s14  }
0x160: {  	s21 =	sor.u32 $0x14180, s2;
	s10 =	sor.u32 s16, s17;
	v54 =	vld [tilespmem:s9+$0x0]  }
0x161: {  	s20 =	sor.u32 $0x14200, s2;
	s28 =	sor.u32 s16, s21;
	v55 =	vld [tilespmem:s10+$0x0]  }
0x162: {  	s26 =	sor.u32 $0x16000, s2;
	s29 =	sor.u32 s16, s20;
	v46 =	vld [tilespmem:s28+$0x0]  }
0x163: {  	s19 =	sor.u32 $0x16080, s2;
	s6 =	sor.u32 s16, s26;
	v47 =	vld [tilespmem:s29+$0x0]  }
0x164: {  	[dreg:$0x15] =	wrdreg s7;
	s18 =	sor.u32 $0x16100, s2;
	s7 =	sor.u32 s16, s19;
	v51 =	vld [tilespmem:s6+$0x0]  }
0x165: {  	s8 =	sor.u32 s16, s18;
	s28 =	sor.u32 $0x14280, s2;
	v52 =	vld [tilespmem:s7+$0x0]  }
0x166: {  	s29 =	sor.u32 $0x14300, s2;
	v53 =	vld [tilespmem:s8+$0x0];
	s30 =	sor.u32 s16, s28;
	v35 =	vmul.f32 v35, v3  }
0x167: {  	[dreg:$0x14] =	wrdreg s3;
	s12 =	sor.u32 $0x16280, s2;
	s3 =	sor.u32 s16, s29;
	v48 =	vld [tilespmem:s30+$0x0];
	v43 =	vmul.f32 v43, v11;
	v36 =	vmul.f32 v36, v4  }
0x168: {  	[dreg:$0x17] =	wrdreg s11;
	s15 =	sor.u32 $0x16300, s2;
	s11 =	sor.u32 s16, s12;
	v49 =	vld [tilespmem:s3+$0x0];
	v44 =	vmul.f32 v44, v12;
	v37 =	vmul.f32 v37, v5  }
0x169: {  	s30 =	sor.u32 $0x14380, s2;
	s3 =	sor.u32 s16, s15;
	v61 =	vmul.f32 v45, v13;
	v45 =	vld [tilespmem:s11+$0x0];
	v38 =	vmul.f32 v38, v6  }
0x16a: {  	s9 =	sor.u32 $0x16380, s2;
	s5 =	sor.u32 s16, s30;
	v56 =	vld [tilespmem:s3+$0x0];
	v39 =	vmul.f32 v39, v7;
	v40 =	vmul.f32 v40, v8  }
0x16b: {  	s10 =	sor.u32 $0x18000, s2;
	v41 =	vmul.f32 v41, v9;
	v42 =	vmul.f32 v42, v10;
	v50 =	vld [tilespmem:s5+$0x0];
	s5 =	sor.u32 s16, s9  }
0x16c: {  	s6 =	sor.u32 s16, s10;
	s11 =	sor.u32 $0x18080, s2;
	v55 =	vmul.f32 v55, v23;
	v62 =	vmul.f32 v46, v14;
	v46 =	vld [tilespmem:s5+$0x0]  }
0x16d: {  	s8 =	sor.u32 $0x18100, s2;
	s7 =	sor.u32 s16, s11;
	v35 =	vadd.f32 v43, v35;
	v36 =	vadd.f32 v44, v36;
	v63 =	vmul.f32 v47, v15;
	v47 =	vld [tilespmem:s6+$0x0]  }
0x16e: {  	s3 =	sor.u32 s16, s8;
	v37 =	vadd.f32 v61, v37;
	v60 =	vmul.f32 v51, v19;
	v57 =	vmul.f32 v48, v16;
	v48 =	vld [tilespmem:s7+$0x0];
	s7 =	sor.u32 $0x18180, s2  }
0x16f: {  	s6 =	sor.u32 $0x18200, s2;
	v61 =	vmul.f32 v52, v20;
	v38 =	vadd.f32 v62, v38;
	v58 =	vmul.f32 v49, v17;
	v49 =	vld [tilespmem:s3+$0x0];
	s5 =	sor.u32 s16, s7  }
0x170: {  	v39 =	vadd.f32 v63, v39;
	s3 =	sor.u32 s16, s6;
	v62 =	vmul.f32 v53, v21;
	v59 =	vmul.f32 v50, v18;
	v50 =	vld [tilespmem:s5+$0x0];
	s5 =	sor.u32 $0x18280, s2  }
0x171: {  	v63 =	vmul.f32 v54, v22;
	v35 =	vadd.f32 v60, v35;
	v36 =	vadd.f32 v61, v36;
	v52 =	vld [tilespmem:s3+$0x0];
	s3 =	sor.u32 $0x18300, s2;
	s0 =	sor.u32 s16, s5  }
0x172: {  	v60 =	vmul.f32 v56, v25;
	v40 =	vadd.f32 v57, v40;
	v41 =	vadd.f32 v58, v41;
	s2 =	sor.u32 $0x18380, s2;
	v54 =	vld [tilespmem:s0+$0x0];
	s0 =	sor.u32 s16, s3  }
0x173: {  	v37 =	vadd.f32 v62, v37;
	v38 =	vadd.f32 v63, v38;
	v58 =	vmul.f32 v45, v24;
	v57 =	vld [tilespmem:s0+$0x0];
	s0 =	sor.u32 s16, s2  }
0x174: {  	v39 =	vadd.f32 v55, v39;
	v61 =	vmul.f32 v47, v27;
	v42 =	vadd.f32 v59, v42;
	v59 =	vld [tilespmem:s0+$0x0]  }
0x175: {  	v46 =	vmul.f32 v46, v26;
	v40 =	vadd.f32 v58, v40;
	v62 =	vmul.f32 v48, v28  }
0x176: {  	v41 =	vadd.f32 v60, v41;
	v63 =	vmul.f32 v49, v29;
	v35 =	vadd.f32 v61, v35  }
0x177: {  	v42 =	vadd.f32 v46, v42;
	v49 =	vmul.f32 v52, v31;
	v36 =	vadd.f32 v62, v36  }
0x178: {  	v48 =	vmul.f32 v50, v30;
	v37 =	vadd.f32 v63, v37;
	v50 =	vmul.f32 v54, v32  }
0x179: {  	v39 =	vadd.f32 v49, v39;
	v52 =	vmul.f32 v57, v33;
	v45 =	vmul.f32 v59, v34  }
0x17a: {  	v38 =	vadd.f32 v48, v38;
	v40 =	vadd.f32 v50, v40  }
0x17b: {  	v41 =	vadd.f32 v52, v41;
	v42 =	vadd.f32 v45, v42  }
0x17c: {  	v35 =	vadd.f32 v36, v35;
	v53 =	vadd.f32 v38, v37  }
0x17d: {  	v54 =	vadd.f32 v40, v39;
	v55 =	vadd.f32 v42, v41;
	_ =	sdelay $0x1  }
0x17e: {  	v35 =	vadd.f32 v53, v35;
	v56 =	vadd.f32 v55, v54;
	_ =	sdelay $0x1  }
0x17f: {  	v35 =	vadd.f32 v56, v35  }
0x180: {  	s16 =	sor.u32 $0x10, s16;
	s0 =	rddreg [dreg:$0x13]  }
0x181: {  	s0 =	sor.u32 s16, s0;
	[tilespmem:s31+$0x0] =	vst v35  }
0x182: {  	s22 =	sor.u32 s16, s22;
	v35 =	vld [tilespmem:s0+$0x0]  }
0x183: {  	s23 =	sor.u32 s16, s23;
	v42 =	vld [tilespmem:s22+$0x0]  }
0x184: {  	s24 =	sor.u32 s16, s24;
	v58 =	vld [tilespmem:s23+$0x0]  }
0x185: {  	s25 =	sor.u32 s16, s25;
	v59 =	vld [tilespmem:s24+$0x0]  }
0x186: {  	s21 =	sor.u32 s16, s21;
	v62 =	vld [tilespmem:s25+$0x0]  }
0x187: {  	s14 =	sor.u32 s16, s14;
	v63 =	vld [tilespmem:s21+$0x0]  }
0x188: {  	s17 =	sor.u32 s16, s17;
	v54 =	vld [tilespmem:s14+$0x0]  }
0x189: {  	s22 =	sor.u32 s16, s20;
	v55 =	vld [tilespmem:s17+$0x0]  }
0x18a: {  	s23 =	sor.u32 s16, s28;
	v47 =	vld [tilespmem:s22+$0x0]  }
0x18b: {  	s24 =	sor.u32 s16, s29;
	v48 =	vld [tilespmem:s23+$0x0]  }
0x18c: {  	s25 =	sor.u32 s16, s30;
	v49 =	vld [tilespmem:s24+$0x0]  }
0x18d: {  	s28 =	sor.u32 s16, s26;
	v60 =	vld [tilespmem:s25+$0x0]  }
0x18e: {  	s29 =	sor.u32 s16, s19;
	v61 =	vld [tilespmem:s28+$0x0]  }
0x18f: {  	s30 =	sor.u32 s16, s18;
	v52 =	vld [tilespmem:s29+$0x0]  }
0x190: {  	s0 =	rddreg [dreg:$0x14];
	s18 =	sor.u32 s16, s12;
	v53 =	vld [tilespmem:s30+$0x0]  }
0x191: {  	s0 =	sor.u32 s16, s0;
	v56 =	vld [tilespmem:s18+$0x0]  }
0x192: {  	s19 =	sor.u32 s16, s15;
	v57 =	vld [tilespmem:s0+$0x0];
	s0 =	rddreg [dreg:$0x15]  }
0x193: {  	v45 =	vld [tilespmem:s19+$0x0];
	s0 =	sor.u32 s16, s0  }
0x194: {  	s20 =	sor.u32 s16, s9;
	v37 =	vld [tilespmem:s0+$0x0];
	s0 =	rddreg [dreg:$0x16];
	v35 =	vmul.f32 v35, v3;
	v43 =	vmul.f32 v58, v11  }
0x195: {  	v46 =	vld [tilespmem:s20+$0x0];
	s0 =	sor.u32 s16, s0;
	v44 =	vmul.f32 v59, v12;
	v62 =	vmul.f32 v62, v13  }
0x196: {  	s22 =	sor.u32 s16, s11;
	v63 =	vmul.f32 v63, v14;
	v42 =	vmul.f32 v42, v10;
	v38 =	vld [tilespmem:s0+$0x0];
	s0 =	rddreg [dreg:$0x17]  }
0x197: {  	v58 =	vmul.f32 v48, v16;
	v48 =	vld [tilespmem:s22+$0x0];
	v59 =	vmul.f32 v49, v17;
	s0 =	sor.u32 s16, s0  }
0x198: {  	s23 =	sor.u32 s16, s8;
	v60 =	vmul.f32 v60, v18;
	v61 =	vmul.f32 v61, v19;
	v39 =	vld [tilespmem:s0+$0x0];
	s0 =	rddreg [dreg:$0x18]  }
0x199: {  	v49 =	vld [tilespmem:s23+$0x0];
	v36 =	vmul.f32 v57, v4;
	v35 =	vadd.f32 v43, v35;
	v57 =	vmul.f32 v47, v15;
	s0 =	sor.u32 s16, s0  }
0x19a: {  	s21 =	sor.u32 s16, s10;
	v42 =	vadd.f32 v60, v42;
	v60 =	vmul.f32 v45, v25;
	v37 =	vmul.f32 v37, v5;
	v40 =	vld [tilespmem:s0+$0x0];
	s0 =	rddreg [dreg:$0x19]  }
0x19b: {  	v47 =	vld [tilespmem:s21+$0x0];
	v35 =	vadd.f32 v61, v35;
	v61 =	vmul.f32 v46, v26;
	s0 =	sor.u32 s16, s0;
	v38 =	vmul.f32 v38, v6  }
0x19c: {  	s25 =	sor.u32 s16, s6;
	v36 =	vadd.f32 v44, v36;
	v37 =	vadd.f32 v62, v37;
	v62 =	vmul.f32 v52, v20;
	v41 =	vld [tilespmem:s0+$0x0]  }
0x19d: {  	s29 =	sor.u32 s16, s2;
	v52 =	vld [tilespmem:s25+$0x0];
	v42 =	vadd.f32 v61, v42;
	v39 =	vmul.f32 v39, v7;
	v38 =	vadd.f32 v63, v38  }
0x19e: {  	s24 =	sor.u32 s16, s7;
	v63 =	vmul.f32 v53, v21;
	v36 =	vadd.f32 v62, v36;
	v62 =	vld [tilespmem:s29+$0x0];
	v53 =	vmul.f32 v48, v28  }
0x19f: {  	s26 =	sor.u32 s16, s5;
	v50 =	vld [tilespmem:s24+$0x0];
	v40 =	vmul.f32 v40, v8;
	v39 =	vadd.f32 v57, v39;
	v57 =	vmul.f32 v54, v22  }
0x1a0: {  	s28 =	sor.u32 s16, s3;
	v54 =	vld [tilespmem:s26+$0x0];
	v37 =	vadd.f32 v63, v37;
	v63 =	vmul.f32 v47, v27;
	v36 =	vadd.f32 v53, v36  }
0x1a1: {  	v51 =	vld [tilespmem:s28+$0x0];
	v41 =	vmul.f32 v41, v9;
	v40 =	vadd.f32 v58, v40;
	v58 =	vmul.f32 v55, v23  }
0x1a2: {  	v38 =	vadd.f32 v57, v38;
	v55 =	vmul.f32 v49, v29;
	v35 =	vadd.f32 v63, v35  }
0x1a3: {  	v57 =	vmul.f32 v52, v31;
	v46 =	vmul.f32 v62, v34;
	v41 =	vadd.f32 v59, v41  }
0x1a4: {  	v59 =	vmul.f32 v56, v24;
	v39 =	vadd.f32 v58, v39;
	v56 =	vmul.f32 v50, v30  }
0x1a5: {  	v37 =	vadd.f32 v55, v37;
	v58 =	vmul.f32 v54, v32;
	v42 =	vadd.f32 v46, v42  }
0x1a6: {  	v40 =	vadd.f32 v59, v40;
	v41 =	vadd.f32 v60, v41;
	v59 =	vmul.f32 v51, v33  }
0x1a7: {  	v38 =	vadd.f32 v56, v38;
	v39 =	vadd.f32 v57, v39  }
0x1a8: {  	v40 =	vadd.f32 v58, v40;
	v41 =	vadd.f32 v59, v41  }
0x1a9: {  	v35 =	vadd.f32 v36, v35;
	v60 =	vadd.f32 v38, v37  }
0x1aa: {  	s1 =	sadd.s32 $0x2, s1;
	v61 =	vadd.f32 v40, v39;
	v62 =	vadd.f32 v42, v41  }
0x1ab: {  	p0 =	slt.u32 s1, $0x3E  }
.Ltmp1:
0x1ac: {  	v35 =	vadd.f32 v60, v35;
	v63 =	vadd.f32 v62, v61;
	(pc) =	sbr.rel @p0 .LBB2_5-.Ltmp1, $4  }
0x1ad: {  	_ = 	snop  }
0x1ae: {  	s30 =	sand.u32 $0x380, s4;
	v35 =	vadd.f32 v63, v35  }
0x1af: {  	s0 =	sor.u32 s16, s30  }
0x1b0: {  	s13 =	sadd.s32 $0x100, s13;
	s31 =	sadd.s32 $0x20, s31;
	s4 =	sadd.s32 $0x20, s4;
	[tilespmem:s0+$0x1A000] =	vst v35  }
0x1b1: {  	s0 =	rddreg [dreg:$0xd]  }
0x1b2: {  	s1 =	rddreg [dreg:$0x2];
	s0 =	sshll.u32 s0, $0x4  }
0x1b3: {  	s29 =	rddreg [dreg:$0x10];
	s0 =	sand.u32 $0x70, s0  }
0x1b4: {  	s30 =	simm.s32 $0x80;
	s2 =	simm.s32 $0x400;
	s0 =	sadd.s32 s1, s0  }
0x1b5: {  	s3 =	simm.s32 $0x1A000;
	s31 =	simm.s32 $0x3;
	s0 =	sadd.s32 s29, s0  }
0x1b6: {  	[hbm4b:s0+s30] =	stream.strided.scatter [tilespmem:s3], [sflag:$0x3], $0x400, s2, s30, $0x38;
	[tilespmem:$0x1A400] =	vst v63  }
0x1b7: {  	_ =	swait.ge [sflag:s31], $0x400  }
0x1b8: {  	s7 =	rddreg [dreg:$0xc]  }
0x1b9: {  	s7 =	sadd.s32 $0x1, s7  }
0x1ba: {  	p0 =	sne.s32 s7, $0x20  }
.Ltmp2:
0x1bb: {  	_ = 	snop;
	(pc) =	sbr.rel @p0 .LBB2_2-.Ltmp2, $3  }
0x1bc: {  	_ =	sdelay $0x1  }
0x1bd: {  	[sflag:s31] =	ssyncset.done $0x0  }
0x1be: {  	[sflag:s31] =	ssyncadd.s32 $0xFFFFFC00  }
0x1bf: {  	s1 =	rddreg [dreg:$0xb]  }
0x1c0: {  	s0 =	rddreg [dreg:$0xa];
	s1 =	sadd.s32 $0x1, s1  }
0x1c1: {  	p0 =	sne.s32 s1, s0  }
.Ltmp3:
0x1c2: {  	_ = 	snop;
	(pc) =	sbr.rel @p0 .LBB2_1-.Ltmp3, $1  }
0x1c3: {  	_ =	sdelay $0x3  }
0x1c4: {  	_ =	sfence.sel $0x180000  }
0x1c5: {  	[bflag:$0x0] =	sbarrier.arrive $0xFFFF  }
0x1c6: {  	_ =	strace $0x90000047  }
0x1c7: {  	s0 =	stileid.u32;
	[bflag:$0x2] =	sbarrier.arrive $0xFFFF  }
0x1c8: {  	p0 =	sne.s32 s0, $0x0;
	s0 =	rddreg [dreg:$0x3]  }
0x1c9: {  	s0 =	sadd.s32 @!p0 $0x100000, s0  }
0x1ca: {  	[sflag:s0] =	ssyncadd.tile.s32 @!p0 $0x1;
	_ =	shalt  }
.Lfunc_end2:
_tile_overlayer_lowered:
.L_overlay_start_2:
0x1cb: {  	(tag) =	ssettag $0x2  }
0x1cc: {  	s0 =	rddreg [dreg:$0x0];
	s2 =	stileid.u32  }
0x1cd: {  	s1 =	rddreg [dreg:$0x1];
	p0 =	sne.s32 s2, $0x0  }
0x1ce: {  	s3 =	rddreg [dreg:$0x2];
	[bflag:$0x3] =	sbarrier.arrive $0xFFFF;
	s2 =	simm.s32 @!p0 $0x1C03  }
0x1cf: {  	[timem:s3], [sflag:s2] =	dma.local @!p0 [hbm:s0], s1  }
0x1d0: {  	s0 =	simm.s32 @!p0 $0x3  }
0x1d1: {  	_ =	swait.ge @!p0 [sflag:s0], s1  }
0x1d2: {  	s1 =	ssub.s32 @!p0 $0x0, s1;
	[sflag:s0] =	ssyncset.done @!p0 $0x0  }
0x1d3: {  	[sflag:s0] =	ssyncadd.s32 @!p0 s1  }
0x1d4: {  	[bflag:$0x3] =	sbarrier.arrive $0xFFFF  }
0x1d5: {  	_ =	shalt  }

</sc_bundles>
